<compile_context>
chip_gen: v7x
topology: tpu7x:2x2x1
jax: 0.10.2.dev20260603
libtpu: 0.0.44.dev20260713+nightly
codegen_flags: <defaults>
</compile_context>

<pallas_src>
import functools

import jax
import jax.numpy as jnp
from jax import lax
from jax.experimental import pallas as pl
from jax.experimental.pallas import tpu as pltpu
from jax.experimental.pallas import tpu_sc as plsc

_H = 128
_T = 32
_BLK = 4096
_WIN = 256
_EPS = 1e-12

_INV2PI = 0.15915494309189535
_RC1 = 6.28125
_RC2 = 0.0019353071795864769
_S = (0.9999791158100301, -0.16662401686743356, 0.00830885056291076,
      -0.00019263179705478244, 2.1470545564114035e-06)


def _sin_poly(x):
    n = jnp.floor(x * _INV2PI + 0.5)
    r = x - n * _RC1
    r = r - n * _RC2
    r2 = r * r
    p = _S[4]
    p = p * r2 + _S[3]
    p = p * r2 + _S[2]
    p = p * r2 + _S[1]
    p = p * r2 + _S[0]
    return r * p


def _sc_word_gather(word_emb, ids2):
    n = ids2.shape[1]
    mesh = plsc.VectorSubcoreMesh(core_axis_name="core", subcore_axis_name="subcore")

    @functools.partial(
        pl.kernel,
        out_type=jax.ShapeDtypeStruct((n, _H), word_emb.dtype),
        mesh=mesh,
    )
    def gather_kernel(tab_hbm, idx_hbm, out_hbm):
        def body(idx_vmem, out_vmem):
            pltpu.sync_copy(tab_hbm.at[idx_vmem.at[0]], out_vmem)

        pltpu.emit_pipeline(
            body,
            grid=(n // _WIN,),
            in_specs=[pl.BlockSpec((1, _WIN), index_map=lambda i: (0, i))],
            out_specs=[pl.BlockSpec((_WIN, _H), index_map=lambda i: (i, 0))],
            core_axis_name=("core", "subcore"),
            dimension_semantics=(pltpu.PARALLEL,),
        )(idx_hbm, out_hbm)

    return gather_kernel(word_emb, ids2)


def _tc_body(g_ref, scal_ref, iota_ref, w_ref, b_ref, twT_ref, tpT_ref,
             awT_ref, apT_ref, tte_ref, vse_ref, voe_ref, gamma_ref, beta_ref,
             out_ref):
    f32 = jnp.float32
    cdim = (((0,), (0,)), ((), ()))
    x = scal_ref[...]
    dt = x[0:1]
    age = x[1:2]
    ttv = x[2:3]
    vov = x[3:4]
    vsv = x[4:5]
    teT = _sin_poly(twT_ref[...] * dt + tpT_ref[...])
    aeT = _sin_poly(awT_ref[...] * age + apT_ref[...])
    w = w_ref[...]
    mm = jnp.dot(g_ref[...], w[0:_H], preferred_element_type=f32)
    mm = mm + lax.dot_general(teT, w[_H:_H + _T], cdim, preferred_element_type=f32)
    mm = mm + lax.dot_general(aeT, w[_H + _T:], cdim, preferred_element_type=f32)
    h = jnp.tanh(mm + b_ref[...])
    nt = tte_ref.shape[0]
    ns = vse_ref.shape[0]
    iota = iota_ref[...]
    oh_t = jnp.where(iota[0:nt] == ttv, 1.0, 0.0)
    oh_s = jnp.where(iota[0:ns] == vsv, 1.0, 0.0)
    oh_v = jnp.where(iota == vov, 1.0, 0.0)
    s = lax.dot_general(oh_t, tte_ref[...], cdim, preferred_element_type=f32)
    s = s + lax.dot_general(oh_s, vse_ref[...], cdim, preferred_element_type=f32)
    s = s + lax.dot_general(oh_v, voe_ref[...], cdim, preferred_element_type=f32)
    emb = h + s
    mu = jnp.mean(emb, axis=1, keepdims=True)
    d0 = emb - mu
    var = jnp.mean(d0 * d0, axis=1, keepdims=True)
    out_ref[...] = d0 * lax.rsqrt(var + _EPS) * gamma_ref[...] + beta_ref[...]


def _fused_tc(g, scal, iota_col, W, b2, twT, tpT, awT, apT,
              type_emb, visit_seg_emb, visit_order_emb, gamma2, beta2,
              n_total, blk_off, outbuf=None):
    csz = g.shape[0]
    grid = csz // _BLK
    tok = lambda i: (i, 0)
    out_tok = lambda i: (blk_off + i, 0)
    lane = lambda i: (0, i)
    rep = lambda i: (0, 0)
    in_specs = [
        pl.BlockSpec((_BLK, _H), tok),
        pl.BlockSpec((scal.shape[0], _BLK), lane),
        pl.BlockSpec((iota_col.shape[0], 1), rep),
        pl.BlockSpec((_H + 2 * _T, _H), rep),
        pl.BlockSpec((1, _H), rep),
        pl.BlockSpec((_T, 1), rep),
        pl.BlockSpec((_T, 1), rep),
        pl.BlockSpec((_T, 1), rep),
        pl.BlockSpec((_T, 1), rep),
        pl.BlockSpec((type_emb.shape[0], _H), rep),
        pl.BlockSpec((visit_seg_emb.shape[0], _H), rep),
        pl.BlockSpec((visit_order_emb.shape[0], _H), rep),
        pl.BlockSpec((1, _H), rep),
        pl.BlockSpec((1, _H), rep),
    ]
    args = [g, scal, iota_col, W, b2, twT, tpT, awT, apT,
            type_emb, visit_seg_emb, visit_order_emb, gamma2, beta2]
    body = _tc_body
    extra = {}
    if outbuf is not None:
        in_specs.append(pl.BlockSpec(memory_space=pl.ANY))
        args.append(outbuf)
        body = lambda *refs: _tc_body(*refs[:14], refs[15])
        extra = dict(input_output_aliases={14: 0})
    return pl.pallas_call(
        body,
        grid=(grid,),
        in_specs=in_specs,
        out_specs=pl.BlockSpec((_BLK, _H), out_tok),
        out_shape=jax.ShapeDtypeStruct((n_total, _H), jnp.float32),
        compiler_params=pltpu.CompilerParams(dimension_semantics=("arbitrary",)),
        **extra,
    )(*args)


def kernel(input_ids, token_type_ids_batch, time_stamps, ages, visit_orders,
           visit_segments, word_emb, type_emb, visit_order_emb, visit_seg_emb,
           time_w, time_phi, age_w, age_phi, W, b, gamma, beta):
    bsz, seq = input_ids.shape
    n = bsz * seq
    ids2 = input_ids.astype(jnp.int32).reshape(1, n)

    dt = time_stamps - jnp.concatenate(
        [time_stamps[:, :1], time_stamps[:, :-1]], axis=1)
    scal = jnp.stack([
        dt.reshape(n),
        ages.reshape(n),
        token_type_ids_batch.astype(jnp.float32).reshape(n),
        visit_orders.astype(jnp.float32).reshape(n),
        visit_segments.astype(jnp.float32).reshape(n),
    ], axis=0)
    nv = visit_order_emb.shape[0]
    iota_col = jnp.arange(nv, dtype=jnp.float32).reshape(nv, 1)
    b2 = b.reshape(1, _H)
    gamma2 = gamma.reshape(1, _H)
    beta2 = beta.reshape(1, _H)
    twT = time_w.reshape(_T, 1)
    tpT = time_phi.reshape(_T, 1)
    awT = age_w.reshape(_T, 1)
    apT = age_phi.reshape(_T, 1)

    nchunks = 5
    csz = n // nchunks
    gs = [_sc_word_gather(word_emb, ids2[:, k * csz:(k + 1) * csz])
          for k in range(nchunks)]
    out = None
    for k in range(nchunks):
        sl = slice(k * csz, (k + 1) * csz)
        out = _fused_tc(gs[k], scal[:, sl], iota_col, W, b2, twT, tpT,
                        awT, apT, type_emb, visit_seg_emb, visit_order_emb,
                        gamma2, beta2, n, k * (csz // _BLK), outbuf=out)
    return out.reshape(bsz, seq, _H)

# --- scband reference (transcript-rebuilt; emitter-appended) ---
"""Pipeline reference for scband-mamba-embeddings-for-cehr-18038862643988 (READ-ONLY COPY).

The authoritative reference and input builder live on the scoring server;
editing this copy changes nothing except your own understanding.
"""

import jax, jax.numpy as jnp
import numpy as np

B, L = 1024, 200
VOCAB, H, T = 100000, 128, 32
TYPE_VOCAB, MAX_VISITS, SEG = 9, 512, 3
EPS = 1e-12


def _xavier(k, shape):
    bound = np.sqrt(6.0 / (shape[0] + shape[1]))
    return jax.random.uniform(k, shape, jnp.float32, -bound, bound)


def setup_inputs(seed: int = 0) -> dict:
    key = jax.random.key(seed)
    ks = jax.random.split(key, 18)
    inp = {}
    inp["input_ids"] = jax.random.randint(ks[0], (B, L), 0, VOCAB)
    inp["token_type_ids_batch"] = jax.random.randint(ks[1], (B, L), 0, TYPE_VOCAB)
    inp["time_stamps"] = jax.random.uniform(ks[2], (B, L), jnp.float32) * 1000.0
    inp["ages"] = jax.random.uniform(ks[3], (B, L), jnp.float32) * 100.0
    inp["visit_orders"] = jax.random.randint(ks[4], (B, L), 0, MAX_VISITS)
    inp["visit_segments"] = jax.random.randint(ks[5], (B, L), 0, SEG)
    we = jax.random.normal(ks[6], (VOCAB, H), jnp.float32) * 0.02
    inp["word_emb"] = we.at[0].set(0.0)  # padding_idx=0
    inp["type_emb"] = jax.random.normal(ks[7], (TYPE_VOCAB, H), jnp.float32) * 0.02
    inp["visit_order_emb"] = jax.random.normal(ks[8], (MAX_VISITS, H), jnp.float32) * 0.02
    inp["visit_seg_emb"] = jax.random.normal(ks[9], (SEG, H), jnp.float32) * 0.02
    inp["time_w"] = _xavier(ks[10], (1, T))
    inp["time_phi"] = _xavier(ks[11], (1, T))
    inp["age_w"] = _xavier(ks[12], (1, T))
    inp["age_phi"] = _xavier(ks[13], (1, T))
    inp["W"] = _xavier(ks[14], (H + 2 * T, H))
    inp["b"] = jnp.zeros((H,), jnp.float32)
    inp["gamma"] = jnp.ones((H,), jnp.float32)
    inp["beta"] = jnp.zeros((H,), jnp.float32)
    return inp


def _layer_norm(x, gamma, beta):
    mu = jnp.mean(x, axis=-1, keepdims=True)
    var = jnp.mean((x - mu) ** 2, axis=-1, keepdims=True)
    return (x - mu) / jnp.sqrt(var + EPS) * gamma + beta


def _sin_time_embed(ts, w, phi, is_delta):
    if is_delta:
        ts = jnp.concatenate([ts[:, 0:1] * 0, ts[:, 1:] - ts[:, :-1]], axis=-1)
    return jnp.sin(ts[..., None] * w + phi)


def reference(input_ids, token_type_ids_batch, time_stamps, ages, visit_orders, visit_segments, word_emb, type_emb, visit_order_emb, visit_seg_emb, time_w, time_phi, age_w, age_phi, W, b, gamma, beta):
    inputs_embeds = jnp.take(word_emb, input_ids, axis=0)
    te = _sin_time_embed(time_stamps, time_w, time_phi, True)
    ae = _sin_time_embed(ages, age_w, age_phi, False)
    vse = jnp.take(visit_seg_emb, visit_segments, axis=0)
    voe = jnp.take(visit_order_emb, visit_orders, axis=0)
    tte = jnp.take(type_emb, token_type_ids_batch, axis=0)
    cat = jnp.concatenate([inputs_embeds, te, ae], axis=-1)
    h = jnp.tanh(cat @ W + b)
    emb = h + tte + voe + vse
    # dropout is identity in eval mode
    return _layer_norm(emb, gamma, beta)

if __name__ == "__main__":
    import jax
    _d = setup_inputs()
    print(jax.jit(kernel)(*tuple(_d.values())))

</pallas_src>

<mosaic_0001>
#map = affine_map<(d0, d1) -> (0, 0)>
module attributes {stable_mosaic.version = 14 : i64} {
  func.func @gather_kernel(%arg0: i32, %arg1: i32, %arg2: memref<100000x128xf32, #tpu.memory_space<hbm>>, %arg3: memref<1x40960xi32, #tpu.memory_space<hbm>>, %arg4: memref<40960x128xf32, #tpu.memory_space<hbm>>) attributes {dimension_semantics = [#tpu.dimension_semantics<core_parallel>, #tpu.dimension_semantics<subcore_parallel>], iteration_bounds = array<i64: 2, 16>, scalar_prefetch = 0 : i64, scratch_operands = 0 : i64, tpu.core_type = #tpu.core_type<sc_vector_subcore>, window_params = [{transform_indices = #map}, {transform_indices = #map}, {transform_indices = #map}]} {
    %mul3A = arith.constant 1 : i32
    %mul3A_0 = arith.muli %arg1, %mul3A : i32
    %add3A = arith.constant 0 : i32
    %add3A_1 = arith.addi %add3A, %mul3A_0 : i32
    %mul3A_2 = arith.constant 16 : i32
    %mul3A_3 = arith.muli %arg0, %mul3A_2 : i32
    %add3A_4 = arith.addi %add3A_1, %mul3A_3 : i32
    %mul3A_5 = arith.constant 5 : i32
    %mul3A_6 = arith.muli %add3A_4, %mul3A_5 : i32
    "tpu.region"() ({
      %run_scoped3A = memref.alloca() : memref<2x1x256xi32, #tpu.memory_space<vmem>>
      %run_scoped3A_7 = tpu.sem_alloc : memref<2x!tpu.dma_semaphore, #tpu.memory_space<semaphore_mem>>
      %run_scoped3A_8 = memref.alloca() : memref<2x256x128xf32, #tpu.memory_space<vmem>>
      %run_scoped3A_9 = tpu.sem_alloc : memref<2x!tpu.dma_semaphore, #tpu.memory_space<semaphore_mem>>
      %add3A_10 = arith.constant 0 : i32
      %add3A_11 = arith.addi %add3A_10, %mul3A_6 : i32
      %select_n3A = arith.constant true
      %select_n3A_12 = arith.constant 0 : i32
      %select_n3A_13 = arith.constant -1 : i32
      %select_n3A_14 = arith.select %select_n3A, %select_n3A_13, %select_n3A_12 : i32
      %eq3A = arith.constant -1 : i32
      %eq3A_15 = arith.cmpi eq, %select_n3A_14, %eq3A : i32
      %select_n3A_16 = arith.constant 4 : i32
      %select_n3A_17 = arith.select %eq3A_15, %select_n3A_16, %select_n3A_14 : i32
      %add3A_18 = arith.addi %select_n3A_17, %mul3A_6 : i32
      %select_n3A_19 = arith.constant true
      %select_n3A_20 = arith.constant 0 : i32
      %select_n3A_21 = arith.constant 1 : i32
      %select_n3A_22 = arith.select %select_n3A_19, %select_n3A_21, %select_n3A_20 : i32
      %eq3A_23 = arith.constant 5 : i32
      %eq3A_24 = arith.cmpi eq, %select_n3A_22, %eq3A_23 : i32
      %select_n3A_25 = arith.constant 0 : i32
      %select_n3A_26 = arith.select %eq3A_24, %select_n3A_25, %select_n3A_22 : i32
      %add3A_27 = arith.addi %select_n3A_26, %mul3A_6 : i32
      %add3A_28 = arith.constant 1 : i32
      %add3A_29 = arith.addi %select_n3A_26, %add3A_28 : i32
      %select_n3A_30 = arith.constant true
      %select_n3A_31 = arith.select %select_n3A_30, %add3A_29, %select_n3A_26 : i32
      %eq3A_32 = arith.constant 5 : i32
      %eq3A_33 = arith.cmpi eq, %select_n3A_31, %eq3A_32 : i32
      %select_n3A_34 = arith.constant 0 : i32
      %select_n3A_35 = arith.select %eq3A_33, %select_n3A_34, %select_n3A_31 : i32
      %add3A_36 = arith.addi %select_n3A_35, %mul3A_6 : i32
      "tpu.trace_start"() <{level = 10 : i32, message = "ep_initialize_0"}> : () -> ()
      %rem3A = arith.constant 0 : i32
      %rem3A_37 = arith.constant 2 : i32
      %rem3A_38 = arith.remui %rem3A, %rem3A_37 : i32
      %mul3A_39 = arith.constant 256 : i32
      %mul3A_40 = arith.muli %mul3A_39, %add3A_11 : i32
      %dma_start3A = arith.constant 0 : i32
      %dma_start3A_41 = arith.constant 0 : i32
      %dma_start3A_42 = tpu.memref_slice %run_scoped3A[%rem3A_38, %dma_start3A, %dma_start3A_41] : memref<2x1x256xi32, #tpu.memory_space<vmem>> -> memref<1x1x256xi32, #tpu.memory_space<vmem>>
      %dma_start3A_43 = tpu.memref_squeeze %dma_start3A_42 : memref<1x1x256xi32, #tpu.memory_space<vmem>> -> memref<1x256xi32, #tpu.memory_space<vmem>>
      %dma_start3A_44 = arith.constant 0 : i32
      %dma_start3A_45 = tpu.memref_slice %arg3[%dma_start3A_44, %mul3A_40] : memref<1x40960xi32, #tpu.memory_space<hbm>> -> memref<1x256xi32, #tpu.memory_space<hbm>>
      %dma_start3A_46 = tpu.memref_slice %run_scoped3A_7[%rem3A_38] : memref<2x!tpu.dma_semaphore, #tpu.memory_space<semaphore_mem>> -> memref<1x!tpu.dma_semaphore, #tpu.memory_space<semaphore_mem>>
      %dma_start3A_47 = tpu.memref_squeeze %dma_start3A_46 : memref<1x!tpu.dma_semaphore, #tpu.memory_space<semaphore_mem>> -> memref<!tpu.dma_semaphore, #tpu.memory_space<semaphore_mem>>
      %dma_start3A_48 = arith.constant 0 : i32
      %dma_start3A_49 = arith.constant 0 : i32
      %dma_start3A_50 = tpu.memref_slice %run_scoped3A[%rem3A_38, %dma_start3A_48, %dma_start3A_49] : memref<2x1x256xi32, #tpu.memory_space<vmem>> -> memref<1x1x256xi32, #tpu.memory_space<vmem>>
      %dma_start3A_51 = tpu.memref_squeeze %dma_start3A_50 : memref<1x1x256xi32, #tpu.memory_space<vmem>> -> memref<1x256xi32, #tpu.memory_space<vmem>>
      %dma_start3A_52 = arith.constant 0 : i32
      %dma_start3A_53 = tpu.memref_slice %arg3[%dma_start3A_52, %mul3A_40] : memref<1x40960xi32, #tpu.memory_space<hbm>> -> memref<1x256xi32, #tpu.memory_space<hbm>>
      tpu.enqueue_dma source(%dma_start3A_53 : memref<1x256xi32, #tpu.memory_space<hbm>>) target(%dma_start3A_51 : memref<1x256xi32, #tpu.memory_space<vmem>>) target_semaphore(%dma_start3A_47 : memref<!tpu.dma_semaphore, #tpu.memory_space<semaphore_mem>>)
      %add3A_54 = arith.constant 0 : i32
      %add3A_55 = arith.constant 1 : i32
      %add3A_56 = arith.addi %add3A_54, %add3A_55 : i32
      %select_n3A_57 = arith.constant true
      %select_n3A_58 = arith.constant 0 : i32
      %select_n3A_59 = arith.select %select_n3A_57, %add3A_56, %select_n3A_58 : i32
      "tpu.trace_stop"() : () -> ()
      %scan3A = arith.constant 0 : i32
      %scan3A_60 = arith.constant 0 : i32
      %scan3A_61 = arith.constant 0 : i32
      %scan3A_62 = arith.constant 0 : i32
      %scan3A_63 = arith.constant 0 : i32
      %scan3A_64 = arith.constant 5 : i32
      %scan3A_65 = arith.addi %scan3A_63, %scan3A_64 : i32
      %scan3A_66 = arith.constant 1 : i32
      %scan3A_67:5 = scf.for %scan3A_121 = %scan3A_63 to %scan3A_65 step %scan3A_66 iter_args(%scan3A_122 = %select_n3A_59, %scan3A_123 = %scan3A, %scan3A_124 = %scan3A_60, %scan3A_125 = %scan3A_61, %scan3A_126 = %scan3A_62) -> (i32, i32, i32, i32, i32)  : i32 {
        %eq3A_127 = arith.constant 0 : i32
        %eq3A_128 = arith.cmpi eq, %scan3A_121, %eq3A_127 : i32
        %eq3A_129 = arith.constant 4 : i32
        %eq3A_130 = arith.cmpi eq, %scan3A_121, %eq3A_129 : i32
        %add3A_131 = arith.addi %scan3A_126, %mul3A_6 : i32
        %sub3A_132 = arith.constant 1 : i32
        %sub3A_133 = arith.subi %scan3A_126, %sub3A_132 : i32
        %select_n3A_134 = arith.constant true
        %select_n3A_135 = arith.select %select_n3A_134, %sub3A_133, %scan3A_126 : i32
        %eq3A_136 = arith.constant -1 : i32
        %eq3A_137 = arith.cmpi eq, %select_n3A_135, %eq3A_136 : i32
        %select_n3A_138 = arith.constant 4 : i32
        %select_n3A_139 = arith.select %eq3A_137, %select_n3A_138, %select_n3A_135 : i32
        %add3A_140 = arith.addi %select_n3A_139, %mul3A_6 : i32
        %add3A_141 = arith.constant 1 : i32
        %add3A_142 = arith.addi %scan3A_126, %add3A_141 : i32
        %select_n3A_143 = arith.constant true
        %select_n3A_144 = arith.select %select_n3A_143, %add3A_142, %scan3A_126 : i32
        %eq3A_145 = arith.constant 5 : i32
        %eq3A_146 = arith.cmpi eq, %select_n3A_144, %eq3A_145 : i32
        %select_n3A_147 = arith.constant 0 : i32
        %select_n3A_148 = arith.select %eq3A_146, %select_n3A_147, %select_n3A_144 : i32
        %add3A_149 = arith.addi %select_n3A_148, %mul3A_6 : i32
        %add3A_150 = arith.constant 1 : i32
        %add3A_151 = arith.addi %select_n3A_148, %add3A_150 : i32
        %select_n3A_152 = arith.constant true
        %select_n3A_153 = arith.select %select_n3A_152, %add3A_151, %select_n3A_148 : i32
        %eq3A_154 = arith.constant 5 : i32
        %eq3A_155 = arith.cmpi eq, %select_n3A_153, %eq3A_154 : i32
        %select_n3A_156 = arith.constant 0 : i32
        %select_n3A_157 = arith.select %eq3A_155, %select_n3A_156, %select_n3A_153 : i32
        %add3A_158 = arith.addi %select_n3A_157, %mul3A_6 : i32
        %ne3A = arith.cmpi ne, %add3A_131, %add3A_149 : i32
        %or3A = arith.constant false
        %or3A_159 = arith.ori %or3A, %ne3A : i1
        %ge3A = arith.constant 4 : i32
        %ge3A_160 = arith.cmpi sge, %scan3A_121, %ge3A : i32
        %not3A = arith.constant true
        %not3A_161 = arith.xori %ge3A_160, %not3A : i1
        %and3A = arith.andi %or3A_159, %not3A_161 : i1
        %convert_element_type3A = arith.extui %and3A : i1 to i32
        %cond3A = arith.constant 0 : i32
        %cond3A_162 = arith.cmpi ne, %convert_element_type3A, %cond3A : i32
        scf.if %cond3A_162 {
          "tpu.trace_start"() <{level = 10 : i32, message = "ep_copy_in"}> : () -> ()
          %rem3A_264 = arith.constant 2 : i32
          %rem3A_265 = arith.remui %scan3A_122, %rem3A_264 : i32
          %mul3A_266 = arith.constant 256 : i32
          %mul3A_267 = arith.muli %mul3A_266, %add3A_149 : i32
          %dma_start3A_268 = arith.constant 0 : i32
          %dma_start3A_269 = arith.constant 0 : i32
          %dma_start3A_270 = tpu.memref_slice %run_scoped3A[%rem3A_265, %dma_start3A_268, %dma_start3A_269] : memref<2x1x256xi32, #tpu.memory_space<vmem>> -> memref<1x1x256xi32, #tpu.memory_space<vmem>>
          %dma_start3A_271 = tpu.memref_squeeze %dma_start3A_270 : memref<1x1x256xi32, #tpu.memory_space<vmem>> -> memref<1x256xi32, #tpu.memory_space<vmem>>
          %dma_start3A_272 = arith.constant 0 : i32
          %dma_start3A_273 = tpu.memref_slice %arg3[%dma_start3A_272, %mul3A_267] : memref<1x40960xi32, #tpu.memory_space<hbm>> -> memref<1x256xi32, #tpu.memory_space<hbm>>
          %dma_start3A_274 = tpu.memref_slice %run_scoped3A_7[%rem3A_265] : memref<2x!tpu.dma_semaphore, #tpu.memory_space<semaphore_mem>> -> memref<1x!tpu.dma_semaphore, #tpu.memory_space<semaphore_mem>>
          %dma_start3A_275 = tpu.memref_squeeze %dma_start3A_274 : memref<1x!tpu.dma_semaphore, #tpu.memory_space<semaphore_mem>> -> memref<!tpu.dma_semaphore, #tpu.memory_space<semaphore_mem>>
          %dma_start3A_276 = arith.constant 0 : i32
          %dma_start3A_277 = arith.constant 0 : i32
          %dma_start3A_278 = tpu.memref_slice %run_scoped3A[%rem3A_265, %dma_start3A_276, %dma_start3A_277] : memref<2x1x256xi32, #tpu.memory_space<vmem>> -> memref<1x1x256xi32, #tpu.memory_space<vmem>>
          %dma_start3A_279 = tpu.memref_squeeze %dma_start3A_278 : memref<1x1x256xi32, #tpu.memory_space<vmem>> -> memref<1x256xi32, #tpu.memory_space<vmem>>
          %dma_start3A_280 = arith.constant 0 : i32
          %dma_start3A_281 = tpu.memref_slice %arg3[%dma_start3A_280, %mul3A_267] : memref<1x40960xi32, #tpu.memory_space<hbm>> -> memref<1x256xi32, #tpu.memory_space<hbm>>
          tpu.enqueue_dma source(%dma_start3A_281 : memref<1x256xi32, #tpu.memory_space<hbm>>) target(%dma_start3A_279 : memref<1x256xi32, #tpu.memory_space<vmem>>) target_semaphore(%dma_start3A_275 : memref<!tpu.dma_semaphore, #tpu.memory_space<semaphore_mem>>)
          "tpu.trace_stop"() : () -> ()
        } else {
        }
        %and3A_163 = arith.constant true
        %and3A_164 = arith.andi %and3A, %and3A_163 : i1
        %add3A_165 = arith.constant 1 : i32
        %add3A_166 = arith.addi %scan3A_122, %add3A_165 : i32
        %select_n3A_167 = arith.select %and3A_164, %add3A_166, %scan3A_122 : i32
        %ne3A_168 = arith.cmpi ne, %add3A_131, %add3A_149 : i32
        %or3A_169 = arith.constant false
        %or3A_170 = arith.ori %or3A_169, %ne3A_168 : i1
        %or3A_171 = arith.constant false
        %or3A_172 = arith.ori %or3A_170, %or3A_171 : i1
        %ge3A_173 = arith.constant 4 : i32
        %ge3A_174 = arith.cmpi sge, %scan3A_121, %ge3A_173 : i32
        %not3A_175 = arith.constant true
        %not3A_176 = arith.xori %ge3A_174, %not3A_175 : i1
        %and3A_177 = arith.andi %or3A_172, %not3A_176 : i1
        %ne3A_178 = arith.cmpi ne, %add3A_131, %add3A_140 : i32
        %or3A_179 = arith.constant false
        %or3A_180 = arith.ori %or3A_179, %ne3A_178 : i1
        %or3A_181 = arith.ori %or3A_180, %eq3A_128 : i1
        %convert_element_type3A_182 = arith.extui %or3A_181 : i1 to i32
        %cond3A_183 = arith.constant 0 : i32
        %cond3A_184 = arith.cmpi ne, %convert_element_type3A_182, %cond3A_183 : i32
        scf.if %cond3A_184 {
          "tpu.trace_start"() <{level = 10 : i32, message = "ep_wait_in"}> : () -> ()
          %mul3A_264 = arith.constant 256 : i32
          %mul3A_265 = arith.muli %mul3A_264, %add3A_131 : i32
          %rem3A_266 = arith.constant 2 : i32
          %rem3A_267 = arith.remui %scan3A_123, %rem3A_266 : i32
          %dma_wait3A_268 = arith.constant 0 : i32
          %dma_wait3A_269 = arith.constant 0 : i32
          %dma_wait3A_270 = tpu.memref_slice %run_scoped3A[%rem3A_267, %dma_wait3A_268, %dma_wait3A_269] : memref<2x1x256xi32, #tpu.memory_space<vmem>> -> memref<1x1x256xi32, #tpu.memory_space<vmem>>
          %dma_wait3A_271 = tpu.memref_squeeze %dma_wait3A_270 : memref<1x1x256xi32, #tpu.memory_space<vmem>> -> memref<1x256xi32, #tpu.memory_space<vmem>>
          %dma_wait3A_272 = arith.constant 0 : i32
          %dma_wait3A_273 = tpu.memref_slice %arg3[%dma_wait3A_272, %mul3A_265] : memref<1x40960xi32, #tpu.memory_space<hbm>> -> memref<1x256xi32, #tpu.memory_space<hbm>>
          %dma_wait3A_274 = tpu.memref_slice %run_scoped3A_7[%rem3A_267] : memref<2x!tpu.dma_semaphore, #tpu.memory_space<semaphore_mem>> -> memref<1x!tpu.dma_semaphore, #tpu.memory_space<semaphore_mem>>
          %dma_wait3A_275 = tpu.memref_squeeze %dma_wait3A_274 : memref<1x!tpu.dma_semaphore, #tpu.memory_space<semaphore_mem>> -> memref<!tpu.dma_semaphore, #tpu.memory_space<semaphore_mem>>
          %dma_wait3A_276 = arith.constant 0 : i32
          %dma_wait3A_277 = arith.constant 0 : i32
          %dma_wait3A_278 = tpu.memref_slice %run_scoped3A[%rem3A_267, %dma_wait3A_276, %dma_wait3A_277] : memref<2x1x256xi32, #tpu.memory_space<vmem>> -> memref<1x1x256xi32, #tpu.memory_space<vmem>>
          %dma_wait3A_279 = tpu.memref_squeeze %dma_wait3A_278 : memref<1x1x256xi32, #tpu.memory_space<vmem>> -> memref<1x256xi32, #tpu.memory_space<vmem>>
          %dma_wait3A_280 = arith.constant 0 : i32
          %dma_wait3A_281 = tpu.memref_slice %arg3[%dma_wait3A_280, %mul3A_265] : memref<1x40960xi32, #tpu.memory_space<hbm>> -> memref<1x256xi32, #tpu.memory_space<hbm>>
          tpu.wait_dma2 semaphore(%dma_wait3A_275 : memref<!tpu.dma_semaphore, #tpu.memory_space<semaphore_mem>>) src(%dma_wait3A_281 : memref<1x256xi32, #tpu.memory_space<hbm>>) dst(%dma_wait3A_279 : memref<1x256xi32, #tpu.memory_space<vmem>>)
          "tpu.trace_stop"() : () -> ()
        } else {
        }
        %ne3A_185 = arith.cmpi ne, %add3A_131, %add3A_140 : i32
        %or3A_186 = arith.constant false
        %or3A_187 = arith.ori %or3A_186, %ne3A_185 : i1
        %or3A_188 = arith.constant false
        %or3A_189 = arith.ori %or3A_187, %or3A_188 : i1
        %or3A_190 = arith.ori %or3A_189, %eq3A_128 : i1
        %convert_element_type3A_191 = arith.extui %or3A_190 : i1 to i32
        %cond3A_192 = arith.constant 0 : i32
        %cond3A_193 = arith.cmpi ne, %convert_element_type3A_191, %cond3A_192 : i32
        scf.if %cond3A_193 {
        } else {
        }
        %rem3A_194 = arith.constant 2 : i32
        %rem3A_195 = arith.remui %scan3A_123, %rem3A_194 : i32
        %rem3A_196 = arith.constant 2 : i32
        %rem3A_197 = arith.remui %scan3A_124, %rem3A_196 : i32
        %run_scoped3A_198 = arith.constant 0 : i32
        "tpu.trace_start"() <{level = 10 : i32, message = "ep_run_kernel"}> : () -> ()
        "tpu.region"() ({
          %run_scoped3A_264 = tpu.sem_alloc : memref<!tpu.dma_semaphore, #tpu.memory_space<semaphore_mem>>
          %dma_start3A_265 = arith.constant 0 : i32
          %dma_start3A_266 = arith.constant 0 : i32
          %dma_start3A_267 = tpu.memref_slice %run_scoped3A_8[%rem3A_197, %dma_start3A_265, %dma_start3A_266] : memref<2x256x128xf32, #tpu.memory_space<vmem>> -> memref<1x256x128xf32, #tpu.memory_space<vmem>>
          %dma_start3A_268 = tpu.memref_squeeze %dma_start3A_267 : memref<1x256x128xf32, #tpu.memory_space<vmem>> -> memref<256x128xf32, #tpu.memory_space<vmem>>
          %dma_start3A_269 = arith.constant 0 : i32
          %dma_start3A_270 = arith.constant 0 : i32
          %dma_start3A_271 = tpu.memref_slice %run_scoped3A[%rem3A_195, %dma_start3A_269, %dma_start3A_270] : memref<2x1x256xi32, #tpu.memory_space<vmem>> -> memref<1x1x256xi32, #tpu.memory_space<vmem>>
          %dma_start3A_272 = tpu.memref_squeeze %dma_start3A_271 : memref<1x1x256xi32, #tpu.memory_space<vmem>> -> memref<1x256xi32, #tpu.memory_space<vmem>>
          %dma_start3A_273 = arith.constant 0 : i32
          %dma_start3A_274 = tpu.memref_slice %dma_start3A_272[%run_scoped3A_198, %dma_start3A_273] : memref<1x256xi32, #tpu.memory_space<vmem>> -> memref<1x256xi32, #tpu.memory_space<vmem>>
          %dma_start3A_275 = tpu.memref_squeeze %dma_start3A_274 : memref<1x256xi32, #tpu.memory_space<vmem>> -> memref<256xi32, #tpu.memory_space<vmem>>
          %dma_start3A_276 = arith.constant 0 : i32
          %dma_start3A_277 = arith.constant 0 : i32
          %dma_start3A_278 = tpu.memref_slice %arg2[%dma_start3A_276, %dma_start3A_277] : memref<100000x128xf32, #tpu.memory_space<hbm>> -> memref<100000x128xf32, #tpu.memory_space<hbm>>
          tpu.enqueue_indirect_dma source(%dma_start3A_278 : memref<100000x128xf32, #tpu.memory_space<hbm>>) target(%dma_start3A_268 : memref<256x128xf32, #tpu.memory_space<vmem>>) offsets(%dma_start3A_275 : memref<256xi32, #tpu.memory_space<vmem>>) semaphore(%run_scoped3A_264 : memref<!tpu.dma_semaphore, #tpu.memory_space<semaphore_mem>>)
          %dma_wait3A_279 = arith.constant 0 : i32
          %dma_wait3A_280 = arith.constant 0 : i32
          %dma_wait3A_281 = tpu.memref_slice %run_scoped3A_8[%rem3A_197, %dma_wait3A_279, %dma_wait3A_280] : memref<2x256x128xf32, #tpu.memory_space<vmem>> -> memref<1x256x128xf32, #tpu.memory_space<vmem>>
          %dma_wait3A_282 = tpu.memref_squeeze %dma_wait3A_281 : memref<1x256x128xf32, #tpu.memory_space<vmem>> -> memref<256x128xf32, #tpu.memory_space<vmem>>
          %dma_wait3A_283 = arith.constant 0 : i32
          %dma_wait3A_284 = arith.constant 0 : i32
          %dma_wait3A_285 = tpu.memref_slice %run_scoped3A[%rem3A_195, %dma_wait3A_283, %dma_wait3A_284] : memref<2x1x256xi32, #tpu.memory_space<vmem>> -> memref<1x1x256xi32, #tpu.memory_space<vmem>>
          %dma_wait3A_286 = tpu.memref_squeeze %dma_wait3A_285 : memref<1x1x256xi32, #tpu.memory_space<vmem>> -> memref<1x256xi32, #tpu.memory_space<vmem>>
          %dma_wait3A_287 = arith.constant 0 : i32
          %dma_wait3A_288 = tpu.memref_slice %dma_wait3A_286[%run_scoped3A_198, %dma_wait3A_287] : memref<1x256xi32, #tpu.memory_space<vmem>> -> memref<1x256xi32, #tpu.memory_space<vmem>>
          %dma_wait3A_289 = tpu.memref_squeeze %dma_wait3A_288 : memref<1x256xi32, #tpu.memory_space<vmem>> -> memref<256xi32, #tpu.memory_space<vmem>>
          %dma_wait3A_290 = arith.constant 0 : i32
          %dma_wait3A_291 = arith.constant 0 : i32
          %dma_wait3A_292 = tpu.memref_slice %arg2[%dma_wait3A_290, %dma_wait3A_291] : memref<100000x128xf32, #tpu.memory_space<hbm>> -> memref<100000x128xf32, #tpu.memory_space<hbm>>
          tpu.wait_indirect_dma semaphore(%run_scoped3A_264 : memref<!tpu.dma_semaphore, #tpu.memory_space<semaphore_mem>>) src(%dma_wait3A_292 : memref<100000x128xf32, #tpu.memory_space<hbm>>) dst(%dma_wait3A_282 : memref<256x128xf32, #tpu.memory_space<vmem>>)
          tpu.yield
        }) : () -> ()
        "tpu.trace_stop"() : () -> ()
        %ne3A_199 = arith.cmpi ne, %add3A_131, %add3A_149 : i32
        %or3A_200 = arith.constant false
        %or3A_201 = arith.ori %or3A_200, %ne3A_199 : i1
        %or3A_202 = arith.ori %or3A_201, %eq3A_130 : i1
        %convert_element_type3A_203 = arith.extui %or3A_202 : i1 to i32
        %cond3A_204 = arith.constant 0 : i32
        %cond3A_205 = arith.cmpi ne, %convert_element_type3A_203, %cond3A_204 : i32
        scf.if %cond3A_205 {
        } else {
        }
        %and3A_206 = arith.constant false
        %and3A_207 = arith.andi %or3A_202, %and3A_206 : i1
        %ne3A_208 = arith.cmpi ne, %add3A_131, %add3A_149 : i32
        %or3A_209 = arith.constant false
        %or3A_210 = arith.ori %or3A_209, %ne3A_208 : i1
        %or3A_211 = arith.constant false
        %or3A_212 = arith.ori %or3A_210, %or3A_211 : i1
        %or3A_213 = arith.ori %or3A_212, %eq3A_130 : i1
        %convert_element_type3A_214 = arith.extui %or3A_213 : i1 to i32
        %cond3A_215 = arith.constant 0 : i32
        %cond3A_216 = arith.cmpi ne, %convert_element_type3A_214, %cond3A_215 : i32
        scf.if %cond3A_216 {
          "tpu.trace_start"() <{level = 10 : i32, message = "ep_copy_out"}> : () -> ()
          %rem3A_264 = arith.constant 2 : i32
          %rem3A_265 = arith.remui %scan3A_124, %rem3A_264 : i32
          %mul3A_266 = arith.constant 256 : i32
          %mul3A_267 = arith.muli %mul3A_266, %add3A_131 : i32
          %dma_start3A_268 = arith.constant 0 : i32
          %dma_start3A_269 = arith.constant 0 : i32
          %dma_start3A_270 = tpu.memref_slice %run_scoped3A_8[%rem3A_265, %dma_start3A_268, %dma_start3A_269] : memref<2x256x128xf32, #tpu.memory_space<vmem>> -> memref<1x256x128xf32, #tpu.memory_space<vmem>>
          %dma_start3A_271 = tpu.memref_squeeze %dma_start3A_270 : memref<1x256x128xf32, #tpu.memory_space<vmem>> -> memref<256x128xf32, #tpu.memory_space<vmem>>
          %dma_start3A_272 = arith.constant 0 : i32
          %dma_start3A_273 = tpu.memref_slice %arg4[%mul3A_267, %dma_start3A_272] : memref<40960x128xf32, #tpu.memory_space<hbm>> -> memref<256x128xf32, #tpu.memory_space<hbm>>
          %dma_start3A_274 = tpu.memref_slice %run_scoped3A_9[%rem3A_265] : memref<2x!tpu.dma_semaphore, #tpu.memory_space<semaphore_mem>> -> memref<1x!tpu.dma_semaphore, #tpu.memory_space<semaphore_mem>>
          %dma_start3A_275 = tpu.memref_squeeze %dma_start3A_274 : memref<1x!tpu.dma_semaphore, #tpu.memory_space<semaphore_mem>> -> memref<!tpu.dma_semaphore, #tpu.memory_space<semaphore_mem>>
          %dma_start3A_276 = arith.constant 0 : i32
          %dma_start3A_277 = tpu.memref_slice %arg4[%mul3A_267, %dma_start3A_276] : memref<40960x128xf32, #tpu.memory_space<hbm>> -> memref<256x128xf32, #tpu.memory_space<hbm>>
          %dma_start3A_278 = arith.constant 0 : i32
          %dma_start3A_279 = arith.constant 0 : i32
          %dma_start3A_280 = tpu.memref_slice %run_scoped3A_8[%rem3A_265, %dma_start3A_278, %dma_start3A_279] : memref<2x256x128xf32, #tpu.memory_space<vmem>> -> memref<1x256x128xf32, #tpu.memory_space<vmem>>
          %dma_start3A_281 = tpu.memref_squeeze %dma_start3A_280 : memref<1x256x128xf32, #tpu.memory_space<vmem>> -> memref<256x128xf32, #tpu.memory_space<vmem>>
          tpu.enqueue_dma source(%dma_start3A_281 : memref<256x128xf32, #tpu.memory_space<vmem>>) target(%dma_start3A_277 : memref<256x128xf32, #tpu.memory_space<hbm>>) target_semaphore(%dma_start3A_275 : memref<!tpu.dma_semaphore, #tpu.memory_space<semaphore_mem>>)
          "tpu.trace_stop"() : () -> ()
        } else {
        }
        %and3A_217 = arith.constant true
        %and3A_218 = arith.andi %or3A_213, %and3A_217 : i1
        %add3A_219 = arith.constant 1 : i32
        %add3A_220 = arith.addi %scan3A_124, %add3A_219 : i32
        %select_n3A_221 = arith.select %and3A_218, %add3A_220, %scan3A_124 : i32
        %ne3A_222 = arith.cmpi ne, %add3A_131, %add3A_140 : i32
        %or3A_223 = arith.constant false
        %or3A_224 = arith.ori %or3A_223, %ne3A_222 : i1
        %not3A_225 = arith.constant true
        %not3A_226 = arith.xori %eq3A_128, %not3A_225 : i1
        %and3A_227 = arith.andi %or3A_224, %not3A_226 : i1
        %convert_element_type3A_228 = arith.extui %and3A_227 : i1 to i32
        %cond3A_229 = arith.constant 0 : i32
        %cond3A_230 = arith.cmpi ne, %convert_element_type3A_228, %cond3A_229 : i32
        scf.if %cond3A_230 {
        } else {
        }
        %and3A_231 = arith.constant false
        %and3A_232 = arith.andi %and3A_227, %and3A_231 : i1
        %ne3A_233 = arith.cmpi ne, %add3A_131, %add3A_140 : i32
        %or3A_234 = arith.constant false
        %or3A_235 = arith.ori %or3A_234, %ne3A_233 : i1
        %or3A_236 = arith.constant false
        %or3A_237 = arith.ori %or3A_235, %or3A_236 : i1
        %not3A_238 = arith.constant true
        %not3A_239 = arith.xori %eq3A_128, %not3A_238 : i1
        %and3A_240 = arith.andi %or3A_237, %not3A_239 : i1
        %convert_element_type3A_241 = arith.extui %and3A_240 : i1 to i32
        %cond3A_242 = arith.constant 0 : i32
        %cond3A_243 = arith.cmpi ne, %convert_element_type3A_241, %cond3A_242 : i32
        scf.if %cond3A_243 {
          "tpu.trace_start"() <{level = 10 : i32, message = "ep_wait_out"}> : () -> ()
          %rem3A_264 = arith.constant 2 : i32
          %rem3A_265 = arith.remui %scan3A_125, %rem3A_264 : i32
          %mul3A_266 = arith.constant 256 : i32
          %mul3A_267 = arith.muli %mul3A_266, %add3A_140 : i32
          %dma_wait3A_268 = arith.constant 0 : i32
          %dma_wait3A_269 = arith.constant 0 : i32
          %dma_wait3A_270 = tpu.memref_slice %run_scoped3A_8[%rem3A_265, %dma_wait3A_268, %dma_wait3A_269] : memref<2x256x128xf32, #tpu.memory_space<vmem>> -> memref<1x256x128xf32, #tpu.memory_space<vmem>>
          %dma_wait3A_271 = tpu.memref_squeeze %dma_wait3A_270 : memref<1x256x128xf32, #tpu.memory_space<vmem>> -> memref<256x128xf32, #tpu.memory_space<vmem>>
          %dma_wait3A_272 = arith.constant 0 : i32
          %dma_wait3A_273 = tpu.memref_slice %arg4[%mul3A_267, %dma_wait3A_272] : memref<40960x128xf32, #tpu.memory_space<hbm>> -> memref<256x128xf32, #tpu.memory_space<hbm>>
          %dma_wait3A_274 = tpu.memref_slice %run_scoped3A_9[%rem3A_265] : memref<2x!tpu.dma_semaphore, #tpu.memory_space<semaphore_mem>> -> memref<1x!tpu.dma_semaphore, #tpu.memory_space<semaphore_mem>>
          %dma_wait3A_275 = tpu.memref_squeeze %dma_wait3A_274 : memref<1x!tpu.dma_semaphore, #tpu.memory_space<semaphore_mem>> -> memref<!tpu.dma_semaphore, #tpu.memory_space<semaphore_mem>>
          %dma_wait3A_276 = arith.constant 0 : i32
          %dma_wait3A_277 = tpu.memref_slice %arg4[%mul3A_267, %dma_wait3A_276] : memref<40960x128xf32, #tpu.memory_space<hbm>> -> memref<256x128xf32, #tpu.memory_space<hbm>>
          %dma_wait3A_278 = arith.constant 0 : i32
          %dma_wait3A_279 = arith.constant 0 : i32
          %dma_wait3A_280 = tpu.memref_slice %run_scoped3A_8[%rem3A_265, %dma_wait3A_278, %dma_wait3A_279] : memref<2x256x128xf32, #tpu.memory_space<vmem>> -> memref<1x256x128xf32, #tpu.memory_space<vmem>>
          %dma_wait3A_281 = tpu.memref_squeeze %dma_wait3A_280 : memref<1x256x128xf32, #tpu.memory_space<vmem>> -> memref<256x128xf32, #tpu.memory_space<vmem>>
          tpu.wait_dma2 semaphore(%dma_wait3A_275 : memref<!tpu.dma_semaphore, #tpu.memory_space<semaphore_mem>>) src(%dma_wait3A_281 : memref<256x128xf32, #tpu.memory_space<vmem>>) dst(%dma_wait3A_277 : memref<256x128xf32, #tpu.memory_space<hbm>>)
          "tpu.trace_stop"() : () -> ()
        } else {
        }
        %and3A_244 = arith.constant true
        %and3A_245 = arith.andi %and3A_240, %and3A_244 : i1
        %add3A_246 = arith.constant 1 : i32
        %add3A_247 = arith.addi %scan3A_125, %add3A_246 : i32
        %select_n3A_248 = arith.select %and3A_245, %add3A_247, %scan3A_125 : i32
        %ne3A_249 = arith.cmpi ne, %add3A_131, %add3A_149 : i32
        %or3A_250 = arith.constant false
        %or3A_251 = arith.ori %or3A_250, %ne3A_249 : i1
        %or3A_252 = arith.ori %or3A_251, %eq3A_130 : i1
        %add3A_253 = arith.constant 1 : i32
        %add3A_254 = arith.addi %scan3A_123, %add3A_253 : i32
        %select_n3A_255 = arith.select %or3A_252, %add3A_254, %scan3A_123 : i32
        %add3A_256 = arith.constant 1 : i32
        %add3A_257 = arith.addi %scan3A_126, %add3A_256 : i32
        %select_n3A_258 = arith.constant true
        %select_n3A_259 = arith.select %select_n3A_258, %add3A_257, %scan3A_126 : i32
        %eq3A_260 = arith.constant 5 : i32
        %eq3A_261 = arith.cmpi eq, %select_n3A_259, %eq3A_260 : i32
        %select_n3A_262 = arith.constant 0 : i32
        %select_n3A_263 = arith.select %eq3A_261, %select_n3A_262, %select_n3A_259 : i32
        scf.yield %select_n3A_167, %select_n3A_255, %select_n3A_221, %select_n3A_248, %select_n3A_263 : i32, i32, i32, i32, i32
      }
      %scan3A_68 = arith.constant 5 : i32
      %sub3A = arith.constant 1 : i32
      %sub3A_69 = arith.subi %scan3A_67#4, %sub3A : i32
      %select_n3A_70 = arith.constant true
      %select_n3A_71 = arith.select %select_n3A_70, %sub3A_69, %scan3A_67#4 : i32
      %eq3A_72 = arith.constant -1 : i32
      %eq3A_73 = arith.cmpi eq, %select_n3A_71, %eq3A_72 : i32
      %select_n3A_74 = arith.constant 4 : i32
      %select_n3A_75 = arith.select %eq3A_73, %select_n3A_74, %select_n3A_71 : i32
      %add3A_76 = arith.addi %select_n3A_75, %mul3A_6 : i32
      %sub3A_77 = arith.constant 1 : i32
      %sub3A_78 = arith.subi %select_n3A_75, %sub3A_77 : i32
      %select_n3A_79 = arith.constant true
      %select_n3A_80 = arith.select %select_n3A_79, %sub3A_78, %select_n3A_75 : i32
      %eq3A_81 = arith.constant -1 : i32
      %eq3A_82 = arith.cmpi eq, %select_n3A_80, %eq3A_81 : i32
      %select_n3A_83 = arith.constant 4 : i32
      %select_n3A_84 = arith.select %eq3A_82, %select_n3A_83, %select_n3A_80 : i32
      %add3A_85 = arith.addi %select_n3A_84, %mul3A_6 : i32
      %add3A_86 = arith.constant 1 : i32
      %add3A_87 = arith.addi %select_n3A_75, %add3A_86 : i32
      %select_n3A_88 = arith.constant true
      %select_n3A_89 = arith.select %select_n3A_88, %add3A_87, %select_n3A_75 : i32
      %eq3A_90 = arith.constant 5 : i32
      %eq3A_91 = arith.cmpi eq, %select_n3A_89, %eq3A_90 : i32
      %select_n3A_92 = arith.constant 0 : i32
      %select_n3A_93 = arith.select %eq3A_91, %select_n3A_92, %select_n3A_89 : i32
      %add3A_94 = arith.addi %select_n3A_93, %mul3A_6 : i32
      %add3A_95 = arith.constant 1 : i32
      %add3A_96 = arith.addi %select_n3A_93, %add3A_95 : i32
      %select_n3A_97 = arith.constant true
      %select_n3A_98 = arith.select %select_n3A_97, %add3A_96, %select_n3A_93 : i32
      %eq3A_99 = arith.constant 5 : i32
      %eq3A_100 = arith.cmpi eq, %select_n3A_98, %eq3A_99 : i32
      %select_n3A_101 = arith.constant 0 : i32
      %select_n3A_102 = arith.select %eq3A_100, %select_n3A_101, %select_n3A_98 : i32
      %add3A_103 = arith.addi %select_n3A_102, %mul3A_6 : i32
      "tpu.trace_start"() <{level = 10 : i32, message = "ep_finalize"}> : () -> ()
      %rem3A_104 = arith.constant 2 : i32
      %rem3A_105 = arith.remui %scan3A_67#3, %rem3A_104 : i32
      %mul3A_106 = arith.constant 256 : i32
      %mul3A_107 = arith.muli %mul3A_106, %add3A_76 : i32
      %dma_wait3A = arith.constant 0 : i32
      %dma_wait3A_108 = arith.constant 0 : i32
      %dma_wait3A_109 = tpu.memref_slice %run_scoped3A_8[%rem3A_105, %dma_wait3A, %dma_wait3A_108] : memref<2x256x128xf32, #tpu.memory_space<vmem>> -> memref<1x256x128xf32, #tpu.memory_space<vmem>>
      %dma_wait3A_110 = tpu.memref_squeeze %dma_wait3A_109 : memref<1x256x128xf32, #tpu.memory_space<vmem>> -> memref<256x128xf32, #tpu.memory_space<vmem>>
      %dma_wait3A_111 = arith.constant 0 : i32
      %dma_wait3A_112 = tpu.memref_slice %arg4[%mul3A_107, %dma_wait3A_111] : memref<40960x128xf32, #tpu.memory_space<hbm>> -> memref<256x128xf32, #tpu.memory_space<hbm>>
      %dma_wait3A_113 = tpu.memref_slice %run_scoped3A_9[%rem3A_105] : memref<2x!tpu.dma_semaphore, #tpu.memory_space<semaphore_mem>> -> memref<1x!tpu.dma_semaphore, #tpu.memory_space<semaphore_mem>>
      %dma_wait3A_114 = tpu.memref_squeeze %dma_wait3A_113 : memref<1x!tpu.dma_semaphore, #tpu.memory_space<semaphore_mem>> -> memref<!tpu.dma_semaphore, #tpu.memory_space<semaphore_mem>>
      %dma_wait3A_115 = arith.constant 0 : i32
      %dma_wait3A_116 = tpu.memref_slice %arg4[%mul3A_107, %dma_wait3A_115] : memref<40960x128xf32, #tpu.memory_space<hbm>> -> memref<256x128xf32, #tpu.memory_space<hbm>>
      %dma_wait3A_117 = arith.constant 0 : i32
      %dma_wait3A_118 = arith.constant 0 : i32
      %dma_wait3A_119 = tpu.memref_slice %run_scoped3A_8[%rem3A_105, %dma_wait3A_117, %dma_wait3A_118] : memref<2x256x128xf32, #tpu.memory_space<vmem>> -> memref<1x256x128xf32, #tpu.memory_space<vmem>>
      %dma_wait3A_120 = tpu.memref_squeeze %dma_wait3A_119 : memref<1x256x128xf32, #tpu.memory_space<vmem>> -> memref<256x128xf32, #tpu.memory_space<vmem>>
      tpu.wait_dma2 semaphore(%dma_wait3A_114 : memref<!tpu.dma_semaphore, #tpu.memory_space<semaphore_mem>>) src(%dma_wait3A_120 : memref<256x128xf32, #tpu.memory_space<vmem>>) dst(%dma_wait3A_116 : memref<256x128xf32, #tpu.memory_space<hbm>>)
      "tpu.trace_stop"() : () -> ()
      tpu.yield
    }) : () -> ()
    return
  }
}

#map = affine_map<(d0, d1) -> (0, 0)>
module attributes {stable_mosaic.version = 14 : i64} {
  func.func @gather_kernel(%arg0: i32, %arg1: i32, %arg2: memref<100000x128xf32, #tpu.memory_space<hbm>>, %arg3: memref<1x40960xi32, #tpu.memory_space<hbm>>, %arg4: memref<40960x128xf32, #tpu.memory_space<hbm>>) attributes {dimension_semantics = [#tpu.dimension_semantics<core_parallel>, #tpu.dimension_semantics<subcore_parallel>], iteration_bounds = array<i64: 2, 16>, scalar_prefetch = 0 : i64, scratch_operands = 0 : i64, tpu.core_type = #tpu.core_type<sc_vector_subcore>, window_params = [{transform_indices = #map}, {transform_indices = #map}, {transform_indices = #map}]} {
    %mul3A = arith.constant 1 : i32
    %mul3A_0 = arith.muli %arg1, %mul3A : i32
    %add3A = arith.constant 0 : i32
    %add3A_1 = arith.addi %add3A, %mul3A_0 : i32
    %mul3A_2 = arith.constant 16 : i32
    %mul3A_3 = arith.muli %arg0, %mul3A_2 : i32
    %add3A_4 = arith.addi %add3A_1, %mul3A_3 : i32
    %mul3A_5 = arith.constant 5 : i32
    %mul3A_6 = arith.muli %add3A_4, %mul3A_5 : i32
    "tpu.region"() ({
      %run_scoped3A = memref.alloca() : memref<2x1x256xi32, #tpu.memory_space<vmem>>
      %run_scoped3A_7 = tpu.sem_alloc : memref<2x!tpu.dma_semaphore, #tpu.memory_space<semaphore_mem>>
      %run_scoped3A_8 = memref.alloca() : memref<2x256x128xf32, #tpu.memory_space<vmem>>
      %run_scoped3A_9 = tpu.sem_alloc : memref<2x!tpu.dma_semaphore, #tpu.memory_space<semaphore_mem>>
      %add3A_10 = arith.constant 0 : i32
      %add3A_11 = arith.addi %add3A_10, %mul3A_6 : i32
      %select_n3A = arith.constant true
      %select_n3A_12 = arith.constant 0 : i32
      %select_n3A_13 = arith.constant -1 : i32
      %select_n3A_14 = arith.select %select_n3A, %select_n3A_13, %select_n3A_12 : i32
      %eq3A = arith.constant -1 : i32
      %eq3A_15 = arith.cmpi eq, %select_n3A_14, %eq3A : i32
      %select_n3A_16 = arith.constant 4 : i32
      %select_n3A_17 = arith.select %eq3A_15, %select_n3A_16, %select_n3A_14 : i32
      %add3A_18 = arith.addi %select_n3A_17, %mul3A_6 : i32
      %select_n3A_19 = arith.constant true
      %select_n3A_20 = arith.constant 0 : i32
      %select_n3A_21 = arith.constant 1 : i32
      %select_n3A_22 = arith.select %select_n3A_19, %select_n3A_21, %select_n3A_20 : i32
      %eq3A_23 = arith.constant 5 : i32
      %eq3A_24 = arith.cmpi eq, %select_n3A_22, %eq3A_23 : i32
      %select_n3A_25 = arith.constant 0 : i32
      %select_n3A_26 = arith.select %eq3A_24, %select_n3A_25, %select_n3A_22 : i32
      %add3A_27 = arith.addi %select_n3A_26, %mul3A_6 : i32
      %add3A_28 = arith.constant 1 : i32
      %add3A_29 = arith.addi %select_n3A_26, %add3A_28 : i32
      %select_n3A_30 = arith.constant true
      %select_n3A_31 = arith.select %select_n3A_30, %add3A_29, %select_n3A_26 : i32
      %eq3A_32 = arith.constant 5 : i32
      %eq3A_33 = arith.cmpi eq, %select_n3A_31, %eq3A_32 : i32
      %select_n3A_34 = arith.constant 0 : i32
      %select_n3A_35 = arith.select %eq3A_33, %select_n3A_34, %select_n3A_31 : i32
      %add3A_36 = arith.addi %select_n3A_35, %mul3A_6 : i32
      "tpu.trace_start"() <{level = 10 : i32, message = "ep_initialize_0"}> : () -> ()
      %rem3A = arith.constant 0 : i32
      %rem3A_37 = arith.constant 2 : i32
      %rem3A_38 = arith.remui %rem3A, %rem3A_37 : i32
      %mul3A_39 = arith.constant 256 : i32
      %mul3A_40 = arith.muli %mul3A_39, %add3A_11 : i32
      %dma_start3A = arith.constant 0 : i32
      %dma_start3A_41 = arith.constant 0 : i32
      %dma_start3A_42 = tpu.memref_slice %run_scoped3A[%rem3A_38, %dma_start3A, %dma_start3A_41] : memref<2x1x256xi32, #tpu.memory_space<vmem>> -> memref<1x1x256xi32, #tpu.memory_space<vmem>>
      %dma_start3A_43 = tpu.memref_squeeze %dma_start3A_42 : memref<1x1x256xi32, #tpu.memory_space<vmem>> -> memref<1x256xi32, #tpu.memory_space<vmem>>
      %dma_start3A_44 = arith.constant 0 : i32
      %dma_start3A_45 = tpu.memref_slice %arg3[%dma_start3A_44, %mul3A_40] : memref<1x40960xi32, #tpu.memory_space<hbm>> -> memref<1x256xi32, #tpu.memory_space<hbm>>
      %dma_start3A_46 = tpu.memref_slice %run_scoped3A_7[%rem3A_38] : memref<2x!tpu.dma_semaphore, #tpu.memory_space<semaphore_mem>> -> memref<1x!tpu.dma_semaphore, #tpu.memory_space<semaphore_mem>>
      %dma_start3A_47 = tpu.memref_squeeze %dma_start3A_46 : memref<1x!tpu.dma_semaphore, #tpu.memory_space<semaphore_mem>> -> memref<!tpu.dma_semaphore, #tpu.memory_space<semaphore_mem>>
      %dma_start3A_48 = arith.constant 0 : i32
      %dma_start3A_49 = arith.constant 0 : i32
      %dma_start3A_50 = tpu.memref_slice %run_scoped3A[%rem3A_38, %dma_start3A_48, %dma_start3A_49] : memref<2x1x256xi32, #tpu.memory_space<vmem>> -> memref<1x1x256xi32, #tpu.memory_space<vmem>>
      %dma_start3A_51 = tpu.memref_squeeze %dma_start3A_50 : memref<1x1x256xi32, #tpu.memory_space<vmem>> -> memref<1x256xi32, #tpu.memory_space<vmem>>
      %dma_start3A_52 = arith.constant 0 : i32
      %dma_start3A_53 = tpu.memref_slice %arg3[%dma_start3A_52, %mul3A_40] : memref<1x40960xi32, #tpu.memory_space<hbm>> -> memref<1x256xi32, #tpu.memory_space<hbm>>
      tpu.enqueue_dma source(%dma_start3A_53 : memref<1x256xi32, #tpu.memory_space<hbm>>) target(%dma_start3A_51 : memref<1x256xi32, #tpu.memory_space<vmem>>) target_semaphore(%dma_start3A_47 : memref<!tpu.dma_semaphore, #tpu.memory_space<semaphore_mem>>)
      %add3A_54 = arith.constant 0 : i32
      %add3A_55 = arith.constant 1 : i32
      %add3A_56 = arith.addi %add3A_54, %add3A_55 : i32
      %select_n3A_57 = arith.constant true
      %select_n3A_58 = arith.constant 0 : i32
      %select_n3A_59 = arith.select %select_n3A_57, %add3A_56, %select_n3A_58 : i32
      "tpu.trace_stop"() : () -> ()
      %scan3A = arith.constant 0 : i32
      %scan3A_60 = arith.constant 0 : i32
      %scan3A_61 = arith.constant 0 : i32
      %scan3A_62 = arith.constant 0 : i32
      %scan3A_63 = arith.constant 0 : i32
      %scan3A_64 = arith.constant 5 : i32
      %scan3A_65 = arith.addi %scan3A_63, %scan3A_64 : i32
      %scan3A_66 = arith.constant 1 : i32
      %scan3A_67:5 = scf.for %scan3A_121 = %scan3A_63 to %scan3A_65 step %scan3A_66 iter_args(%scan3A_122 = %select_n3A_59, %scan3A_123 = %scan3A, %scan3A_124 = %scan3A_60, %scan3A_125 = %scan3A_61, %scan3A_126 = %scan3A_62) -> (i32, i32, i32, i32, i32)  : i32 {
        %eq3A_127 = arith.constant 0 : i32
        %eq3A_128 = arith.cmpi eq, %scan3A_121, %eq3A_127 : i32
        %eq3A_129 = arith.constant 4 : i32
        %eq3A_130 = arith.cmpi eq, %scan3A_121, %eq3A_129 : i32
        %add3A_131 = arith.addi %scan3A_126, %mul3A_6 : i32
        %sub3A_132 = arith.constant 1 : i32
        %sub3A_133 = arith.subi %scan3A_126, %sub3A_132 : i32
        %select_n3A_134 = arith.constant true
        %select_n3A_135 = arith.select %select_n3A_134, %sub3A_133, %scan3A_126 : i32
        %eq3A_136 = arith.constant -1 : i32
        %eq3A_137 = arith.cmpi eq, %select_n3A_135, %eq3A_136 : i32
        %select_n3A_138 = arith.constant 4 : i32
        %select_n3A_139 = arith.select %eq3A_137, %select_n3A_138, %select_n3A_135 : i32
        %add3A_140 = arith.addi %select_n3A_139, %mul3A_6 : i32
        %add3A_141 = arith.constant 1 : i32
        %add3A_142 = arith.addi %scan3A_126, %add3A_141 : i32
        %select_n3A_143 = arith.constant true
        %select_n3A_144 = arith.select %select_n3A_143, %add3A_142, %scan3A_126 : i32
        %eq3A_145 = arith.constant 5 : i32
        %eq3A_146 = arith.cmpi eq, %select_n3A_144, %eq3A_145 : i32
        %select_n3A_147 = arith.constant 0 : i32
        %select_n3A_148 = arith.select %eq3A_146, %select_n3A_147, %select_n3A_144 : i32
        %add3A_149 = arith.addi %select_n3A_148, %mul3A_6 : i32
        %add3A_150 = arith.constant 1 : i32
        %add3A_151 = arith.addi %select_n3A_148, %add3A_150 : i32
        %select_n3A_152 = arith.constant true
        %select_n3A_153 = arith.select %select_n3A_152, %add3A_151, %select_n3A_148 : i32
        %eq3A_154 = arith.constant 5 : i32
        %eq3A_155 = arith.cmpi eq, %select_n3A_153, %eq3A_154 : i32
        %select_n3A_156 = arith.constant 0 : i32
        %select_n3A_157 = arith.select %eq3A_155, %select_n3A_156, %select_n3A_153 : i32
        %add3A_158 = arith.addi %select_n3A_157, %mul3A_6 : i32
        %ne3A = arith.cmpi ne, %add3A_131, %add3A_149 : i32
        %or3A = arith.constant false
        %or3A_159 = arith.ori %or3A, %ne3A : i1
        %ge3A = arith.constant 4 : i32
        %ge3A_160 = arith.cmpi sge, %scan3A_121, %ge3A : i32
        %not3A = arith.constant true
        %not3A_161 = arith.xori %ge3A_160, %not3A : i1
        %and3A = arith.andi %or3A_159, %not3A_161 : i1
        %convert_element_type3A = arith.extui %and3A : i1 to i32
        %cond3A = arith.constant 0 : i32
        %cond3A_162 = arith.cmpi ne, %convert_element_type3A, %cond3A : i32
        scf.if %cond3A_162 {
          "tpu.trace_start"() <{level = 10 : i32, message = "ep_copy_in"}> : () -> ()
          %rem3A_264 = arith.constant 2 : i32
          %rem3A_265 = arith.remui %scan3A_122, %rem3A_264 : i32
          %mul3A_266 = arith.constant 256 : i32
          %mul3A_267 = arith.muli %mul3A_266, %add3A_149 : i32
          %dma_start3A_268 = arith.constant 0 : i32
          %dma_start3A_269 = arith.constant 0 : i32
          %dma_start3A_270 = tpu.memref_slice %run_scoped3A[%rem3A_265, %dma_start3A_268, %dma_start3A_269] : memref<2x1x256xi32, #tpu.memory_space<vmem>> -> memref<1x1x256xi32, #tpu.memory_space<vmem>>
          %dma_start3A_271 = tpu.memref_squeeze %dma_start3A_270 : memref<1x1x256xi32, #tpu.memory_space<vmem>> -> memref<1x256xi32, #tpu.memory_space<vmem>>
          %dma_start3A_272 = arith.constant 0 : i32
          %dma_start3A_273 = tpu.memref_slice %arg3[%dma_start3A_272, %mul3A_267] : memref<1x40960xi32, #tpu.memory_space<hbm>> -> memref<1x256xi32, #tpu.memory_space<hbm>>
          %dma_start3A_274 = tpu.memref_slice %run_scoped3A_7[%rem3A_265] : memref<2x!tpu.dma_semaphore, #tpu.memory_space<semaphore_mem>> -> memref<1x!tpu.dma_semaphore, #tpu.memory_space<semaphore_mem>>
          %dma_start3A_275 = tpu.memref_squeeze %dma_start3A_274 : memref<1x!tpu.dma_semaphore, #tpu.memory_space<semaphore_mem>> -> memref<!tpu.dma_semaphore, #tpu.memory_space<semaphore_mem>>
          %dma_start3A_276 = arith.constant 0 : i32
          %dma_start3A_277 = arith.constant 0 : i32
          %dma_start3A_278 = tpu.memref_slice %run_scoped3A[%rem3A_265, %dma_start3A_276, %dma_start3A_277] : memref<2x1x256xi32, #tpu.memory_space<vmem>> -> memref<1x1x256xi32, #tpu.memory_space<vmem>>
          %dma_start3A_279 = tpu.memref_squeeze %dma_start3A_278 : memref<1x1x256xi32, #tpu.memory_space<vmem>> -> memref<1x256xi32, #tpu.memory_space<vmem>>
          %dma_start3A_280 = arith.constant 0 : i32
          %dma_start3A_281 = tpu.memref_slice %arg3[%dma_start3A_280, %mul3A_267] : memref<1x40960xi32, #tpu.memory_space<hbm>> -> memref<1x256xi32, #tpu.memory_space<hbm>>
          tpu.enqueue_dma source(%dma_start3A_281 : memref<1x256xi32, #tpu.memory_space<hbm>>) target(%dma_start3A_279 : memref<1x256xi32, #tpu.memory_space<vmem>>) target_semaphore(%dma_start3A_275 : memref<!tpu.dma_semaphore, #tpu.memory_space<semaphore_mem>>)
          "tpu.trace_stop"() : () -> ()
        } else {
        }
        %and3A_163 = arith.constant true
        %and3A_164 = arith.andi %and3A, %and3A_163 : i1
        %add3A_165 = arith.constant 1 : i32
        %add3A_166 = arith.addi %scan3A_122, %add3A_165 : i32
        %select_n3A_167 = arith.select %and3A_164, %add3A_166, %scan3A_122 : i32
        %ne3A_168 = arith.cmpi ne, %add3A_131, %add3A_149 : i32
        %or3A_169 = arith.constant false
        %or3A_170 = arith.ori %or3A_169, %ne3A_168 : i1
        %or3A_171 = arith.constant false
        %or3A_172 = arith.ori %or3A_170, %or3A_171 : i1
        %ge3A_173 = arith.constant 4 : i32
        %ge3A_174 = arith.cmpi sge, %scan3A_121, %ge3A_173 : i32
        %not3A_175 = arith.constant true
        %not3A_176 = arith.xori %ge3A_174, %not3A_175 : i1
        %and3A_177 = arith.andi %or3A_172, %not3A_176 : i1
        %ne3A_178 = arith.cmpi ne, %add3A_131, %add3A_140 : i32
        %or3A_179 = arith.constant false
        %or3A_180 = arith.ori %or3A_179, %ne3A_178 : i1
        %or3A_181 = arith.ori %or3A_180, %eq3A_128 : i1
        %convert_element_type3A_182 = arith.extui %or3A_181 : i1 to i32
        %cond3A_183 = arith.constant 0 : i32
        %cond3A_184 = arith.cmpi ne, %convert_element_type3A_182, %cond3A_183 : i32
        scf.if %cond3A_184 {
          "tpu.trace_start"() <{level = 10 : i32, message = "ep_wait_in"}> : () -> ()
          %mul3A_264 = arith.constant 256 : i32
          %mul3A_265 = arith.muli %mul3A_264, %add3A_131 : i32
          %rem3A_266 = arith.constant 2 : i32
          %rem3A_267 = arith.remui %scan3A_123, %rem3A_266 : i32
          %dma_wait3A_268 = arith.constant 0 : i32
          %dma_wait3A_269 = arith.constant 0 : i32
          %dma_wait3A_270 = tpu.memref_slice %run_scoped3A[%rem3A_267, %dma_wait3A_268, %dma_wait3A_269] : memref<2x1x256xi32, #tpu.memory_space<vmem>> -> memref<1x1x256xi32, #tpu.memory_space<vmem>>
          %dma_wait3A_271 = tpu.memref_squeeze %dma_wait3A_270 : memref<1x1x256xi32, #tpu.memory_space<vmem>> -> memref<1x256xi32, #tpu.memory_space<vmem>>
          %dma_wait3A_272 = arith.constant 0 : i32
          %dma_wait3A_273 = tpu.memref_slice %arg3[%dma_wait3A_272, %mul3A_265] : memref<1x40960xi32, #tpu.memory_space<hbm>> -> memref<1x256xi32, #tpu.memory_space<hbm>>
          %dma_wait3A_274 = tpu.memref_slice %run_scoped3A_7[%rem3A_267] : memref<2x!tpu.dma_semaphore, #tpu.memory_space<semaphore_mem>> -> memref<1x!tpu.dma_semaphore, #tpu.memory_space<semaphore_mem>>
          %dma_wait3A_275 = tpu.memref_squeeze %dma_wait3A_274 : memref<1x!tpu.dma_semaphore, #tpu.memory_space<semaphore_mem>> -> memref<!tpu.dma_semaphore, #tpu.memory_space<semaphore_mem>>
          %dma_wait3A_276 = arith.constant 0 : i32
          %dma_wait3A_277 = arith.constant 0 : i32
          %dma_wait3A_278 = tpu.memref_slice %run_scoped3A[%rem3A_267, %dma_wait3A_276, %dma_wait3A_277] : memref<2x1x256xi32, #tpu.memory_space<vmem>> -> memref<1x1x256xi32, #tpu.memory_space<vmem>>
          %dma_wait3A_279 = tpu.memref_squeeze %dma_wait3A_278 : memref<1x1x256xi32, #tpu.memory_space<vmem>> -> memref<1x256xi32, #tpu.memory_space<vmem>>
          %dma_wait3A_280 = arith.constant 0 : i32
          %dma_wait3A_281 = tpu.memref_slice %arg3[%dma_wait3A_280, %mul3A_265] : memref<1x40960xi32, #tpu.memory_space<hbm>> -> memref<1x256xi32, #tpu.memory_space<hbm>>
          tpu.wait_dma2 semaphore(%dma_wait3A_275 : memref<!tpu.dma_semaphore, #tpu.memory_space<semaphore_mem>>) src(%dma_wait3A_281 : memref<1x256xi32, #tpu.memory_space<hbm>>) dst(%dma_wait3A_279 : memref<1x256xi32, #tpu.memory_space<vmem>>)
          "tpu.trace_stop"() : () -> ()
        } else {
        }
        %ne3A_185 = arith.cmpi ne, %add3A_131, %add3A_140 : i32
        %or3A_186 = arith.constant false
        %or3A_187 = arith.ori %or3A_186, %ne3A_185 : i1
        %or3A_188 = arith.constant false
        %or3A_189 = arith.ori %or3A_187, %or3A_188 : i1
        %or3A_190 = arith.ori %or3A_189, %eq3A_128 : i1
        %convert_element_type3A_191 = arith.extui %or3A_190 : i1 to i32
        %cond3A_192 = arith.constant 0 : i32
        %cond3A_193 = arith.cmpi ne, %convert_element_type3A_191, %cond3A_192 : i32
        scf.if %cond3A_193 {
        } else {
        }
        %rem3A_194 = arith.constant 2 : i32
        %rem3A_195 = arith.remui %scan3A_123, %rem3A_194 : i32
        %rem3A_196 = arith.constant 2 : i32
        %rem3A_197 = arith.remui %scan3A_124, %rem3A_196 : i32
        %run_scoped3A_198 = arith.constant 0 : i32
        "tpu.trace_start"() <{level = 10 : i32, message = "ep_run_kernel"}> : () -> ()
        "tpu.region"() ({
          %run_scoped3A_264 = tpu.sem_alloc : memref<!tpu.dma_semaphore, #tpu.memory_space<semaphore_mem>>
          %dma_start3A_265 = arith.constant 0 : i32
          %dma_start3A_266 = arith.constant 0 : i32
          %dma_start3A_267 = tpu.memref_slice %run_scoped3A_8[%rem3A_197, %dma_start3A_265, %dma_start3A_266] : memref<2x256x128xf32, #tpu.memory_space<vmem>> -> memref<1x256x128xf32, #tpu.memory_space<vmem>>
          %dma_start3A_268 = tpu.memref_squeeze %dma_start3A_267 : memref<1x256x128xf32, #tpu.memory_space<vmem>> -> memref<256x128xf32, #tpu.memory_space<vmem>>
          %dma_start3A_269 = arith.constant 0 : i32
          %dma_start3A_270 = arith.constant 0 : i32
          %dma_start3A_271 = tpu.memref_slice %run_scoped3A[%rem3A_195, %dma_start3A_269, %dma_start3A_270] : memref<2x1x256xi32, #tpu.memory_space<vmem>> -> memref<1x1x256xi32, #tpu.memory_space<vmem>>
          %dma_start3A_272 = tpu.memref_squeeze %dma_start3A_271 : memref<1x1x256xi32, #tpu.memory_space<vmem>> -> memref<1x256xi32, #tpu.memory_space<vmem>>
          %dma_start3A_273 = arith.constant 0 : i32
          %dma_start3A_274 = tpu.memref_slice %dma_start3A_272[%run_scoped3A_198, %dma_start3A_273] : memref<1x256xi32, #tpu.memory_space<vmem>> -> memref<1x256xi32, #tpu.memory_space<vmem>>
          %dma_start3A_275 = tpu.memref_squeeze %dma_start3A_274 : memref<1x256xi32, #tpu.memory_space<vmem>> -> memref<256xi32, #tpu.memory_space<vmem>>
          %dma_start3A_276 = arith.constant 0 : i32
          %dma_start3A_277 = arith.constant 0 : i32
          %dma_start3A_278 = tpu.memref_slice %arg2[%dma_start3A_276, %dma_start3A_277] : memref<100000x128xf32, #tpu.memory_space<hbm>> -> memref<100000x128xf32, #tpu.memory_space<hbm>>
          tpu.enqueue_indirect_dma source(%dma_start3A_278 : memref<100000x128xf32, #tpu.memory_space<hbm>>) target(%dma_start3A_268 : memref<256x128xf32, #tpu.memory_space<vmem>>) offsets(%dma_start3A_275 : memref<256xi32, #tpu.memory_space<vmem>>) semaphore(%run_scoped3A_264 : memref<!tpu.dma_semaphore, #tpu.memory_space<semaphore_mem>>)
          %dma_wait3A_279 = arith.constant 0 : i32
          %dma_wait3A_280 = arith.constant 0 : i32
          %dma_wait3A_281 = tpu.memref_slice %run_scoped3A_8[%rem3A_197, %dma_wait3A_279, %dma_wait3A_280] : memref<2x256x128xf32, #tpu.memory_space<vmem>> -> memref<1x256x128xf32, #tpu.memory_space<vmem>>
          %dma_wait3A_282 = tpu.memref_squeeze %dma_wait3A_281 : memref<1x256x128xf32, #tpu.memory_space<vmem>> -> memref<256x128xf32, #tpu.memory_space<vmem>>
          %dma_wait3A_283 = arith.constant 0 : i32
          %dma_wait3A_284 = arith.constant 0 : i32
          %dma_wait3A_285 = tpu.memref_slice %run_scoped3A[%rem3A_195, %dma_wait3A_283, %dma_wait3A_284] : memref<2x1x256xi32, #tpu.memory_space<vmem>> -> memref<1x1x256xi32, #tpu.memory_space<vmem>>
          %dma_wait3A_286 = tpu.memref_squeeze %dma_wait3A_285 : memref<1x1x256xi32, #tpu.memory_space<vmem>> -> memref<1x256xi32, #tpu.memory_space<vmem>>
          %dma_wait3A_287 = arith.constant 0 : i32
          %dma_wait3A_288 = tpu.memref_slice %dma_wait3A_286[%run_scoped3A_198, %dma_wait3A_287] : memref<1x256xi32, #tpu.memory_space<vmem>> -> memref<1x256xi32, #tpu.memory_space<vmem>>
          %dma_wait3A_289 = tpu.memref_squeeze %dma_wait3A_288 : memref<1x256xi32, #tpu.memory_space<vmem>> -> memref<256xi32, #tpu.memory_space<vmem>>
          %dma_wait3A_290 = arith.constant 0 : i32
          %dma_wait3A_291 = arith.constant 0 : i32
          %dma_wait3A_292 = tpu.memref_slice %arg2[%dma_wait3A_290, %dma_wait3A_291] : memref<100000x128xf32, #tpu.memory_space<hbm>> -> memref<100000x128xf32, #tpu.memory_space<hbm>>
          tpu.wait_indirect_dma semaphore(%run_scoped3A_264 : memref<!tpu.dma_semaphore, #tpu.memory_space<semaphore_mem>>) src(%dma_wait3A_292 : memref<100000x128xf32, #tpu.memory_space<hbm>>) dst(%dma_wait3A_282 : memref<256x128xf32, #tpu.memory_space<vmem>>)
          tpu.yield
        }) : () -> ()
        "tpu.trace_stop"() : () -> ()
        %ne3A_199 = arith.cmpi ne, %add3A_131, %add3A_149 : i32
        %or3A_200 = arith.constant false
        %or3A_201 = arith.ori %or3A_200, %ne3A_199 : i1
        %or3A_202 = arith.ori %or3A_201, %eq3A_130 : i1
        %convert_element_type3A_203 = arith.extui %or3A_202 : i1 to i32
        %cond3A_204 = arith.constant 0 : i32
        %cond3A_205 = arith.cmpi ne, %convert_element_type3A_203, %cond3A_204 : i32
        scf.if %cond3A_205 {
        } else {
        }
        %and3A_206 = arith.constant false
        %and3A_207 = arith.andi %or3A_202, %and3A_206 : i1
        %ne3A_208 = arith.cmpi ne, %add3A_131, %add3A_149 : i32
        %or3A_209 = arith.constant false
        %or3A_210 = arith.ori %or3A_209, %ne3A_208 : i1
        %or3A_211 = arith.constant false
        %or3A_212 = arith.ori %or3A_210, %or3A_211 : i1
        %or3A_213 = arith.ori %or3A_212, %eq3A_130 : i1
        %convert_element_type3A_214 = arith.extui %or3A_213 : i1 to i32
        %cond3A_215 = arith.constant 0 : i32
        %cond3A_216 = arith.cmpi ne, %convert_element_type3A_214, %cond3A_215 : i32
        scf.if %cond3A_216 {
          "tpu.trace_start"() <{level = 10 : i32, message = "ep_copy_out"}> : () -> ()
          %rem3A_264 = arith.constant 2 : i32
          %rem3A_265 = arith.remui %scan3A_124, %rem3A_264 : i32
          %mul3A_266 = arith.constant 256 : i32
          %mul3A_267 = arith.muli %mul3A_266, %add3A_131 : i32
          %dma_start3A_268 = arith.constant 0 : i32
          %dma_start3A_269 = arith.constant 0 : i32
          %dma_start3A_270 = tpu.memref_slice %run_scoped3A_8[%rem3A_265, %dma_start3A_268, %dma_start3A_269] : memref<2x256x128xf32, #tpu.memory_space<vmem>> -> memref<1x256x128xf32, #tpu.memory_space<vmem>>
          %dma_start3A_271 = tpu.memref_squeeze %dma_start3A_270 : memref<1x256x128xf32, #tpu.memory_space<vmem>> -> memref<256x128xf32, #tpu.memory_space<vmem>>
          %dma_start3A_272 = arith.constant 0 : i32
          %dma_start3A_273 = tpu.memref_slice %arg4[%mul3A_267, %dma_start3A_272] : memref<40960x128xf32, #tpu.memory_space<hbm>> -> memref<256x128xf32, #tpu.memory_space<hbm>>
          %dma_start3A_274 = tpu.memref_slice %run_scoped3A_9[%rem3A_265] : memref<2x!tpu.dma_semaphore, #tpu.memory_space<semaphore_mem>> -> memref<1x!tpu.dma_semaphore, #tpu.memory_space<semaphore_mem>>
          %dma_start3A_275 = tpu.memref_squeeze %dma_start3A_274 : memref<1x!tpu.dma_semaphore, #tpu.memory_space<semaphore_mem>> -> memref<!tpu.dma_semaphore, #tpu.memory_space<semaphore_mem>>
          %dma_start3A_276 = arith.constant 0 : i32
          %dma_start3A_277 = tpu.memref_slice %arg4[%mul3A_267, %dma_start3A_276] : memref<40960x128xf32, #tpu.memory_space<hbm>> -> memref<256x128xf32, #tpu.memory_space<hbm>>
          %dma_start3A_278 = arith.constant 0 : i32
          %dma_start3A_279 = arith.constant 0 : i32
          %dma_start3A_280 = tpu.memref_slice %run_scoped3A_8[%rem3A_265, %dma_start3A_278, %dma_start3A_279] : memref<2x256x128xf32, #tpu.memory_space<vmem>> -> memref<1x256x128xf32, #tpu.memory_space<vmem>>
          %dma_start3A_281 = tpu.memref_squeeze %dma_start3A_280 : memref<1x256x128xf32, #tpu.memory_space<vmem>> -> memref<256x128xf32, #tpu.memory_space<vmem>>
          tpu.enqueue_dma source(%dma_start3A_281 : memref<256x128xf32, #tpu.memory_space<vmem>>) target(%dma_start3A_277 : memref<256x128xf32, #tpu.memory_space<hbm>>) target_semaphore(%dma_start3A_275 : memref<!tpu.dma_semaphore, #tpu.memory_space<semaphore_mem>>)
          "tpu.trace_stop"() : () -> ()
        } else {
        }
        %and3A_217 = arith.constant true
        %and3A_218 = arith.andi %or3A_213, %and3A_217 : i1
        %add3A_219 = arith.constant 1 : i32
        %add3A_220 = arith.addi %scan3A_124, %add3A_219 : i32
        %select_n3A_221 = arith.select %and3A_218, %add3A_220, %scan3A_124 : i32
        %ne3A_222 = arith.cmpi ne, %add3A_131, %add3A_140 : i32
        %or3A_223 = arith.constant false
        %or3A_224 = arith.ori %or3A_223, %ne3A_222 : i1
        %not3A_225 = arith.constant true
        %not3A_226 = arith.xori %eq3A_128, %not3A_225 : i1
        %and3A_227 = arith.andi %or3A_224, %not3A_226 : i1
        %convert_element_type3A_228 = arith.extui %and3A_227 : i1 to i32
        %cond3A_229 = arith.constant 0 : i32
        %cond3A_230 = arith.cmpi ne, %convert_element_type3A_228, %cond3A_229 : i32
        scf.if %cond3A_230 {
        } else {
        }
        %and3A_231 = arith.constant false
        %and3A_232 = arith.andi %and3A_227, %and3A_231 : i1
        %ne3A_233 = arith.cmpi ne, %add3A_131, %add3A_140 : i32
        %or3A_234 = arith.constant false
        %or3A_235 = arith.ori %or3A_234, %ne3A_233 : i1
        %or3A_236 = arith.constant false
        %or3A_237 = arith.ori %or3A_235, %or3A_236 : i1
        %not3A_238 = arith.constant true
        %not3A_239 = arith.xori %eq3A_128, %not3A_238 : i1
        %and3A_240 = arith.andi %or3A_237, %not3A_239 : i1
        %convert_element_type3A_241 = arith.extui %and3A_240 : i1 to i32
        %cond3A_242 = arith.constant 0 : i32
        %cond3A_243 = arith.cmpi ne, %convert_element_type3A_241, %cond3A_242 : i32
        scf.if %cond3A_243 {
          "tpu.trace_start"() <{level = 10 : i32, message = "ep_wait_out"}> : () -> ()
          %rem3A_264 = arith.constant 2 : i32
          %rem3A_265 = arith.remui %scan3A_125, %rem3A_264 : i32
          %mul3A_266 = arith.constant 256 : i32
          %mul3A_267 = arith.muli %mul3A_266, %add3A_140 : i32
          %dma_wait3A_268 = arith.constant 0 : i32
          %dma_wait3A_269 = arith.constant 0 : i32
          %dma_wait3A_270 = tpu.memref_slice %run_scoped3A_8[%rem3A_265, %dma_wait3A_268, %dma_wait3A_269] : memref<2x256x128xf32, #tpu.memory_space<vmem>> -> memref<1x256x128xf32, #tpu.memory_space<vmem>>
          %dma_wait3A_271 = tpu.memref_squeeze %dma_wait3A_270 : memref<1x256x128xf32, #tpu.memory_space<vmem>> -> memref<256x128xf32, #tpu.memory_space<vmem>>
          %dma_wait3A_272 = arith.constant 0 : i32
          %dma_wait3A_273 = tpu.memref_slice %arg4[%mul3A_267, %dma_wait3A_272] : memref<40960x128xf32, #tpu.memory_space<hbm>> -> memref<256x128xf32, #tpu.memory_space<hbm>>
          %dma_wait3A_274 = tpu.memref_slice %run_scoped3A_9[%rem3A_265] : memref<2x!tpu.dma_semaphore, #tpu.memory_space<semaphore_mem>> -> memref<1x!tpu.dma_semaphore, #tpu.memory_space<semaphore_mem>>
          %dma_wait3A_275 = tpu.memref_squeeze %dma_wait3A_274 : memref<1x!tpu.dma_semaphore, #tpu.memory_space<semaphore_mem>> -> memref<!tpu.dma_semaphore, #tpu.memory_space<semaphore_mem>>
          %dma_wait3A_276 = arith.constant 0 : i32
          %dma_wait3A_277 = tpu.memref_slice %arg4[%mul3A_267, %dma_wait3A_276] : memref<40960x128xf32, #tpu.memory_space<hbm>> -> memref<256x128xf32, #tpu.memory_space<hbm>>
          %dma_wait3A_278 = arith.constant 0 : i32
          %dma_wait3A_279 = arith.constant 0 : i32
          %dma_wait3A_280 = tpu.memref_slice %run_scoped3A_8[%rem3A_265, %dma_wait3A_278, %dma_wait3A_279] : memref<2x256x128xf32, #tpu.memory_space<vmem>> -> memref<1x256x128xf32, #tpu.memory_space<vmem>>
          %dma_wait3A_281 = tpu.memref_squeeze %dma_wait3A_280 : memref<1x256x128xf32, #tpu.memory_space<vmem>> -> memref<256x128xf32, #tpu.memory_space<vmem>>
          tpu.wait_dma2 semaphore(%dma_wait3A_275 : memref<!tpu.dma_semaphore, #tpu.memory_space<semaphore_mem>>) src(%dma_wait3A_281 : memref<256x128xf32, #tpu.memory_space<vmem>>) dst(%dma_wait3A_277 : memref<256x128xf32, #tpu.memory_space<hbm>>)
          "tpu.trace_stop"() : () -> ()
        } else {
        }
        %and3A_244 = arith.constant true
        %and3A_245 = arith.andi %and3A_240, %and3A_244 : i1
        %add3A_246 = arith.constant 1 : i32
        %add3A_247 = arith.addi %scan3A_125, %add3A_246 : i32
        %select_n3A_248 = arith.select %and3A_245, %add3A_247, %scan3A_125 : i32
        %ne3A_249 = arith.cmpi ne, %add3A_131, %add3A_149 : i32
        %or3A_250 = arith.constant false
        %or3A_251 = arith.ori %or3A_250, %ne3A_249 : i1
        %or3A_252 = arith.ori %or3A_251, %eq3A_130 : i1
        %add3A_253 = arith.constant 1 : i32
        %add3A_254 = arith.addi %scan3A_123, %add3A_253 : i32
        %select_n3A_255 = arith.select %or3A_252, %add3A_254, %scan3A_123 : i32
        %add3A_256 = arith.constant 1 : i32
        %add3A_257 = arith.addi %scan3A_126, %add3A_256 : i32
        %select_n3A_258 = arith.constant true
        %select_n3A_259 = arith.select %select_n3A_258, %add3A_257, %scan3A_126 : i32
        %eq3A_260 = arith.constant 5 : i32
        %eq3A_261 = arith.cmpi eq, %select_n3A_259, %eq3A_260 : i32
        %select_n3A_262 = arith.constant 0 : i32
        %select_n3A_263 = arith.select %eq3A_261, %select_n3A_262, %select_n3A_259 : i32
        scf.yield %select_n3A_167, %select_n3A_255, %select_n3A_221, %select_n3A_248, %select_n3A_263 : i32, i32, i32, i32, i32
      }
      %scan3A_68 = arith.constant 5 : i32
      %sub3A = arith.constant 1 : i32
      %sub3A_69 = arith.subi %scan3A_67#4, %sub3A : i32
      %select_n3A_70 = arith.constant true
      %select_n3A_71 = arith.select %select_n3A_70, %sub3A_69, %scan3A_67#4 : i32
      %eq3A_72 = arith.constant -1 : i32
      %eq3A_73 = arith.cmpi eq, %select_n3A_71, %eq3A_72 : i32
      %select_n3A_74 = arith.constant 4 : i32
      %select_n3A_75 = arith.select %eq3A_73, %select_n3A_74, %select_n3A_71 : i32
      %add3A_76 = arith.addi %select_n3A_75, %mul3A_6 : i32
      %sub3A_77 = arith.constant 1 : i32
      %sub3A_78 = arith.subi %select_n3A_75, %sub3A_77 : i32
      %select_n3A_79 = arith.constant true
      %select_n3A_80 = arith.select %select_n3A_79, %sub3A_78, %select_n3A_75 : i32
      %eq3A_81 = arith.constant -1 : i32
      %eq3A_82 = arith.cmpi eq, %select_n3A_80, %eq3A_81 : i32
      %select_n3A_83 = arith.constant 4 : i32
      %select_n3A_84 = arith.select %eq3A_82, %select_n3A_83, %select_n3A_80 : i32
      %add3A_85 = arith.addi %select_n3A_84, %mul3A_6 : i32
      %add3A_86 = arith.constant 1 : i32
      %add3A_87 = arith.addi %select_n3A_75, %add3A_86 : i32
      %select_n3A_88 = arith.constant true
      %select_n3A_89 = arith.select %select_n3A_88, %add3A_87, %select_n3A_75 : i32
      %eq3A_90 = arith.constant 5 : i32
      %eq3A_91 = arith.cmpi eq, %select_n3A_89, %eq3A_90 : i32
      %select_n3A_92 = arith.constant 0 : i32
      %select_n3A_93 = arith.select %eq3A_91, %select_n3A_92, %select_n3A_89 : i32
      %add3A_94 = arith.addi %select_n3A_93, %mul3A_6 : i32
      %add3A_95 = arith.constant 1 : i32
      %add3A_96 = arith.addi %select_n3A_93, %add3A_95 : i32
      %select_n3A_97 = arith.constant true
      %select_n3A_98 = arith.select %select_n3A_97, %add3A_96, %select_n3A_93 : i32
      %eq3A_99 = arith.constant 5 : i32
      %eq3A_100 = arith.cmpi eq, %select_n3A_98, %eq3A_99 : i32
      %select_n3A_101 = arith.constant 0 : i32
      %select_n3A_102 = arith.select %eq3A_100, %select_n3A_101, %select_n3A_98 : i32
      %add3A_103 = arith.addi %select_n3A_102, %mul3A_6 : i32
      "tpu.trace_start"() <{level = 10 : i32, message = "ep_finalize"}> : () -> ()
      %rem3A_104 = arith.constant 2 : i32
      %rem3A_105 = arith.remui %scan3A_67#3, %rem3A_104 : i32
      %mul3A_106 = arith.constant 256 : i32
      %mul3A_107 = arith.muli %mul3A_106, %add3A_76 : i32
      %dma_wait3A = arith.constant 0 : i32
      %dma_wait3A_108 = arith.constant 0 : i32
      %dma_wait3A_109 = tpu.memref_slice %run_scoped3A_8[%rem3A_105, %dma_wait3A, %dma_wait3A_108] : memref<2x256x128xf32, #tpu.memory_space<vmem>> -> memref<1x256x128xf32, #tpu.memory_space<vmem>>
      %dma_wait3A_110 = tpu.memref_squeeze %dma_wait3A_109 : memref<1x256x128xf32, #tpu.memory_space<vmem>> -> memref<256x128xf32, #tpu.memory_space<vmem>>
      %dma_wait3A_111 = arith.constant 0 : i32
      %dma_wait3A_112 = tpu.memref_slice %arg4[%mul3A_107, %dma_wait3A_111] : memref<40960x128xf32, #tpu.memory_space<hbm>> -> memref<256x128xf32, #tpu.memory_space<hbm>>
      %dma_wait3A_113 = tpu.memref_slice %run_scoped3A_9[%rem3A_105] : memref<2x!tpu.dma_semaphore, #tpu.memory_space<semaphore_mem>> -> memref<1x!tpu.dma_semaphore, #tpu.memory_space<semaphore_mem>>
      %dma_wait3A_114 = tpu.memref_squeeze %dma_wait3A_113 : memref<1x!tpu.dma_semaphore, #tpu.memory_space<semaphore_mem>> -> memref<!tpu.dma_semaphore, #tpu.memory_space<semaphore_mem>>
      %dma_wait3A_115 = arith.constant 0 : i32
      %dma_wait3A_116 = tpu.memref_slice %arg4[%mul3A_107, %dma_wait3A_115] : memref<40960x128xf32, #tpu.memory_space<hbm>> -> memref<256x128xf32, #tpu.memory_space<hbm>>
      %dma_wait3A_117 = arith.constant 0 : i32
      %dma_wait3A_118 = arith.constant 0 : i32
      %dma_wait3A_119 = tpu.memref_slice %run_scoped3A_8[%rem3A_105, %dma_wait3A_117, %dma_wait3A_118] : memref<2x256x128xf32, #tpu.memory_space<vmem>> -> memref<1x256x128xf32, #tpu.memory_space<vmem>>
      %dma_wait3A_120 = tpu.memref_squeeze %dma_wait3A_119 : memref<1x256x128xf32, #tpu.memory_space<vmem>> -> memref<256x128xf32, #tpu.memory_space<vmem>>
      tpu.wait_dma2 semaphore(%dma_wait3A_114 : memref<!tpu.dma_semaphore, #tpu.memory_space<semaphore_mem>>) src(%dma_wait3A_120 : memref<256x128xf32, #tpu.memory_space<vmem>>) dst(%dma_wait3A_116 : memref<256x128xf32, #tpu.memory_space<hbm>>)
      "tpu.trace_stop"() : () -> ()
      tpu.yield
    }) : () -> ()
    return
  }
}

#map = affine_map<(d0, d1) -> (0, 0)>
module attributes {stable_mosaic.version = 14 : i64} {
  func.func @gather_kernel(%arg0: i32, %arg1: i32, %arg2: memref<100000x128xf32, #tpu.memory_space<hbm>>, %arg3: memref<1x40960xi32, #tpu.memory_space<hbm>>, %arg4: memref<40960x128xf32, #tpu.memory_space<hbm>>) attributes {dimension_semantics = [#tpu.dimension_semantics<core_parallel>, #tpu.dimension_semantics<subcore_parallel>], iteration_bounds = array<i64: 2, 16>, scalar_prefetch = 0 : i64, scratch_operands = 0 : i64, tpu.core_type = #tpu.core_type<sc_vector_subcore>, window_params = [{transform_indices = #map}, {transform_indices = #map}, {transform_indices = #map}]} {
    %mul3A = arith.constant 1 : i32
    %mul3A_0 = arith.muli %arg1, %mul3A : i32
    %add3A = arith.constant 0 : i32
    %add3A_1 = arith.addi %add3A, %mul3A_0 : i32
    %mul3A_2 = arith.constant 16 : i32
    %mul3A_3 = arith.muli %arg0, %mul3A_2 : i32
    %add3A_4 = arith.addi %add3A_1, %mul3A_3 : i32
    %mul3A_5 = arith.constant 5 : i32
    %mul3A_6 = arith.muli %add3A_4, %mul3A_5 : i32
    "tpu.region"() ({
      %run_scoped3A = memref.alloca() : memref<2x1x256xi32, #tpu.memory_space<vmem>>
      %run_scoped3A_7 = tpu.sem_alloc : memref<2x!tpu.dma_semaphore, #tpu.memory_space<semaphore_mem>>
      %run_scoped3A_8 = memref.alloca() : memref<2x256x128xf32, #tpu.memory_space<vmem>>
      %run_scoped3A_9 = tpu.sem_alloc : memref<2x!tpu.dma_semaphore, #tpu.memory_space<semaphore_mem>>
      %add3A_10 = arith.constant 0 : i32
      %add3A_11 = arith.addi %add3A_10, %mul3A_6 : i32
      %select_n3A = arith.constant true
      %select_n3A_12 = arith.constant 0 : i32
      %select_n3A_13 = arith.constant -1 : i32
      %select_n3A_14 = arith.select %select_n3A, %select_n3A_13, %select_n3A_12 : i32
      %eq3A = arith.constant -1 : i32
      %eq3A_15 = arith.cmpi eq, %select_n3A_14, %eq3A : i32
      %select_n3A_16 = arith.constant 4 : i32
      %select_n3A_17 = arith.select %eq3A_15, %select_n3A_16, %select_n3A_14 : i32
      %add3A_18 = arith.addi %select_n3A_17, %mul3A_6 : i32
      %select_n3A_19 = arith.constant true
      %select_n3A_20 = arith.constant 0 : i32
      %select_n3A_21 = arith.constant 1 : i32
      %select_n3A_22 = arith.select %select_n3A_19, %select_n3A_21, %select_n3A_20 : i32
      %eq3A_23 = arith.constant 5 : i32
      %eq3A_24 = arith.cmpi eq, %select_n3A_22, %eq3A_23 : i32
      %select_n3A_25 = arith.constant 0 : i32
      %select_n3A_26 = arith.select %eq3A_24, %select_n3A_25, %select_n3A_22 : i32
      %add3A_27 = arith.addi %select_n3A_26, %mul3A_6 : i32
      %add3A_28 = arith.constant 1 : i32
      %add3A_29 = arith.addi %select_n3A_26, %add3A_28 : i32
      %select_n3A_30 = arith.constant true
      %select_n3A_31 = arith.select %select_n3A_30, %add3A_29, %select_n3A_26 : i32
      %eq3A_32 = arith.constant 5 : i32
      %eq3A_33 = arith.cmpi eq, %select_n3A_31, %eq3A_32 : i32
      %select_n3A_34 = arith.constant 0 : i32
      %select_n3A_35 = arith.select %eq3A_33, %select_n3A_34, %select_n3A_31 : i32
      %add3A_36 = arith.addi %select_n3A_35, %mul3A_6 : i32
      "tpu.trace_start"() <{level = 10 : i32, message = "ep_initialize_0"}> : () -> ()
      %rem3A = arith.constant 0 : i32
      %rem3A_37 = arith.constant 2 : i32
      %rem3A_38 = arith.remui %rem3A, %rem3A_37 : i32
      %mul3A_39 = arith.constant 256 : i32
      %mul3A_40 = arith.muli %mul3A_39, %add3A_11 : i32
      %dma_start3A = arith.constant 0 : i32
      %dma_start3A_41 = arith.constant 0 : i32
      %dma_start3A_42 = tpu.memref_slice %run_scoped3A[%rem3A_38, %dma_start3A, %dma_start3A_41] : memref<2x1x256xi32, #tpu.memory_space<vmem>> -> memref<1x1x256xi32, #tpu.memory_space<vmem>>
      %dma_start3A_43 = tpu.memref_squeeze %dma_start3A_42 : memref<1x1x256xi32, #tpu.memory_space<vmem>> -> memref<1x256xi32, #tpu.memory_space<vmem>>
      %dma_start3A_44 = arith.constant 0 : i32
      %dma_start3A_45 = tpu.memref_slice %arg3[%dma_start3A_44, %mul3A_40] : memref<1x40960xi32, #tpu.memory_space<hbm>> -> memref<1x256xi32, #tpu.memory_space<hbm>>
      %dma_start3A_46 = tpu.memref_slice %run_scoped3A_7[%rem3A_38] : memref<2x!tpu.dma_semaphore, #tpu.memory_space<semaphore_mem>> -> memref<1x!tpu.dma_semaphore, #tpu.memory_space<semaphore_mem>>
      %dma_start3A_47 = tpu.memref_squeeze %dma_start3A_46 : memref<1x!tpu.dma_semaphore, #tpu.memory_space<semaphore_mem>> -> memref<!tpu.dma_semaphore, #tpu.memory_space<semaphore_mem>>
      %dma_start3A_48 = arith.constant 0 : i32
      %dma_start3A_49 = arith.constant 0 : i32
      %dma_start3A_50 = tpu.memref_slice %run_scoped3A[%rem3A_38, %dma_start3A_48, %dma_start3A_49] : memref<2x1x256xi32, #tpu.memory_space<vmem>> -> memref<1x1x256xi32, #tpu.memory_space<vmem>>
      %dma_start3A_51 = tpu.memref_squeeze %dma_start3A_50 : memref<1x1x256xi32, #tpu.memory_space<vmem>> -> memref<1x256xi32, #tpu.memory_space<vmem>>
      %dma_start3A_52 = arith.constant 0 : i32
      %dma_start3A_53 = tpu.memref_slice %arg3[%dma_start3A_52, %mul3A_40] : memref<1x40960xi32, #tpu.memory_space<hbm>> -> memref<1x256xi32, #tpu.memory_space<hbm>>
      tpu.enqueue_dma source(%dma_start3A_53 : memref<1x256xi32, #tpu.memory_space<hbm>>) target(%dma_start3A_51 : memref<1x256xi32, #tpu.memory_space<vmem>>) target_semaphore(%dma_start3A_47 : memref<!tpu.dma_semaphore, #tpu.memory_space<semaphore_mem>>)
      %add3A_54 = arith.constant 0 : i32
      %add3A_55 = arith.constant 1 : i32
      %add3A_56 = arith.addi %add3A_54, %add3A_55 : i32
      %select_n3A_57 = arith.constant true
      %select_n3A_58 = arith.constant 0 : i32
      %select_n3A_59 = arith.select %select_n3A_57, %add3A_56, %select_n3A_58 : i32
      "tpu.trace_stop"() : () -> ()
      %scan3A = arith.constant 0 : i32
      %scan3A_60 = arith.constant 0 : i32
      %scan3A_61 = arith.constant 0 : i32
      %scan3A_62 = arith.constant 0 : i32
      %scan3A_63 = arith.constant 0 : i32
      %scan3A_64 = arith.constant 5 : i32
      %scan3A_65 = arith.addi %scan3A_63, %scan3A_64 : i32
      %scan3A_66 = arith.constant 1 : i32
      %scan3A_67:5 = scf.for %scan3A_121 = %scan3A_63 to %scan3A_65 step %scan3A_66 iter_args(%scan3A_122 = %select_n3A_59, %scan3A_123 = %scan3A, %scan3A_124 = %scan3A_60, %scan3A_125 = %scan3A_61, %scan3A_126 = %scan3A_62) -> (i32, i32, i32, i32, i32)  : i32 {
        %eq3A_127 = arith.constant 0 : i32
        %eq3A_128 = arith.cmpi eq, %scan3A_121, %eq3A_127 : i32
        %eq3A_129 = arith.constant 4 : i32
        %eq3A_130 = arith.cmpi eq, %scan3A_121, %eq3A_129 : i32
        %add3A_131 = arith.addi %scan3A_126, %mul3A_6 : i32
        %sub3A_132 = arith.constant 1 : i32
        %sub3A_133 = arith.subi %scan3A_126, %sub3A_132 : i32
        %select_n3A_134 = arith.constant true
        %select_n3A_135 = arith.select %select_n3A_134, %sub3A_133, %scan3A_126 : i32
        %eq3A_136 = arith.constant -1 : i32
        %eq3A_137 = arith.cmpi eq, %select_n3A_135, %eq3A_136 : i32
        %select_n3A_138 = arith.constant 4 : i32
        %select_n3A_139 = arith.select %eq3A_137, %select_n3A_138, %select_n3A_135 : i32
        %add3A_140 = arith.addi %select_n3A_139, %mul3A_6 : i32
        %add3A_141 = arith.constant 1 : i32
        %add3A_142 = arith.addi %scan3A_126, %add3A_141 : i32
        %select_n3A_143 = arith.constant true
        %select_n3A_144 = arith.select %select_n3A_143, %add3A_142, %scan3A_126 : i32
        %eq3A_145 = arith.constant 5 : i32
        %eq3A_146 = arith.cmpi eq, %select_n3A_144, %eq3A_145 : i32
        %select_n3A_147 = arith.constant 0 : i32
        %select_n3A_148 = arith.select %eq3A_146, %select_n3A_147, %select_n3A_144 : i32
        %add3A_149 = arith.addi %select_n3A_148, %mul3A_6 : i32
        %add3A_150 = arith.constant 1 : i32
        %add3A_151 = arith.addi %select_n3A_148, %add3A_150 : i32
        %select_n3A_152 = arith.constant true
        %select_n3A_153 = arith.select %select_n3A_152, %add3A_151, %select_n3A_148 : i32
        %eq3A_154 = arith.constant 5 : i32
        %eq3A_155 = arith.cmpi eq, %select_n3A_153, %eq3A_154 : i32
        %select_n3A_156 = arith.constant 0 : i32
        %select_n3A_157 = arith.select %eq3A_155, %select_n3A_156, %select_n3A_153 : i32
        %add3A_158 = arith.addi %select_n3A_157, %mul3A_6 : i32
        %ne3A = arith.cmpi ne, %add3A_131, %add3A_149 : i32
        %or3A = arith.constant false
        %or3A_159 = arith.ori %or3A, %ne3A : i1
        %ge3A = arith.constant 4 : i32
        %ge3A_160 = arith.cmpi sge, %scan3A_121, %ge3A : i32
        %not3A = arith.constant true
        %not3A_161 = arith.xori %ge3A_160, %not3A : i1
        %and3A = arith.andi %or3A_159, %not3A_161 : i1
        %convert_element_type3A = arith.extui %and3A : i1 to i32
        %cond3A = arith.constant 0 : i32
        %cond3A_162 = arith.cmpi ne, %convert_element_type3A, %cond3A : i32
        scf.if %cond3A_162 {
          "tpu.trace_start"() <{level = 10 : i32, message = "ep_copy_in"}> : () -> ()
          %rem3A_264 = arith.constant 2 : i32
          %rem3A_265 = arith.remui %scan3A_122, %rem3A_264 : i32
          %mul3A_266 = arith.constant 256 : i32
          %mul3A_267 = arith.muli %mul3A_266, %add3A_149 : i32
          %dma_start3A_268 = arith.constant 0 : i32
          %dma_start3A_269 = arith.constant 0 : i32
          %dma_start3A_270 = tpu.memref_slice %run_scoped3A[%rem3A_265, %dma_start3A_268, %dma_start3A_269] : memref<2x1x256xi32, #tpu.memory_space<vmem>> -> memref<1x1x256xi32, #tpu.memory_space<vmem>>
          %dma_start3A_271 = tpu.memref_squeeze %dma_start3A_270 : memref<1x1x256xi32, #tpu.memory_space<vmem>> -> memref<1x256xi32, #tpu.memory_space<vmem>>
          %dma_start3A_272 = arith.constant 0 : i32
          %dma_start3A_273 = tpu.memref_slice %arg3[%dma_start3A_272, %mul3A_267] : memref<1x40960xi32, #tpu.memory_space<hbm>> -> memref<1x256xi32, #tpu.memory_space<hbm>>
          %dma_start3A_274 = tpu.memref_slice %run_scoped3A_7[%rem3A_265] : memref<2x!tpu.dma_semaphore, #tpu.memory_space<semaphore_mem>> -> memref<1x!tpu.dma_semaphore, #tpu.memory_space<semaphore_mem>>
          %dma_start3A_275 = tpu.memref_squeeze %dma_start3A_274 : memref<1x!tpu.dma_semaphore, #tpu.memory_space<semaphore_mem>> -> memref<!tpu.dma_semaphore, #tpu.memory_space<semaphore_mem>>
          %dma_start3A_276 = arith.constant 0 : i32
          %dma_start3A_277 = arith.constant 0 : i32
          %dma_start3A_278 = tpu.memref_slice %run_scoped3A[%rem3A_265, %dma_start3A_276, %dma_start3A_277] : memref<2x1x256xi32, #tpu.memory_space<vmem>> -> memref<1x1x256xi32, #tpu.memory_space<vmem>>
          %dma_start3A_279 = tpu.memref_squeeze %dma_start3A_278 : memref<1x1x256xi32, #tpu.memory_space<vmem>> -> memref<1x256xi32, #tpu.memory_space<vmem>>
          %dma_start3A_280 = arith.constant 0 : i32
          %dma_start3A_281 = tpu.memref_slice %arg3[%dma_start3A_280, %mul3A_267] : memref<1x40960xi32, #tpu.memory_space<hbm>> -> memref<1x256xi32, #tpu.memory_space<hbm>>
          tpu.enqueue_dma source(%dma_start3A_281 : memref<1x256xi32, #tpu.memory_space<hbm>>) target(%dma_start3A_279 : memref<1x256xi32, #tpu.memory_space<vmem>>) target_semaphore(%dma_start3A_275 : memref<!tpu.dma_semaphore, #tpu.memory_space<semaphore_mem>>)
          "tpu.trace_stop"() : () -> ()
        } else {
        }
        %and3A_163 = arith.constant true
        %and3A_164 = arith.andi %and3A, %and3A_163 : i1
        %add3A_165 = arith.constant 1 : i32
        %add3A_166 = arith.addi %scan3A_122, %add3A_165 : i32
        %select_n3A_167 = arith.select %and3A_164, %add3A_166, %scan3A_122 : i32
        %ne3A_168 = arith.cmpi ne, %add3A_131, %add3A_149 : i32
        %or3A_169 = arith.constant false
        %or3A_170 = arith.ori %or3A_169, %ne3A_168 : i1
        %or3A_171 = arith.constant false
        %or3A_172 = arith.ori %or3A_170, %or3A_171 : i1
        %ge3A_173 = arith.constant 4 : i32
        %ge3A_174 = arith.cmpi sge, %scan3A_121, %ge3A_173 : i32
        %not3A_175 = arith.constant true
        %not3A_176 = arith.xori %ge3A_174, %not3A_175 : i1
        %and3A_177 = arith.andi %or3A_172, %not3A_176 : i1
        %ne3A_178 = arith.cmpi ne, %add3A_131, %add3A_140 : i32
        %or3A_179 = arith.constant false
        %or3A_180 = arith.ori %or3A_179, %ne3A_178 : i1
        %or3A_181 = arith.ori %or3A_180, %eq3A_128 : i1
        %convert_element_type3A_182 = arith.extui %or3A_181 : i1 to i32
        %cond3A_183 = arith.constant 0 : i32
        %cond3A_184 = arith.cmpi ne, %convert_element_type3A_182, %cond3A_183 : i32
        scf.if %cond3A_184 {
          "tpu.trace_start"() <{level = 10 : i32, message = "ep_wait_in"}> : () -> ()
          %mul3A_264 = arith.constant 256 : i32
          %mul3A_265 = arith.muli %mul3A_264, %add3A_131 : i32
          %rem3A_266 = arith.constant 2 : i32
          %rem3A_267 = arith.remui %scan3A_123, %rem3A_266 : i32
          %dma_wait3A_268 = arith.constant 0 : i32
          %dma_wait3A_269 = arith.constant 0 : i32
          %dma_wait3A_270 = tpu.memref_slice %run_scoped3A[%rem3A_267, %dma_wait3A_268, %dma_wait3A_269] : memref<2x1x256xi32, #tpu.memory_space<vmem>> -> memref<1x1x256xi32, #tpu.memory_space<vmem>>
          %dma_wait3A_271 = tpu.memref_squeeze %dma_wait3A_270 : memref<1x1x256xi32, #tpu.memory_space<vmem>> -> memref<1x256xi32, #tpu.memory_space<vmem>>
          %dma_wait3A_272 = arith.constant 0 : i32
          %dma_wait3A_273 = tpu.memref_slice %arg3[%dma_wait3A_272, %mul3A_265] : memref<1x40960xi32, #tpu.memory_space<hbm>> -> memref<1x256xi32, #tpu.memory_space<hbm>>
          %dma_wait3A_274 = tpu.memref_slice %run_scoped3A_7[%rem3A_267] : memref<2x!tpu.dma_semaphore, #tpu.memory_space<semaphore_mem>> -> memref<1x!tpu.dma_semaphore, #tpu.memory_space<semaphore_mem>>
          %dma_wait3A_275 = tpu.memref_squeeze %dma_wait3A_274 : memref<1x!tpu.dma_semaphore, #tpu.memory_space<semaphore_mem>> -> memref<!tpu.dma_semaphore, #tpu.memory_space<semaphore_mem>>
          %dma_wait3A_276 = arith.constant 0 : i32
          %dma_wait3A_277 = arith.constant 0 : i32
          %dma_wait3A_278 = tpu.memref_slice %run_scoped3A[%rem3A_267, %dma_wait3A_276, %dma_wait3A_277] : memref<2x1x256xi32, #tpu.memory_space<vmem>> -> memref<1x1x256xi32, #tpu.memory_space<vmem>>
          %dma_wait3A_279 = tpu.memref_squeeze %dma_wait3A_278 : memref<1x1x256xi32, #tpu.memory_space<vmem>> -> memref<1x256xi32, #tpu.memory_space<vmem>>
          %dma_wait3A_280 = arith.constant 0 : i32
          %dma_wait3A_281 = tpu.memref_slice %arg3[%dma_wait3A_280, %mul3A_265] : memref<1x40960xi32, #tpu.memory_space<hbm>> -> memref<1x256xi32, #tpu.memory_space<hbm>>
          tpu.wait_dma2 semaphore(%dma_wait3A_275 : memref<!tpu.dma_semaphore, #tpu.memory_space<semaphore_mem>>) src(%dma_wait3A_281 : memref<1x256xi32, #tpu.memory_space<hbm>>) dst(%dma_wait3A_279 : memref<1x256xi32, #tpu.memory_space<vmem>>)
          "tpu.trace_stop"() : () -> ()
        } else {
        }
        %ne3A_185 = arith.cmpi ne, %add3A_131, %add3A_140 : i32
        %or3A_186 = arith.constant false
        %or3A_187 = arith.ori %or3A_186, %ne3A_185 : i1
        %or3A_188 = arith.constant false
        %or3A_189 = arith.ori %or3A_187, %or3A_188 : i1
        %or3A_190 = arith.ori %or3A_189, %eq3A_128 : i1
        %convert_element_type3A_191 = arith.extui %or3A_190 : i1 to i32
        %cond3A_192 = arith.constant 0 : i32
        %cond3A_193 = arith.cmpi ne, %convert_element_type3A_191, %cond3A_192 : i32
        scf.if %cond3A_193 {
        } else {
        }
        %rem3A_194 = arith.constant 2 : i32
        %rem3A_195 = arith.remui %scan3A_123, %rem3A_194 : i32
        %rem3A_196 = arith.constant 2 : i32
        %rem3A_197 = arith.remui %scan3A_124, %rem3A_196 : i32
        %run_scoped3A_198 = arith.constant 0 : i32
        "tpu.trace_start"() <{level = 10 : i32, message = "ep_run_kernel"}> : () -> ()
        "tpu.region"() ({
          %run_scoped3A_264 = tpu.sem_alloc : memref<!tpu.dma_semaphore, #tpu.memory_space<semaphore_mem>>
          %dma_start3A_265 = arith.constant 0 : i32
          %dma_start3A_266 = arith.constant 0 : i32
          %dma_start3A_267 = tpu.memref_slice %run_scoped3A_8[%rem3A_197, %dma_start3A_265, %dma_start3A_266] : memref<2x256x128xf32, #tpu.memory_space<vmem>> -> memref<1x256x128xf32, #tpu.memory_space<vmem>>
          %dma_start3A_268 = tpu.memref_squeeze %dma_start3A_267 : memref<1x256x128xf32, #tpu.memory_space<vmem>> -> memref<256x128xf32, #tpu.memory_space<vmem>>
          %dma_start3A_269 = arith.constant 0 : i32
          %dma_start3A_270 = arith.constant 0 : i32
          %dma_start3A_271 = tpu.memref_slice %run_scoped3A[%rem3A_195, %dma_start3A_269, %dma_start3A_270] : memref<2x1x256xi32, #tpu.memory_space<vmem>> -> memref<1x1x256xi32, #tpu.memory_space<vmem>>
          %dma_start3A_272 = tpu.memref_squeeze %dma_start3A_271 : memref<1x1x256xi32, #tpu.memory_space<vmem>> -> memref<1x256xi32, #tpu.memory_space<vmem>>
          %dma_start3A_273 = arith.constant 0 : i32
          %dma_start3A_274 = tpu.memref_slice %dma_start3A_272[%run_scoped3A_198, %dma_start3A_273] : memref<1x256xi32, #tpu.memory_space<vmem>> -> memref<1x256xi32, #tpu.memory_space<vmem>>
          %dma_start3A_275 = tpu.memref_squeeze %dma_start3A_274 : memref<1x256xi32, #tpu.memory_space<vmem>> -> memref<256xi32, #tpu.memory_space<vmem>>
          %dma_start3A_276 = arith.constant 0 : i32
          %dma_start3A_277 = arith.constant 0 : i32
          %dma_start3A_278 = tpu.memref_slice %arg2[%dma_start3A_276, %dma_start3A_277] : memref<100000x128xf32, #tpu.memory_space<hbm>> -> memref<100000x128xf32, #tpu.memory_space<hbm>>
          tpu.enqueue_indirect_dma source(%dma_start3A_278 : memref<100000x128xf32, #tpu.memory_space<hbm>>) target(%dma_start3A_268 : memref<256x128xf32, #tpu.memory_space<vmem>>) offsets(%dma_start3A_275 : memref<256xi32, #tpu.memory_space<vmem>>) semaphore(%run_scoped3A_264 : memref<!tpu.dma_semaphore, #tpu.memory_space<semaphore_mem>>)
          %dma_wait3A_279 = arith.constant 0 : i32
          %dma_wait3A_280 = arith.constant 0 : i32
          %dma_wait3A_281 = tpu.memref_slice %run_scoped3A_8[%rem3A_197, %dma_wait3A_279, %dma_wait3A_280] : memref<2x256x128xf32, #tpu.memory_space<vmem>> -> memref<1x256x128xf32, #tpu.memory_space<vmem>>
          %dma_wait3A_282 = tpu.memref_squeeze %dma_wait3A_281 : memref<1x256x128xf32, #tpu.memory_space<vmem>> -> memref<256x128xf32, #tpu.memory_space<vmem>>
          %dma_wait3A_283 = arith.constant 0 : i32
          %dma_wait3A_284 = arith.constant 0 : i32
          %dma_wait3A_285 = tpu.memref_slice %run_scoped3A[%rem3A_195, %dma_wait3A_283, %dma_wait3A_284] : memref<2x1x256xi32, #tpu.memory_space<vmem>> -> memref<1x1x256xi32, #tpu.memory_space<vmem>>
          %dma_wait3A_286 = tpu.memref_squeeze %dma_wait3A_285 : memref<1x1x256xi32, #tpu.memory_space<vmem>> -> memref<1x256xi32, #tpu.memory_space<vmem>>
          %dma_wait3A_287 = arith.constant 0 : i32
          %dma_wait3A_288 = tpu.memref_slice %dma_wait3A_286[%run_scoped3A_198, %dma_wait3A_287] : memref<1x256xi32, #tpu.memory_space<vmem>> -> memref<1x256xi32, #tpu.memory_space<vmem>>
          %dma_wait3A_289 = tpu.memref_squeeze %dma_wait3A_288 : memref<1x256xi32, #tpu.memory_space<vmem>> -> memref<256xi32, #tpu.memory_space<vmem>>
          %dma_wait3A_290 = arith.constant 0 : i32
          %dma_wait3A_291 = arith.constant 0 : i32
          %dma_wait3A_292 = tpu.memref_slice %arg2[%dma_wait3A_290, %dma_wait3A_291] : memref<100000x128xf32, #tpu.memory_space<hbm>> -> memref<100000x128xf32, #tpu.memory_space<hbm>>
          tpu.wait_indirect_dma semaphore(%run_scoped3A_264 : memref<!tpu.dma_semaphore, #tpu.memory_space<semaphore_mem>>) src(%dma_wait3A_292 : memref<100000x128xf32, #tpu.memory_space<hbm>>) dst(%dma_wait3A_282 : memref<256x128xf32, #tpu.memory_space<vmem>>)
          tpu.yield
        }) : () -> ()
        "tpu.trace_stop"() : () -> ()
        %ne3A_199 = arith.cmpi ne, %add3A_131, %add3A_149 : i32
        %or3A_200 = arith.constant false
        %or3A_201 = arith.ori %or3A_200, %ne3A_199 : i1
        %or3A_202 = arith.ori %or3A_201, %eq3A_130 : i1
        %convert_element_type3A_203 = arith.extui %or3A_202 : i1 to i32
        %cond3A_204 = arith.constant 0 : i32
        %cond3A_205 = arith.cmpi ne, %convert_element_type3A_203, %cond3A_204 : i32
        scf.if %cond3A_205 {
        } else {
        }
        %and3A_206 = arith.constant false
        %and3A_207 = arith.andi %or3A_202, %and3A_206 : i1
        %ne3A_208 = arith.cmpi ne, %add3A_131, %add3A_149 : i32
        %or3A_209 = arith.constant false
        %or3A_210 = arith.ori %or3A_209, %ne3A_208 : i1
        %or3A_211 = arith.constant false
        %or3A_212 = arith.ori %or3A_210, %or3A_211 : i1
        %or3A_213 = arith.ori %or3A_212, %eq3A_130 : i1
        %convert_element_type3A_214 = arith.extui %or3A_213 : i1 to i32
        %cond3A_215 = arith.constant 0 : i32
        %cond3A_216 = arith.cmpi ne, %convert_element_type3A_214, %cond3A_215 : i32
        scf.if %cond3A_216 {
          "tpu.trace_start"() <{level = 10 : i32, message = "ep_copy_out"}> : () -> ()
          %rem3A_264 = arith.constant 2 : i32
          %rem3A_265 = arith.remui %scan3A_124, %rem3A_264 : i32
          %mul3A_266 = arith.constant 256 : i32
          %mul3A_267 = arith.muli %mul3A_266, %add3A_131 : i32
          %dma_start3A_268 = arith.constant 0 : i32
          %dma_start3A_269 = arith.constant 0 : i32
          %dma_start3A_270 = tpu.memref_slice %run_scoped3A_8[%rem3A_265, %dma_start3A_268, %dma_start3A_269] : memref<2x256x128xf32, #tpu.memory_space<vmem>> -> memref<1x256x128xf32, #tpu.memory_space<vmem>>
          %dma_start3A_271 = tpu.memref_squeeze %dma_start3A_270 : memref<1x256x128xf32, #tpu.memory_space<vmem>> -> memref<256x128xf32, #tpu.memory_space<vmem>>
          %dma_start3A_272 = arith.constant 0 : i32
          %dma_start3A_273 = tpu.memref_slice %arg4[%mul3A_267, %dma_start3A_272] : memref<40960x128xf32, #tpu.memory_space<hbm>> -> memref<256x128xf32, #tpu.memory_space<hbm>>
          %dma_start3A_274 = tpu.memref_slice %run_scoped3A_9[%rem3A_265] : memref<2x!tpu.dma_semaphore, #tpu.memory_space<semaphore_mem>> -> memref<1x!tpu.dma_semaphore, #tpu.memory_space<semaphore_mem>>
          %dma_start3A_275 = tpu.memref_squeeze %dma_start3A_274 : memref<1x!tpu.dma_semaphore, #tpu.memory_space<semaphore_mem>> -> memref<!tpu.dma_semaphore, #tpu.memory_space<semaphore_mem>>
          %dma_start3A_276 = arith.constant 0 : i32
          %dma_start3A_277 = tpu.memref_slice %arg4[%mul3A_267, %dma_start3A_276] : memref<40960x128xf32, #tpu.memory_space<hbm>> -> memref<256x128xf32, #tpu.memory_space<hbm>>
          %dma_start3A_278 = arith.constant 0 : i32
          %dma_start3A_279 = arith.constant 0 : i32
          %dma_start3A_280 = tpu.memref_slice %run_scoped3A_8[%rem3A_265, %dma_start3A_278, %dma_start3A_279] : memref<2x256x128xf32, #tpu.memory_space<vmem>> -> memref<1x256x128xf32, #tpu.memory_space<vmem>>
          %dma_start3A_281 = tpu.memref_squeeze %dma_start3A_280 : memref<1x256x128xf32, #tpu.memory_space<vmem>> -> memref<256x128xf32, #tpu.memory_space<vmem>>
          tpu.enqueue_dma source(%dma_start3A_281 : memref<256x128xf32, #tpu.memory_space<vmem>>) target(%dma_start3A_277 : memref<256x128xf32, #tpu.memory_space<hbm>>) target_semaphore(%dma_start3A_275 : memref<!tpu.dma_semaphore, #tpu.memory_space<semaphore_mem>>)
          "tpu.trace_stop"() : () -> ()
        } else {
        }
        %and3A_217 = arith.constant true
        %and3A_218 = arith.andi %or3A_213, %and3A_217 : i1
        %add3A_219 = arith.constant 1 : i32
        %add3A_220 = arith.addi %scan3A_124, %add3A_219 : i32
        %select_n3A_221 = arith.select %and3A_218, %add3A_220, %scan3A_124 : i32
        %ne3A_222 = arith.cmpi ne, %add3A_131, %add3A_140 : i32
        %or3A_223 = arith.constant false
        %or3A_224 = arith.ori %or3A_223, %ne3A_222 : i1
        %not3A_225 = arith.constant true
        %not3A_226 = arith.xori %eq3A_128, %not3A_225 : i1
        %and3A_227 = arith.andi %or3A_224, %not3A_226 : i1
        %convert_element_type3A_228 = arith.extui %and3A_227 : i1 to i32
        %cond3A_229 = arith.constant 0 : i32
        %cond3A_230 = arith.cmpi ne, %convert_element_type3A_228, %cond3A_229 : i32
        scf.if %cond3A_230 {
        } else {
        }
        %and3A_231 = arith.constant false
        %and3A_232 = arith.andi %and3A_227, %and3A_231 : i1
        %ne3A_233 = arith.cmpi ne, %add3A_131, %add3A_140 : i32
        %or3A_234 = arith.constant false
        %or3A_235 = arith.ori %or3A_234, %ne3A_233 : i1
        %or3A_236 = arith.constant false
        %or3A_237 = arith.ori %or3A_235, %or3A_236 : i1
        %not3A_238 = arith.constant true
        %not3A_239 = arith.xori %eq3A_128, %not3A_238 : i1
        %and3A_240 = arith.andi %or3A_237, %not3A_239 : i1
        %convert_element_type3A_241 = arith.extui %and3A_240 : i1 to i32
        %cond3A_242 = arith.constant 0 : i32
        %cond3A_243 = arith.cmpi ne, %convert_element_type3A_241, %cond3A_242 : i32
        scf.if %cond3A_243 {
          "tpu.trace_start"() <{level = 10 : i32, message = "ep_wait_out"}> : () -> ()
          %rem3A_264 = arith.constant 2 : i32
          %rem3A_265 = arith.remui %scan3A_125, %rem3A_264 : i32
          %mul3A_266 = arith.constant 256 : i32
          %mul3A_267 = arith.muli %mul3A_266, %add3A_140 : i32
          %dma_wait3A_268 = arith.constant 0 : i32
          %dma_wait3A_269 = arith.constant 0 : i32
          %dma_wait3A_270 = tpu.memref_slice %run_scoped3A_8[%rem3A_265, %dma_wait3A_268, %dma_wait3A_269] : memref<2x256x128xf32, #tpu.memory_space<vmem>> -> memref<1x256x128xf32, #tpu.memory_space<vmem>>
          %dma_wait3A_271 = tpu.memref_squeeze %dma_wait3A_270 : memref<1x256x128xf32, #tpu.memory_space<vmem>> -> memref<256x128xf32, #tpu.memory_space<vmem>>
          %dma_wait3A_272 = arith.constant 0 : i32
          %dma_wait3A_273 = tpu.memref_slice %arg4[%mul3A_267, %dma_wait3A_272] : memref<40960x128xf32, #tpu.memory_space<hbm>> -> memref<256x128xf32, #tpu.memory_space<hbm>>
          %dma_wait3A_274 = tpu.memref_slice %run_scoped3A_9[%rem3A_265] : memref<2x!tpu.dma_semaphore, #tpu.memory_space<semaphore_mem>> -> memref<1x!tpu.dma_semaphore, #tpu.memory_space<semaphore_mem>>
          %dma_wait3A_275 = tpu.memref_squeeze %dma_wait3A_274 : memref<1x!tpu.dma_semaphore, #tpu.memory_space<semaphore_mem>> -> memref<!tpu.dma_semaphore, #tpu.memory_space<semaphore_mem>>
          %dma_wait3A_276 = arith.constant 0 : i32
          %dma_wait3A_277 = tpu.memref_slice %arg4[%mul3A_267, %dma_wait3A_276] : memref<40960x128xf32, #tpu.memory_space<hbm>> -> memref<256x128xf32, #tpu.memory_space<hbm>>
          %dma_wait3A_278 = arith.constant 0 : i32
          %dma_wait3A_279 = arith.constant 0 : i32
          %dma_wait3A_280 = tpu.memref_slice %run_scoped3A_8[%rem3A_265, %dma_wait3A_278, %dma_wait3A_279] : memref<2x256x128xf32, #tpu.memory_space<vmem>> -> memref<1x256x128xf32, #tpu.memory_space<vmem>>
          %dma_wait3A_281 = tpu.memref_squeeze %dma_wait3A_280 : memref<1x256x128xf32, #tpu.memory_space<vmem>> -> memref<256x128xf32, #tpu.memory_space<vmem>>
          tpu.wait_dma2 semaphore(%dma_wait3A_275 : memref<!tpu.dma_semaphore, #tpu.memory_space<semaphore_mem>>) src(%dma_wait3A_281 : memref<256x128xf32, #tpu.memory_space<vmem>>) dst(%dma_wait3A_277 : memref<256x128xf32, #tpu.memory_space<hbm>>)
          "tpu.trace_stop"() : () -> ()
        } else {
        }
        %and3A_244 = arith.constant true
        %and3A_245 = arith.andi %and3A_240, %and3A_244 : i1
        %add3A_246 = arith.constant 1 : i32
        %add3A_247 = arith.addi %scan3A_125, %add3A_246 : i32
        %select_n3A_248 = arith.select %and3A_245, %add3A_247, %scan3A_125 : i32
        %ne3A_249 = arith.cmpi ne, %add3A_131, %add3A_149 : i32
        %or3A_250 = arith.constant false
        %or3A_251 = arith.ori %or3A_250, %ne3A_249 : i1
        %or3A_252 = arith.ori %or3A_251, %eq3A_130 : i1
        %add3A_253 = arith.constant 1 : i32
        %add3A_254 = arith.addi %scan3A_123, %add3A_253 : i32
        %select_n3A_255 = arith.select %or3A_252, %add3A_254, %scan3A_123 : i32
        %add3A_256 = arith.constant 1 : i32
        %add3A_257 = arith.addi %scan3A_126, %add3A_256 : i32
        %select_n3A_258 = arith.constant true
        %select_n3A_259 = arith.select %select_n3A_258, %add3A_257, %scan3A_126 : i32
        %eq3A_260 = arith.constant 5 : i32
        %eq3A_261 = arith.cmpi eq, %select_n3A_259, %eq3A_260 : i32
        %select_n3A_262 = arith.constant 0 : i32
        %select_n3A_263 = arith.select %eq3A_261, %select_n3A_262, %select_n3A_259 : i32
        scf.yield %select_n3A_167, %select_n3A_255, %select_n3A_221, %select_n3A_248, %select_n3A_263 : i32, i32, i32, i32, i32
      }
      %scan3A_68 = arith.constant 5 : i32
      %sub3A = arith.constant 1 : i32
      %sub3A_69 = arith.subi %scan3A_67#4, %sub3A : i32
      %select_n3A_70 = arith.constant true
      %select_n3A_71 = arith.select %select_n3A_70, %sub3A_69, %scan3A_67#4 : i32
      %eq3A_72 = arith.constant -1 : i32
      %eq3A_73 = arith.cmpi eq, %select_n3A_71, %eq3A_72 : i32
      %select_n3A_74 = arith.constant 4 : i32
      %select_n3A_75 = arith.select %eq3A_73, %select_n3A_74, %select_n3A_71 : i32
      %add3A_76 = arith.addi %select_n3A_75, %mul3A_6 : i32
      %sub3A_77 = arith.constant 1 : i32
      %sub3A_78 = arith.subi %select_n3A_75, %sub3A_77 : i32
      %select_n3A_79 = arith.constant true
      %select_n3A_80 = arith.select %select_n3A_79, %sub3A_78, %select_n3A_75 : i32
      %eq3A_81 = arith.constant -1 : i32
      %eq3A_82 = arith.cmpi eq, %select_n3A_80, %eq3A_81 : i32
      %select_n3A_83 = arith.constant 4 : i32
      %select_n3A_84 = arith.select %eq3A_82, %select_n3A_83, %select_n3A_80 : i32
      %add3A_85 = arith.addi %select_n3A_84, %mul3A_6 : i32
      %add3A_86 = arith.constant 1 : i32
      %add3A_87 = arith.addi %select_n3A_75, %add3A_86 : i32
      %select_n3A_88 = arith.constant true
      %select_n3A_89 = arith.select %select_n3A_88, %add3A_87, %select_n3A_75 : i32
      %eq3A_90 = arith.constant 5 : i32
      %eq3A_91 = arith.cmpi eq, %select_n3A_89, %eq3A_90 : i32
      %select_n3A_92 = arith.constant 0 : i32
      %select_n3A_93 = arith.select %eq3A_91, %select_n3A_92, %select_n3A_89 : i32
      %add3A_94 = arith.addi %select_n3A_93, %mul3A_6 : i32
      %add3A_95 = arith.constant 1 : i32
      %add3A_96 = arith.addi %select_n3A_93, %add3A_95 : i32
      %select_n3A_97 = arith.constant true
      %select_n3A_98 = arith.select %select_n3A_97, %add3A_96, %select_n3A_93 : i32
      %eq3A_99 = arith.constant 5 : i32
      %eq3A_100 = arith.cmpi eq, %select_n3A_98, %eq3A_99 : i32
      %select_n3A_101 = arith.constant 0 : i32
      %select_n3A_102 = arith.select %eq3A_100, %select_n3A_101, %select_n3A_98 : i32
      %add3A_103 = arith.addi %select_n3A_102, %mul3A_6 : i32
      "tpu.trace_start"() <{level = 10 : i32, message = "ep_finalize"}> : () -> ()
      %rem3A_104 = arith.constant 2 : i32
      %rem3A_105 = arith.remui %scan3A_67#3, %rem3A_104 : i32
      %mul3A_106 = arith.constant 256 : i32
      %mul3A_107 = arith.muli %mul3A_106, %add3A_76 : i32
      %dma_wait3A = arith.constant 0 : i32
      %dma_wait3A_108 = arith.constant 0 : i32
      %dma_wait3A_109 = tpu.memref_slice %run_scoped3A_8[%rem3A_105, %dma_wait3A, %dma_wait3A_108] : memref<2x256x128xf32, #tpu.memory_space<vmem>> -> memref<1x256x128xf32, #tpu.memory_space<vmem>>
      %dma_wait3A_110 = tpu.memref_squeeze %dma_wait3A_109 : memref<1x256x128xf32, #tpu.memory_space<vmem>> -> memref<256x128xf32, #tpu.memory_space<vmem>>
      %dma_wait3A_111 = arith.constant 0 : i32
      %dma_wait3A_112 = tpu.memref_slice %arg4[%mul3A_107, %dma_wait3A_111] : memref<40960x128xf32, #tpu.memory_space<hbm>> -> memref<256x128xf32, #tpu.memory_space<hbm>>
      %dma_wait3A_113 = tpu.memref_slice %run_scoped3A_9[%rem3A_105] : memref<2x!tpu.dma_semaphore, #tpu.memory_space<semaphore_mem>> -> memref<1x!tpu.dma_semaphore, #tpu.memory_space<semaphore_mem>>
      %dma_wait3A_114 = tpu.memref_squeeze %dma_wait3A_113 : memref<1x!tpu.dma_semaphore, #tpu.memory_space<semaphore_mem>> -> memref<!tpu.dma_semaphore, #tpu.memory_space<semaphore_mem>>
      %dma_wait3A_115 = arith.constant 0 : i32
      %dma_wait3A_116 = tpu.memref_slice %arg4[%mul3A_107, %dma_wait3A_115] : memref<40960x128xf32, #tpu.memory_space<hbm>> -> memref<256x128xf32, #tpu.memory_space<hbm>>
      %dma_wait3A_117 = arith.constant 0 : i32
      %dma_wait3A_118 = arith.constant 0 : i32
      %dma_wait3A_119 = tpu.memref_slice %run_scoped3A_8[%rem3A_105, %dma_wait3A_117, %dma_wait3A_118] : memref<2x256x128xf32, #tpu.memory_space<vmem>> -> memref<1x256x128xf32, #tpu.memory_space<vmem>>
      %dma_wait3A_120 = tpu.memref_squeeze %dma_wait3A_119 : memref<1x256x128xf32, #tpu.memory_space<vmem>> -> memref<256x128xf32, #tpu.memory_space<vmem>>
      tpu.wait_dma2 semaphore(%dma_wait3A_114 : memref<!tpu.dma_semaphore, #tpu.memory_space<semaphore_mem>>) src(%dma_wait3A_120 : memref<256x128xf32, #tpu.memory_space<vmem>>) dst(%dma_wait3A_116 : memref<256x128xf32, #tpu.memory_space<hbm>>)
      "tpu.trace_stop"() : () -> ()
      tpu.yield
    }) : () -> ()
    return
  }
}

#map = affine_map<(d0, d1) -> (0, 0)>
module attributes {stable_mosaic.version = 14 : i64} {
  func.func @gather_kernel(%arg0: i32, %arg1: i32, %arg2: memref<100000x128xf32, #tpu.memory_space<hbm>>, %arg3: memref<1x40960xi32, #tpu.memory_space<hbm>>, %arg4: memref<40960x128xf32, #tpu.memory_space<hbm>>) attributes {dimension_semantics = [#tpu.dimension_semantics<core_parallel>, #tpu.dimension_semantics<subcore_parallel>], iteration_bounds = array<i64: 2, 16>, scalar_prefetch = 0 : i64, scratch_operands = 0 : i64, tpu.core_type = #tpu.core_type<sc_vector_subcore>, window_params = [{transform_indices = #map}, {transform_indices = #map}, {transform_indices = #map}]} {
    %mul3A = arith.constant 1 : i32
    %mul3A_0 = arith.muli %arg1, %mul3A : i32
    %add3A = arith.constant 0 : i32
    %add3A_1 = arith.addi %add3A, %mul3A_0 : i32
    %mul3A_2 = arith.constant 16 : i32
    %mul3A_3 = arith.muli %arg0, %mul3A_2 : i32
    %add3A_4 = arith.addi %add3A_1, %mul3A_3 : i32
    %mul3A_5 = arith.constant 5 : i32
    %mul3A_6 = arith.muli %add3A_4, %mul3A_5 : i32
    "tpu.region"() ({
      %run_scoped3A = memref.alloca() : memref<2x1x256xi32, #tpu.memory_space<vmem>>
      %run_scoped3A_7 = tpu.sem_alloc : memref<2x!tpu.dma_semaphore, #tpu.memory_space<semaphore_mem>>
      %run_scoped3A_8 = memref.alloca() : memref<2x256x128xf32, #tpu.memory_space<vmem>>
      %run_scoped3A_9 = tpu.sem_alloc : memref<2x!tpu.dma_semaphore, #tpu.memory_space<semaphore_mem>>
      %add3A_10 = arith.constant 0 : i32
      %add3A_11 = arith.addi %add3A_10, %mul3A_6 : i32
      %select_n3A = arith.constant true
      %select_n3A_12 = arith.constant 0 : i32
      %select_n3A_13 = arith.constant -1 : i32
      %select_n3A_14 = arith.select %select_n3A, %select_n3A_13, %select_n3A_12 : i32
      %eq3A = arith.constant -1 : i32
      %eq3A_15 = arith.cmpi eq, %select_n3A_14, %eq3A : i32
      %select_n3A_16 = arith.constant 4 : i32
      %select_n3A_17 = arith.select %eq3A_15, %select_n3A_16, %select_n3A_14 : i32
      %add3A_18 = arith.addi %select_n3A_17, %mul3A_6 : i32
      %select_n3A_19 = arith.constant true
      %select_n3A_20 = arith.constant 0 : i32
      %select_n3A_21 = arith.constant 1 : i32
      %select_n3A_22 = arith.select %select_n3A_19, %select_n3A_21, %select_n3A_20 : i32
      %eq3A_23 = arith.constant 5 : i32
      %eq3A_24 = arith.cmpi eq, %select_n3A_22, %eq3A_23 : i32
      %select_n3A_25 = arith.constant 0 : i32
      %select_n3A_26 = arith.select %eq3A_24, %select_n3A_25, %select_n3A_22 : i32
      %add3A_27 = arith.addi %select_n3A_26, %mul3A_6 : i32
      %add3A_28 = arith.constant 1 : i32
      %add3A_29 = arith.addi %select_n3A_26, %add3A_28 : i32
      %select_n3A_30 = arith.constant true
      %select_n3A_31 = arith.select %select_n3A_30, %add3A_29, %select_n3A_26 : i32
      %eq3A_32 = arith.constant 5 : i32
      %eq3A_33 = arith.cmpi eq, %select_n3A_31, %eq3A_32 : i32
      %select_n3A_34 = arith.constant 0 : i32
      %select_n3A_35 = arith.select %eq3A_33, %select_n3A_34, %select_n3A_31 : i32
      %add3A_36 = arith.addi %select_n3A_35, %mul3A_6 : i32
      "tpu.trace_start"() <{level = 10 : i32, message = "ep_initialize_0"}> : () -> ()
      %rem3A = arith.constant 0 : i32
      %rem3A_37 = arith.constant 2 : i32
      %rem3A_38 = arith.remui %rem3A, %rem3A_37 : i32
      %mul3A_39 = arith.constant 256 : i32
      %mul3A_40 = arith.muli %mul3A_39, %add3A_11 : i32
      %dma_start3A = arith.constant 0 : i32
      %dma_start3A_41 = arith.constant 0 : i32
      %dma_start3A_42 = tpu.memref_slice %run_scoped3A[%rem3A_38, %dma_start3A, %dma_start3A_41] : memref<2x1x256xi32, #tpu.memory_space<vmem>> -> memref<1x1x256xi32, #tpu.memory_space<vmem>>
      %dma_start3A_43 = tpu.memref_squeeze %dma_start3A_42 : memref<1x1x256xi32, #tpu.memory_space<vmem>> -> memref<1x256xi32, #tpu.memory_space<vmem>>
      %dma_start3A_44 = arith.constant 0 : i32
      %dma_start3A_45 = tpu.memref_slice %arg3[%dma_start3A_44, %mul3A_40] : memref<1x40960xi32, #tpu.memory_space<hbm>> -> memref<1x256xi32, #tpu.memory_space<hbm>>
      %dma_start3A_46 = tpu.memref_slice %run_scoped3A_7[%rem3A_38] : memref<2x!tpu.dma_semaphore, #tpu.memory_space<semaphore_mem>> -> memref<1x!tpu.dma_semaphore, #tpu.memory_space<semaphore_mem>>
      %dma_start3A_47 = tpu.memref_squeeze %dma_start3A_46 : memref<1x!tpu.dma_semaphore, #tpu.memory_space<semaphore_mem>> -> memref<!tpu.dma_semaphore, #tpu.memory_space<semaphore_mem>>
      %dma_start3A_48 = arith.constant 0 : i32
      %dma_start3A_49 = arith.constant 0 : i32
      %dma_start3A_50 = tpu.memref_slice %run_scoped3A[%rem3A_38, %dma_start3A_48, %dma_start3A_49] : memref<2x1x256xi32, #tpu.memory_space<vmem>> -> memref<1x1x256xi32, #tpu.memory_space<vmem>>
      %dma_start3A_51 = tpu.memref_squeeze %dma_start3A_50 : memref<1x1x256xi32, #tpu.memory_space<vmem>> -> memref<1x256xi32, #tpu.memory_space<vmem>>
      %dma_start3A_52 = arith.constant 0 : i32
      %dma_start3A_53 = tpu.memref_slice %arg3[%dma_start3A_52, %mul3A_40] : memref<1x40960xi32, #tpu.memory_space<hbm>> -> memref<1x256xi32, #tpu.memory_space<hbm>>
      tpu.enqueue_dma source(%dma_start3A_53 : memref<1x256xi32, #tpu.memory_space<hbm>>) target(%dma_start3A_51 : memref<1x256xi32, #tpu.memory_space<vmem>>) target_semaphore(%dma_start3A_47 : memref<!tpu.dma_semaphore, #tpu.memory_space<semaphore_mem>>)
      %add3A_54 = arith.constant 0 : i32
      %add3A_55 = arith.constant 1 : i32
      %add3A_56 = arith.addi %add3A_54, %add3A_55 : i32
      %select_n3A_57 = arith.constant true
      %select_n3A_58 = arith.constant 0 : i32
      %select_n3A_59 = arith.select %select_n3A_57, %add3A_56, %select_n3A_58 : i32
      "tpu.trace_stop"() : () -> ()
      %scan3A = arith.constant 0 : i32
      %scan3A_60 = arith.constant 0 : i32
      %scan3A_61 = arith.constant 0 : i32
      %scan3A_62 = arith.constant 0 : i32
      %scan3A_63 = arith.constant 0 : i32
      %scan3A_64 = arith.constant 5 : i32
      %scan3A_65 = arith.addi %scan3A_63, %scan3A_64 : i32
      %scan3A_66 = arith.constant 1 : i32
      %scan3A_67:5 = scf.for %scan3A_121 = %scan3A_63 to %scan3A_65 step %scan3A_66 iter_args(%scan3A_122 = %select_n3A_59, %scan3A_123 = %scan3A, %scan3A_124 = %scan3A_60, %scan3A_125 = %scan3A_61, %scan3A_126 = %scan3A_62) -> (i32, i32, i32, i32, i32)  : i32 {
        %eq3A_127 = arith.constant 0 : i32
        %eq3A_128 = arith.cmpi eq, %scan3A_121, %eq3A_127 : i32
        %eq3A_129 = arith.constant 4 : i32
        %eq3A_130 = arith.cmpi eq, %scan3A_121, %eq3A_129 : i32
        %add3A_131 = arith.addi %scan3A_126, %mul3A_6 : i32
        %sub3A_132 = arith.constant 1 : i32
        %sub3A_133 = arith.subi %scan3A_126, %sub3A_132 : i32
        %select_n3A_134 = arith.constant true
        %select_n3A_135 = arith.select %select_n3A_134, %sub3A_133, %scan3A_126 : i32
        %eq3A_136 = arith.constant -1 : i32
        %eq3A_137 = arith.cmpi eq, %select_n3A_135, %eq3A_136 : i32
        %select_n3A_138 = arith.constant 4 : i32
        %select_n3A_139 = arith.select %eq3A_137, %select_n3A_138, %select_n3A_135 : i32
        %add3A_140 = arith.addi %select_n3A_139, %mul3A_6 : i32
        %add3A_141 = arith.constant 1 : i32
        %add3A_142 = arith.addi %scan3A_126, %add3A_141 : i32
        %select_n3A_143 = arith.constant true
        %select_n3A_144 = arith.select %select_n3A_143, %add3A_142, %scan3A_126 : i32
        %eq3A_145 = arith.constant 5 : i32
        %eq3A_146 = arith.cmpi eq, %select_n3A_144, %eq3A_145 : i32
        %select_n3A_147 = arith.constant 0 : i32
        %select_n3A_148 = arith.select %eq3A_146, %select_n3A_147, %select_n3A_144 : i32
        %add3A_149 = arith.addi %select_n3A_148, %mul3A_6 : i32
        %add3A_150 = arith.constant 1 : i32
        %add3A_151 = arith.addi %select_n3A_148, %add3A_150 : i32
        %select_n3A_152 = arith.constant true
        %select_n3A_153 = arith.select %select_n3A_152, %add3A_151, %select_n3A_148 : i32
        %eq3A_154 = arith.constant 5 : i32
        %eq3A_155 = arith.cmpi eq, %select_n3A_153, %eq3A_154 : i32
        %select_n3A_156 = arith.constant 0 : i32
        %select_n3A_157 = arith.select %eq3A_155, %select_n3A_156, %select_n3A_153 : i32
        %add3A_158 = arith.addi %select_n3A_157, %mul3A_6 : i32
        %ne3A = arith.cmpi ne, %add3A_131, %add3A_149 : i32
        %or3A = arith.constant false
        %or3A_159 = arith.ori %or3A, %ne3A : i1
        %ge3A = arith.constant 4 : i32
        %ge3A_160 = arith.cmpi sge, %scan3A_121, %ge3A : i32
        %not3A = arith.constant true
        %not3A_161 = arith.xori %ge3A_160, %not3A : i1
        %and3A = arith.andi %or3A_159, %not3A_161 : i1
        %convert_element_type3A = arith.extui %and3A : i1 to i32
        %cond3A = arith.constant 0 : i32
        %cond3A_162 = arith.cmpi ne, %convert_element_type3A, %cond3A : i32
        scf.if %cond3A_162 {
          "tpu.trace_start"() <{level = 10 : i32, message = "ep_copy_in"}> : () -> ()
          %rem3A_264 = arith.constant 2 : i32
          %rem3A_265 = arith.remui %scan3A_122, %rem3A_264 : i32
          %mul3A_266 = arith.constant 256 : i32
          %mul3A_267 = arith.muli %mul3A_266, %add3A_149 : i32
          %dma_start3A_268 = arith.constant 0 : i32
          %dma_start3A_269 = arith.constant 0 : i32
          %dma_start3A_270 = tpu.memref_slice %run_scoped3A[%rem3A_265, %dma_start3A_268, %dma_start3A_269] : memref<2x1x256xi32, #tpu.memory_space<vmem>> -> memref<1x1x256xi32, #tpu.memory_space<vmem>>
          %dma_start3A_271 = tpu.memref_squeeze %dma_start3A_270 : memref<1x1x256xi32, #tpu.memory_space<vmem>> -> memref<1x256xi32, #tpu.memory_space<vmem>>
          %dma_start3A_272 = arith.constant 0 : i32
          %dma_start3A_273 = tpu.memref_slice %arg3[%dma_start3A_272, %mul3A_267] : memref<1x40960xi32, #tpu.memory_space<hbm>> -> memref<1x256xi32, #tpu.memory_space<hbm>>
          %dma_start3A_274 = tpu.memref_slice %run_scoped3A_7[%rem3A_265] : memref<2x!tpu.dma_semaphore, #tpu.memory_space<semaphore_mem>> -> memref<1x!tpu.dma_semaphore, #tpu.memory_space<semaphore_mem>>
          %dma_start3A_275 = tpu.memref_squeeze %dma_start3A_274 : memref<1x!tpu.dma_semaphore, #tpu.memory_space<semaphore_mem>> -> memref<!tpu.dma_semaphore, #tpu.memory_space<semaphore_mem>>
          %dma_start3A_276 = arith.constant 0 : i32
          %dma_start3A_277 = arith.constant 0 : i32
          %dma_start3A_278 = tpu.memref_slice %run_scoped3A[%rem3A_265, %dma_start3A_276, %dma_start3A_277] : memref<2x1x256xi32, #tpu.memory_space<vmem>> -> memref<1x1x256xi32, #tpu.memory_space<vmem>>
          %dma_start3A_279 = tpu.memref_squeeze %dma_start3A_278 : memref<1x1x256xi32, #tpu.memory_space<vmem>> -> memref<1x256xi32, #tpu.memory_space<vmem>>
          %dma_start3A_280 = arith.constant 0 : i32
          %dma_start3A_281 = tpu.memref_slice %arg3[%dma_start3A_280, %mul3A_267] : memref<1x40960xi32, #tpu.memory_space<hbm>> -> memref<1x256xi32, #tpu.memory_space<hbm>>
          tpu.enqueue_dma source(%dma_start3A_281 : memref<1x256xi32, #tpu.memory_space<hbm>>) target(%dma_start3A_279 : memref<1x256xi32, #tpu.memory_space<vmem>>) target_semaphore(%dma_start3A_275 : memref<!tpu.dma_semaphore, #tpu.memory_space<semaphore_mem>>)
          "tpu.trace_stop"() : () -> ()
        } else {
        }
        %and3A_163 = arith.constant true
        %and3A_164 = arith.andi %and3A, %and3A_163 : i1
        %add3A_165 = arith.constant 1 : i32
        %add3A_166 = arith.addi %scan3A_122, %add3A_165 : i32
        %select_n3A_167 = arith.select %and3A_164, %add3A_166, %scan3A_122 : i32
        %ne3A_168 = arith.cmpi ne, %add3A_131, %add3A_149 : i32
        %or3A_169 = arith.constant false
        %or3A_170 = arith.ori %or3A_169, %ne3A_168 : i1
        %or3A_171 = arith.constant false
        %or3A_172 = arith.ori %or3A_170, %or3A_171 : i1
        %ge3A_173 = arith.constant 4 : i32
        %ge3A_174 = arith.cmpi sge, %scan3A_121, %ge3A_173 : i32
        %not3A_175 = arith.constant true
        %not3A_176 = arith.xori %ge3A_174, %not3A_175 : i1
        %and3A_177 = arith.andi %or3A_172, %not3A_176 : i1
        %ne3A_178 = arith.cmpi ne, %add3A_131, %add3A_140 : i32
        %or3A_179 = arith.constant false
        %or3A_180 = arith.ori %or3A_179, %ne3A_178 : i1
        %or3A_181 = arith.ori %or3A_180, %eq3A_128 : i1
        %convert_element_type3A_182 = arith.extui %or3A_181 : i1 to i32
        %cond3A_183 = arith.constant 0 : i32
        %cond3A_184 = arith.cmpi ne, %convert_element_type3A_182, %cond3A_183 : i32
        scf.if %cond3A_184 {
          "tpu.trace_start"() <{level = 10 : i32, message = "ep_wait_in"}> : () -> ()
          %mul3A_264 = arith.constant 256 : i32
          %mul3A_265 = arith.muli %mul3A_264, %add3A_131 : i32
          %rem3A_266 = arith.constant 2 : i32
          %rem3A_267 = arith.remui %scan3A_123, %rem3A_266 : i32
          %dma_wait3A_268 = arith.constant 0 : i32
          %dma_wait3A_269 = arith.constant 0 : i32
          %dma_wait3A_270 = tpu.memref_slice %run_scoped3A[%rem3A_267, %dma_wait3A_268, %dma_wait3A_269] : memref<2x1x256xi32, #tpu.memory_space<vmem>> -> memref<1x1x256xi32, #tpu.memory_space<vmem>>
          %dma_wait3A_271 = tpu.memref_squeeze %dma_wait3A_270 : memref<1x1x256xi32, #tpu.memory_space<vmem>> -> memref<1x256xi32, #tpu.memory_space<vmem>>
          %dma_wait3A_272 = arith.constant 0 : i32
          %dma_wait3A_273 = tpu.memref_slice %arg3[%dma_wait3A_272, %mul3A_265] : memref<1x40960xi32, #tpu.memory_space<hbm>> -> memref<1x256xi32, #tpu.memory_space<hbm>>
          %dma_wait3A_274 = tpu.memref_slice %run_scoped3A_7[%rem3A_267] : memref<2x!tpu.dma_semaphore, #tpu.memory_space<semaphore_mem>> -> memref<1x!tpu.dma_semaphore, #tpu.memory_space<semaphore_mem>>
          %dma_wait3A_275 = tpu.memref_squeeze %dma_wait3A_274 : memref<1x!tpu.dma_semaphore, #tpu.memory_space<semaphore_mem>> -> memref<!tpu.dma_semaphore, #tpu.memory_space<semaphore_mem>>
          %dma_wait3A_276 = arith.constant 0 : i32
          %dma_wait3A_277 = arith.constant 0 : i32
          %dma_wait3A_278 = tpu.memref_slice %run_scoped3A[%rem3A_267, %dma_wait3A_276, %dma_wait3A_277] : memref<2x1x256xi32, #tpu.memory_space<vmem>> -> memref<1x1x256xi32, #tpu.memory_space<vmem>>
          %dma_wait3A_279 = tpu.memref_squeeze %dma_wait3A_278 : memref<1x1x256xi32, #tpu.memory_space<vmem>> -> memref<1x256xi32, #tpu.memory_space<vmem>>
          %dma_wait3A_280 = arith.constant 0 : i32
          %dma_wait3A_281 = tpu.memref_slice %arg3[%dma_wait3A_280, %mul3A_265] : memref<1x40960xi32, #tpu.memory_space<hbm>> -> memref<1x256xi32, #tpu.memory_space<hbm>>
          tpu.wait_dma2 semaphore(%dma_wait3A_275 : memref<!tpu.dma_semaphore, #tpu.memory_space<semaphore_mem>>) src(%dma_wait3A_281 : memref<1x256xi32, #tpu.memory_space<hbm>>) dst(%dma_wait3A_279 : memref<1x256xi32, #tpu.memory_space<vmem>>)
          "tpu.trace_stop"() : () -> ()
        } else {
        }
        %ne3A_185 = arith.cmpi ne, %add3A_131, %add3A_140 : i32
        %or3A_186 = arith.constant false
        %or3A_187 = arith.ori %or3A_186, %ne3A_185 : i1
        %or3A_188 = arith.constant false
        %or3A_189 = arith.ori %or3A_187, %or3A_188 : i1
        %or3A_190 = arith.ori %or3A_189, %eq3A_128 : i1
        %convert_element_type3A_191 = arith.extui %or3A_190 : i1 to i32
        %cond3A_192 = arith.constant 0 : i32
        %cond3A_193 = arith.cmpi ne, %convert_element_type3A_191, %cond3A_192 : i32
        scf.if %cond3A_193 {
        } else {
        }
        %rem3A_194 = arith.constant 2 : i32
        %rem3A_195 = arith.remui %scan3A_123, %rem3A_194 : i32
        %rem3A_196 = arith.constant 2 : i32
        %rem3A_197 = arith.remui %scan3A_124, %rem3A_196 : i32
        %run_scoped3A_198 = arith.constant 0 : i32
        "tpu.trace_start"() <{level = 10 : i32, message = "ep_run_kernel"}> : () -> ()
        "tpu.region"() ({
          %run_scoped3A_264 = tpu.sem_alloc : memref<!tpu.dma_semaphore, #tpu.memory_space<semaphore_mem>>
          %dma_start3A_265 = arith.constant 0 : i32
          %dma_start3A_266 = arith.constant 0 : i32
          %dma_start3A_267 = tpu.memref_slice %run_scoped3A_8[%rem3A_197, %dma_start3A_265, %dma_start3A_266] : memref<2x256x128xf32, #tpu.memory_space<vmem>> -> memref<1x256x128xf32, #tpu.memory_space<vmem>>
          %dma_start3A_268 = tpu.memref_squeeze %dma_start3A_267 : memref<1x256x128xf32, #tpu.memory_space<vmem>> -> memref<256x128xf32, #tpu.memory_space<vmem>>
          %dma_start3A_269 = arith.constant 0 : i32
          %dma_start3A_270 = arith.constant 0 : i32
          %dma_start3A_271 = tpu.memref_slice %run_scoped3A[%rem3A_195, %dma_start3A_269, %dma_start3A_270] : memref<2x1x256xi32, #tpu.memory_space<vmem>> -> memref<1x1x256xi32, #tpu.memory_space<vmem>>
          %dma_start3A_272 = tpu.memref_squeeze %dma_start3A_271 : memref<1x1x256xi32, #tpu.memory_space<vmem>> -> memref<1x256xi32, #tpu.memory_space<vmem>>
          %dma_start3A_273 = arith.constant 0 : i32
          %dma_start3A_274 = tpu.memref_slice %dma_start3A_272[%run_scoped3A_198, %dma_start3A_273] : memref<1x256xi32, #tpu.memory_space<vmem>> -> memref<1x256xi32, #tpu.memory_space<vmem>>
          %dma_start3A_275 = tpu.memref_squeeze %dma_start3A_274 : memref<1x256xi32, #tpu.memory_space<vmem>> -> memref<256xi32, #tpu.memory_space<vmem>>
          %dma_start3A_276 = arith.constant 0 : i32
          %dma_start3A_277 = arith.constant 0 : i32
          %dma_start3A_278 = tpu.memref_slice %arg2[%dma_start3A_276, %dma_start3A_277] : memref<100000x128xf32, #tpu.memory_space<hbm>> -> memref<100000x128xf32, #tpu.memory_space<hbm>>
          tpu.enqueue_indirect_dma source(%dma_start3A_278 : memref<100000x128xf32, #tpu.memory_space<hbm>>) target(%dma_start3A_268 : memref<256x128xf32, #tpu.memory_space<vmem>>) offsets(%dma_start3A_275 : memref<256xi32, #tpu.memory_space<vmem>>) semaphore(%run_scoped3A_264 : memref<!tpu.dma_semaphore, #tpu.memory_space<semaphore_mem>>)
          %dma_wait3A_279 = arith.constant 0 : i32
          %dma_wait3A_280 = arith.constant 0 : i32
          %dma_wait3A_281 = tpu.memref_slice %run_scoped3A_8[%rem3A_197, %dma_wait3A_279, %dma_wait3A_280] : memref<2x256x128xf32, #tpu.memory_space<vmem>> -> memref<1x256x128xf32, #tpu.memory_space<vmem>>
          %dma_wait3A_282 = tpu.memref_squeeze %dma_wait3A_281 : memref<1x256x128xf32, #tpu.memory_space<vmem>> -> memref<256x128xf32, #tpu.memory_space<vmem>>
          %dma_wait3A_283 = arith.constant 0 : i32
          %dma_wait3A_284 = arith.constant 0 : i32
          %dma_wait3A_285 = tpu.memref_slice %run_scoped3A[%rem3A_195, %dma_wait3A_283, %dma_wait3A_284] : memref<2x1x256xi32, #tpu.memory_space<vmem>> -> memref<1x1x256xi32, #tpu.memory_space<vmem>>
          %dma_wait3A_286 = tpu.memref_squeeze %dma_wait3A_285 : memref<1x1x256xi32, #tpu.memory_space<vmem>> -> memref<1x256xi32, #tpu.memory_space<vmem>>
          %dma_wait3A_287 = arith.constant 0 : i32
          %dma_wait3A_288 = tpu.memref_slice %dma_wait3A_286[%run_scoped3A_198, %dma_wait3A_287] : memref<1x256xi32, #tpu.memory_space<vmem>> -> memref<1x256xi32, #tpu.memory_space<vmem>>
          %dma_wait3A_289 = tpu.memref_squeeze %dma_wait3A_288 : memref<1x256xi32, #tpu.memory_space<vmem>> -> memref<256xi32, #tpu.memory_space<vmem>>
          %dma_wait3A_290 = arith.constant 0 : i32
          %dma_wait3A_291 = arith.constant 0 : i32
          %dma_wait3A_292 = tpu.memref_slice %arg2[%dma_wait3A_290, %dma_wait3A_291] : memref<100000x128xf32, #tpu.memory_space<hbm>> -> memref<100000x128xf32, #tpu.memory_space<hbm>>
          tpu.wait_indirect_dma semaphore(%run_scoped3A_264 : memref<!tpu.dma_semaphore, #tpu.memory_space<semaphore_mem>>) src(%dma_wait3A_292 : memref<100000x128xf32, #tpu.memory_space<hbm>>) dst(%dma_wait3A_282 : memref<256x128xf32, #tpu.memory_space<vmem>>)
          tpu.yield
        }) : () -> ()
        "tpu.trace_stop"() : () -> ()
        %ne3A_199 = arith.cmpi ne, %add3A_131, %add3A_149 : i32
        %or3A_200 = arith.constant false
        %or3A_201 = arith.ori %or3A_200, %ne3A_199 : i1
        %or3A_202 = arith.ori %or3A_201, %eq3A_130 : i1
        %convert_element_type3A_203 = arith.extui %or3A_202 : i1 to i32
        %cond3A_204 = arith.constant 0 : i32
        %cond3A_205 = arith.cmpi ne, %convert_element_type3A_203, %cond3A_204 : i32
        scf.if %cond3A_205 {
        } else {
        }
        %and3A_206 = arith.constant false
        %and3A_207 = arith.andi %or3A_202, %and3A_206 : i1
        %ne3A_208 = arith.cmpi ne, %add3A_131, %add3A_149 : i32
        %or3A_209 = arith.constant false
        %or3A_210 = arith.ori %or3A_209, %ne3A_208 : i1
        %or3A_211 = arith.constant false
        %or3A_212 = arith.ori %or3A_210, %or3A_211 : i1
        %or3A_213 = arith.ori %or3A_212, %eq3A_130 : i1
        %convert_element_type3A_214 = arith.extui %or3A_213 : i1 to i32
        %cond3A_215 = arith.constant 0 : i32
        %cond3A_216 = arith.cmpi ne, %convert_element_type3A_214, %cond3A_215 : i32
        scf.if %cond3A_216 {
          "tpu.trace_start"() <{level = 10 : i32, message = "ep_copy_out"}> : () -> ()
          %rem3A_264 = arith.constant 2 : i32
          %rem3A_265 = arith.remui %scan3A_124, %rem3A_264 : i32
          %mul3A_266 = arith.constant 256 : i32
          %mul3A_267 = arith.muli %mul3A_266, %add3A_131 : i32
          %dma_start3A_268 = arith.constant 0 : i32
          %dma_start3A_269 = arith.constant 0 : i32
          %dma_start3A_270 = tpu.memref_slice %run_scoped3A_8[%rem3A_265, %dma_start3A_268, %dma_start3A_269] : memref<2x256x128xf32, #tpu.memory_space<vmem>> -> memref<1x256x128xf32, #tpu.memory_space<vmem>>
          %dma_start3A_271 = tpu.memref_squeeze %dma_start3A_270 : memref<1x256x128xf32, #tpu.memory_space<vmem>> -> memref<256x128xf32, #tpu.memory_space<vmem>>
          %dma_start3A_272 = arith.constant 0 : i32
          %dma_start3A_273 = tpu.memref_slice %arg4[%mul3A_267, %dma_start3A_272] : memref<40960x128xf32, #tpu.memory_space<hbm>> -> memref<256x128xf32, #tpu.memory_space<hbm>>
          %dma_start3A_274 = tpu.memref_slice %run_scoped3A_9[%rem3A_265] : memref<2x!tpu.dma_semaphore, #tpu.memory_space<semaphore_mem>> -> memref<1x!tpu.dma_semaphore, #tpu.memory_space<semaphore_mem>>
          %dma_start3A_275 = tpu.memref_squeeze %dma_start3A_274 : memref<1x!tpu.dma_semaphore, #tpu.memory_space<semaphore_mem>> -> memref<!tpu.dma_semaphore, #tpu.memory_space<semaphore_mem>>
          %dma_start3A_276 = arith.constant 0 : i32
          %dma_start3A_277 = tpu.memref_slice %arg4[%mul3A_267, %dma_start3A_276] : memref<40960x128xf32, #tpu.memory_space<hbm>> -> memref<256x128xf32, #tpu.memory_space<hbm>>
          %dma_start3A_278 = arith.constant 0 : i32
          %dma_start3A_279 = arith.constant 0 : i32
          %dma_start3A_280 = tpu.memref_slice %run_scoped3A_8[%rem3A_265, %dma_start3A_278, %dma_start3A_279] : memref<2x256x128xf32, #tpu.memory_space<vmem>> -> memref<1x256x128xf32, #tpu.memory_space<vmem>>
          %dma_start3A_281 = tpu.memref_squeeze %dma_start3A_280 : memref<1x256x128xf32, #tpu.memory_space<vmem>> -> memref<256x128xf32, #tpu.memory_space<vmem>>
          tpu.enqueue_dma source(%dma_start3A_281 : memref<256x128xf32, #tpu.memory_space<vmem>>) target(%dma_start3A_277 : memref<256x128xf32, #tpu.memory_space<hbm>>) target_semaphore(%dma_start3A_275 : memref<!tpu.dma_semaphore, #tpu.memory_space<semaphore_mem>>)
          "tpu.trace_stop"() : () -> ()
        } else {
        }
        %and3A_217 = arith.constant true
        %and3A_218 = arith.andi %or3A_213, %and3A_217 : i1
        %add3A_219 = arith.constant 1 : i32
        %add3A_220 = arith.addi %scan3A_124, %add3A_219 : i32
        %select_n3A_221 = arith.select %and3A_218, %add3A_220, %scan3A_124 : i32
        %ne3A_222 = arith.cmpi ne, %add3A_131, %add3A_140 : i32
        %or3A_223 = arith.constant false
        %or3A_224 = arith.ori %or3A_223, %ne3A_222 : i1
        %not3A_225 = arith.constant true
        %not3A_226 = arith.xori %eq3A_128, %not3A_225 : i1
        %and3A_227 = arith.andi %or3A_224, %not3A_226 : i1
        %convert_element_type3A_228 = arith.extui %and3A_227 : i1 to i32
        %cond3A_229 = arith.constant 0 : i32
        %cond3A_230 = arith.cmpi ne, %convert_element_type3A_228, %cond3A_229 : i32
        scf.if %cond3A_230 {
        } else {
        }
        %and3A_231 = arith.constant false
        %and3A_232 = arith.andi %and3A_227, %and3A_231 : i1
        %ne3A_233 = arith.cmpi ne, %add3A_131, %add3A_140 : i32
        %or3A_234 = arith.constant false
        %or3A_235 = arith.ori %or3A_234, %ne3A_233 : i1
        %or3A_236 = arith.constant false
        %or3A_237 = arith.ori %or3A_235, %or3A_236 : i1
        %not3A_238 = arith.constant true
        %not3A_239 = arith.xori %eq3A_128, %not3A_238 : i1
        %and3A_240 = arith.andi %or3A_237, %not3A_239 : i1
        %convert_element_type3A_241 = arith.extui %and3A_240 : i1 to i32
        %cond3A_242 = arith.constant 0 : i32
        %cond3A_243 = arith.cmpi ne, %convert_element_type3A_241, %cond3A_242 : i32
        scf.if %cond3A_243 {
          "tpu.trace_start"() <{level = 10 : i32, message = "ep_wait_out"}> : () -> ()
          %rem3A_264 = arith.constant 2 : i32
          %rem3A_265 = arith.remui %scan3A_125, %rem3A_264 : i32
          %mul3A_266 = arith.constant 256 : i32
          %mul3A_267 = arith.muli %mul3A_266, %add3A_140 : i32
          %dma_wait3A_268 = arith.constant 0 : i32
          %dma_wait3A_269 = arith.constant 0 : i32
          %dma_wait3A_270 = tpu.memref_slice %run_scoped3A_8[%rem3A_265, %dma_wait3A_268, %dma_wait3A_269] : memref<2x256x128xf32, #tpu.memory_space<vmem>> -> memref<1x256x128xf32, #tpu.memory_space<vmem>>
          %dma_wait3A_271 = tpu.memref_squeeze %dma_wait3A_270 : memref<1x256x128xf32, #tpu.memory_space<vmem>> -> memref<256x128xf32, #tpu.memory_space<vmem>>
          %dma_wait3A_272 = arith.constant 0 : i32
          %dma_wait3A_273 = tpu.memref_slice %arg4[%mul3A_267, %dma_wait3A_272] : memref<40960x128xf32, #tpu.memory_space<hbm>> -> memref<256x128xf32, #tpu.memory_space<hbm>>
          %dma_wait3A_274 = tpu.memref_slice %run_scoped3A_9[%rem3A_265] : memref<2x!tpu.dma_semaphore, #tpu.memory_space<semaphore_mem>> -> memref<1x!tpu.dma_semaphore, #tpu.memory_space<semaphore_mem>>
          %dma_wait3A_275 = tpu.memref_squeeze %dma_wait3A_274 : memref<1x!tpu.dma_semaphore, #tpu.memory_space<semaphore_mem>> -> memref<!tpu.dma_semaphore, #tpu.memory_space<semaphore_mem>>
          %dma_wait3A_276 = arith.constant 0 : i32
          %dma_wait3A_277 = tpu.memref_slice %arg4[%mul3A_267, %dma_wait3A_276] : memref<40960x128xf32, #tpu.memory_space<hbm>> -> memref<256x128xf32, #tpu.memory_space<hbm>>
          %dma_wait3A_278 = arith.constant 0 : i32
          %dma_wait3A_279 = arith.constant 0 : i32
          %dma_wait3A_280 = tpu.memref_slice %run_scoped3A_8[%rem3A_265, %dma_wait3A_278, %dma_wait3A_279] : memref<2x256x128xf32, #tpu.memory_space<vmem>> -> memref<1x256x128xf32, #tpu.memory_space<vmem>>
          %dma_wait3A_281 = tpu.memref_squeeze %dma_wait3A_280 : memref<1x256x128xf32, #tpu.memory_space<vmem>> -> memref<256x128xf32, #tpu.memory_space<vmem>>
          tpu.wait_dma2 semaphore(%dma_wait3A_275 : memref<!tpu.dma_semaphore, #tpu.memory_space<semaphore_mem>>) src(%dma_wait3A_281 : memref<256x128xf32, #tpu.memory_space<vmem>>) dst(%dma_wait3A_277 : memref<256x128xf32, #tpu.memory_space<hbm>>)
          "tpu.trace_stop"() : () -> ()
        } else {
        }
        %and3A_244 = arith.constant true
        %and3A_245 = arith.andi %and3A_240, %and3A_244 : i1
        %add3A_246 = arith.constant 1 : i32
        %add3A_247 = arith.addi %scan3A_125, %add3A_246 : i32
        %select_n3A_248 = arith.select %and3A_245, %add3A_247, %scan3A_125 : i32
        %ne3A_249 = arith.cmpi ne, %add3A_131, %add3A_149 : i32
        %or3A_250 = arith.constant false
        %or3A_251 = arith.ori %or3A_250, %ne3A_249 : i1
        %or3A_252 = arith.ori %or3A_251, %eq3A_130 : i1
        %add3A_253 = arith.constant 1 : i32
        %add3A_254 = arith.addi %scan3A_123, %add3A_253 : i32
        %select_n3A_255 = arith.select %or3A_252, %add3A_254, %scan3A_123 : i32
        %add3A_256 = arith.constant 1 : i32
        %add3A_257 = arith.addi %scan3A_126, %add3A_256 : i32
        %select_n3A_258 = arith.constant true
        %select_n3A_259 = arith.select %select_n3A_258, %add3A_257, %scan3A_126 : i32
        %eq3A_260 = arith.constant 5 : i32
        %eq3A_261 = arith.cmpi eq, %select_n3A_259, %eq3A_260 : i32
        %select_n3A_262 = arith.constant 0 : i32
        %select_n3A_263 = arith.select %eq3A_261, %select_n3A_262, %select_n3A_259 : i32
        scf.yield %select_n3A_167, %select_n3A_255, %select_n3A_221, %select_n3A_248, %select_n3A_263 : i32, i32, i32, i32, i32
      }
      %scan3A_68 = arith.constant 5 : i32
      %sub3A = arith.constant 1 : i32
      %sub3A_69 = arith.subi %scan3A_67#4, %sub3A : i32
      %select_n3A_70 = arith.constant true
      %select_n3A_71 = arith.select %select_n3A_70, %sub3A_69, %scan3A_67#4 : i32
      %eq3A_72 = arith.constant -1 : i32
      %eq3A_73 = arith.cmpi eq, %select_n3A_71, %eq3A_72 : i32
      %select_n3A_74 = arith.constant 4 : i32
      %select_n3A_75 = arith.select %eq3A_73, %select_n3A_74, %select_n3A_71 : i32
      %add3A_76 = arith.addi %select_n3A_75, %mul3A_6 : i32
      %sub3A_77 = arith.constant 1 : i32
      %sub3A_78 = arith.subi %select_n3A_75, %sub3A_77 : i32
      %select_n3A_79 = arith.constant true
      %select_n3A_80 = arith.select %select_n3A_79, %sub3A_78, %select_n3A_75 : i32
      %eq3A_81 = arith.constant -1 : i32
      %eq3A_82 = arith.cmpi eq, %select_n3A_80, %eq3A_81 : i32
      %select_n3A_83 = arith.constant 4 : i32
      %select_n3A_84 = arith.select %eq3A_82, %select_n3A_83, %select_n3A_80 : i32
      %add3A_85 = arith.addi %select_n3A_84, %mul3A_6 : i32
      %add3A_86 = arith.constant 1 : i32
      %add3A_87 = arith.addi %select_n3A_75, %add3A_86 : i32
      %select_n3A_88 = arith.constant true
      %select_n3A_89 = arith.select %select_n3A_88, %add3A_87, %select_n3A_75 : i32
      %eq3A_90 = arith.constant 5 : i32
      %eq3A_91 = arith.cmpi eq, %select_n3A_89, %eq3A_90 : i32
      %select_n3A_92 = arith.constant 0 : i32
      %select_n3A_93 = arith.select %eq3A_91, %select_n3A_92, %select_n3A_89 : i32
      %add3A_94 = arith.addi %select_n3A_93, %mul3A_6 : i32
      %add3A_95 = arith.constant 1 : i32
      %add3A_96 = arith.addi %select_n3A_93, %add3A_95 : i32
      %select_n3A_97 = arith.constant true
      %select_n3A_98 = arith.select %select_n3A_97, %add3A_96, %select_n3A_93 : i32
      %eq3A_99 = arith.constant 5 : i32
      %eq3A_100 = arith.cmpi eq, %select_n3A_98, %eq3A_99 : i32
      %select_n3A_101 = arith.constant 0 : i32
      %select_n3A_102 = arith.select %eq3A_100, %select_n3A_101, %select_n3A_98 : i32
      %add3A_103 = arith.addi %select_n3A_102, %mul3A_6 : i32
      "tpu.trace_start"() <{level = 10 : i32, message = "ep_finalize"}> : () -> ()
      %rem3A_104 = arith.constant 2 : i32
      %rem3A_105 = arith.remui %scan3A_67#3, %rem3A_104 : i32
      %mul3A_106 = arith.constant 256 : i32
      %mul3A_107 = arith.muli %mul3A_106, %add3A_76 : i32
      %dma_wait3A = arith.constant 0 : i32
      %dma_wait3A_108 = arith.constant 0 : i32
      %dma_wait3A_109 = tpu.memref_slice %run_scoped3A_8[%rem3A_105, %dma_wait3A, %dma_wait3A_108] : memref<2x256x128xf32, #tpu.memory_space<vmem>> -> memref<1x256x128xf32, #tpu.memory_space<vmem>>
      %dma_wait3A_110 = tpu.memref_squeeze %dma_wait3A_109 : memref<1x256x128xf32, #tpu.memory_space<vmem>> -> memref<256x128xf32, #tpu.memory_space<vmem>>
      %dma_wait3A_111 = arith.constant 0 : i32
      %dma_wait3A_112 = tpu.memref_slice %arg4[%mul3A_107, %dma_wait3A_111] : memref<40960x128xf32, #tpu.memory_space<hbm>> -> memref<256x128xf32, #tpu.memory_space<hbm>>
      %dma_wait3A_113 = tpu.memref_slice %run_scoped3A_9[%rem3A_105] : memref<2x!tpu.dma_semaphore, #tpu.memory_space<semaphore_mem>> -> memref<1x!tpu.dma_semaphore, #tpu.memory_space<semaphore_mem>>
      %dma_wait3A_114 = tpu.memref_squeeze %dma_wait3A_113 : memref<1x!tpu.dma_semaphore, #tpu.memory_space<semaphore_mem>> -> memref<!tpu.dma_semaphore, #tpu.memory_space<semaphore_mem>>
      %dma_wait3A_115 = arith.constant 0 : i32
      %dma_wait3A_116 = tpu.memref_slice %arg4[%mul3A_107, %dma_wait3A_115] : memref<40960x128xf32, #tpu.memory_space<hbm>> -> memref<256x128xf32, #tpu.memory_space<hbm>>
      %dma_wait3A_117 = arith.constant 0 : i32
      %dma_wait3A_118 = arith.constant 0 : i32
      %dma_wait3A_119 = tpu.memref_slice %run_scoped3A_8[%rem3A_105, %dma_wait3A_117, %dma_wait3A_118] : memref<2x256x128xf32, #tpu.memory_space<vmem>> -> memref<1x256x128xf32, #tpu.memory_space<vmem>>
      %dma_wait3A_120 = tpu.memref_squeeze %dma_wait3A_119 : memref<1x256x128xf32, #tpu.memory_space<vmem>> -> memref<256x128xf32, #tpu.memory_space<vmem>>
      tpu.wait_dma2 semaphore(%dma_wait3A_114 : memref<!tpu.dma_semaphore, #tpu.memory_space<semaphore_mem>>) src(%dma_wait3A_120 : memref<256x128xf32, #tpu.memory_space<vmem>>) dst(%dma_wait3A_116 : memref<256x128xf32, #tpu.memory_space<hbm>>)
      "tpu.trace_stop"() : () -> ()
      tpu.yield
    }) : () -> ()
    return
  }
}

#map = affine_map<(d0, d1) -> (0, 0)>
module attributes {stable_mosaic.version = 14 : i64} {
  func.func @gather_kernel(%arg0: i32, %arg1: i32, %arg2: memref<100000x128xf32, #tpu.memory_space<hbm>>, %arg3: memref<1x40960xi32, #tpu.memory_space<hbm>>, %arg4: memref<40960x128xf32, #tpu.memory_space<hbm>>) attributes {dimension_semantics = [#tpu.dimension_semantics<core_parallel>, #tpu.dimension_semantics<subcore_parallel>], iteration_bounds = array<i64: 2, 16>, scalar_prefetch = 0 : i64, scratch_operands = 0 : i64, tpu.core_type = #tpu.core_type<sc_vector_subcore>, window_params = [{transform_indices = #map}, {transform_indices = #map}, {transform_indices = #map}]} {
    %mul3A = arith.constant 1 : i32
    %mul3A_0 = arith.muli %arg1, %mul3A : i32
    %add3A = arith.constant 0 : i32
    %add3A_1 = arith.addi %add3A, %mul3A_0 : i32
    %mul3A_2 = arith.constant 16 : i32
    %mul3A_3 = arith.muli %arg0, %mul3A_2 : i32
    %add3A_4 = arith.addi %add3A_1, %mul3A_3 : i32
    %mul3A_5 = arith.constant 5 : i32
    %mul3A_6 = arith.muli %add3A_4, %mul3A_5 : i32
    "tpu.region"() ({
      %run_scoped3A = memref.alloca() : memref<2x1x256xi32, #tpu.memory_space<vmem>>
      %run_scoped3A_7 = tpu.sem_alloc : memref<2x!tpu.dma_semaphore, #tpu.memory_space<semaphore_mem>>
      %run_scoped3A_8 = memref.alloca() : memref<2x256x128xf32, #tpu.memory_space<vmem>>
      %run_scoped3A_9 = tpu.sem_alloc : memref<2x!tpu.dma_semaphore, #tpu.memory_space<semaphore_mem>>
      %add3A_10 = arith.constant 0 : i32
      %add3A_11 = arith.addi %add3A_10, %mul3A_6 : i32
      %select_n3A = arith.constant true
      %select_n3A_12 = arith.constant 0 : i32
      %select_n3A_13 = arith.constant -1 : i32
      %select_n3A_14 = arith.select %select_n3A, %select_n3A_13, %select_n3A_12 : i32
      %eq3A = arith.constant -1 : i32
      %eq3A_15 = arith.cmpi eq, %select_n3A_14, %eq3A : i32
      %select_n3A_16 = arith.constant 4 : i32
      %select_n3A_17 = arith.select %eq3A_15, %select_n3A_16, %select_n3A_14 : i32
      %add3A_18 = arith.addi %select_n3A_17, %mul3A_6 : i32
      %select_n3A_19 = arith.constant true
      %select_n3A_20 = arith.constant 0 : i32
      %select_n3A_21 = arith.constant 1 : i32
      %select_n3A_22 = arith.select %select_n3A_19, %select_n3A_21, %select_n3A_20 : i32
      %eq3A_23 = arith.constant 5 : i32
      %eq3A_24 = arith.cmpi eq, %select_n3A_22, %eq3A_23 : i32
      %select_n3A_25 = arith.constant 0 : i32
      %select_n3A_26 = arith.select %eq3A_24, %select_n3A_25, %select_n3A_22 : i32
      %add3A_27 = arith.addi %select_n3A_26, %mul3A_6 : i32
      %add3A_28 = arith.constant 1 : i32
      %add3A_29 = arith.addi %select_n3A_26, %add3A_28 : i32
      %select_n3A_30 = arith.constant true
      %select_n3A_31 = arith.select %select_n3A_30, %add3A_29, %select_n3A_26 : i32
      %eq3A_32 = arith.constant 5 : i32
      %eq3A_33 = arith.cmpi eq, %select_n3A_31, %eq3A_32 : i32
      %select_n3A_34 = arith.constant 0 : i32
      %select_n3A_35 = arith.select %eq3A_33, %select_n3A_34, %select_n3A_31 : i32
      %add3A_36 = arith.addi %select_n3A_35, %mul3A_6 : i32
      "tpu.trace_start"() <{level = 10 : i32, message = "ep_initialize_0"}> : () -> ()
      %rem3A = arith.constant 0 : i32
      %rem3A_37 = arith.constant 2 : i32
      %rem3A_38 = arith.remui %rem3A, %rem3A_37 : i32
      %mul3A_39 = arith.constant 256 : i32
      %mul3A_40 = arith.muli %mul3A_39, %add3A_11 : i32
      %dma_start3A = arith.constant 0 : i32
      %dma_start3A_41 = arith.constant 0 : i32
      %dma_start3A_42 = tpu.memref_slice %run_scoped3A[%rem3A_38, %dma_start3A, %dma_start3A_41] : memref<2x1x256xi32, #tpu.memory_space<vmem>> -> memref<1x1x256xi32, #tpu.memory_space<vmem>>
      %dma_start3A_43 = tpu.memref_squeeze %dma_start3A_42 : memref<1x1x256xi32, #tpu.memory_space<vmem>> -> memref<1x256xi32, #tpu.memory_space<vmem>>
      %dma_start3A_44 = arith.constant 0 : i32
      %dma_start3A_45 = tpu.memref_slice %arg3[%dma_start3A_44, %mul3A_40] : memref<1x40960xi32, #tpu.memory_space<hbm>> -> memref<1x256xi32, #tpu.memory_space<hbm>>
      %dma_start3A_46 = tpu.memref_slice %run_scoped3A_7[%rem3A_38] : memref<2x!tpu.dma_semaphore, #tpu.memory_space<semaphore_mem>> -> memref<1x!tpu.dma_semaphore, #tpu.memory_space<semaphore_mem>>
      %dma_start3A_47 = tpu.memref_squeeze %dma_start3A_46 : memref<1x!tpu.dma_semaphore, #tpu.memory_space<semaphore_mem>> -> memref<!tpu.dma_semaphore, #tpu.memory_space<semaphore_mem>>
      %dma_start3A_48 = arith.constant 0 : i32
      %dma_start3A_49 = arith.constant 0 : i32
      %dma_start3A_50 = tpu.memref_slice %run_scoped3A[%rem3A_38, %dma_start3A_48, %dma_start3A_49] : memref<2x1x256xi32, #tpu.memory_space<vmem>> -> memref<1x1x256xi32, #tpu.memory_space<vmem>>
      %dma_start3A_51 = tpu.memref_squeeze %dma_start3A_50 : memref<1x1x256xi32, #tpu.memory_space<vmem>> -> memref<1x256xi32, #tpu.memory_space<vmem>>
      %dma_start3A_52 = arith.constant 0 : i32
      %dma_start3A_53 = tpu.memref_slice %arg3[%dma_start3A_52, %mul3A_40] : memref<1x40960xi32, #tpu.memory_space<hbm>> -> memref<1x256xi32, #tpu.memory_space<hbm>>
      tpu.enqueue_dma source(%dma_start3A_53 : memref<1x256xi32, #tpu.memory_space<hbm>>) target(%dma_start3A_51 : memref<1x256xi32, #tpu.memory_space<vmem>>) target_semaphore(%dma_start3A_47 : memref<!tpu.dma_semaphore, #tpu.memory_space<semaphore_mem>>)
      %add3A_54 = arith.constant 0 : i32
      %add3A_55 = arith.constant 1 : i32
      %add3A_56 = arith.addi %add3A_54, %add3A_55 : i32
      %select_n3A_57 = arith.constant true
      %select_n3A_58 = arith.constant 0 : i32
      %select_n3A_59 = arith.select %select_n3A_57, %add3A_56, %select_n3A_58 : i32
      "tpu.trace_stop"() : () -> ()
      %scan3A = arith.constant 0 : i32
      %scan3A_60 = arith.constant 0 : i32
      %scan3A_61 = arith.constant 0 : i32
      %scan3A_62 = arith.constant 0 : i32
      %scan3A_63 = arith.constant 0 : i32
      %scan3A_64 = arith.constant 5 : i32
      %scan3A_65 = arith.addi %scan3A_63, %scan3A_64 : i32
      %scan3A_66 = arith.constant 1 : i32
      %scan3A_67:5 = scf.for %scan3A_121 = %scan3A_63 to %scan3A_65 step %scan3A_66 iter_args(%scan3A_122 = %select_n3A_59, %scan3A_123 = %scan3A, %scan3A_124 = %scan3A_60, %scan3A_125 = %scan3A_61, %scan3A_126 = %scan3A_62) -> (i32, i32, i32, i32, i32)  : i32 {
        %eq3A_127 = arith.constant 0 : i32
        %eq3A_128 = arith.cmpi eq, %scan3A_121, %eq3A_127 : i32
        %eq3A_129 = arith.constant 4 : i32
        %eq3A_130 = arith.cmpi eq, %scan3A_121, %eq3A_129 : i32
        %add3A_131 = arith.addi %scan3A_126, %mul3A_6 : i32
        %sub3A_132 = arith.constant 1 : i32
        %sub3A_133 = arith.subi %scan3A_126, %sub3A_132 : i32
        %select_n3A_134 = arith.constant true
        %select_n3A_135 = arith.select %select_n3A_134, %sub3A_133, %scan3A_126 : i32
        %eq3A_136 = arith.constant -1 : i32
        %eq3A_137 = arith.cmpi eq, %select_n3A_135, %eq3A_136 : i32
        %select_n3A_138 = arith.constant 4 : i32
        %select_n3A_139 = arith.select %eq3A_137, %select_n3A_138, %select_n3A_135 : i32
        %add3A_140 = arith.addi %select_n3A_139, %mul3A_6 : i32
        %add3A_141 = arith.constant 1 : i32
        %add3A_142 = arith.addi %scan3A_126, %add3A_141 : i32
        %select_n3A_143 = arith.constant true
        %select_n3A_144 = arith.select %select_n3A_143, %add3A_142, %scan3A_126 : i32
        %eq3A_145 = arith.constant 5 : i32
        %eq3A_146 = arith.cmpi eq, %select_n3A_144, %eq3A_145 : i32
        %select_n3A_147 = arith.constant 0 : i32
        %select_n3A_148 = arith.select %eq3A_146, %select_n3A_147, %select_n3A_144 : i32
        %add3A_149 = arith.addi %select_n3A_148, %mul3A_6 : i32
        %add3A_150 = arith.constant 1 : i32
        %add3A_151 = arith.addi %select_n3A_148, %add3A_150 : i32
        %select_n3A_152 = arith.constant true
        %select_n3A_153 = arith.select %select_n3A_152, %add3A_151, %select_n3A_148 : i32
        %eq3A_154 = arith.constant 5 : i32
        %eq3A_155 = arith.cmpi eq, %select_n3A_153, %eq3A_154 : i32
        %select_n3A_156 = arith.constant 0 : i32
        %select_n3A_157 = arith.select %eq3A_155, %select_n3A_156, %select_n3A_153 : i32
        %add3A_158 = arith.addi %select_n3A_157, %mul3A_6 : i32
        %ne3A = arith.cmpi ne, %add3A_131, %add3A_149 : i32
        %or3A = arith.constant false
        %or3A_159 = arith.ori %or3A, %ne3A : i1
        %ge3A = arith.constant 4 : i32
        %ge3A_160 = arith.cmpi sge, %scan3A_121, %ge3A : i32
        %not3A = arith.constant true
        %not3A_161 = arith.xori %ge3A_160, %not3A : i1
        %and3A = arith.andi %or3A_159, %not3A_161 : i1
        %convert_element_type3A = arith.extui %and3A : i1 to i32
        %cond3A = arith.constant 0 : i32
        %cond3A_162 = arith.cmpi ne, %convert_element_type3A, %cond3A : i32
        scf.if %cond3A_162 {
          "tpu.trace_start"() <{level = 10 : i32, message = "ep_copy_in"}> : () -> ()
          %rem3A_264 = arith.constant 2 : i32
          %rem3A_265 = arith.remui %scan3A_122, %rem3A_264 : i32
          %mul3A_266 = arith.constant 256 : i32
          %mul3A_267 = arith.muli %mul3A_266, %add3A_149 : i32
          %dma_start3A_268 = arith.constant 0 : i32
          %dma_start3A_269 = arith.constant 0 : i32
          %dma_start3A_270 = tpu.memref_slice %run_scoped3A[%rem3A_265, %dma_start3A_268, %dma_start3A_269] : memref<2x1x256xi32, #tpu.memory_space<vmem>> -> memref<1x1x256xi32, #tpu.memory_space<vmem>>
          %dma_start3A_271 = tpu.memref_squeeze %dma_start3A_270 : memref<1x1x256xi32, #tpu.memory_space<vmem>> -> memref<1x256xi32, #tpu.memory_space<vmem>>
          %dma_start3A_272 = arith.constant 0 : i32
          %dma_start3A_273 = tpu.memref_slice %arg3[%dma_start3A_272, %mul3A_267] : memref<1x40960xi32, #tpu.memory_space<hbm>> -> memref<1x256xi32, #tpu.memory_space<hbm>>
          %dma_start3A_274 = tpu.memref_slice %run_scoped3A_7[%rem3A_265] : memref<2x!tpu.dma_semaphore, #tpu.memory_space<semaphore_mem>> -> memref<1x!tpu.dma_semaphore, #tpu.memory_space<semaphore_mem>>
          %dma_start3A_275 = tpu.memref_squeeze %dma_start3A_274 : memref<1x!tpu.dma_semaphore, #tpu.memory_space<semaphore_mem>> -> memref<!tpu.dma_semaphore, #tpu.memory_space<semaphore_mem>>
          %dma_start3A_276 = arith.constant 0 : i32
          %dma_start3A_277 = arith.constant 0 : i32
          %dma_start3A_278 = tpu.memref_slice %run_scoped3A[%rem3A_265, %dma_start3A_276, %dma_start3A_277] : memref<2x1x256xi32, #tpu.memory_space<vmem>> -> memref<1x1x256xi32, #tpu.memory_space<vmem>>
          %dma_start3A_279 = tpu.memref_squeeze %dma_start3A_278 : memref<1x1x256xi32, #tpu.memory_space<vmem>> -> memref<1x256xi32, #tpu.memory_space<vmem>>
          %dma_start3A_280 = arith.constant 0 : i32
          %dma_start3A_281 = tpu.memref_slice %arg3[%dma_start3A_280, %mul3A_267] : memref<1x40960xi32, #tpu.memory_space<hbm>> -> memref<1x256xi32, #tpu.memory_space<hbm>>
          tpu.enqueue_dma source(%dma_start3A_281 : memref<1x256xi32, #tpu.memory_space<hbm>>) target(%dma_start3A_279 : memref<1x256xi32, #tpu.memory_space<vmem>>) target_semaphore(%dma_start3A_275 : memref<!tpu.dma_semaphore, #tpu.memory_space<semaphore_mem>>)
          "tpu.trace_stop"() : () -> ()
        } else {
        }
        %and3A_163 = arith.constant true
        %and3A_164 = arith.andi %and3A, %and3A_163 : i1
        %add3A_165 = arith.constant 1 : i32
        %add3A_166 = arith.addi %scan3A_122, %add3A_165 : i32
        %select_n3A_167 = arith.select %and3A_164, %add3A_166, %scan3A_122 : i32
        %ne3A_168 = arith.cmpi ne, %add3A_131, %add3A_149 : i32
        %or3A_169 = arith.constant false
        %or3A_170 = arith.ori %or3A_169, %ne3A_168 : i1
        %or3A_171 = arith.constant false
        %or3A_172 = arith.ori %or3A_170, %or3A_171 : i1
        %ge3A_173 = arith.constant 4 : i32
        %ge3A_174 = arith.cmpi sge, %scan3A_121, %ge3A_173 : i32
        %not3A_175 = arith.constant true
        %not3A_176 = arith.xori %ge3A_174, %not3A_175 : i1
        %and3A_177 = arith.andi %or3A_172, %not3A_176 : i1
        %ne3A_178 = arith.cmpi ne, %add3A_131, %add3A_140 : i32
        %or3A_179 = arith.constant false
        %or3A_180 = arith.ori %or3A_179, %ne3A_178 : i1
        %or3A_181 = arith.ori %or3A_180, %eq3A_128 : i1
        %convert_element_type3A_182 = arith.extui %or3A_181 : i1 to i32
        %cond3A_183 = arith.constant 0 : i32
        %cond3A_184 = arith.cmpi ne, %convert_element_type3A_182, %cond3A_183 : i32
        scf.if %cond3A_184 {
          "tpu.trace_start"() <{level = 10 : i32, message = "ep_wait_in"}> : () -> ()
          %mul3A_264 = arith.constant 256 : i32
          %mul3A_265 = arith.muli %mul3A_264, %add3A_131 : i32
          %rem3A_266 = arith.constant 2 : i32
          %rem3A_267 = arith.remui %scan3A_123, %rem3A_266 : i32
          %dma_wait3A_268 = arith.constant 0 : i32
          %dma_wait3A_269 = arith.constant 0 : i32
          %dma_wait3A_270 = tpu.memref_slice %run_scoped3A[%rem3A_267, %dma_wait3A_268, %dma_wait3A_269] : memref<2x1x256xi32, #tpu.memory_space<vmem>> -> memref<1x1x256xi32, #tpu.memory_space<vmem>>
          %dma_wait3A_271 = tpu.memref_squeeze %dma_wait3A_270 : memref<1x1x256xi32, #tpu.memory_space<vmem>> -> memref<1x256xi32, #tpu.memory_space<vmem>>
          %dma_wait3A_272 = arith.constant 0 : i32
          %dma_wait3A_273 = tpu.memref_slice %arg3[%dma_wait3A_272, %mul3A_265] : memref<1x40960xi32, #tpu.memory_space<hbm>> -> memref<1x256xi32, #tpu.memory_space<hbm>>
          %dma_wait3A_274 = tpu.memref_slice %run_scoped3A_7[%rem3A_267] : memref<2x!tpu.dma_semaphore, #tpu.memory_space<semaphore_mem>> -> memref<1x!tpu.dma_semaphore, #tpu.memory_space<semaphore_mem>>
          %dma_wait3A_275 = tpu.memref_squeeze %dma_wait3A_274 : memref<1x!tpu.dma_semaphore, #tpu.memory_space<semaphore_mem>> -> memref<!tpu.dma_semaphore, #tpu.memory_space<semaphore_mem>>
          %dma_wait3A_276 = arith.constant 0 : i32
          %dma_wait3A_277 = arith.constant 0 : i32
          %dma_wait3A_278 = tpu.memref_slice %run_scoped3A[%rem3A_267, %dma_wait3A_276, %dma_wait3A_277] : memref<2x1x256xi32, #tpu.memory_space<vmem>> -> memref<1x1x256xi32, #tpu.memory_space<vmem>>
          %dma_wait3A_279 = tpu.memref_squeeze %dma_wait3A_278 : memref<1x1x256xi32, #tpu.memory_space<vmem>> -> memref<1x256xi32, #tpu.memory_space<vmem>>
          %dma_wait3A_280 = arith.constant 0 : i32
          %dma_wait3A_281 = tpu.memref_slice %arg3[%dma_wait3A_280, %mul3A_265] : memref<1x40960xi32, #tpu.memory_space<hbm>> -> memref<1x256xi32, #tpu.memory_space<hbm>>
          tpu.wait_dma2 semaphore(%dma_wait3A_275 : memref<!tpu.dma_semaphore, #tpu.memory_space<semaphore_mem>>) src(%dma_wait3A_281 : memref<1x256xi32, #tpu.memory_space<hbm>>) dst(%dma_wait3A_279 : memref<1x256xi32, #tpu.memory_space<vmem>>)
          "tpu.trace_stop"() : () -> ()
        } else {
        }
        %ne3A_185 = arith.cmpi ne, %add3A_131, %add3A_140 : i32
        %or3A_186 = arith.constant false
        %or3A_187 = arith.ori %or3A_186, %ne3A_185 : i1
        %or3A_188 = arith.constant false
        %or3A_189 = arith.ori %or3A_187, %or3A_188 : i1
        %or3A_190 = arith.ori %or3A_189, %eq3A_128 : i1
        %convert_element_type3A_191 = arith.extui %or3A_190 : i1 to i32
        %cond3A_192 = arith.constant 0 : i32
        %cond3A_193 = arith.cmpi ne, %convert_element_type3A_191, %cond3A_192 : i32
        scf.if %cond3A_193 {
        } else {
        }
        %rem3A_194 = arith.constant 2 : i32
        %rem3A_195 = arith.remui %scan3A_123, %rem3A_194 : i32
        %rem3A_196 = arith.constant 2 : i32
        %rem3A_197 = arith.remui %scan3A_124, %rem3A_196 : i32
        %run_scoped3A_198 = arith.constant 0 : i32
        "tpu.trace_start"() <{level = 10 : i32, message = "ep_run_kernel"}> : () -> ()
        "tpu.region"() ({
          %run_scoped3A_264 = tpu.sem_alloc : memref<!tpu.dma_semaphore, #tpu.memory_space<semaphore_mem>>
          %dma_start3A_265 = arith.constant 0 : i32
          %dma_start3A_266 = arith.constant 0 : i32
          %dma_start3A_267 = tpu.memref_slice %run_scoped3A_8[%rem3A_197, %dma_start3A_265, %dma_start3A_266] : memref<2x256x128xf32, #tpu.memory_space<vmem>> -> memref<1x256x128xf32, #tpu.memory_space<vmem>>
          %dma_start3A_268 = tpu.memref_squeeze %dma_start3A_267 : memref<1x256x128xf32, #tpu.memory_space<vmem>> -> memref<256x128xf32, #tpu.memory_space<vmem>>
          %dma_start3A_269 = arith.constant 0 : i32
          %dma_start3A_270 = arith.constant 0 : i32
          %dma_start3A_271 = tpu.memref_slice %run_scoped3A[%rem3A_195, %dma_start3A_269, %dma_start3A_270] : memref<2x1x256xi32, #tpu.memory_space<vmem>> -> memref<1x1x256xi32, #tpu.memory_space<vmem>>
          %dma_start3A_272 = tpu.memref_squeeze %dma_start3A_271 : memref<1x1x256xi32, #tpu.memory_space<vmem>> -> memref<1x256xi32, #tpu.memory_space<vmem>>
          %dma_start3A_273 = arith.constant 0 : i32
          %dma_start3A_274 = tpu.memref_slice %dma_start3A_272[%run_scoped3A_198, %dma_start3A_273] : memref<1x256xi32, #tpu.memory_space<vmem>> -> memref<1x256xi32, #tpu.memory_space<vmem>>
          %dma_start3A_275 = tpu.memref_squeeze %dma_start3A_274 : memref<1x256xi32, #tpu.memory_space<vmem>> -> memref<256xi32, #tpu.memory_space<vmem>>
          %dma_start3A_276 = arith.constant 0 : i32
          %dma_start3A_277 = arith.constant 0 : i32
          %dma_start3A_278 = tpu.memref_slice %arg2[%dma_start3A_276, %dma_start3A_277] : memref<100000x128xf32, #tpu.memory_space<hbm>> -> memref<100000x128xf32, #tpu.memory_space<hbm>>
          tpu.enqueue_indirect_dma source(%dma_start3A_278 : memref<100000x128xf32, #tpu.memory_space<hbm>>) target(%dma_start3A_268 : memref<256x128xf32, #tpu.memory_space<vmem>>) offsets(%dma_start3A_275 : memref<256xi32, #tpu.memory_space<vmem>>) semaphore(%run_scoped3A_264 : memref<!tpu.dma_semaphore, #tpu.memory_space<semaphore_mem>>)
          %dma_wait3A_279 = arith.constant 0 : i32
          %dma_wait3A_280 = arith.constant 0 : i32
          %dma_wait3A_281 = tpu.memref_slice %run_scoped3A_8[%rem3A_197, %dma_wait3A_279, %dma_wait3A_280] : memref<2x256x128xf32, #tpu.memory_space<vmem>> -> memref<1x256x128xf32, #tpu.memory_space<vmem>>
          %dma_wait3A_282 = tpu.memref_squeeze %dma_wait3A_281 : memref<1x256x128xf32, #tpu.memory_space<vmem>> -> memref<256x128xf32, #tpu.memory_space<vmem>>
          %dma_wait3A_283 = arith.constant 0 : i32
          %dma_wait3A_284 = arith.constant 0 : i32
          %dma_wait3A_285 = tpu.memref_slice %run_scoped3A[%rem3A_195, %dma_wait3A_283, %dma_wait3A_284] : memref<2x1x256xi32, #tpu.memory_space<vmem>> -> memref<1x1x256xi32, #tpu.memory_space<vmem>>
          %dma_wait3A_286 = tpu.memref_squeeze %dma_wait3A_285 : memref<1x1x256xi32, #tpu.memory_space<vmem>> -> memref<1x256xi32, #tpu.memory_space<vmem>>
          %dma_wait3A_287 = arith.constant 0 : i32
          %dma_wait3A_288 = tpu.memref_slice %dma_wait3A_286[%run_scoped3A_198, %dma_wait3A_287] : memref<1x256xi32, #tpu.memory_space<vmem>> -> memref<1x256xi32, #tpu.memory_space<vmem>>
          %dma_wait3A_289 = tpu.memref_squeeze %dma_wait3A_288 : memref<1x256xi32, #tpu.memory_space<vmem>> -> memref<256xi32, #tpu.memory_space<vmem>>
          %dma_wait3A_290 = arith.constant 0 : i32
          %dma_wait3A_291 = arith.constant 0 : i32
          %dma_wait3A_292 = tpu.memref_slice %arg2[%dma_wait3A_290, %dma_wait3A_291] : memref<100000x128xf32, #tpu.memory_space<hbm>> -> memref<100000x128xf32, #tpu.memory_space<hbm>>
          tpu.wait_indirect_dma semaphore(%run_scoped3A_264 : memref<!tpu.dma_semaphore, #tpu.memory_space<semaphore_mem>>) src(%dma_wait3A_292 : memref<100000x128xf32, #tpu.memory_space<hbm>>) dst(%dma_wait3A_282 : memref<256x128xf32, #tpu.memory_space<vmem>>)
          tpu.yield
        }) : () -> ()
        "tpu.trace_stop"() : () -> ()
        %ne3A_199 = arith.cmpi ne, %add3A_131, %add3A_149 : i32
        %or3A_200 = arith.constant false
        %or3A_201 = arith.ori %or3A_200, %ne3A_199 : i1
        %or3A_202 = arith.ori %or3A_201, %eq3A_130 : i1
        %convert_element_type3A_203 = arith.extui %or3A_202 : i1 to i32
        %cond3A_204 = arith.constant 0 : i32
        %cond3A_205 = arith.cmpi ne, %convert_element_type3A_203, %cond3A_204 : i32
        scf.if %cond3A_205 {
        } else {
        }
        %and3A_206 = arith.constant false
        %and3A_207 = arith.andi %or3A_202, %and3A_206 : i1
        %ne3A_208 = arith.cmpi ne, %add3A_131, %add3A_149 : i32
        %or3A_209 = arith.constant false
        %or3A_210 = arith.ori %or3A_209, %ne3A_208 : i1
        %or3A_211 = arith.constant false
        %or3A_212 = arith.ori %or3A_210, %or3A_211 : i1
        %or3A_213 = arith.ori %or3A_212, %eq3A_130 : i1
        %convert_element_type3A_214 = arith.extui %or3A_213 : i1 to i32
        %cond3A_215 = arith.constant 0 : i32
        %cond3A_216 = arith.cmpi ne, %convert_element_type3A_214, %cond3A_215 : i32
        scf.if %cond3A_216 {
          "tpu.trace_start"() <{level = 10 : i32, message = "ep_copy_out"}> : () -> ()
          %rem3A_264 = arith.constant 2 : i32
          %rem3A_265 = arith.remui %scan3A_124, %rem3A_264 : i32
          %mul3A_266 = arith.constant 256 : i32
          %mul3A_267 = arith.muli %mul3A_266, %add3A_131 : i32
          %dma_start3A_268 = arith.constant 0 : i32
          %dma_start3A_269 = arith.constant 0 : i32
          %dma_start3A_270 = tpu.memref_slice %run_scoped3A_8[%rem3A_265, %dma_start3A_268, %dma_start3A_269] : memref<2x256x128xf32, #tpu.memory_space<vmem>> -> memref<1x256x128xf32, #tpu.memory_space<vmem>>
          %dma_start3A_271 = tpu.memref_squeeze %dma_start3A_270 : memref<1x256x128xf32, #tpu.memory_space<vmem>> -> memref<256x128xf32, #tpu.memory_space<vmem>>
          %dma_start3A_272 = arith.constant 0 : i32
          %dma_start3A_273 = tpu.memref_slice %arg4[%mul3A_267, %dma_start3A_272] : memref<40960x128xf32, #tpu.memory_space<hbm>> -> memref<256x128xf32, #tpu.memory_space<hbm>>
          %dma_start3A_274 = tpu.memref_slice %run_scoped3A_9[%rem3A_265] : memref<2x!tpu.dma_semaphore, #tpu.memory_space<semaphore_mem>> -> memref<1x!tpu.dma_semaphore, #tpu.memory_space<semaphore_mem>>
          %dma_start3A_275 = tpu.memref_squeeze %dma_start3A_274 : memref<1x!tpu.dma_semaphore, #tpu.memory_space<semaphore_mem>> -> memref<!tpu.dma_semaphore, #tpu.memory_space<semaphore_mem>>
          %dma_start3A_276 = arith.constant 0 : i32
          %dma_start3A_277 = tpu.memref_slice %arg4[%mul3A_267, %dma_start3A_276] : memref<40960x128xf32, #tpu.memory_space<hbm>> -> memref<256x128xf32, #tpu.memory_space<hbm>>
          %dma_start3A_278 = arith.constant 0 : i32
          %dma_start3A_279 = arith.constant 0 : i32
          %dma_start3A_280 = tpu.memref_slice %run_scoped3A_8[%rem3A_265, %dma_start3A_278, %dma_start3A_279] : memref<2x256x128xf32, #tpu.memory_space<vmem>> -> memref<1x256x128xf32, #tpu.memory_space<vmem>>
          %dma_start3A_281 = tpu.memref_squeeze %dma_start3A_280 : memref<1x256x128xf32, #tpu.memory_space<vmem>> -> memref<256x128xf32, #tpu.memory_space<vmem>>
          tpu.enqueue_dma source(%dma_start3A_281 : memref<256x128xf32, #tpu.memory_space<vmem>>) target(%dma_start3A_277 : memref<256x128xf32, #tpu.memory_space<hbm>>) target_semaphore(%dma_start3A_275 : memref<!tpu.dma_semaphore, #tpu.memory_space<semaphore_mem>>)
          "tpu.trace_stop"() : () -> ()
        } else {
        }
        %and3A_217 = arith.constant true
        %and3A_218 = arith.andi %or3A_213, %and3A_217 : i1
        %add3A_219 = arith.constant 1 : i32
        %add3A_220 = arith.addi %scan3A_124, %add3A_219 : i32
        %select_n3A_221 = arith.select %and3A_218, %add3A_220, %scan3A_124 : i32
        %ne3A_222 = arith.cmpi ne, %add3A_131, %add3A_140 : i32
        %or3A_223 = arith.constant false
        %or3A_224 = arith.ori %or3A_223, %ne3A_222 : i1
        %not3A_225 = arith.constant true
        %not3A_226 = arith.xori %eq3A_128, %not3A_225 : i1
        %and3A_227 = arith.andi %or3A_224, %not3A_226 : i1
        %convert_element_type3A_228 = arith.extui %and3A_227 : i1 to i32
        %cond3A_229 = arith.constant 0 : i32
        %cond3A_230 = arith.cmpi ne, %convert_element_type3A_228, %cond3A_229 : i32
        scf.if %cond3A_230 {
        } else {
        }
        %and3A_231 = arith.constant false
        %and3A_232 = arith.andi %and3A_227, %and3A_231 : i1
        %ne3A_233 = arith.cmpi ne, %add3A_131, %add3A_140 : i32
        %or3A_234 = arith.constant false
        %or3A_235 = arith.ori %or3A_234, %ne3A_233 : i1
        %or3A_236 = arith.constant false
        %or3A_237 = arith.ori %or3A_235, %or3A_236 : i1
        %not3A_238 = arith.constant true
        %not3A_239 = arith.xori %eq3A_128, %not3A_238 : i1
        %and3A_240 = arith.andi %or3A_237, %not3A_239 : i1
        %convert_element_type3A_241 = arith.extui %and3A_240 : i1 to i32
        %cond3A_242 = arith.constant 0 : i32
        %cond3A_243 = arith.cmpi ne, %convert_element_type3A_241, %cond3A_242 : i32
        scf.if %cond3A_243 {
          "tpu.trace_start"() <{level = 10 : i32, message = "ep_wait_out"}> : () -> ()
          %rem3A_264 = arith.constant 2 : i32
          %rem3A_265 = arith.remui %scan3A_125, %rem3A_264 : i32
          %mul3A_266 = arith.constant 256 : i32
          %mul3A_267 = arith.muli %mul3A_266, %add3A_140 : i32
          %dma_wait3A_268 = arith.constant 0 : i32
          %dma_wait3A_269 = arith.constant 0 : i32
          %dma_wait3A_270 = tpu.memref_slice %run_scoped3A_8[%rem3A_265, %dma_wait3A_268, %dma_wait3A_269] : memref<2x256x128xf32, #tpu.memory_space<vmem>> -> memref<1x256x128xf32, #tpu.memory_space<vmem>>
          %dma_wait3A_271 = tpu.memref_squeeze %dma_wait3A_270 : memref<1x256x128xf32, #tpu.memory_space<vmem>> -> memref<256x128xf32, #tpu.memory_space<vmem>>
          %dma_wait3A_272 = arith.constant 0 : i32
          %dma_wait3A_273 = tpu.memref_slice %arg4[%mul3A_267, %dma_wait3A_272] : memref<40960x128xf32, #tpu.memory_space<hbm>> -> memref<256x128xf32, #tpu.memory_space<hbm>>
          %dma_wait3A_274 = tpu.memref_slice %run_scoped3A_9[%rem3A_265] : memref<2x!tpu.dma_semaphore, #tpu.memory_space<semaphore_mem>> -> memref<1x!tpu.dma_semaphore, #tpu.memory_space<semaphore_mem>>
          %dma_wait3A_275 = tpu.memref_squeeze %dma_wait3A_274 : memref<1x!tpu.dma_semaphore, #tpu.memory_space<semaphore_mem>> -> memref<!tpu.dma_semaphore, #tpu.memory_space<semaphore_mem>>
          %dma_wait3A_276 = arith.constant 0 : i32
          %dma_wait3A_277 = tpu.memref_slice %arg4[%mul3A_267, %dma_wait3A_276] : memref<40960x128xf32, #tpu.memory_space<hbm>> -> memref<256x128xf32, #tpu.memory_space<hbm>>
          %dma_wait3A_278 = arith.constant 0 : i32
          %dma_wait3A_279 = arith.constant 0 : i32
          %dma_wait3A_280 = tpu.memref_slice %run_scoped3A_8[%rem3A_265, %dma_wait3A_278, %dma_wait3A_279] : memref<2x256x128xf32, #tpu.memory_space<vmem>> -> memref<1x256x128xf32, #tpu.memory_space<vmem>>
          %dma_wait3A_281 = tpu.memref_squeeze %dma_wait3A_280 : memref<1x256x128xf32, #tpu.memory_space<vmem>> -> memref<256x128xf32, #tpu.memory_space<vmem>>
          tpu.wait_dma2 semaphore(%dma_wait3A_275 : memref<!tpu.dma_semaphore, #tpu.memory_space<semaphore_mem>>) src(%dma_wait3A_281 : memref<256x128xf32, #tpu.memory_space<vmem>>) dst(%dma_wait3A_277 : memref<256x128xf32, #tpu.memory_space<hbm>>)
          "tpu.trace_stop"() : () -> ()
        } else {
        }
        %and3A_244 = arith.constant true
        %and3A_245 = arith.andi %and3A_240, %and3A_244 : i1
        %add3A_246 = arith.constant 1 : i32
        %add3A_247 = arith.addi %scan3A_125, %add3A_246 : i32
        %select_n3A_248 = arith.select %and3A_245, %add3A_247, %scan3A_125 : i32
        %ne3A_249 = arith.cmpi ne, %add3A_131, %add3A_149 : i32
        %or3A_250 = arith.constant false
        %or3A_251 = arith.ori %or3A_250, %ne3A_249 : i1
        %or3A_252 = arith.ori %or3A_251, %eq3A_130 : i1
        %add3A_253 = arith.constant 1 : i32
        %add3A_254 = arith.addi %scan3A_123, %add3A_253 : i32
        %select_n3A_255 = arith.select %or3A_252, %add3A_254, %scan3A_123 : i32
        %add3A_256 = arith.constant 1 : i32
        %add3A_257 = arith.addi %scan3A_126, %add3A_256 : i32
        %select_n3A_258 = arith.constant true
        %select_n3A_259 = arith.select %select_n3A_258, %add3A_257, %scan3A_126 : i32
        %eq3A_260 = arith.constant 5 : i32
        %eq3A_261 = arith.cmpi eq, %select_n3A_259, %eq3A_260 : i32
        %select_n3A_262 = arith.constant 0 : i32
        %select_n3A_263 = arith.select %eq3A_261, %select_n3A_262, %select_n3A_259 : i32
        scf.yield %select_n3A_167, %select_n3A_255, %select_n3A_221, %select_n3A_248, %select_n3A_263 : i32, i32, i32, i32, i32
      }
      %scan3A_68 = arith.constant 5 : i32
      %sub3A = arith.constant 1 : i32
      %sub3A_69 = arith.subi %scan3A_67#4, %sub3A : i32
      %select_n3A_70 = arith.constant true
      %select_n3A_71 = arith.select %select_n3A_70, %sub3A_69, %scan3A_67#4 : i32
      %eq3A_72 = arith.constant -1 : i32
      %eq3A_73 = arith.cmpi eq, %select_n3A_71, %eq3A_72 : i32
      %select_n3A_74 = arith.constant 4 : i32
      %select_n3A_75 = arith.select %eq3A_73, %select_n3A_74, %select_n3A_71 : i32
      %add3A_76 = arith.addi %select_n3A_75, %mul3A_6 : i32
      %sub3A_77 = arith.constant 1 : i32
      %sub3A_78 = arith.subi %select_n3A_75, %sub3A_77 : i32
      %select_n3A_79 = arith.constant true
      %select_n3A_80 = arith.select %select_n3A_79, %sub3A_78, %select_n3A_75 : i32
      %eq3A_81 = arith.constant -1 : i32
      %eq3A_82 = arith.cmpi eq, %select_n3A_80, %eq3A_81 : i32
      %select_n3A_83 = arith.constant 4 : i32
      %select_n3A_84 = arith.select %eq3A_82, %select_n3A_83, %select_n3A_80 : i32
      %add3A_85 = arith.addi %select_n3A_84, %mul3A_6 : i32
      %add3A_86 = arith.constant 1 : i32
      %add3A_87 = arith.addi %select_n3A_75, %add3A_86 : i32
      %select_n3A_88 = arith.constant true
      %select_n3A_89 = arith.select %select_n3A_88, %add3A_87, %select_n3A_75 : i32
      %eq3A_90 = arith.constant 5 : i32
      %eq3A_91 = arith.cmpi eq, %select_n3A_89, %eq3A_90 : i32
      %select_n3A_92 = arith.constant 0 : i32
      %select_n3A_93 = arith.select %eq3A_91, %select_n3A_92, %select_n3A_89 : i32
      %add3A_94 = arith.addi %select_n3A_93, %mul3A_6 : i32
      %add3A_95 = arith.constant 1 : i32
      %add3A_96 = arith.addi %select_n3A_93, %add3A_95 : i32
      %select_n3A_97 = arith.constant true
      %select_n3A_98 = arith.select %select_n3A_97, %add3A_96, %select_n3A_93 : i32
      %eq3A_99 = arith.constant 5 : i32
      %eq3A_100 = arith.cmpi eq, %select_n3A_98, %eq3A_99 : i32
      %select_n3A_101 = arith.constant 0 : i32
      %select_n3A_102 = arith.select %eq3A_100, %select_n3A_101, %select_n3A_98 : i32
      %add3A_103 = arith.addi %select_n3A_102, %mul3A_6 : i32
      "tpu.trace_start"() <{level = 10 : i32, message = "ep_finalize"}> : () -> ()
      %rem3A_104 = arith.constant 2 : i32
      %rem3A_105 = arith.remui %scan3A_67#3, %rem3A_104 : i32
      %mul3A_106 = arith.constant 256 : i32
      %mul3A_107 = arith.muli %mul3A_106, %add3A_76 : i32
      %dma_wait3A = arith.constant 0 : i32
      %dma_wait3A_108 = arith.constant 0 : i32
      %dma_wait3A_109 = tpu.memref_slice %run_scoped3A_8[%rem3A_105, %dma_wait3A, %dma_wait3A_108] : memref<2x256x128xf32, #tpu.memory_space<vmem>> -> memref<1x256x128xf32, #tpu.memory_space<vmem>>
      %dma_wait3A_110 = tpu.memref_squeeze %dma_wait3A_109 : memref<1x256x128xf32, #tpu.memory_space<vmem>> -> memref<256x128xf32, #tpu.memory_space<vmem>>
      %dma_wait3A_111 = arith.constant 0 : i32
      %dma_wait3A_112 = tpu.memref_slice %arg4[%mul3A_107, %dma_wait3A_111] : memref<40960x128xf32, #tpu.memory_space<hbm>> -> memref<256x128xf32, #tpu.memory_space<hbm>>
      %dma_wait3A_113 = tpu.memref_slice %run_scoped3A_9[%rem3A_105] : memref<2x!tpu.dma_semaphore, #tpu.memory_space<semaphore_mem>> -> memref<1x!tpu.dma_semaphore, #tpu.memory_space<semaphore_mem>>
      %dma_wait3A_114 = tpu.memref_squeeze %dma_wait3A_113 : memref<1x!tpu.dma_semaphore, #tpu.memory_space<semaphore_mem>> -> memref<!tpu.dma_semaphore, #tpu.memory_space<semaphore_mem>>
      %dma_wait3A_115 = arith.constant 0 : i32
      %dma_wait3A_116 = tpu.memref_slice %arg4[%mul3A_107, %dma_wait3A_115] : memref<40960x128xf32, #tpu.memory_space<hbm>> -> memref<256x128xf32, #tpu.memory_space<hbm>>
      %dma_wait3A_117 = arith.constant 0 : i32
      %dma_wait3A_118 = arith.constant 0 : i32
      %dma_wait3A_119 = tpu.memref_slice %run_scoped3A_8[%rem3A_105, %dma_wait3A_117, %dma_wait3A_118] : memref<2x256x128xf32, #tpu.memory_space<vmem>> -> memref<1x256x128xf32, #tpu.memory_space<vmem>>
      %dma_wait3A_120 = tpu.memref_squeeze %dma_wait3A_119 : memref<1x256x128xf32, #tpu.memory_space<vmem>> -> memref<256x128xf32, #tpu.memory_space<vmem>>
      tpu.wait_dma2 semaphore(%dma_wait3A_114 : memref<!tpu.dma_semaphore, #tpu.memory_space<semaphore_mem>>) src(%dma_wait3A_120 : memref<256x128xf32, #tpu.memory_space<vmem>>) dst(%dma_wait3A_116 : memref<256x128xf32, #tpu.memory_space<hbm>>)
      "tpu.trace_stop"() : () -> ()
      tpu.yield
    }) : () -> ()
    return
  }
}

module attributes {stable_mosaic.version = 14 : i64} {
  func.func @_tc_body(%arg0: i32, %arg1: memref<4096x128xf32, #tpu.memory_space<vmem>>, %arg2: memref<5x4096xf32, #tpu.memory_space<vmem>>, %arg3: memref<512x1xf32, #tpu.memory_space<vmem>>, %arg4: memref<192x128xf32, #tpu.memory_space<vmem>>, %arg5: memref<1x128xf32, #tpu.memory_space<vmem>>, %arg6: memref<32x1xf32, #tpu.memory_space<vmem>>, %arg7: memref<32x1xf32, #tpu.memory_space<vmem>>, %arg8: memref<32x1xf32, #tpu.memory_space<vmem>>, %arg9: memref<32x1xf32, #tpu.memory_space<vmem>>, %arg10: memref<9x128xf32, #tpu.memory_space<vmem>>, %arg11: memref<3x128xf32, #tpu.memory_space<vmem>>, %arg12: memref<512x128xf32, #tpu.memory_space<vmem>>, %arg13: memref<1x128xf32, #tpu.memory_space<vmem>>, %arg14: memref<1x128xf32, #tpu.memory_space<vmem>>, %arg15: memref<4096x128xf32, #tpu.memory_space<vmem>>) attributes {dimension_semantics = [#tpu.dimension_semantics<arbitrary>], iteration_bounds = array<i64: 10>, scalar_prefetch = 0 : i64, scratch_operands = 0 : i64, tpu.core_type = #tpu.core_type<tc>, window_params = [{transform_indices = @transform_0, window_bounds = array<i64: 4096, 128>}, {transform_indices = @transform_1, window_bounds = array<i64: 5, 4096>}, {pipeline_mode = #tpu.pipeline_mode<synchronous>, transform_indices = @transform_2, window_bounds = array<i64: 512, 1>}, {pipeline_mode = #tpu.pipeline_mode<synchronous>, transform_indices = @transform_3, window_bounds = array<i64: 192, 128>}, {pipeline_mode = #tpu.pipeline_mode<synchronous>, transform_indices = @transform_4, window_bounds = array<i64: 1, 128>}, {pipeline_mode = #tpu.pipeline_mode<synchronous>, transform_indices = @transform_5, window_bounds = array<i64: 32, 1>}, {pipeline_mode = #tpu.pipeline_mode<synchronous>, transform_indices = @transform_6, window_bounds = array<i64: 32, 1>}, {pipeline_mode = #tpu.pipeline_mode<synchronous>, transform_indices = @transform_7, window_bounds = array<i64: 32, 1>}, {pipeline_mode = #tpu.pipeline_mode<synchronous>, transform_indices = @transform_8, window_bounds = array<i64: 32, 1>}, {pipeline_mode = #tpu.pipeline_mode<synchronous>, transform_indices = @transform_9, window_bounds = array<i64: 9, 128>}, {pipeline_mode = #tpu.pipeline_mode<synchronous>, transform_indices = @transform_10, window_bounds = array<i64: 3, 128>}, {pipeline_mode = #tpu.pipeline_mode<synchronous>, transform_indices = @transform_11, window_bounds = array<i64: 512, 128>}, {pipeline_mode = #tpu.pipeline_mode<synchronous>, transform_indices = @transform_12, window_bounds = array<i64: 1, 128>}, {pipeline_mode = #tpu.pipeline_mode<synchronous>, transform_indices = @transform_13, window_bounds = array<i64: 1, 128>}, {transform_indices = @transform_14, window_bounds = array<i64: 4096, 128>}]} {
    %get3A = arith.constant 0 : index
    %get3A_0 = arith.constant 0 : index
    %get3A_1 = vector.load %arg2[%get3A, %get3A_0] : memref<5x4096xf32, #tpu.memory_space<vmem>>, vector<5x4096xf32>
    %slice3A = vector.extract_strided_slice %get3A_1 {offsets = [0, 0], sizes = [1, 4096], strides = [1, 1]} : vector<5x4096xf32> to vector<1x4096xf32>
    %slice3A_2 = vector.extract_strided_slice %get3A_1 {offsets = [1, 0], sizes = [1, 4096], strides = [1, 1]} : vector<5x4096xf32> to vector<1x4096xf32>
    %slice3A_3 = vector.extract_strided_slice %get3A_1 {offsets = [2, 0], sizes = [1, 4096], strides = [1, 1]} : vector<5x4096xf32> to vector<1x4096xf32>
    %slice3A_4 = vector.extract_strided_slice %get3A_1 {offsets = [3, 0], sizes = [1, 4096], strides = [1, 1]} : vector<5x4096xf32> to vector<1x4096xf32>
    %slice3A_5 = vector.extract_strided_slice %get3A_1 {offsets = [4, 0], sizes = [1, 4096], strides = [1, 1]} : vector<5x4096xf32> to vector<1x4096xf32>
    %get3A_6 = arith.constant 0 : index
    %get3A_7 = arith.constant 0 : index
    %get3A_8 = vector.load %arg6[%get3A_6, %get3A_7] : memref<32x1xf32, #tpu.memory_space<vmem>>, vector<32x1xf32>
    %mul3A = vector.broadcast %get3A_8 : vector<32x1xf32> to vector<32x4096xf32>
    %mul3A_9 = vector.broadcast %slice3A : vector<1x4096xf32> to vector<32x4096xf32>
    %mul3A_10 = arith.mulf %mul3A, %mul3A_9 : vector<32x4096xf32>
    %get3A_11 = arith.constant 0 : index
    %get3A_12 = arith.constant 0 : index
    %get3A_13 = vector.load %arg7[%get3A_11, %get3A_12] : memref<32x1xf32, #tpu.memory_space<vmem>>, vector<32x1xf32>
    %add3A = vector.broadcast %get3A_13 : vector<32x1xf32> to vector<32x4096xf32>
    %add3A_14 = arith.addf %mul3A_10, %add3A : vector<32x4096xf32>
    %mul3A_15 = arith.constant 0.159154937 : f32
    %mul3A_16 = vector.broadcast %mul3A_15 : f32 to vector<32x4096xf32>
    %mul3A_17 = arith.mulf %add3A_14, %mul3A_16 : vector<32x4096xf32>
    %add3A_18 = arith.constant 5.000000e-01 : f32
    %add3A_19 = vector.broadcast %add3A_18 : f32 to vector<32x4096xf32>
    %add3A_20 = arith.addf %mul3A_17, %add3A_19 : vector<32x4096xf32>
    %floor3A = math.floor %add3A_20 : vector<32x4096xf32>
    %mul3A_21 = arith.constant 6.281250e+00 : f32
    %mul3A_22 = vector.broadcast %mul3A_21 : f32 to vector<32x4096xf32>
    %mul3A_23 = arith.mulf %floor3A, %mul3A_22 : vector<32x4096xf32>
    %sub3A = arith.subf %add3A_14, %mul3A_23 : vector<32x4096xf32>
    %mul3A_24 = arith.constant 0.00193530717 : f32
    %mul3A_25 = vector.broadcast %mul3A_24 : f32 to vector<32x4096xf32>
    %mul3A_26 = arith.mulf %floor3A, %mul3A_25 : vector<32x4096xf32>
    %sub3A_27 = arith.subf %sub3A, %mul3A_26 : vector<32x4096xf32>
    %mul3A_28 = arith.mulf %sub3A_27, %sub3A_27 : vector<32x4096xf32>
    %mul3A_29 = arith.constant 2.1470546E-6 : f32
    %mul3A_30 = vector.broadcast %mul3A_29 : f32 to vector<32x4096xf32>
    %mul3A_31 = arith.mulf %mul3A_30, %mul3A_28 : vector<32x4096xf32>
    %add3A_32 = arith.constant -1.92631793E-4 : f32
    %add3A_33 = vector.broadcast %add3A_32 : f32 to vector<32x4096xf32>
    %add3A_34 = arith.addf %mul3A_31, %add3A_33 : vector<32x4096xf32>
    %mul3A_35 = arith.mulf %add3A_34, %mul3A_28 : vector<32x4096xf32>
    %add3A_36 = arith.constant 8.308850e-03 : f32
    %add3A_37 = vector.broadcast %add3A_36 : f32 to vector<32x4096xf32>
    %add3A_38 = arith.addf %mul3A_35, %add3A_37 : vector<32x4096xf32>
    %mul3A_39 = arith.mulf %add3A_38, %mul3A_28 : vector<32x4096xf32>
    %add3A_40 = arith.constant -0.16662401 : f32
    %add3A_41 = vector.broadcast %add3A_40 : f32 to vector<32x4096xf32>
    %add3A_42 = arith.addf %mul3A_39, %add3A_41 : vector<32x4096xf32>
    %mul3A_43 = arith.mulf %add3A_42, %mul3A_28 : vector<32x4096xf32>
    %add3A_44 = arith.constant 0.999979138 : f32
    %add3A_45 = vector.broadcast %add3A_44 : f32 to vector<32x4096xf32>
    %add3A_46 = arith.addf %mul3A_43, %add3A_45 : vector<32x4096xf32>
    %mul3A_47 = arith.mulf %sub3A_27, %add3A_46 : vector<32x4096xf32>
    %get3A_48 = arith.constant 0 : index
    %get3A_49 = arith.constant 0 : index
    %get3A_50 = vector.load %arg8[%get3A_48, %get3A_49] : memref<32x1xf32, #tpu.memory_space<vmem>>, vector<32x1xf32>
    %mul3A_51 = vector.broadcast %get3A_50 : vector<32x1xf32> to vector<32x4096xf32>
    %mul3A_52 = vector.broadcast %slice3A_2 : vector<1x4096xf32> to vector<32x4096xf32>
    %mul3A_53 = arith.mulf %mul3A_51, %mul3A_52 : vector<32x4096xf32>
    %get3A_54 = arith.constant 0 : index
    %get3A_55 = arith.constant 0 : index
    %get3A_56 = vector.load %arg9[%get3A_54, %get3A_55] : memref<32x1xf32, #tpu.memory_space<vmem>>, vector<32x1xf32>
    %add3A_57 = vector.broadcast %get3A_56 : vector<32x1xf32> to vector<32x4096xf32>
    %add3A_58 = arith.addf %mul3A_53, %add3A_57 : vector<32x4096xf32>
    %mul3A_59 = arith.constant 0.159154937 : f32
    %mul3A_60 = vector.broadcast %mul3A_59 : f32 to vector<32x4096xf32>
    %mul3A_61 = arith.mulf %add3A_58, %mul3A_60 : vector<32x4096xf32>
    %add3A_62 = arith.constant 5.000000e-01 : f32
    %add3A_63 = vector.broadcast %add3A_62 : f32 to vector<32x4096xf32>
    %add3A_64 = arith.addf %mul3A_61, %add3A_63 : vector<32x4096xf32>
    %floor3A_65 = math.floor %add3A_64 : vector<32x4096xf32>
    %mul3A_66 = arith.constant 6.281250e+00 : f32
    %mul3A_67 = vector.broadcast %mul3A_66 : f32 to vector<32x4096xf32>
    %mul3A_68 = arith.mulf %floor3A_65, %mul3A_67 : vector<32x4096xf32>
    %sub3A_69 = arith.subf %add3A_58, %mul3A_68 : vector<32x4096xf32>
    %mul3A_70 = arith.constant 0.00193530717 : f32
    %mul3A_71 = vector.broadcast %mul3A_70 : f32 to vector<32x4096xf32>
    %mul3A_72 = arith.mulf %floor3A_65, %mul3A_71 : vector<32x4096xf32>
    %sub3A_73 = arith.subf %sub3A_69, %mul3A_72 : vector<32x4096xf32>
    %mul3A_74 = arith.mulf %sub3A_73, %sub3A_73 : vector<32x4096xf32>
    %mul3A_75 = arith.constant 2.1470546E-6 : f32
    %mul3A_76 = vector.broadcast %mul3A_75 : f32 to vector<32x4096xf32>
    %mul3A_77 = arith.mulf %mul3A_76, %mul3A_74 : vector<32x4096xf32>
    %add3A_78 = arith.constant -1.92631793E-4 : f32
    %add3A_79 = vector.broadcast %add3A_78 : f32 to vector<32x4096xf32>
    %add3A_80 = arith.addf %mul3A_77, %add3A_79 : vector<32x4096xf32>
    %mul3A_81 = arith.mulf %add3A_80, %mul3A_74 : vector<32x4096xf32>
    %add3A_82 = arith.constant 8.308850e-03 : f32
    %add3A_83 = vector.broadcast %add3A_82 : f32 to vector<32x4096xf32>
    %add3A_84 = arith.addf %mul3A_81, %add3A_83 : vector<32x4096xf32>
    %mul3A_85 = arith.mulf %add3A_84, %mul3A_74 : vector<32x4096xf32>
    %add3A_86 = arith.constant -0.16662401 : f32
    %add3A_87 = vector.broadcast %add3A_86 : f32 to vector<32x4096xf32>
    %add3A_88 = arith.addf %mul3A_85, %add3A_87 : vector<32x4096xf32>
    %mul3A_89 = arith.mulf %add3A_88, %mul3A_74 : vector<32x4096xf32>
    %add3A_90 = arith.constant 0.999979138 : f32
    %add3A_91 = vector.broadcast %add3A_90 : f32 to vector<32x4096xf32>
    %add3A_92 = arith.addf %mul3A_89, %add3A_91 : vector<32x4096xf32>
    %mul3A_93 = arith.mulf %sub3A_73, %add3A_92 : vector<32x4096xf32>
    %get3A_94 = arith.constant 0 : index
    %get3A_95 = arith.constant 0 : index
    %get3A_96 = vector.load %arg4[%get3A_94, %get3A_95] : memref<192x128xf32, #tpu.memory_space<vmem>>, vector<192x128xf32>
    %get3A_97 = arith.constant 0 : index
    %get3A_98 = arith.constant 0 : index
    %get3A_99 = vector.load %arg1[%get3A_97, %get3A_98] : memref<4096x128xf32, #tpu.memory_space<vmem>>, vector<4096x128xf32>
    %slice3A_100 = vector.extract_strided_slice %get3A_96 {offsets = [0, 0], sizes = [128, 128], strides = [1, 1]} : vector<192x128xf32> to vector<128x128xf32>
    %dot_general3A = arith.constant dense<0.000000e+00> : vector<4096x128xf32>
    %dot_general3A_101 = tpu.matmul %get3A_99, %slice3A_100, %dot_general3A {dimension_numbers = #tpu.dot_dimension_numbers<[1], [0], [0], [1], [0, 0, 1, 1], [], []>, transpose_lhs_hint = false} : vector<4096x128xf32>, vector<128x128xf32>, vector<4096x128xf32> -> vector<4096x128xf32>
    %slice3A_102 = vector.extract_strided_slice %get3A_96 {offsets = [128, 0], sizes = [32, 128], strides = [1, 1]} : vector<192x128xf32> to vector<32x128xf32>
    %dot_general3A_103 = arith.constant dense<0.000000e+00> : vector<4096x128xf32>
    %dot_general3A_104 = tpu.matmul %mul3A_47, %slice3A_102, %dot_general3A_103 {dimension_numbers = #tpu.dot_dimension_numbers<[0], [0], [1], [1], [0, 1, 1, 1], [], []>, transpose_lhs_hint = false} : vector<32x4096xf32>, vector<32x128xf32>, vector<4096x128xf32> -> vector<4096x128xf32>
    %add3A_105 = arith.addf %dot_general3A_101, %dot_general3A_104 : vector<4096x128xf32>
    %slice3A_106 = vector.extract_strided_slice %get3A_96 {offsets = [160, 0], sizes = [32, 128], strides = [1, 1]} : vector<192x128xf32> to vector<32x128xf32>
    %dot_general3A_107 = arith.constant dense<0.000000e+00> : vector<4096x128xf32>
    %dot_general3A_108 = tpu.matmul %mul3A_93, %slice3A_106, %dot_general3A_107 {dimension_numbers = #tpu.dot_dimension_numbers<[0], [0], [1], [1], [0, 1, 1, 1], [], []>, transpose_lhs_hint = false} : vector<32x4096xf32>, vector<32x128xf32>, vector<4096x128xf32> -> vector<4096x128xf32>
    %add3A_109 = arith.addf %add3A_105, %dot_general3A_108 : vector<4096x128xf32>
    %get3A_110 = arith.constant 0 : index
    %get3A_111 = arith.constant 0 : index
    %get3A_112 = vector.load %arg5[%get3A_110, %get3A_111] : memref<1x128xf32, #tpu.memory_space<vmem>>, vector<1x128xf32>
    %add3A_113 = vector.broadcast %get3A_112 : vector<1x128xf32> to vector<4096x128xf32>
    %add3A_114 = arith.addf %add3A_109, %add3A_113 : vector<4096x128xf32>
    %tanh3A = math.tanh %add3A_114 : vector<4096x128xf32>
    %get3A_115 = arith.constant 0 : index
    %get3A_116 = arith.constant 0 : index
    %get3A_117 = vector.load %arg3[%get3A_115, %get3A_116] : memref<512x1xf32, #tpu.memory_space<vmem>>, vector<512x1xf32>
    %slice3A_118 = vector.extract_strided_slice %get3A_117 {offsets = [0, 0], sizes = [9, 1], strides = [1, 1]} : vector<512x1xf32> to vector<9x1xf32>
    %eq3A = vector.broadcast %slice3A_118 : vector<9x1xf32> to vector<9x4096xf32>
    %eq3A_119 = vector.broadcast %slice3A_3 : vector<1x4096xf32> to vector<9x4096xf32>
    %eq3A_120 = arith.cmpf oeq, %eq3A, %eq3A_119 : vector<9x4096xf32>
    %jit3A = arith.constant 1.000000e+00 : f32
    %jit3A_121 = arith.constant 0.000000e+00 : f32
    %broadcast_in_dim3A = vector.broadcast %jit3A : f32 to vector<9x4096xf32>
    %broadcast_in_dim3A_122 = vector.broadcast %jit3A_121 : f32 to vector<9x4096xf32>
    %select_n3A = arith.select %eq3A_120, %broadcast_in_dim3A, %broadcast_in_dim3A_122 : vector<9x4096xi1>, vector<9x4096xf32>
    %slice3A_123 = vector.extract_strided_slice %get3A_117 {offsets = [0, 0], sizes = [3, 1], strides = [1, 1]} : vector<512x1xf32> to vector<3x1xf32>
    %eq3A_124 = vector.broadcast %slice3A_123 : vector<3x1xf32> to vector<3x4096xf32>
    %eq3A_125 = vector.broadcast %slice3A_5 : vector<1x4096xf32> to vector<3x4096xf32>
    %eq3A_126 = arith.cmpf oeq, %eq3A_124, %eq3A_125 : vector<3x4096xf32>
    %jit3A_127 = arith.constant 1.000000e+00 : f32
    %jit3A_128 = arith.constant 0.000000e+00 : f32
    %broadcast_in_dim3A_129 = vector.broadcast %jit3A_127 : f32 to vector<3x4096xf32>
    %broadcast_in_dim3A_130 = vector.broadcast %jit3A_128 : f32 to vector<3x4096xf32>
    %select_n3A_131 = arith.select %eq3A_126, %broadcast_in_dim3A_129, %broadcast_in_dim3A_130 : vector<3x4096xi1>, vector<3x4096xf32>
    %eq3A_132 = vector.broadcast %get3A_117 : vector<512x1xf32> to vector<512x4096xf32>
    %eq3A_133 = vector.broadcast %slice3A_4 : vector<1x4096xf32> to vector<512x4096xf32>
    %eq3A_134 = arith.cmpf oeq, %eq3A_132, %eq3A_133 : vector<512x4096xf32>
    %jit3A_135 = arith.constant 1.000000e+00 : f32
    %jit3A_136 = arith.constant 0.000000e+00 : f32
    %broadcast_in_dim3A_137 = vector.broadcast %jit3A_135 : f32 to vector<512x4096xf32>
    %broadcast_in_dim3A_138 = vector.broadcast %jit3A_136 : f32 to vector<512x4096xf32>
    %select_n3A_139 = arith.select %eq3A_134, %broadcast_in_dim3A_137, %broadcast_in_dim3A_138 : vector<512x4096xi1>, vector<512x4096xf32>
    %get3A_140 = arith.constant 0 : index
    %get3A_141 = arith.constant 0 : index
    %get3A_142 = vector.load %arg10[%get3A_140, %get3A_141] : memref<9x128xf32, #tpu.memory_space<vmem>>, vector<9x128xf32>
    %dot_general3A_143 = arith.constant dense<0.000000e+00> : vector<4096x128xf32>
    %dot_general3A_144 = tpu.matmul %select_n3A, %get3A_142, %dot_general3A_143 {dimension_numbers = #tpu.dot_dimension_numbers<[0], [0], [1], [1], [0, 1, 1, 1], [], []>, transpose_lhs_hint = false} : vector<9x4096xf32>, vector<9x128xf32>, vector<4096x128xf32> -> vector<4096x128xf32>
    %get3A_145 = arith.constant 0 : index
    %get3A_146 = arith.constant 0 : index
    %get3A_147 = vector.load %arg11[%get3A_145, %get3A_146] : memref<3x128xf32, #tpu.memory_space<vmem>>, vector<3x128xf32>
    %dot_general3A_148 = arith.constant dense<0.000000e+00> : vector<4096x128xf32>
    %dot_general3A_149 = tpu.matmul %select_n3A_131, %get3A_147, %dot_general3A_148 {dimension_numbers = #tpu.dot_dimension_numbers<[0], [0], [1], [1], [0, 1, 1, 1], [], []>, transpose_lhs_hint = false} : vector<3x4096xf32>, vector<3x128xf32>, vector<4096x128xf32> -> vector<4096x128xf32>
    %add3A_150 = arith.addf %dot_general3A_144, %dot_general3A_149 : vector<4096x128xf32>
    %get3A_151 = arith.constant 0 : index
    %get3A_152 = arith.constant 0 : index
    %get3A_153 = vector.load %arg12[%get3A_151, %get3A_152] : memref<512x128xf32, #tpu.memory_space<vmem>>, vector<512x128xf32>
    %dot_general3A_154 = arith.constant dense<0.000000e+00> : vector<4096x128xf32>
    %dot_general3A_155 = tpu.matmul %select_n3A_139, %get3A_153, %dot_general3A_154 {dimension_numbers = #tpu.dot_dimension_numbers<[0], [0], [1], [1], [0, 1, 1, 1], [], []>, transpose_lhs_hint = false} : vector<512x4096xf32>, vector<512x128xf32>, vector<4096x128xf32> -> vector<4096x128xf32>
    %add3A_156 = arith.addf %add3A_150, %dot_general3A_155 : vector<4096x128xf32>
    %add3A_157 = arith.addf %tanh3A, %add3A_156 : vector<4096x128xf32>
    %reduce_sum3A = arith.constant dense<0.000000e+00> : vector<4096xf32>
    %reduce_sum3A_158 = vector.multi_reduction <add>, %add3A_157, %reduce_sum3A [1] : vector<4096x128xf32> to vector<4096xf32>
    %broadcast_in_dim3A_159 = vector.shape_cast %reduce_sum3A_158 : vector<4096xf32> to vector<4096x1xf32>
    %div3A = arith.constant 1.280000e+02 : f32
    %div3A_160 = vector.broadcast %div3A : f32 to vector<4096x1xf32>
    %div3A_161 = arith.divf %broadcast_in_dim3A_159, %div3A_160 : vector<4096x1xf32>
    %sub3A_162 = vector.broadcast %div3A_161 : vector<4096x1xf32> to vector<4096x128xf32>
    %sub3A_163 = arith.subf %add3A_157, %sub3A_162 : vector<4096x128xf32>
    %mul3A_164 = arith.mulf %sub3A_163, %sub3A_163 : vector<4096x128xf32>
    %reduce_sum3A_165 = arith.constant dense<0.000000e+00> : vector<4096xf32>
    %reduce_sum3A_166 = vector.multi_reduction <add>, %mul3A_164, %reduce_sum3A_165 [1] : vector<4096x128xf32> to vector<4096xf32>
    %broadcast_in_dim3A_167 = vector.shape_cast %reduce_sum3A_166 : vector<4096xf32> to vector<4096x1xf32>
    %div3A_168 = arith.constant 1.280000e+02 : f32
    %div3A_169 = vector.broadcast %div3A_168 : f32 to vector<4096x1xf32>
    %div3A_170 = arith.divf %broadcast_in_dim3A_167, %div3A_169 : vector<4096x1xf32>
    %add3A_171 = arith.constant 9.99999996E-13 : f32
    %add3A_172 = vector.broadcast %add3A_171 : f32 to vector<4096x1xf32>
    %add3A_173 = arith.addf %div3A_170, %add3A_172 : vector<4096x1xf32>
    %rsqrt3A = math.rsqrt %add3A_173 : vector<4096x1xf32>
    %mul3A_174 = vector.broadcast %rsqrt3A : vector<4096x1xf32> to vector<4096x128xf32>
    %mul3A_175 = arith.mulf %sub3A_163, %mul3A_174 : vector<4096x128xf32>
    %get3A_176 = arith.constant 0 : index
    %get3A_177 = arith.constant 0 : index
    %get3A_178 = vector.load %arg13[%get3A_176, %get3A_177] : memref<1x128xf32, #tpu.memory_space<vmem>>, vector<1x128xf32>
    %mul3A_179 = vector.broadcast %get3A_178 : vector<1x128xf32> to vector<4096x128xf32>
    %mul3A_180 = arith.mulf %mul3A_175, %mul3A_179 : vector<4096x128xf32>
    %get3A_181 = arith.constant 0 : index
    %get3A_182 = arith.constant 0 : index
    %get3A_183 = vector.load %arg14[%get3A_181, %get3A_182] : memref<1x128xf32, #tpu.memory_space<vmem>>, vector<1x128xf32>
    %add3A_184 = vector.broadcast %get3A_183 : vector<1x128xf32> to vector<4096x128xf32>
    %add3A_185 = arith.addf %mul3A_180, %add3A_184 : vector<4096x128xf32>
    %swap3A = arith.constant 0 : index
    %swap3A_186 = arith.constant 0 : index
    %swap3A_187 = vector.load %arg15[%swap3A, %swap3A_186] : memref<4096x128xf32, #tpu.memory_space<vmem>>, vector<4096x128xf32>
    tpu.vector_store %arg15[%swap3A, %swap3A_186], %add3A_185 {strides = array<i32>} : memref<4096x128xf32, #tpu.memory_space<vmem>>, vector<4096x128xf32>,
    return
  }
  func.func @transform_0(%arg0: i32) -> (i32, i32) {
    %c0_i32 = arith.constant 0 : i32
    %c0_i32_0 = arith.constant 0 : i32
    return %arg0, %c0_i32 : i32, i32
  }
  func.func @transform_1(%arg0: i32) -> (i32, i32) {
    %c0_i32 = arith.constant 0 : i32
    %c0_i32_0 = arith.constant 0 : i32
    return %c0_i32, %arg0 : i32, i32
  }
  func.func @transform_2(%arg0: i32) -> (i32, i32) {
    %c0_i32 = arith.constant 0 : i32
    %c0_i32_0 = arith.constant 0 : i32
    %c0_i32_1 = arith.constant 0 : i32
    return %c0_i32, %c0_i32_0 : i32, i32
  }
  func.func @transform_3(%arg0: i32) -> (i32, i32) {
    %c0_i32 = arith.constant 0 : i32
    %c0_i32_0 = arith.constant 0 : i32
    %c0_i32_1 = arith.constant 0 : i32
    return %c0_i32, %c0_i32_0 : i32, i32
  }
  func.func @transform_4(%arg0: i32) -> (i32, i32) {
    %c0_i32 = arith.constant 0 : i32
    %c0_i32_0 = arith.constant 0 : i32
    %c0_i32_1 = arith.constant 0 : i32
    return %c0_i32, %c0_i32_0 : i32, i32
  }
  func.func @transform_5(%arg0: i32) -> (i32, i32) {
    %c0_i32 = arith.constant 0 : i32
    %c0_i32_0 = arith.constant 0 : i32
    %c0_i32_1 = arith.constant 0 : i32
    return %c0_i32, %c0_i32_0 : i32, i32
  }
  func.func @transform_6(%arg0: i32) -> (i32, i32) {
    %c0_i32 = arith.constant 0 : i32
    %c0_i32_0 = arith.constant 0 : i32
    %c0_i32_1 = arith.constant 0 : i32
    return %c0_i32, %c0_i32_0 : i32, i32
  }
  func.func @transform_7(%arg0: i32) -> (i32, i32) {
    %c0_i32 = arith.constant 0 : i32
    %c0_i32_0 = arith.constant 0 : i32
    %c0_i32_1 = arith.constant 0 : i32
    return %c0_i32, %c0_i32_0 : i32, i32
  }
  func.func @transform_8(%arg0: i32) -> (i32, i32) {
    %c0_i32 = arith.constant 0 : i32
    %c0_i32_0 = arith.constant 0 : i32
    %c0_i32_1 = arith.constant 0 : i32
    return %c0_i32, %c0_i32_0 : i32, i32
  }
  func.func @transform_9(%arg0: i32) -> (i32, i32) {
    %c0_i32 = arith.constant 0 : i32
    %c0_i32_0 = arith.constant 0 : i32
    %c0_i32_1 = arith.constant 0 : i32
    return %c0_i32, %c0_i32_0 : i32, i32
  }
  func.func @transform_10(%arg0: i32) -> (i32, i32) {
    %c0_i32 = arith.constant 0 : i32
    %c0_i32_0 = arith.constant 0 : i32
    %c0_i32_1 = arith.constant 0 : i32
    return %c0_i32, %c0_i32_0 : i32, i32
  }
  func.func @transform_11(%arg0: i32) -> (i32, i32) {
    %c0_i32 = arith.constant 0 : i32
    %c0_i32_0 = arith.constant 0 : i32
    %c0_i32_1 = arith.constant 0 : i32
    return %c0_i32, %c0_i32_0 : i32, i32
  }
  func.func @transform_12(%arg0: i32) -> (i32, i32) {
    %c0_i32 = arith.constant 0 : i32
    %c0_i32_0 = arith.constant 0 : i32
    %c0_i32_1 = arith.constant 0 : i32
    return %c0_i32, %c0_i32_0 : i32, i32
  }
  func.func @transform_13(%arg0: i32) -> (i32, i32) {
    %c0_i32 = arith.constant 0 : i32
    %c0_i32_0 = arith.constant 0 : i32
    %c0_i32_1 = arith.constant 0 : i32
    return %c0_i32, %c0_i32_0 : i32, i32
  }
  func.func @transform_14(%arg0: i32) -> (i32, i32) {
    %add3A = arith.constant 0 : i32
    %add3A_0 = arith.addi %add3A, %arg0 : i32
    %c0_i32 = arith.constant 0 : i32
    %c0_i32_1 = arith.constant 0 : i32
    return %add3A_0, %c0_i32 : i32, i32
  }
}

module attributes {stable_mosaic.version = 14 : i64} {
  func.func @_lambda_(%arg0: i32, %arg1: memref<4096x128xf32, #tpu.memory_space<vmem>>, %arg2: memref<5x4096xf32, #tpu.memory_space<vmem>>, %arg3: memref<512x1xf32, #tpu.memory_space<vmem>>, %arg4: memref<192x128xf32, #tpu.memory_space<vmem>>, %arg5: memref<1x128xf32, #tpu.memory_space<vmem>>, %arg6: memref<32x1xf32, #tpu.memory_space<vmem>>, %arg7: memref<32x1xf32, #tpu.memory_space<vmem>>, %arg8: memref<32x1xf32, #tpu.memory_space<vmem>>, %arg9: memref<32x1xf32, #tpu.memory_space<vmem>>, %arg10: memref<9x128xf32, #tpu.memory_space<vmem>>, %arg11: memref<3x128xf32, #tpu.memory_space<vmem>>, %arg12: memref<512x128xf32, #tpu.memory_space<vmem>>, %arg13: memref<1x128xf32, #tpu.memory_space<vmem>>, %arg14: memref<1x128xf32, #tpu.memory_space<vmem>>, %arg15: memref<204800x128xf32, #tpu.memory_space<any>>, %arg16: memref<4096x128xf32, #tpu.memory_space<vmem>>) attributes {dimension_semantics = [#tpu.dimension_semantics<arbitrary>], iteration_bounds = array<i64: 10>, scalar_prefetch = 0 : i64, scratch_operands = 0 : i64, tpu.core_type = #tpu.core_type<tc>, window_params = [{transform_indices = @transform_0, window_bounds = array<i64: 4096, 128>}, {transform_indices = @transform_1, window_bounds = array<i64: 5, 4096>}, {pipeline_mode = #tpu.pipeline_mode<synchronous>, transform_indices = @transform_2, window_bounds = array<i64: 512, 1>}, {pipeline_mode = #tpu.pipeline_mode<synchronous>, transform_indices = @transform_3, window_bounds = array<i64: 192, 128>}, {pipeline_mode = #tpu.pipeline_mode<synchronous>, transform_indices = @transform_4, window_bounds = array<i64: 1, 128>}, {pipeline_mode = #tpu.pipeline_mode<synchronous>, transform_indices = @transform_5, window_bounds = array<i64: 32, 1>}, {pipeline_mode = #tpu.pipeline_mode<synchronous>, transform_indices = @transform_6, window_bounds = array<i64: 32, 1>}, {pipeline_mode = #tpu.pipeline_mode<synchronous>, transform_indices = @transform_7, window_bounds = array<i64: 32, 1>}, {pipeline_mode = #tpu.pipeline_mode<synchronous>, transform_indices = @transform_8, window_bounds = array<i64: 32, 1>}, {pipeline_mode = #tpu.pipeline_mode<synchronous>, transform_indices = @transform_9, window_bounds = array<i64: 9, 128>}, {pipeline_mode = #tpu.pipeline_mode<synchronous>, transform_indices = @transform_10, window_bounds = array<i64: 3, 128>}, {pipeline_mode = #tpu.pipeline_mode<synchronous>, transform_indices = @transform_11, window_bounds = array<i64: 512, 128>}, {pipeline_mode = #tpu.pipeline_mode<synchronous>, transform_indices = @transform_12, window_bounds = array<i64: 1, 128>}, {pipeline_mode = #tpu.pipeline_mode<synchronous>, transform_indices = @transform_13, window_bounds = array<i64: 1, 128>}, {}, {transform_indices = @transform_15, window_bounds = array<i64: 4096, 128>}]} {
    %get3A = arith.constant 0 : index
    %get3A_0 = arith.constant 0 : index
    %get3A_1 = vector.load %arg2[%get3A, %get3A_0] : memref<5x4096xf32, #tpu.memory_space<vmem>>, vector<5x4096xf32>
    %slice3A = vector.extract_strided_slice %get3A_1 {offsets = [0, 0], sizes = [1, 4096], strides = [1, 1]} : vector<5x4096xf32> to vector<1x4096xf32>
    %slice3A_2 = vector.extract_strided_slice %get3A_1 {offsets = [1, 0], sizes = [1, 4096], strides = [1, 1]} : vector<5x4096xf32> to vector<1x4096xf32>
    %slice3A_3 = vector.extract_strided_slice %get3A_1 {offsets = [2, 0], sizes = [1, 4096], strides = [1, 1]} : vector<5x4096xf32> to vector<1x4096xf32>
    %slice3A_4 = vector.extract_strided_slice %get3A_1 {offsets = [3, 0], sizes = [1, 4096], strides = [1, 1]} : vector<5x4096xf32> to vector<1x4096xf32>
    %slice3A_5 = vector.extract_strided_slice %get3A_1 {offsets = [4, 0], sizes = [1, 4096], strides = [1, 1]} : vector<5x4096xf32> to vector<1x4096xf32>
    %get3A_6 = arith.constant 0 : index
    %get3A_7 = arith.constant 0 : index
    %get3A_8 = vector.load %arg6[%get3A_6, %get3A_7] : memref<32x1xf32, #tpu.memory_space<vmem>>, vector<32x1xf32>
    %mul3A = vector.broadcast %get3A_8 : vector<32x1xf32> to vector<32x4096xf32>
    %mul3A_9 = vector.broadcast %slice3A : vector<1x4096xf32> to vector<32x4096xf32>
    %mul3A_10 = arith.mulf %mul3A, %mul3A_9 : vector<32x4096xf32>
    %get3A_11 = arith.constant 0 : index
    %get3A_12 = arith.constant 0 : index
    %get3A_13 = vector.load %arg7[%get3A_11, %get3A_12] : memref<32x1xf32, #tpu.memory_space<vmem>>, vector<32x1xf32>
    %add3A = vector.broadcast %get3A_13 : vector<32x1xf32> to vector<32x4096xf32>
    %add3A_14 = arith.addf %mul3A_10, %add3A : vector<32x4096xf32>
    %mul3A_15 = arith.constant 0.159154937 : f32
    %mul3A_16 = vector.broadcast %mul3A_15 : f32 to vector<32x4096xf32>
    %mul3A_17 = arith.mulf %add3A_14, %mul3A_16 : vector<32x4096xf32>
    %add3A_18 = arith.constant 5.000000e-01 : f32
    %add3A_19 = vector.broadcast %add3A_18 : f32 to vector<32x4096xf32>
    %add3A_20 = arith.addf %mul3A_17, %add3A_19 : vector<32x4096xf32>
    %floor3A = math.floor %add3A_20 : vector<32x4096xf32>
    %mul3A_21 = arith.constant 6.281250e+00 : f32
    %mul3A_22 = vector.broadcast %mul3A_21 : f32 to vector<32x4096xf32>
    %mul3A_23 = arith.mulf %floor3A, %mul3A_22 : vector<32x4096xf32>
    %sub3A = arith.subf %add3A_14, %mul3A_23 : vector<32x4096xf32>
    %mul3A_24 = arith.constant 0.00193530717 : f32
    %mul3A_25 = vector.broadcast %mul3A_24 : f32 to vector<32x4096xf32>
    %mul3A_26 = arith.mulf %floor3A, %mul3A_25 : vector<32x4096xf32>
    %sub3A_27 = arith.subf %sub3A, %mul3A_26 : vector<32x4096xf32>
    %mul3A_28 = arith.mulf %sub3A_27, %sub3A_27 : vector<32x4096xf32>
    %mul3A_29 = arith.constant 2.1470546E-6 : f32
    %mul3A_30 = vector.broadcast %mul3A_29 : f32 to vector<32x4096xf32>
    %mul3A_31 = arith.mulf %mul3A_30, %mul3A_28 : vector<32x4096xf32>
    %add3A_32 = arith.constant -1.92631793E-4 : f32
    %add3A_33 = vector.broadcast %add3A_32 : f32 to vector<32x4096xf32>
    %add3A_34 = arith.addf %mul3A_31, %add3A_33 : vector<32x4096xf32>
    %mul3A_35 = arith.mulf %add3A_34, %mul3A_28 : vector<32x4096xf32>
    %add3A_36 = arith.constant 8.308850e-03 : f32
    %add3A_37 = vector.broadcast %add3A_36 : f32 to vector<32x4096xf32>
    %add3A_38 = arith.addf %mul3A_35, %add3A_37 : vector<32x4096xf32>
    %mul3A_39 = arith.mulf %add3A_38, %mul3A_28 : vector<32x4096xf32>
    %add3A_40 = arith.constant -0.16662401 : f32
    %add3A_41 = vector.broadcast %add3A_40 : f32 to vector<32x4096xf32>
    %add3A_42 = arith.addf %mul3A_39, %add3A_41 : vector<32x4096xf32>
    %mul3A_43 = arith.mulf %add3A_42, %mul3A_28 : vector<32x4096xf32>
    %add3A_44 = arith.constant 0.999979138 : f32
    %add3A_45 = vector.broadcast %add3A_44 : f32 to vector<32x4096xf32>
    %add3A_46 = arith.addf %mul3A_43, %add3A_45 : vector<32x4096xf32>
    %mul3A_47 = arith.mulf %sub3A_27, %add3A_46 : vector<32x4096xf32>
    %get3A_48 = arith.constant 0 : index
    %get3A_49 = arith.constant 0 : index
    %get3A_50 = vector.load %arg8[%get3A_48, %get3A_49] : memref<32x1xf32, #tpu.memory_space<vmem>>, vector<32x1xf32>
    %mul3A_51 = vector.broadcast %get3A_50 : vector<32x1xf32> to vector<32x4096xf32>
    %mul3A_52 = vector.broadcast %slice3A_2 : vector<1x4096xf32> to vector<32x4096xf32>
    %mul3A_53 = arith.mulf %mul3A_51, %mul3A_52 : vector<32x4096xf32>
    %get3A_54 = arith.constant 0 : index
    %get3A_55 = arith.constant 0 : index
    %get3A_56 = vector.load %arg9[%get3A_54, %get3A_55] : memref<32x1xf32, #tpu.memory_space<vmem>>, vector<32x1xf32>
    %add3A_57 = vector.broadcast %get3A_56 : vector<32x1xf32> to vector<32x4096xf32>
    %add3A_58 = arith.addf %mul3A_53, %add3A_57 : vector<32x4096xf32>
    %mul3A_59 = arith.constant 0.159154937 : f32
    %mul3A_60 = vector.broadcast %mul3A_59 : f32 to vector<32x4096xf32>
    %mul3A_61 = arith.mulf %add3A_58, %mul3A_60 : vector<32x4096xf32>
    %add3A_62 = arith.constant 5.000000e-01 : f32
    %add3A_63 = vector.broadcast %add3A_62 : f32 to vector<32x4096xf32>
    %add3A_64 = arith.addf %mul3A_61, %add3A_63 : vector<32x4096xf32>
    %floor3A_65 = math.floor %add3A_64 : vector<32x4096xf32>
    %mul3A_66 = arith.constant 6.281250e+00 : f32
    %mul3A_67 = vector.broadcast %mul3A_66 : f32 to vector<32x4096xf32>
    %mul3A_68 = arith.mulf %floor3A_65, %mul3A_67 : vector<32x4096xf32>
    %sub3A_69 = arith.subf %add3A_58, %mul3A_68 : vector<32x4096xf32>
    %mul3A_70 = arith.constant 0.00193530717 : f32
    %mul3A_71 = vector.broadcast %mul3A_70 : f32 to vector<32x4096xf32>
    %mul3A_72 = arith.mulf %floor3A_65, %mul3A_71 : vector<32x4096xf32>
    %sub3A_73 = arith.subf %sub3A_69, %mul3A_72 : vector<32x4096xf32>
    %mul3A_74 = arith.mulf %sub3A_73, %sub3A_73 : vector<32x4096xf32>
    %mul3A_75 = arith.constant 2.1470546E-6 : f32
    %mul3A_76 = vector.broadcast %mul3A_75 : f32 to vector<32x4096xf32>
    %mul3A_77 = arith.mulf %mul3A_76, %mul3A_74 : vector<32x4096xf32>
    %add3A_78 = arith.constant -1.92631793E-4 : f32
    %add3A_79 = vector.broadcast %add3A_78 : f32 to vector<32x4096xf32>
    %add3A_80 = arith.addf %mul3A_77, %add3A_79 : vector<32x4096xf32>
    %mul3A_81 = arith.mulf %add3A_80, %mul3A_74 : vector<32x4096xf32>
    %add3A_82 = arith.constant 8.308850e-03 : f32
    %add3A_83 = vector.broadcast %add3A_82 : f32 to vector<32x4096xf32>
    %add3A_84 = arith.addf %mul3A_81, %add3A_83 : vector<32x4096xf32>
    %mul3A_85 = arith.mulf %add3A_84, %mul3A_74 : vector<32x4096xf32>
    %add3A_86 = arith.constant -0.16662401 : f32
    %add3A_87 = vector.broadcast %add3A_86 : f32 to vector<32x4096xf32>
    %add3A_88 = arith.addf %mul3A_85, %add3A_87 : vector<32x4096xf32>
    %mul3A_89 = arith.mulf %add3A_88, %mul3A_74 : vector<32x4096xf32>
    %add3A_90 = arith.constant 0.999979138 : f32
    %add3A_91 = vector.broadcast %add3A_90 : f32 to vector<32x4096xf32>
    %add3A_92 = arith.addf %mul3A_89, %add3A_91 : vector<32x4096xf32>
    %mul3A_93 = arith.mulf %sub3A_73, %add3A_92 : vector<32x4096xf32>
    %get3A_94 = arith.constant 0 : index
    %get3A_95 = arith.constant 0 : index
    %get3A_96 = vector.load %arg4[%get3A_94, %get3A_95] : memref<192x128xf32, #tpu.memory_space<vmem>>, vector<192x128xf32>
    %get3A_97 = arith.constant 0 : index
    %get3A_98 = arith.constant 0 : index
    %get3A_99 = vector.load %arg1[%get3A_97, %get3A_98] : memref<4096x128xf32, #tpu.memory_space<vmem>>, vector<4096x128xf32>
    %slice3A_100 = vector.extract_strided_slice %get3A_96 {offsets = [0, 0], sizes = [128, 128], strides = [1, 1]} : vector<192x128xf32> to vector<128x128xf32>
    %dot_general3A = arith.constant dense<0.000000e+00> : vector<4096x128xf32>
    %dot_general3A_101 = tpu.matmul %get3A_99, %slice3A_100, %dot_general3A {dimension_numbers = #tpu.dot_dimension_numbers<[1], [0], [0], [1], [0, 0, 1, 1], [], []>, transpose_lhs_hint = false} : vector<4096x128xf32>, vector<128x128xf32>, vector<4096x128xf32> -> vector<4096x128xf32>
    %slice3A_102 = vector.extract_strided_slice %get3A_96 {offsets = [128, 0], sizes = [32, 128], strides = [1, 1]} : vector<192x128xf32> to vector<32x128xf32>
    %dot_general3A_103 = arith.constant dense<0.000000e+00> : vector<4096x128xf32>
    %dot_general3A_104 = tpu.matmul %mul3A_47, %slice3A_102, %dot_general3A_103 {dimension_numbers = #tpu.dot_dimension_numbers<[0], [0], [1], [1], [0, 1, 1, 1], [], []>, transpose_lhs_hint = false} : vector<32x4096xf32>, vector<32x128xf32>, vector<4096x128xf32> -> vector<4096x128xf32>
    %add3A_105 = arith.addf %dot_general3A_101, %dot_general3A_104 : vector<4096x128xf32>
    %slice3A_106 = vector.extract_strided_slice %get3A_96 {offsets = [160, 0], sizes = [32, 128], strides = [1, 1]} : vector<192x128xf32> to vector<32x128xf32>
    %dot_general3A_107 = arith.constant dense<0.000000e+00> : vector<4096x128xf32>
    %dot_general3A_108 = tpu.matmul %mul3A_93, %slice3A_106, %dot_general3A_107 {dimension_numbers = #tpu.dot_dimension_numbers<[0], [0], [1], [1], [0, 1, 1, 1], [], []>, transpose_lhs_hint = false} : vector<32x4096xf32>, vector<32x128xf32>, vector<4096x128xf32> -> vector<4096x128xf32>
    %add3A_109 = arith.addf %add3A_105, %dot_general3A_108 : vector<4096x128xf32>
    %get3A_110 = arith.constant 0 : index
    %get3A_111 = arith.constant 0 : index
    %get3A_112 = vector.load %arg5[%get3A_110, %get3A_111] : memref<1x128xf32, #tpu.memory_space<vmem>>, vector<1x128xf32>
    %add3A_113 = vector.broadcast %get3A_112 : vector<1x128xf32> to vector<4096x128xf32>
    %add3A_114 = arith.addf %add3A_109, %add3A_113 : vector<4096x128xf32>
    %tanh3A = math.tanh %add3A_114 : vector<4096x128xf32>
    %get3A_115 = arith.constant 0 : index
    %get3A_116 = arith.constant 0 : index
    %get3A_117 = vector.load %arg3[%get3A_115, %get3A_116] : memref<512x1xf32, #tpu.memory_space<vmem>>, vector<512x1xf32>
    %slice3A_118 = vector.extract_strided_slice %get3A_117 {offsets = [0, 0], sizes = [9, 1], strides = [1, 1]} : vector<512x1xf32> to vector<9x1xf32>
    %eq3A = vector.broadcast %slice3A_118 : vector<9x1xf32> to vector<9x4096xf32>
    %eq3A_119 = vector.broadcast %slice3A_3 : vector<1x4096xf32> to vector<9x4096xf32>
    %eq3A_120 = arith.cmpf oeq, %eq3A, %eq3A_119 : vector<9x4096xf32>
    %jit3A = arith.constant 1.000000e+00 : f32
    %jit3A_121 = arith.constant 0.000000e+00 : f32
    %broadcast_in_dim3A = vector.broadcast %jit3A : f32 to vector<9x4096xf32>
    %broadcast_in_dim3A_122 = vector.broadcast %jit3A_121 : f32 to vector<9x4096xf32>
    %select_n3A = arith.select %eq3A_120, %broadcast_in_dim3A, %broadcast_in_dim3A_122 : vector<9x4096xi1>, vector<9x4096xf32>
    %slice3A_123 = vector.extract_strided_slice %get3A_117 {offsets = [0, 0], sizes = [3, 1], strides = [1, 1]} : vector<512x1xf32> to vector<3x1xf32>
    %eq3A_124 = vector.broadcast %slice3A_123 : vector<3x1xf32> to vector<3x4096xf32>
    %eq3A_125 = vector.broadcast %slice3A_5 : vector<1x4096xf32> to vector<3x4096xf32>
    %eq3A_126 = arith.cmpf oeq, %eq3A_124, %eq3A_125 : vector<3x4096xf32>
    %jit3A_127 = arith.constant 1.000000e+00 : f32
    %jit3A_128 = arith.constant 0.000000e+00 : f32
    %broadcast_in_dim3A_129 = vector.broadcast %jit3A_127 : f32 to vector<3x4096xf32>
    %broadcast_in_dim3A_130 = vector.broadcast %jit3A_128 : f32 to vector<3x4096xf32>
    %select_n3A_131 = arith.select %eq3A_126, %broadcast_in_dim3A_129, %broadcast_in_dim3A_130 : vector<3x4096xi1>, vector<3x4096xf32>
    %eq3A_132 = vector.broadcast %get3A_117 : vector<512x1xf32> to vector<512x4096xf32>
    %eq3A_133 = vector.broadcast %slice3A_4 : vector<1x4096xf32> to vector<512x4096xf32>
    %eq3A_134 = arith.cmpf oeq, %eq3A_132, %eq3A_133 : vector<512x4096xf32>
    %jit3A_135 = arith.constant 1.000000e+00 : f32
    %jit3A_136 = arith.constant 0.000000e+00 : f32
    %broadcast_in_dim3A_137 = vector.broadcast %jit3A_135 : f32 to vector<512x4096xf32>
    %broadcast_in_dim3A_138 = vector.broadcast %jit3A_136 : f32 to vector<512x4096xf32>
    %select_n3A_139 = arith.select %eq3A_134, %broadcast_in_dim3A_137, %broadcast_in_dim3A_138 : vector<512x4096xi1>, vector<512x4096xf32>
    %get3A_140 = arith.constant 0 : index
    %get3A_141 = arith.constant 0 : index
    %get3A_142 = vector.load %arg10[%get3A_140, %get3A_141] : memref<9x128xf32, #tpu.memory_space<vmem>>, vector<9x128xf32>
    %dot_general3A_143 = arith.constant dense<0.000000e+00> : vector<4096x128xf32>
    %dot_general3A_144 = tpu.matmul %select_n3A, %get3A_142, %dot_general3A_143 {dimension_numbers = #tpu.dot_dimension_numbers<[0], [0], [1], [1], [0, 1, 1, 1], [], []>, transpose_lhs_hint = false} : vector<9x4096xf32>, vector<9x128xf32>, vector<4096x128xf32> -> vector<4096x128xf32>
    %get3A_145 = arith.constant 0 : index
    %get3A_146 = arith.constant 0 : index
    %get3A_147 = vector.load %arg11[%get3A_145, %get3A_146] : memref<3x128xf32, #tpu.memory_space<vmem>>, vector<3x128xf32>
    %dot_general3A_148 = arith.constant dense<0.000000e+00> : vector<4096x128xf32>
    %dot_general3A_149 = tpu.matmul %select_n3A_131, %get3A_147, %dot_general3A_148 {dimension_numbers = #tpu.dot_dimension_numbers<[0], [0], [1], [1], [0, 1, 1, 1], [], []>, transpose_lhs_hint = false} : vector<3x4096xf32>, vector<3x128xf32>, vector<4096x128xf32> -> vector<4096x128xf32>
    %add3A_150 = arith.addf %dot_general3A_144, %dot_general3A_149 : vector<4096x128xf32>
    %get3A_151 = arith.constant 0 : index
    %get3A_152 = arith.constant 0 : index
    %get3A_153 = vector.load %arg12[%get3A_151, %get3A_152] : memref<512x128xf32, #tpu.memory_space<vmem>>, vector<512x128xf32>
    %dot_general3A_154 = arith.constant dense<0.000000e+00> : vector<4096x128xf32>
    %dot_general3A_155 = tpu.matmul %select_n3A_139, %get3A_153, %dot_general3A_154 {dimension_numbers = #tpu.dot_dimension_numbers<[0], [0], [1], [1], [0, 1, 1, 1], [], []>, transpose_lhs_hint = false} : vector<512x4096xf32>, vector<512x128xf32>, vector<4096x128xf32> -> vector<4096x128xf32>
    %add3A_156 = arith.addf %add3A_150, %dot_general3A_155 : vector<4096x128xf32>
    %add3A_157 = arith.addf %tanh3A, %add3A_156 : vector<4096x128xf32>
    %reduce_sum3A = arith.constant dense<0.000000e+00> : vector<4096xf32>
    %reduce_sum3A_158 = vector.multi_reduction <add>, %add3A_157, %reduce_sum3A [1] : vector<4096x128xf32> to vector<4096xf32>
    %broadcast_in_dim3A_159 = vector.shape_cast %reduce_sum3A_158 : vector<4096xf32> to vector<4096x1xf32>
    %div3A = arith.constant 1.280000e+02 : f32
    %div3A_160 = vector.broadcast %div3A : f32 to vector<4096x1xf32>
    %div3A_161 = arith.divf %broadcast_in_dim3A_159, %div3A_160 : vector<4096x1xf32>
    %sub3A_162 = vector.broadcast %div3A_161 : vector<4096x1xf32> to vector<4096x128xf32>
    %sub3A_163 = arith.subf %add3A_157, %sub3A_162 : vector<4096x128xf32>
    %mul3A_164 = arith.mulf %sub3A_163, %sub3A_163 : vector<4096x128xf32>
    %reduce_sum3A_165 = arith.constant dense<0.000000e+00> : vector<4096xf32>
    %reduce_sum3A_166 = vector.multi_reduction <add>, %mul3A_164, %reduce_sum3A_165 [1] : vector<4096x128xf32> to vector<4096xf32>
    %broadcast_in_dim3A_167 = vector.shape_cast %reduce_sum3A_166 : vector<4096xf32> to vector<4096x1xf32>
    %div3A_168 = arith.constant 1.280000e+02 : f32
    %div3A_169 = vector.broadcast %div3A_168 : f32 to vector<4096x1xf32>
    %div3A_170 = arith.divf %broadcast_in_dim3A_167, %div3A_169 : vector<4096x1xf32>
    %add3A_171 = arith.constant 9.99999996E-13 : f32
    %add3A_172 = vector.broadcast %add3A_171 : f32 to vector<4096x1xf32>
    %add3A_173 = arith.addf %div3A_170, %add3A_172 : vector<4096x1xf32>
    %rsqrt3A = math.rsqrt %add3A_173 : vector<4096x1xf32>
    %mul3A_174 = vector.broadcast %rsqrt3A : vector<4096x1xf32> to vector<4096x128xf32>
    %mul3A_175 = arith.mulf %sub3A_163, %mul3A_174 : vector<4096x128xf32>
    %get3A_176 = arith.constant 0 : index
    %get3A_177 = arith.constant 0 : index
    %get3A_178 = vector.load %arg13[%get3A_176, %get3A_177] : memref<1x128xf32, #tpu.memory_space<vmem>>, vector<1x128xf32>
    %mul3A_179 = vector.broadcast %get3A_178 : vector<1x128xf32> to vector<4096x128xf32>
    %mul3A_180 = arith.mulf %mul3A_175, %mul3A_179 : vector<4096x128xf32>
    %get3A_181 = arith.constant 0 : index
    %get3A_182 = arith.constant 0 : index
    %get3A_183 = vector.load %arg14[%get3A_181, %get3A_182] : memref<1x128xf32, #tpu.memory_space<vmem>>, vector<1x128xf32>
    %add3A_184 = vector.broadcast %get3A_183 : vector<1x128xf32> to vector<4096x128xf32>
    %add3A_185 = arith.addf %mul3A_180, %add3A_184 : vector<4096x128xf32>
    %swap3A = arith.constant 0 : index
    %swap3A_186 = arith.constant 0 : index
    %swap3A_187 = vector.load %arg16[%swap3A, %swap3A_186] : memref<4096x128xf32, #tpu.memory_space<vmem>>, vector<4096x128xf32>
    tpu.vector_store %arg16[%swap3A, %swap3A_186], %add3A_185 {strides = array<i32>} : memref<4096x128xf32, #tpu.memory_space<vmem>>, vector<4096x128xf32>,
    return
  }
  func.func @transform_0(%arg0: i32) -> (i32, i32) {
    %c0_i32 = arith.constant 0 : i32
    %c0_i32_0 = arith.constant 0 : i32
    return %arg0, %c0_i32 : i32, i32
  }
  func.func @transform_1(%arg0: i32) -> (i32, i32) {
    %c0_i32 = arith.constant 0 : i32
    %c0_i32_0 = arith.constant 0 : i32
    return %c0_i32, %arg0 : i32, i32
  }
  func.func @transform_2(%arg0: i32) -> (i32, i32) {
    %c0_i32 = arith.constant 0 : i32
    %c0_i32_0 = arith.constant 0 : i32
    %c0_i32_1 = arith.constant 0 : i32
    return %c0_i32, %c0_i32_0 : i32, i32
  }
  func.func @transform_3(%arg0: i32) -> (i32, i32) {
    %c0_i32 = arith.constant 0 : i32
    %c0_i32_0 = arith.constant 0 : i32
    %c0_i32_1 = arith.constant 0 : i32
    return %c0_i32, %c0_i32_0 : i32, i32
  }
  func.func @transform_4(%arg0: i32) -> (i32, i32) {
    %c0_i32 = arith.constant 0 : i32
    %c0_i32_0 = arith.constant 0 : i32
    %c0_i32_1 = arith.constant 0 : i32
    return %c0_i32, %c0_i32_0 : i32, i32
  }
  func.func @transform_5(%arg0: i32) -> (i32, i32) {
    %c0_i32 = arith.constant 0 : i32
    %c0_i32_0 = arith.constant 0 : i32
    %c0_i32_1 = arith.constant 0 : i32
    return %c0_i32, %c0_i32_0 : i32, i32
  }
  func.func @transform_6(%arg0: i32) -> (i32, i32) {
    %c0_i32 = arith.constant 0 : i32
    %c0_i32_0 = arith.constant 0 : i32
    %c0_i32_1 = arith.constant 0 : i32
    return %c0_i32, %c0_i32_0 : i32, i32
  }
  func.func @transform_7(%arg0: i32) -> (i32, i32) {
    %c0_i32 = arith.constant 0 : i32
    %c0_i32_0 = arith.constant 0 : i32
    %c0_i32_1 = arith.constant 0 : i32
    return %c0_i32, %c0_i32_0 : i32, i32
  }
  func.func @transform_8(%arg0: i32) -> (i32, i32) {
    %c0_i32 = arith.constant 0 : i32
    %c0_i32_0 = arith.constant 0 : i32
    %c0_i32_1 = arith.constant 0 : i32
    return %c0_i32, %c0_i32_0 : i32, i32
  }
  func.func @transform_9(%arg0: i32) -> (i32, i32) {
    %c0_i32 = arith.constant 0 : i32
    %c0_i32_0 = arith.constant 0 : i32
    %c0_i32_1 = arith.constant 0 : i32
    return %c0_i32, %c0_i32_0 : i32, i32
  }
  func.func @transform_10(%arg0: i32) -> (i32, i32) {
    %c0_i32 = arith.constant 0 : i32
    %c0_i32_0 = arith.constant 0 : i32
    %c0_i32_1 = arith.constant 0 : i32
    return %c0_i32, %c0_i32_0 : i32, i32
  }
  func.func @transform_11(%arg0: i32) -> (i32, i32) {
    %c0_i32 = arith.constant 0 : i32
    %c0_i32_0 = arith.constant 0 : i32
    %c0_i32_1 = arith.constant 0 : i32
    return %c0_i32, %c0_i32_0 : i32, i32
  }
  func.func @transform_12(%arg0: i32) -> (i32, i32) {
    %c0_i32 = arith.constant 0 : i32
    %c0_i32_0 = arith.constant 0 : i32
    %c0_i32_1 = arith.constant 0 : i32
    return %c0_i32, %c0_i32_0 : i32, i32
  }
  func.func @transform_13(%arg0: i32) -> (i32, i32) {
    %c0_i32 = arith.constant 0 : i32
    %c0_i32_0 = arith.constant 0 : i32
    %c0_i32_1 = arith.constant 0 : i32
    return %c0_i32, %c0_i32_0 : i32, i32
  }
  func.func @transform_15(%arg0: i32) -> (i32, i32) {
    %add3A = arith.constant 10 : i32
    %add3A_0 = arith.addi %add3A, %arg0 : i32
    %c0_i32 = arith.constant 0 : i32
    %c0_i32_1 = arith.constant 0 : i32
    return %add3A_0, %c0_i32 : i32, i32
  }
}

module attributes {stable_mosaic.version = 14 : i64} {
  func.func @_lambda_(%arg0: i32, %arg1: memref<4096x128xf32, #tpu.memory_space<vmem>>, %arg2: memref<5x4096xf32, #tpu.memory_space<vmem>>, %arg3: memref<512x1xf32, #tpu.memory_space<vmem>>, %arg4: memref<192x128xf32, #tpu.memory_space<vmem>>, %arg5: memref<1x128xf32, #tpu.memory_space<vmem>>, %arg6: memref<32x1xf32, #tpu.memory_space<vmem>>, %arg7: memref<32x1xf32, #tpu.memory_space<vmem>>, %arg8: memref<32x1xf32, #tpu.memory_space<vmem>>, %arg9: memref<32x1xf32, #tpu.memory_space<vmem>>, %arg10: memref<9x128xf32, #tpu.memory_space<vmem>>, %arg11: memref<3x128xf32, #tpu.memory_space<vmem>>, %arg12: memref<512x128xf32, #tpu.memory_space<vmem>>, %arg13: memref<1x128xf32, #tpu.memory_space<vmem>>, %arg14: memref<1x128xf32, #tpu.memory_space<vmem>>, %arg15: memref<204800x128xf32, #tpu.memory_space<any>>, %arg16: memref<4096x128xf32, #tpu.memory_space<vmem>>) attributes {dimension_semantics = [#tpu.dimension_semantics<arbitrary>], iteration_bounds = array<i64: 10>, scalar_prefetch = 0 : i64, scratch_operands = 0 : i64, tpu.core_type = #tpu.core_type<tc>, window_params = [{transform_indices = @transform_0, window_bounds = array<i64: 4096, 128>}, {transform_indices = @transform_1, window_bounds = array<i64: 5, 4096>}, {pipeline_mode = #tpu.pipeline_mode<synchronous>, transform_indices = @transform_2, window_bounds = array<i64: 512, 1>}, {pipeline_mode = #tpu.pipeline_mode<synchronous>, transform_indices = @transform_3, window_bounds = array<i64: 192, 128>}, {pipeline_mode = #tpu.pipeline_mode<synchronous>, transform_indices = @transform_4, window_bounds = array<i64: 1, 128>}, {pipeline_mode = #tpu.pipeline_mode<synchronous>, transform_indices = @transform_5, window_bounds = array<i64: 32, 1>}, {pipeline_mode = #tpu.pipeline_mode<synchronous>, transform_indices = @transform_6, window_bounds = array<i64: 32, 1>}, {pipeline_mode = #tpu.pipeline_mode<synchronous>, transform_indices = @transform_7, window_bounds = array<i64: 32, 1>}, {pipeline_mode = #tpu.pipeline_mode<synchronous>, transform_indices = @transform_8, window_bounds = array<i64: 32, 1>}, {pipeline_mode = #tpu.pipeline_mode<synchronous>, transform_indices = @transform_9, window_bounds = array<i64: 9, 128>}, {pipeline_mode = #tpu.pipeline_mode<synchronous>, transform_indices = @transform_10, window_bounds = array<i64: 3, 128>}, {pipeline_mode = #tpu.pipeline_mode<synchronous>, transform_indices = @transform_11, window_bounds = array<i64: 512, 128>}, {pipeline_mode = #tpu.pipeline_mode<synchronous>, transform_indices = @transform_12, window_bounds = array<i64: 1, 128>}, {pipeline_mode = #tpu.pipeline_mode<synchronous>, transform_indices = @transform_13, window_bounds = array<i64: 1, 128>}, {}, {transform_indices = @transform_15, window_bounds = array<i64: 4096, 128>}]} {
    %get3A = arith.constant 0 : index
    %get3A_0 = arith.constant 0 : index
    %get3A_1 = vector.load %arg2[%get3A, %get3A_0] : memref<5x4096xf32, #tpu.memory_space<vmem>>, vector<5x4096xf32>
    %slice3A = vector.extract_strided_slice %get3A_1 {offsets = [0, 0], sizes = [1, 4096], strides = [1, 1]} : vector<5x4096xf32> to vector<1x4096xf32>
    %slice3A_2 = vector.extract_strided_slice %get3A_1 {offsets = [1, 0], sizes = [1, 4096], strides = [1, 1]} : vector<5x4096xf32> to vector<1x4096xf32>
    %slice3A_3 = vector.extract_strided_slice %get3A_1 {offsets = [2, 0], sizes = [1, 4096], strides = [1, 1]} : vector<5x4096xf32> to vector<1x4096xf32>
    %slice3A_4 = vector.extract_strided_slice %get3A_1 {offsets = [3, 0], sizes = [1, 4096], strides = [1, 1]} : vector<5x4096xf32> to vector<1x4096xf32>
    %slice3A_5 = vector.extract_strided_slice %get3A_1 {offsets = [4, 0], sizes = [1, 4096], strides = [1, 1]} : vector<5x4096xf32> to vector<1x4096xf32>
    %get3A_6 = arith.constant 0 : index
    %get3A_7 = arith.constant 0 : index
    %get3A_8 = vector.load %arg6[%get3A_6, %get3A_7] : memref<32x1xf32, #tpu.memory_space<vmem>>, vector<32x1xf32>
    %mul3A = vector.broadcast %get3A_8 : vector<32x1xf32> to vector<32x4096xf32>
    %mul3A_9 = vector.broadcast %slice3A : vector<1x4096xf32> to vector<32x4096xf32>
    %mul3A_10 = arith.mulf %mul3A, %mul3A_9 : vector<32x4096xf32>
    %get3A_11 = arith.constant 0 : index
    %get3A_12 = arith.constant 0 : index
    %get3A_13 = vector.load %arg7[%get3A_11, %get3A_12] : memref<32x1xf32, #tpu.memory_space<vmem>>, vector<32x1xf32>
    %add3A = vector.broadcast %get3A_13 : vector<32x1xf32> to vector<32x4096xf32>
    %add3A_14 = arith.addf %mul3A_10, %add3A : vector<32x4096xf32>
    %mul3A_15 = arith.constant 0.159154937 : f32
    %mul3A_16 = vector.broadcast %mul3A_15 : f32 to vector<32x4096xf32>
    %mul3A_17 = arith.mulf %add3A_14, %mul3A_16 : vector<32x4096xf32>
    %add3A_18 = arith.constant 5.000000e-01 : f32
    %add3A_19 = vector.broadcast %add3A_18 : f32 to vector<32x4096xf32>
    %add3A_20 = arith.addf %mul3A_17, %add3A_19 : vector<32x4096xf32>
    %floor3A = math.floor %add3A_20 : vector<32x4096xf32>
    %mul3A_21 = arith.constant 6.281250e+00 : f32
    %mul3A_22 = vector.broadcast %mul3A_21 : f32 to vector<32x4096xf32>
    %mul3A_23 = arith.mulf %floor3A, %mul3A_22 : vector<32x4096xf32>
    %sub3A = arith.subf %add3A_14, %mul3A_23 : vector<32x4096xf32>
    %mul3A_24 = arith.constant 0.00193530717 : f32
    %mul3A_25 = vector.broadcast %mul3A_24 : f32 to vector<32x4096xf32>
    %mul3A_26 = arith.mulf %floor3A, %mul3A_25 : vector<32x4096xf32>
    %sub3A_27 = arith.subf %sub3A, %mul3A_26 : vector<32x4096xf32>
    %mul3A_28 = arith.mulf %sub3A_27, %sub3A_27 : vector<32x4096xf32>
    %mul3A_29 = arith.constant 2.1470546E-6 : f32
    %mul3A_30 = vector.broadcast %mul3A_29 : f32 to vector<32x4096xf32>
    %mul3A_31 = arith.mulf %mul3A_30, %mul3A_28 : vector<32x4096xf32>
    %add3A_32 = arith.constant -1.92631793E-4 : f32
    %add3A_33 = vector.broadcast %add3A_32 : f32 to vector<32x4096xf32>
    %add3A_34 = arith.addf %mul3A_31, %add3A_33 : vector<32x4096xf32>
    %mul3A_35 = arith.mulf %add3A_34, %mul3A_28 : vector<32x4096xf32>
    %add3A_36 = arith.constant 8.308850e-03 : f32
    %add3A_37 = vector.broadcast %add3A_36 : f32 to vector<32x4096xf32>
    %add3A_38 = arith.addf %mul3A_35, %add3A_37 : vector<32x4096xf32>
    %mul3A_39 = arith.mulf %add3A_38, %mul3A_28 : vector<32x4096xf32>
    %add3A_40 = arith.constant -0.16662401 : f32
    %add3A_41 = vector.broadcast %add3A_40 : f32 to vector<32x4096xf32>
    %add3A_42 = arith.addf %mul3A_39, %add3A_41 : vector<32x4096xf32>
    %mul3A_43 = arith.mulf %add3A_42, %mul3A_28 : vector<32x4096xf32>
    %add3A_44 = arith.constant 0.999979138 : f32
    %add3A_45 = vector.broadcast %add3A_44 : f32 to vector<32x4096xf32>
    %add3A_46 = arith.addf %mul3A_43, %add3A_45 : vector<32x4096xf32>
    %mul3A_47 = arith.mulf %sub3A_27, %add3A_46 : vector<32x4096xf32>
    %get3A_48 = arith.constant 0 : index
    %get3A_49 = arith.constant 0 : index
    %get3A_50 = vector.load %arg8[%get3A_48, %get3A_49] : memref<32x1xf32, #tpu.memory_space<vmem>>, vector<32x1xf32>
    %mul3A_51 = vector.broadcast %get3A_50 : vector<32x1xf32> to vector<32x4096xf32>
    %mul3A_52 = vector.broadcast %slice3A_2 : vector<1x4096xf32> to vector<32x4096xf32>
    %mul3A_53 = arith.mulf %mul3A_51, %mul3A_52 : vector<32x4096xf32>
    %get3A_54 = arith.constant 0 : index
    %get3A_55 = arith.constant 0 : index
    %get3A_56 = vector.load %arg9[%get3A_54, %get3A_55] : memref<32x1xf32, #tpu.memory_space<vmem>>, vector<32x1xf32>
    %add3A_57 = vector.broadcast %get3A_56 : vector<32x1xf32> to vector<32x4096xf32>
    %add3A_58 = arith.addf %mul3A_53, %add3A_57 : vector<32x4096xf32>
    %mul3A_59 = arith.constant 0.159154937 : f32
    %mul3A_60 = vector.broadcast %mul3A_59 : f32 to vector<32x4096xf32>
    %mul3A_61 = arith.mulf %add3A_58, %mul3A_60 : vector<32x4096xf32>
    %add3A_62 = arith.constant 5.000000e-01 : f32
    %add3A_63 = vector.broadcast %add3A_62 : f32 to vector<32x4096xf32>
    %add3A_64 = arith.addf %mul3A_61, %add3A_63 : vector<32x4096xf32>
    %floor3A_65 = math.floor %add3A_64 : vector<32x4096xf32>
    %mul3A_66 = arith.constant 6.281250e+00 : f32
    %mul3A_67 = vector.broadcast %mul3A_66 : f32 to vector<32x4096xf32>
    %mul3A_68 = arith.mulf %floor3A_65, %mul3A_67 : vector<32x4096xf32>
    %sub3A_69 = arith.subf %add3A_58, %mul3A_68 : vector<32x4096xf32>
    %mul3A_70 = arith.constant 0.00193530717 : f32
    %mul3A_71 = vector.broadcast %mul3A_70 : f32 to vector<32x4096xf32>
    %mul3A_72 = arith.mulf %floor3A_65, %mul3A_71 : vector<32x4096xf32>
    %sub3A_73 = arith.subf %sub3A_69, %mul3A_72 : vector<32x4096xf32>
    %mul3A_74 = arith.mulf %sub3A_73, %sub3A_73 : vector<32x4096xf32>
    %mul3A_75 = arith.constant 2.1470546E-6 : f32
    %mul3A_76 = vector.broadcast %mul3A_75 : f32 to vector<32x4096xf32>
    %mul3A_77 = arith.mulf %mul3A_76, %mul3A_74 : vector<32x4096xf32>
    %add3A_78 = arith.constant -1.92631793E-4 : f32
    %add3A_79 = vector.broadcast %add3A_78 : f32 to vector<32x4096xf32>
    %add3A_80 = arith.addf %mul3A_77, %add3A_79 : vector<32x4096xf32>
    %mul3A_81 = arith.mulf %add3A_80, %mul3A_74 : vector<32x4096xf32>
    %add3A_82 = arith.constant 8.308850e-03 : f32
    %add3A_83 = vector.broadcast %add3A_82 : f32 to vector<32x4096xf32>
    %add3A_84 = arith.addf %mul3A_81, %add3A_83 : vector<32x4096xf32>
    %mul3A_85 = arith.mulf %add3A_84, %mul3A_74 : vector<32x4096xf32>
    %add3A_86 = arith.constant -0.16662401 : f32
    %add3A_87 = vector.broadcast %add3A_86 : f32 to vector<32x4096xf32>
    %add3A_88 = arith.addf %mul3A_85, %add3A_87 : vector<32x4096xf32>
    %mul3A_89 = arith.mulf %add3A_88, %mul3A_74 : vector<32x4096xf32>
    %add3A_90 = arith.constant 0.999979138 : f32
    %add3A_91 = vector.broadcast %add3A_90 : f32 to vector<32x4096xf32>
    %add3A_92 = arith.addf %mul3A_89, %add3A_91 : vector<32x4096xf32>
    %mul3A_93 = arith.mulf %sub3A_73, %add3A_92 : vector<32x4096xf32>
    %get3A_94 = arith.constant 0 : index
    %get3A_95 = arith.constant 0 : index
    %get3A_96 = vector.load %arg4[%get3A_94, %get3A_95] : memref<192x128xf32, #tpu.memory_space<vmem>>, vector<192x128xf32>
    %get3A_97 = arith.constant 0 : index
    %get3A_98 = arith.constant 0 : index
    %get3A_99 = vector.load %arg1[%get3A_97, %get3A_98] : memref<4096x128xf32, #tpu.memory_space<vmem>>, vector<4096x128xf32>
    %slice3A_100 = vector.extract_strided_slice %get3A_96 {offsets = [0, 0], sizes = [128, 128], strides = [1, 1]} : vector<192x128xf32> to vector<128x128xf32>
    %dot_general3A = arith.constant dense<0.000000e+00> : vector<4096x128xf32>
    %dot_general3A_101 = tpu.matmul %get3A_99, %slice3A_100, %dot_general3A {dimension_numbers = #tpu.dot_dimension_numbers<[1], [0], [0], [1], [0, 0, 1, 1], [], []>, transpose_lhs_hint = false} : vector<4096x128xf32>, vector<128x128xf32>, vector<4096x128xf32> -> vector<4096x128xf32>
    %slice3A_102 = vector.extract_strided_slice %get3A_96 {offsets = [128, 0], sizes = [32, 128], strides = [1, 1]} : vector<192x128xf32> to vector<32x128xf32>
    %dot_general3A_103 = arith.constant dense<0.000000e+00> : vector<4096x128xf32>
    %dot_general3A_104 = tpu.matmul %mul3A_47, %slice3A_102, %dot_general3A_103 {dimension_numbers = #tpu.dot_dimension_numbers<[0], [0], [1], [1], [0, 1, 1, 1], [], []>, transpose_lhs_hint = false} : vector<32x4096xf32>, vector<32x128xf32>, vector<4096x128xf32> -> vector<4096x128xf32>
    %add3A_105 = arith.addf %dot_general3A_101, %dot_general3A_104 : vector<4096x128xf32>
    %slice3A_106 = vector.extract_strided_slice %get3A_96 {offsets = [160, 0], sizes = [32, 128], strides = [1, 1]} : vector<192x128xf32> to vector<32x128xf32>
    %dot_general3A_107 = arith.constant dense<0.000000e+00> : vector<4096x128xf32>
    %dot_general3A_108 = tpu.matmul %mul3A_93, %slice3A_106, %dot_general3A_107 {dimension_numbers = #tpu.dot_dimension_numbers<[0], [0], [1], [1], [0, 1, 1, 1], [], []>, transpose_lhs_hint = false} : vector<32x4096xf32>, vector<32x128xf32>, vector<4096x128xf32> -> vector<4096x128xf32>
    %add3A_109 = arith.addf %add3A_105, %dot_general3A_108 : vector<4096x128xf32>
    %get3A_110 = arith.constant 0 : index
    %get3A_111 = arith.constant 0 : index
    %get3A_112 = vector.load %arg5[%get3A_110, %get3A_111] : memref<1x128xf32, #tpu.memory_space<vmem>>, vector<1x128xf32>
    %add3A_113 = vector.broadcast %get3A_112 : vector<1x128xf32> to vector<4096x128xf32>
    %add3A_114 = arith.addf %add3A_109, %add3A_113 : vector<4096x128xf32>
    %tanh3A = math.tanh %add3A_114 : vector<4096x128xf32>
    %get3A_115 = arith.constant 0 : index
    %get3A_116 = arith.constant 0 : index
    %get3A_117 = vector.load %arg3[%get3A_115, %get3A_116] : memref<512x1xf32, #tpu.memory_space<vmem>>, vector<512x1xf32>
    %slice3A_118 = vector.extract_strided_slice %get3A_117 {offsets = [0, 0], sizes = [9, 1], strides = [1, 1]} : vector<512x1xf32> to vector<9x1xf32>
    %eq3A = vector.broadcast %slice3A_118 : vector<9x1xf32> to vector<9x4096xf32>
    %eq3A_119 = vector.broadcast %slice3A_3 : vector<1x4096xf32> to vector<9x4096xf32>
    %eq3A_120 = arith.cmpf oeq, %eq3A, %eq3A_119 : vector<9x4096xf32>
    %jit3A = arith.constant 1.000000e+00 : f32
    %jit3A_121 = arith.constant 0.000000e+00 : f32
    %broadcast_in_dim3A = vector.broadcast %jit3A : f32 to vector<9x4096xf32>
    %broadcast_in_dim3A_122 = vector.broadcast %jit3A_121 : f32 to vector<9x4096xf32>
    %select_n3A = arith.select %eq3A_120, %broadcast_in_dim3A, %broadcast_in_dim3A_122 : vector<9x4096xi1>, vector<9x4096xf32>
    %slice3A_123 = vector.extract_strided_slice %get3A_117 {offsets = [0, 0], sizes = [3, 1], strides = [1, 1]} : vector<512x1xf32> to vector<3x1xf32>
    %eq3A_124 = vector.broadcast %slice3A_123 : vector<3x1xf32> to vector<3x4096xf32>
    %eq3A_125 = vector.broadcast %slice3A_5 : vector<1x4096xf32> to vector<3x4096xf32>
    %eq3A_126 = arith.cmpf oeq, %eq3A_124, %eq3A_125 : vector<3x4096xf32>
    %jit3A_127 = arith.constant 1.000000e+00 : f32
    %jit3A_128 = arith.constant 0.000000e+00 : f32
    %broadcast_in_dim3A_129 = vector.broadcast %jit3A_127 : f32 to vector<3x4096xf32>
    %broadcast_in_dim3A_130 = vector.broadcast %jit3A_128 : f32 to vector<3x4096xf32>
    %select_n3A_131 = arith.select %eq3A_126, %broadcast_in_dim3A_129, %broadcast_in_dim3A_130 : vector<3x4096xi1>, vector<3x4096xf32>
    %eq3A_132 = vector.broadcast %get3A_117 : vector<512x1xf32> to vector<512x4096xf32>
    %eq3A_133 = vector.broadcast %slice3A_4 : vector<1x4096xf32> to vector<512x4096xf32>
    %eq3A_134 = arith.cmpf oeq, %eq3A_132, %eq3A_133 : vector<512x4096xf32>
    %jit3A_135 = arith.constant 1.000000e+00 : f32
    %jit3A_136 = arith.constant 0.000000e+00 : f32
    %broadcast_in_dim3A_137 = vector.broadcast %jit3A_135 : f32 to vector<512x4096xf32>
    %broadcast_in_dim3A_138 = vector.broadcast %jit3A_136 : f32 to vector<512x4096xf32>
    %select_n3A_139 = arith.select %eq3A_134, %broadcast_in_dim3A_137, %broadcast_in_dim3A_138 : vector<512x4096xi1>, vector<512x4096xf32>
    %get3A_140 = arith.constant 0 : index
    %get3A_141 = arith.constant 0 : index
    %get3A_142 = vector.load %arg10[%get3A_140, %get3A_141] : memref<9x128xf32, #tpu.memory_space<vmem>>, vector<9x128xf32>
    %dot_general3A_143 = arith.constant dense<0.000000e+00> : vector<4096x128xf32>
    %dot_general3A_144 = tpu.matmul %select_n3A, %get3A_142, %dot_general3A_143 {dimension_numbers = #tpu.dot_dimension_numbers<[0], [0], [1], [1], [0, 1, 1, 1], [], []>, transpose_lhs_hint = false} : vector<9x4096xf32>, vector<9x128xf32>, vector<4096x128xf32> -> vector<4096x128xf32>
    %get3A_145 = arith.constant 0 : index
    %get3A_146 = arith.constant 0 : index
    %get3A_147 = vector.load %arg11[%get3A_145, %get3A_146] : memref<3x128xf32, #tpu.memory_space<vmem>>, vector<3x128xf32>
    %dot_general3A_148 = arith.constant dense<0.000000e+00> : vector<4096x128xf32>
    %dot_general3A_149 = tpu.matmul %select_n3A_131, %get3A_147, %dot_general3A_148 {dimension_numbers = #tpu.dot_dimension_numbers<[0], [0], [1], [1], [0, 1, 1, 1], [], []>, transpose_lhs_hint = false} : vector<3x4096xf32>, vector<3x128xf32>, vector<4096x128xf32> -> vector<4096x128xf32>
    %add3A_150 = arith.addf %dot_general3A_144, %dot_general3A_149 : vector<4096x128xf32>
    %get3A_151 = arith.constant 0 : index
    %get3A_152 = arith.constant 0 : index
    %get3A_153 = vector.load %arg12[%get3A_151, %get3A_152] : memref<512x128xf32, #tpu.memory_space<vmem>>, vector<512x128xf32>
    %dot_general3A_154 = arith.constant dense<0.000000e+00> : vector<4096x128xf32>
    %dot_general3A_155 = tpu.matmul %select_n3A_139, %get3A_153, %dot_general3A_154 {dimension_numbers = #tpu.dot_dimension_numbers<[0], [0], [1], [1], [0, 1, 1, 1], [], []>, transpose_lhs_hint = false} : vector<512x4096xf32>, vector<512x128xf32>, vector<4096x128xf32> -> vector<4096x128xf32>
    %add3A_156 = arith.addf %add3A_150, %dot_general3A_155 : vector<4096x128xf32>
    %add3A_157 = arith.addf %tanh3A, %add3A_156 : vector<4096x128xf32>
    %reduce_sum3A = arith.constant dense<0.000000e+00> : vector<4096xf32>
    %reduce_sum3A_158 = vector.multi_reduction <add>, %add3A_157, %reduce_sum3A [1] : vector<4096x128xf32> to vector<4096xf32>
    %broadcast_in_dim3A_159 = vector.shape_cast %reduce_sum3A_158 : vector<4096xf32> to vector<4096x1xf32>
    %div3A = arith.constant 1.280000e+02 : f32
    %div3A_160 = vector.broadcast %div3A : f32 to vector<4096x1xf32>
    %div3A_161 = arith.divf %broadcast_in_dim3A_159, %div3A_160 : vector<4096x1xf32>
    %sub3A_162 = vector.broadcast %div3A_161 : vector<4096x1xf32> to vector<4096x128xf32>
    %sub3A_163 = arith.subf %add3A_157, %sub3A_162 : vector<4096x128xf32>
    %mul3A_164 = arith.mulf %sub3A_163, %sub3A_163 : vector<4096x128xf32>
    %reduce_sum3A_165 = arith.constant dense<0.000000e+00> : vector<4096xf32>
    %reduce_sum3A_166 = vector.multi_reduction <add>, %mul3A_164, %reduce_sum3A_165 [1] : vector<4096x128xf32> to vector<4096xf32>
    %broadcast_in_dim3A_167 = vector.shape_cast %reduce_sum3A_166 : vector<4096xf32> to vector<4096x1xf32>
    %div3A_168 = arith.constant 1.280000e+02 : f32
    %div3A_169 = vector.broadcast %div3A_168 : f32 to vector<4096x1xf32>
    %div3A_170 = arith.divf %broadcast_in_dim3A_167, %div3A_169 : vector<4096x1xf32>
    %add3A_171 = arith.constant 9.99999996E-13 : f32
    %add3A_172 = vector.broadcast %add3A_171 : f32 to vector<4096x1xf32>
    %add3A_173 = arith.addf %div3A_170, %add3A_172 : vector<4096x1xf32>
    %rsqrt3A = math.rsqrt %add3A_173 : vector<4096x1xf32>
    %mul3A_174 = vector.broadcast %rsqrt3A : vector<4096x1xf32> to vector<4096x128xf32>
    %mul3A_175 = arith.mulf %sub3A_163, %mul3A_174 : vector<4096x128xf32>
    %get3A_176 = arith.constant 0 : index
    %get3A_177 = arith.constant 0 : index
    %get3A_178 = vector.load %arg13[%get3A_176, %get3A_177] : memref<1x128xf32, #tpu.memory_space<vmem>>, vector<1x128xf32>
    %mul3A_179 = vector.broadcast %get3A_178 : vector<1x128xf32> to vector<4096x128xf32>
    %mul3A_180 = arith.mulf %mul3A_175, %mul3A_179 : vector<4096x128xf32>
    %get3A_181 = arith.constant 0 : index
    %get3A_182 = arith.constant 0 : index
    %get3A_183 = vector.load %arg14[%get3A_181, %get3A_182] : memref<1x128xf32, #tpu.memory_space<vmem>>, vector<1x128xf32>
    %add3A_184 = vector.broadcast %get3A_183 : vector<1x128xf32> to vector<4096x128xf32>
    %add3A_185 = arith.addf %mul3A_180, %add3A_184 : vector<4096x128xf32>
    %swap3A = arith.constant 0 : index
    %swap3A_186 = arith.constant 0 : index
    %swap3A_187 = vector.load %arg16[%swap3A, %swap3A_186] : memref<4096x128xf32, #tpu.memory_space<vmem>>, vector<4096x128xf32>
    tpu.vector_store %arg16[%swap3A, %swap3A_186], %add3A_185 {strides = array<i32>} : memref<4096x128xf32, #tpu.memory_space<vmem>>, vector<4096x128xf32>,
    return
  }
  func.func @transform_0(%arg0: i32) -> (i32, i32) {
    %c0_i32 = arith.constant 0 : i32
    %c0_i32_0 = arith.constant 0 : i32
    return %arg0, %c0_i32 : i32, i32
  }
  func.func @transform_1(%arg0: i32) -> (i32, i32) {
    %c0_i32 = arith.constant 0 : i32
    %c0_i32_0 = arith.constant 0 : i32
    return %c0_i32, %arg0 : i32, i32
  }
  func.func @transform_2(%arg0: i32) -> (i32, i32) {
    %c0_i32 = arith.constant 0 : i32
    %c0_i32_0 = arith.constant 0 : i32
    %c0_i32_1 = arith.constant 0 : i32
    return %c0_i32, %c0_i32_0 : i32, i32
  }
  func.func @transform_3(%arg0: i32) -> (i32, i32) {
    %c0_i32 = arith.constant 0 : i32
    %c0_i32_0 = arith.constant 0 : i32
    %c0_i32_1 = arith.constant 0 : i32
    return %c0_i32, %c0_i32_0 : i32, i32
  }
  func.func @transform_4(%arg0: i32) -> (i32, i32) {
    %c0_i32 = arith.constant 0 : i32
    %c0_i32_0 = arith.constant 0 : i32
    %c0_i32_1 = arith.constant 0 : i32
    return %c0_i32, %c0_i32_0 : i32, i32
  }
  func.func @transform_5(%arg0: i32) -> (i32, i32) {
    %c0_i32 = arith.constant 0 : i32
    %c0_i32_0 = arith.constant 0 : i32
    %c0_i32_1 = arith.constant 0 : i32
    return %c0_i32, %c0_i32_0 : i32, i32
  }
  func.func @transform_6(%arg0: i32) -> (i32, i32) {
    %c0_i32 = arith.constant 0 : i32
    %c0_i32_0 = arith.constant 0 : i32
    %c0_i32_1 = arith.constant 0 : i32
    return %c0_i32, %c0_i32_0 : i32, i32
  }
  func.func @transform_7(%arg0: i32) -> (i32, i32) {
    %c0_i32 = arith.constant 0 : i32
    %c0_i32_0 = arith.constant 0 : i32
    %c0_i32_1 = arith.constant 0 : i32
    return %c0_i32, %c0_i32_0 : i32, i32
  }
  func.func @transform_8(%arg0: i32) -> (i32, i32) {
    %c0_i32 = arith.constant 0 : i32
    %c0_i32_0 = arith.constant 0 : i32
    %c0_i32_1 = arith.constant 0 : i32
    return %c0_i32, %c0_i32_0 : i32, i32
  }
  func.func @transform_9(%arg0: i32) -> (i32, i32) {
    %c0_i32 = arith.constant 0 : i32
    %c0_i32_0 = arith.constant 0 : i32
    %c0_i32_1 = arith.constant 0 : i32
    return %c0_i32, %c0_i32_0 : i32, i32
  }
  func.func @transform_10(%arg0: i32) -> (i32, i32) {
    %c0_i32 = arith.constant 0 : i32
    %c0_i32_0 = arith.constant 0 : i32
    %c0_i32_1 = arith.constant 0 : i32
    return %c0_i32, %c0_i32_0 : i32, i32
  }
  func.func @transform_11(%arg0: i32) -> (i32, i32) {
    %c0_i32 = arith.constant 0 : i32
    %c0_i32_0 = arith.constant 0 : i32
    %c0_i32_1 = arith.constant 0 : i32
    return %c0_i32, %c0_i32_0 : i32, i32
  }
  func.func @transform_12(%arg0: i32) -> (i32, i32) {
    %c0_i32 = arith.constant 0 : i32
    %c0_i32_0 = arith.constant 0 : i32
    %c0_i32_1 = arith.constant 0 : i32
    return %c0_i32, %c0_i32_0 : i32, i32
  }
  func.func @transform_13(%arg0: i32) -> (i32, i32) {
    %c0_i32 = arith.constant 0 : i32
    %c0_i32_0 = arith.constant 0 : i32
    %c0_i32_1 = arith.constant 0 : i32
    return %c0_i32, %c0_i32_0 : i32, i32
  }
  func.func @transform_15(%arg0: i32) -> (i32, i32) {
    %add3A = arith.constant 20 : i32
    %add3A_0 = arith.addi %add3A, %arg0 : i32
    %c0_i32 = arith.constant 0 : i32
    %c0_i32_1 = arith.constant 0 : i32
    return %add3A_0, %c0_i32 : i32, i32
  }
}

module attributes {stable_mosaic.version = 14 : i64} {
  func.func @_lambda_(%arg0: i32, %arg1: memref<4096x128xf32, #tpu.memory_space<vmem>>, %arg2: memref<5x4096xf32, #tpu.memory_space<vmem>>, %arg3: memref<512x1xf32, #tpu.memory_space<vmem>>, %arg4: memref<192x128xf32, #tpu.memory_space<vmem>>, %arg5: memref<1x128xf32, #tpu.memory_space<vmem>>, %arg6: memref<32x1xf32, #tpu.memory_space<vmem>>, %arg7: memref<32x1xf32, #tpu.memory_space<vmem>>, %arg8: memref<32x1xf32, #tpu.memory_space<vmem>>, %arg9: memref<32x1xf32, #tpu.memory_space<vmem>>, %arg10: memref<9x128xf32, #tpu.memory_space<vmem>>, %arg11: memref<3x128xf32, #tpu.memory_space<vmem>>, %arg12: memref<512x128xf32, #tpu.memory_space<vmem>>, %arg13: memref<1x128xf32, #tpu.memory_space<vmem>>, %arg14: memref<1x128xf32, #tpu.memory_space<vmem>>, %arg15: memref<204800x128xf32, #tpu.memory_space<any>>, %arg16: memref<4096x128xf32, #tpu.memory_space<vmem>>) attributes {dimension_semantics = [#tpu.dimension_semantics<arbitrary>], iteration_bounds = array<i64: 10>, scalar_prefetch = 0 : i64, scratch_operands = 0 : i64, tpu.core_type = #tpu.core_type<tc>, window_params = [{transform_indices = @transform_0, window_bounds = array<i64: 4096, 128>}, {transform_indices = @transform_1, window_bounds = array<i64: 5, 4096>}, {pipeline_mode = #tpu.pipeline_mode<synchronous>, transform_indices = @transform_2, window_bounds = array<i64: 512, 1>}, {pipeline_mode = #tpu.pipeline_mode<synchronous>, transform_indices = @transform_3, window_bounds = array<i64: 192, 128>}, {pipeline_mode = #tpu.pipeline_mode<synchronous>, transform_indices = @transform_4, window_bounds = array<i64: 1, 128>}, {pipeline_mode = #tpu.pipeline_mode<synchronous>, transform_indices = @transform_5, window_bounds = array<i64: 32, 1>}, {pipeline_mode = #tpu.pipeline_mode<synchronous>, transform_indices = @transform_6, window_bounds = array<i64: 32, 1>}, {pipeline_mode = #tpu.pipeline_mode<synchronous>, transform_indices = @transform_7, window_bounds = array<i64: 32, 1>}, {pipeline_mode = #tpu.pipeline_mode<synchronous>, transform_indices = @transform_8, window_bounds = array<i64: 32, 1>}, {pipeline_mode = #tpu.pipeline_mode<synchronous>, transform_indices = @transform_9, window_bounds = array<i64: 9, 128>}, {pipeline_mode = #tpu.pipeline_mode<synchronous>, transform_indices = @transform_10, window_bounds = array<i64: 3, 128>}, {pipeline_mode = #tpu.pipeline_mode<synchronous>, transform_indices = @transform_11, window_bounds = array<i64: 512, 128>}, {pipeline_mode = #tpu.pipeline_mode<synchronous>, transform_indices = @transform_12, window_bounds = array<i64: 1, 128>}, {pipeline_mode = #tpu.pipeline_mode<synchronous>, transform_indices = @transform_13, window_bounds = array<i64: 1, 128>}, {}, {transform_indices = @transform_15, window_bounds = array<i64: 4096, 128>}]} {
    %get3A = arith.constant 0 : index
    %get3A_0 = arith.constant 0 : index
    %get3A_1 = vector.load %arg2[%get3A, %get3A_0] : memref<5x4096xf32, #tpu.memory_space<vmem>>, vector<5x4096xf32>
    %slice3A = vector.extract_strided_slice %get3A_1 {offsets = [0, 0], sizes = [1, 4096], strides = [1, 1]} : vector<5x4096xf32> to vector<1x4096xf32>
    %slice3A_2 = vector.extract_strided_slice %get3A_1 {offsets = [1, 0], sizes = [1, 4096], strides = [1, 1]} : vector<5x4096xf32> to vector<1x4096xf32>
    %slice3A_3 = vector.extract_strided_slice %get3A_1 {offsets = [2, 0], sizes = [1, 4096], strides = [1, 1]} : vector<5x4096xf32> to vector<1x4096xf32>
    %slice3A_4 = vector.extract_strided_slice %get3A_1 {offsets = [3, 0], sizes = [1, 4096], strides = [1, 1]} : vector<5x4096xf32> to vector<1x4096xf32>
    %slice3A_5 = vector.extract_strided_slice %get3A_1 {offsets = [4, 0], sizes = [1, 4096], strides = [1, 1]} : vector<5x4096xf32> to vector<1x4096xf32>
    %get3A_6 = arith.constant 0 : index
    %get3A_7 = arith.constant 0 : index
    %get3A_8 = vector.load %arg6[%get3A_6, %get3A_7] : memref<32x1xf32, #tpu.memory_space<vmem>>, vector<32x1xf32>
    %mul3A = vector.broadcast %get3A_8 : vector<32x1xf32> to vector<32x4096xf32>
    %mul3A_9 = vector.broadcast %slice3A : vector<1x4096xf32> to vector<32x4096xf32>
    %mul3A_10 = arith.mulf %mul3A, %mul3A_9 : vector<32x4096xf32>
    %get3A_11 = arith.constant 0 : index
    %get3A_12 = arith.constant 0 : index
    %get3A_13 = vector.load %arg7[%get3A_11, %get3A_12] : memref<32x1xf32, #tpu.memory_space<vmem>>, vector<32x1xf32>
    %add3A = vector.broadcast %get3A_13 : vector<32x1xf32> to vector<32x4096xf32>
    %add3A_14 = arith.addf %mul3A_10, %add3A : vector<32x4096xf32>
    %mul3A_15 = arith.constant 0.159154937 : f32
    %mul3A_16 = vector.broadcast %mul3A_15 : f32 to vector<32x4096xf32>
    %mul3A_17 = arith.mulf %add3A_14, %mul3A_16 : vector<32x4096xf32>
    %add3A_18 = arith.constant 5.000000e-01 : f32
    %add3A_19 = vector.broadcast %add3A_18 : f32 to vector<32x4096xf32>
    %add3A_20 = arith.addf %mul3A_17, %add3A_19 : vector<32x4096xf32>
    %floor3A = math.floor %add3A_20 : vector<32x4096xf32>
    %mul3A_21 = arith.constant 6.281250e+00 : f32
    %mul3A_22 = vector.broadcast %mul3A_21 : f32 to vector<32x4096xf32>
    %mul3A_23 = arith.mulf %floor3A, %mul3A_22 : vector<32x4096xf32>
    %sub3A = arith.subf %add3A_14, %mul3A_23 : vector<32x4096xf32>
    %mul3A_24 = arith.constant 0.00193530717 : f32
    %mul3A_25 = vector.broadcast %mul3A_24 : f32 to vector<32x4096xf32>
    %mul3A_26 = arith.mulf %floor3A, %mul3A_25 : vector<32x4096xf32>
    %sub3A_27 = arith.subf %sub3A, %mul3A_26 : vector<32x4096xf32>
    %mul3A_28 = arith.mulf %sub3A_27, %sub3A_27 : vector<32x4096xf32>
    %mul3A_29 = arith.constant 2.1470546E-6 : f32
    %mul3A_30 = vector.broadcast %mul3A_29 : f32 to vector<32x4096xf32>
    %mul3A_31 = arith.mulf %mul3A_30, %mul3A_28 : vector<32x4096xf32>
    %add3A_32 = arith.constant -1.92631793E-4 : f32
    %add3A_33 = vector.broadcast %add3A_32 : f32 to vector<32x4096xf32>
    %add3A_34 = arith.addf %mul3A_31, %add3A_33 : vector<32x4096xf32>
    %mul3A_35 = arith.mulf %add3A_34, %mul3A_28 : vector<32x4096xf32>
    %add3A_36 = arith.constant 8.308850e-03 : f32
    %add3A_37 = vector.broadcast %add3A_36 : f32 to vector<32x4096xf32>
    %add3A_38 = arith.addf %mul3A_35, %add3A_37 : vector<32x4096xf32>
    %mul3A_39 = arith.mulf %add3A_38, %mul3A_28 : vector<32x4096xf32>
    %add3A_40 = arith.constant -0.16662401 : f32
    %add3A_41 = vector.broadcast %add3A_40 : f32 to vector<32x4096xf32>
    %add3A_42 = arith.addf %mul3A_39, %add3A_41 : vector<32x4096xf32>
    %mul3A_43 = arith.mulf %add3A_42, %mul3A_28 : vector<32x4096xf32>
    %add3A_44 = arith.constant 0.999979138 : f32
    %add3A_45 = vector.broadcast %add3A_44 : f32 to vector<32x4096xf32>
    %add3A_46 = arith.addf %mul3A_43, %add3A_45 : vector<32x4096xf32>
    %mul3A_47 = arith.mulf %sub3A_27, %add3A_46 : vector<32x4096xf32>
    %get3A_48 = arith.constant 0 : index
    %get3A_49 = arith.constant 0 : index
    %get3A_50 = vector.load %arg8[%get3A_48, %get3A_49] : memref<32x1xf32, #tpu.memory_space<vmem>>, vector<32x1xf32>
    %mul3A_51 = vector.broadcast %get3A_50 : vector<32x1xf32> to vector<32x4096xf32>
    %mul3A_52 = vector.broadcast %slice3A_2 : vector<1x4096xf32> to vector<32x4096xf32>
    %mul3A_53 = arith.mulf %mul3A_51, %mul3A_52 : vector<32x4096xf32>
    %get3A_54 = arith.constant 0 : index
    %get3A_55 = arith.constant 0 : index
    %get3A_56 = vector.load %arg9[%get3A_54, %get3A_55] : memref<32x1xf32, #tpu.memory_space<vmem>>, vector<32x1xf32>
    %add3A_57 = vector.broadcast %get3A_56 : vector<32x1xf32> to vector<32x4096xf32>
    %add3A_58 = arith.addf %mul3A_53, %add3A_57 : vector<32x4096xf32>
    %mul3A_59 = arith.constant 0.159154937 : f32
    %mul3A_60 = vector.broadcast %mul3A_59 : f32 to vector<32x4096xf32>
    %mul3A_61 = arith.mulf %add3A_58, %mul3A_60 : vector<32x4096xf32>
    %add3A_62 = arith.constant 5.000000e-01 : f32
    %add3A_63 = vector.broadcast %add3A_62 : f32 to vector<32x4096xf32>
    %add3A_64 = arith.addf %mul3A_61, %add3A_63 : vector<32x4096xf32>
    %floor3A_65 = math.floor %add3A_64 : vector<32x4096xf32>
    %mul3A_66 = arith.constant 6.281250e+00 : f32
    %mul3A_67 = vector.broadcast %mul3A_66 : f32 to vector<32x4096xf32>
    %mul3A_68 = arith.mulf %floor3A_65, %mul3A_67 : vector<32x4096xf32>
    %sub3A_69 = arith.subf %add3A_58, %mul3A_68 : vector<32x4096xf32>
    %mul3A_70 = arith.constant 0.00193530717 : f32
    %mul3A_71 = vector.broadcast %mul3A_70 : f32 to vector<32x4096xf32>
    %mul3A_72 = arith.mulf %floor3A_65, %mul3A_71 : vector<32x4096xf32>
    %sub3A_73 = arith.subf %sub3A_69, %mul3A_72 : vector<32x4096xf32>
    %mul3A_74 = arith.mulf %sub3A_73, %sub3A_73 : vector<32x4096xf32>
    %mul3A_75 = arith.constant 2.1470546E-6 : f32
    %mul3A_76 = vector.broadcast %mul3A_75 : f32 to vector<32x4096xf32>
    %mul3A_77 = arith.mulf %mul3A_76, %mul3A_74 : vector<32x4096xf32>
    %add3A_78 = arith.constant -1.92631793E-4 : f32
    %add3A_79 = vector.broadcast %add3A_78 : f32 to vector<32x4096xf32>
    %add3A_80 = arith.addf %mul3A_77, %add3A_79 : vector<32x4096xf32>
    %mul3A_81 = arith.mulf %add3A_80, %mul3A_74 : vector<32x4096xf32>
    %add3A_82 = arith.constant 8.308850e-03 : f32
    %add3A_83 = vector.broadcast %add3A_82 : f32 to vector<32x4096xf32>
    %add3A_84 = arith.addf %mul3A_81, %add3A_83 : vector<32x4096xf32>
    %mul3A_85 = arith.mulf %add3A_84, %mul3A_74 : vector<32x4096xf32>
    %add3A_86 = arith.constant -0.16662401 : f32
    %add3A_87 = vector.broadcast %add3A_86 : f32 to vector<32x4096xf32>
    %add3A_88 = arith.addf %mul3A_85, %add3A_87 : vector<32x4096xf32>
    %mul3A_89 = arith.mulf %add3A_88, %mul3A_74 : vector<32x4096xf32>
    %add3A_90 = arith.constant 0.999979138 : f32
    %add3A_91 = vector.broadcast %add3A_90 : f32 to vector<32x4096xf32>
    %add3A_92 = arith.addf %mul3A_89, %add3A_91 : vector<32x4096xf32>
    %mul3A_93 = arith.mulf %sub3A_73, %add3A_92 : vector<32x4096xf32>
    %get3A_94 = arith.constant 0 : index
    %get3A_95 = arith.constant 0 : index
    %get3A_96 = vector.load %arg4[%get3A_94, %get3A_95] : memref<192x128xf32, #tpu.memory_space<vmem>>, vector<192x128xf32>
    %get3A_97 = arith.constant 0 : index
    %get3A_98 = arith.constant 0 : index
    %get3A_99 = vector.load %arg1[%get3A_97, %get3A_98] : memref<4096x128xf32, #tpu.memory_space<vmem>>, vector<4096x128xf32>
    %slice3A_100 = vector.extract_strided_slice %get3A_96 {offsets = [0, 0], sizes = [128, 128], strides = [1, 1]} : vector<192x128xf32> to vector<128x128xf32>
    %dot_general3A = arith.constant dense<0.000000e+00> : vector<4096x128xf32>
    %dot_general3A_101 = tpu.matmul %get3A_99, %slice3A_100, %dot_general3A {dimension_numbers = #tpu.dot_dimension_numbers<[1], [0], [0], [1], [0, 0, 1, 1], [], []>, transpose_lhs_hint = false} : vector<4096x128xf32>, vector<128x128xf32>, vector<4096x128xf32> -> vector<4096x128xf32>
    %slice3A_102 = vector.extract_strided_slice %get3A_96 {offsets = [128, 0], sizes = [32, 128], strides = [1, 1]} : vector<192x128xf32> to vector<32x128xf32>
    %dot_general3A_103 = arith.constant dense<0.000000e+00> : vector<4096x128xf32>
    %dot_general3A_104 = tpu.matmul %mul3A_47, %slice3A_102, %dot_general3A_103 {dimension_numbers = #tpu.dot_dimension_numbers<[0], [0], [1], [1], [0, 1, 1, 1], [], []>, transpose_lhs_hint = false} : vector<32x4096xf32>, vector<32x128xf32>, vector<4096x128xf32> -> vector<4096x128xf32>
    %add3A_105 = arith.addf %dot_general3A_101, %dot_general3A_104 : vector<4096x128xf32>
    %slice3A_106 = vector.extract_strided_slice %get3A_96 {offsets = [160, 0], sizes = [32, 128], strides = [1, 1]} : vector<192x128xf32> to vector<32x128xf32>
    %dot_general3A_107 = arith.constant dense<0.000000e+00> : vector<4096x128xf32>
    %dot_general3A_108 = tpu.matmul %mul3A_93, %slice3A_106, %dot_general3A_107 {dimension_numbers = #tpu.dot_dimension_numbers<[0], [0], [1], [1], [0, 1, 1, 1], [], []>, transpose_lhs_hint = false} : vector<32x4096xf32>, vector<32x128xf32>, vector<4096x128xf32> -> vector<4096x128xf32>
    %add3A_109 = arith.addf %add3A_105, %dot_general3A_108 : vector<4096x128xf32>
    %get3A_110 = arith.constant 0 : index
    %get3A_111 = arith.constant 0 : index
    %get3A_112 = vector.load %arg5[%get3A_110, %get3A_111] : memref<1x128xf32, #tpu.memory_space<vmem>>, vector<1x128xf32>
    %add3A_113 = vector.broadcast %get3A_112 : vector<1x128xf32> to vector<4096x128xf32>
    %add3A_114 = arith.addf %add3A_109, %add3A_113 : vector<4096x128xf32>
    %tanh3A = math.tanh %add3A_114 : vector<4096x128xf32>
    %get3A_115 = arith.constant 0 : index
    %get3A_116 = arith.constant 0 : index
    %get3A_117 = vector.load %arg3[%get3A_115, %get3A_116] : memref<512x1xf32, #tpu.memory_space<vmem>>, vector<512x1xf32>
    %slice3A_118 = vector.extract_strided_slice %get3A_117 {offsets = [0, 0], sizes = [9, 1], strides = [1, 1]} : vector<512x1xf32> to vector<9x1xf32>
    %eq3A = vector.broadcast %slice3A_118 : vector<9x1xf32> to vector<9x4096xf32>
    %eq3A_119 = vector.broadcast %slice3A_3 : vector<1x4096xf32> to vector<9x4096xf32>
    %eq3A_120 = arith.cmpf oeq, %eq3A, %eq3A_119 : vector<9x4096xf32>
    %jit3A = arith.constant 1.000000e+00 : f32
    %jit3A_121 = arith.constant 0.000000e+00 : f32
    %broadcast_in_dim3A = vector.broadcast %jit3A : f32 to vector<9x4096xf32>
    %broadcast_in_dim3A_122 = vector.broadcast %jit3A_121 : f32 to vector<9x4096xf32>
    %select_n3A = arith.select %eq3A_120, %broadcast_in_dim3A, %broadcast_in_dim3A_122 : vector<9x4096xi1>, vector<9x4096xf32>
    %slice3A_123 = vector.extract_strided_slice %get3A_117 {offsets = [0, 0], sizes = [3, 1], strides = [1, 1]} : vector<512x1xf32> to vector<3x1xf32>
    %eq3A_124 = vector.broadcast %slice3A_123 : vector<3x1xf32> to vector<3x4096xf32>
    %eq3A_125 = vector.broadcast %slice3A_5 : vector<1x4096xf32> to vector<3x4096xf32>
    %eq3A_126 = arith.cmpf oeq, %eq3A_124, %eq3A_125 : vector<3x4096xf32>
    %jit3A_127 = arith.constant 1.000000e+00 : f32
    %jit3A_128 = arith.constant 0.000000e+00 : f32
    %broadcast_in_dim3A_129 = vector.broadcast %jit3A_127 : f32 to vector<3x4096xf32>
    %broadcast_in_dim3A_130 = vector.broadcast %jit3A_128 : f32 to vector<3x4096xf32>
    %select_n3A_131 = arith.select %eq3A_126, %broadcast_in_dim3A_129, %broadcast_in_dim3A_130 : vector<3x4096xi1>, vector<3x4096xf32>
    %eq3A_132 = vector.broadcast %get3A_117 : vector<512x1xf32> to vector<512x4096xf32>
    %eq3A_133 = vector.broadcast %slice3A_4 : vector<1x4096xf32> to vector<512x4096xf32>
    %eq3A_134 = arith.cmpf oeq, %eq3A_132, %eq3A_133 : vector<512x4096xf32>
    %jit3A_135 = arith.constant 1.000000e+00 : f32
    %jit3A_136 = arith.constant 0.000000e+00 : f32
    %broadcast_in_dim3A_137 = vector.broadcast %jit3A_135 : f32 to vector<512x4096xf32>
    %broadcast_in_dim3A_138 = vector.broadcast %jit3A_136 : f32 to vector<512x4096xf32>
    %select_n3A_139 = arith.select %eq3A_134, %broadcast_in_dim3A_137, %broadcast_in_dim3A_138 : vector<512x4096xi1>, vector<512x4096xf32>
    %get3A_140 = arith.constant 0 : index
    %get3A_141 = arith.constant 0 : index
    %get3A_142 = vector.load %arg10[%get3A_140, %get3A_141] : memref<9x128xf32, #tpu.memory_space<vmem>>, vector<9x128xf32>
    %dot_general3A_143 = arith.constant dense<0.000000e+00> : vector<4096x128xf32>
    %dot_general3A_144 = tpu.matmul %select_n3A, %get3A_142, %dot_general3A_143 {dimension_numbers = #tpu.dot_dimension_numbers<[0], [0], [1], [1], [0, 1, 1, 1], [], []>, transpose_lhs_hint = false} : vector<9x4096xf32>, vector<9x128xf32>, vector<4096x128xf32> -> vector<4096x128xf32>
    %get3A_145 = arith.constant 0 : index
    %get3A_146 = arith.constant 0 : index
    %get3A_147 = vector.load %arg11[%get3A_145, %get3A_146] : memref<3x128xf32, #tpu.memory_space<vmem>>, vector<3x128xf32>
    %dot_general3A_148 = arith.constant dense<0.000000e+00> : vector<4096x128xf32>
    %dot_general3A_149 = tpu.matmul %select_n3A_131, %get3A_147, %dot_general3A_148 {dimension_numbers = #tpu.dot_dimension_numbers<[0], [0], [1], [1], [0, 1, 1, 1], [], []>, transpose_lhs_hint = false} : vector<3x4096xf32>, vector<3x128xf32>, vector<4096x128xf32> -> vector<4096x128xf32>
    %add3A_150 = arith.addf %dot_general3A_144, %dot_general3A_149 : vector<4096x128xf32>
    %get3A_151 = arith.constant 0 : index
    %get3A_152 = arith.constant 0 : index
    %get3A_153 = vector.load %arg12[%get3A_151, %get3A_152] : memref<512x128xf32, #tpu.memory_space<vmem>>, vector<512x128xf32>
    %dot_general3A_154 = arith.constant dense<0.000000e+00> : vector<4096x128xf32>
    %dot_general3A_155 = tpu.matmul %select_n3A_139, %get3A_153, %dot_general3A_154 {dimension_numbers = #tpu.dot_dimension_numbers<[0], [0], [1], [1], [0, 1, 1, 1], [], []>, transpose_lhs_hint = false} : vector<512x4096xf32>, vector<512x128xf32>, vector<4096x128xf32> -> vector<4096x128xf32>
    %add3A_156 = arith.addf %add3A_150, %dot_general3A_155 : vector<4096x128xf32>
    %add3A_157 = arith.addf %tanh3A, %add3A_156 : vector<4096x128xf32>
    %reduce_sum3A = arith.constant dense<0.000000e+00> : vector<4096xf32>
    %reduce_sum3A_158 = vector.multi_reduction <add>, %add3A_157, %reduce_sum3A [1] : vector<4096x128xf32> to vector<4096xf32>
    %broadcast_in_dim3A_159 = vector.shape_cast %reduce_sum3A_158 : vector<4096xf32> to vector<4096x1xf32>
    %div3A = arith.constant 1.280000e+02 : f32
    %div3A_160 = vector.broadcast %div3A : f32 to vector<4096x1xf32>
    %div3A_161 = arith.divf %broadcast_in_dim3A_159, %div3A_160 : vector<4096x1xf32>
    %sub3A_162 = vector.broadcast %div3A_161 : vector<4096x1xf32> to vector<4096x128xf32>
    %sub3A_163 = arith.subf %add3A_157, %sub3A_162 : vector<4096x128xf32>
    %mul3A_164 = arith.mulf %sub3A_163, %sub3A_163 : vector<4096x128xf32>
    %reduce_sum3A_165 = arith.constant dense<0.000000e+00> : vector<4096xf32>
    %reduce_sum3A_166 = vector.multi_reduction <add>, %mul3A_164, %reduce_sum3A_165 [1] : vector<4096x128xf32> to vector<4096xf32>
    %broadcast_in_dim3A_167 = vector.shape_cast %reduce_sum3A_166 : vector<4096xf32> to vector<4096x1xf32>
    %div3A_168 = arith.constant 1.280000e+02 : f32
    %div3A_169 = vector.broadcast %div3A_168 : f32 to vector<4096x1xf32>
    %div3A_170 = arith.divf %broadcast_in_dim3A_167, %div3A_169 : vector<4096x1xf32>
    %add3A_171 = arith.constant 9.99999996E-13 : f32
    %add3A_172 = vector.broadcast %add3A_171 : f32 to vector<4096x1xf32>
    %add3A_173 = arith.addf %div3A_170, %add3A_172 : vector<4096x1xf32>
    %rsqrt3A = math.rsqrt %add3A_173 : vector<4096x1xf32>
    %mul3A_174 = vector.broadcast %rsqrt3A : vector<4096x1xf32> to vector<4096x128xf32>
    %mul3A_175 = arith.mulf %sub3A_163, %mul3A_174 : vector<4096x128xf32>
    %get3A_176 = arith.constant 0 : index
    %get3A_177 = arith.constant 0 : index
    %get3A_178 = vector.load %arg13[%get3A_176, %get3A_177] : memref<1x128xf32, #tpu.memory_space<vmem>>, vector<1x128xf32>
    %mul3A_179 = vector.broadcast %get3A_178 : vector<1x128xf32> to vector<4096x128xf32>
    %mul3A_180 = arith.mulf %mul3A_175, %mul3A_179 : vector<4096x128xf32>
    %get3A_181 = arith.constant 0 : index
    %get3A_182 = arith.constant 0 : index
    %get3A_183 = vector.load %arg14[%get3A_181, %get3A_182] : memref<1x128xf32, #tpu.memory_space<vmem>>, vector<1x128xf32>
    %add3A_184 = vector.broadcast %get3A_183 : vector<1x128xf32> to vector<4096x128xf32>
    %add3A_185 = arith.addf %mul3A_180, %add3A_184 : vector<4096x128xf32>
    %swap3A = arith.constant 0 : index
    %swap3A_186 = arith.constant 0 : index
    %swap3A_187 = vector.load %arg16[%swap3A, %swap3A_186] : memref<4096x128xf32, #tpu.memory_space<vmem>>, vector<4096x128xf32>
    tpu.vector_store %arg16[%swap3A, %swap3A_186], %add3A_185 {strides = array<i32>} : memref<4096x128xf32, #tpu.memory_space<vmem>>, vector<4096x128xf32>,
    return
  }
  func.func @transform_0(%arg0: i32) -> (i32, i32) {
    %c0_i32 = arith.constant 0 : i32
    %c0_i32_0 = arith.constant 0 : i32
    return %arg0, %c0_i32 : i32, i32
  }
  func.func @transform_1(%arg0: i32) -> (i32, i32) {
    %c0_i32 = arith.constant 0 : i32
    %c0_i32_0 = arith.constant 0 : i32
    return %c0_i32, %arg0 : i32, i32
  }
  func.func @transform_2(%arg0: i32) -> (i32, i32) {
    %c0_i32 = arith.constant 0 : i32
    %c0_i32_0 = arith.constant 0 : i32
    %c0_i32_1 = arith.constant 0 : i32
    return %c0_i32, %c0_i32_0 : i32, i32
  }
  func.func @transform_3(%arg0: i32) -> (i32, i32) {
    %c0_i32 = arith.constant 0 : i32
    %c0_i32_0 = arith.constant 0 : i32
    %c0_i32_1 = arith.constant 0 : i32
    return %c0_i32, %c0_i32_0 : i32, i32
  }
  func.func @transform_4(%arg0: i32) -> (i32, i32) {
    %c0_i32 = arith.constant 0 : i32
    %c0_i32_0 = arith.constant 0 : i32
    %c0_i32_1 = arith.constant 0 : i32
    return %c0_i32, %c0_i32_0 : i32, i32
  }
  func.func @transform_5(%arg0: i32) -> (i32, i32) {
    %c0_i32 = arith.constant 0 : i32
    %c0_i32_0 = arith.constant 0 : i32
    %c0_i32_1 = arith.constant 0 : i32
    return %c0_i32, %c0_i32_0 : i32, i32
  }
  func.func @transform_6(%arg0: i32) -> (i32, i32) {
    %c0_i32 = arith.constant 0 : i32
    %c0_i32_0 = arith.constant 0 : i32
    %c0_i32_1 = arith.constant 0 : i32
    return %c0_i32, %c0_i32_0 : i32, i32
  }
  func.func @transform_7(%arg0: i32) -> (i32, i32) {
    %c0_i32 = arith.constant 0 : i32
    %c0_i32_0 = arith.constant 0 : i32
    %c0_i32_1 = arith.constant 0 : i32
    return %c0_i32, %c0_i32_0 : i32, i32
  }
  func.func @transform_8(%arg0: i32) -> (i32, i32) {
    %c0_i32 = arith.constant 0 : i32
    %c0_i32_0 = arith.constant 0 : i32
    %c0_i32_1 = arith.constant 0 : i32
    return %c0_i32, %c0_i32_0 : i32, i32
  }
  func.func @transform_9(%arg0: i32) -> (i32, i32) {
    %c0_i32 = arith.constant 0 : i32
    %c0_i32_0 = arith.constant 0 : i32
    %c0_i32_1 = arith.constant 0 : i32
    return %c0_i32, %c0_i32_0 : i32, i32
  }
  func.func @transform_10(%arg0: i32) -> (i32, i32) {
    %c0_i32 = arith.constant 0 : i32
    %c0_i32_0 = arith.constant 0 : i32
    %c0_i32_1 = arith.constant 0 : i32
    return %c0_i32, %c0_i32_0 : i32, i32
  }
  func.func @transform_11(%arg0: i32) -> (i32, i32) {
    %c0_i32 = arith.constant 0 : i32
    %c0_i32_0 = arith.constant 0 : i32
    %c0_i32_1 = arith.constant 0 : i32
    return %c0_i32, %c0_i32_0 : i32, i32
  }
  func.func @transform_12(%arg0: i32) -> (i32, i32) {
    %c0_i32 = arith.constant 0 : i32
    %c0_i32_0 = arith.constant 0 : i32
    %c0_i32_1 = arith.constant 0 : i32
    return %c0_i32, %c0_i32_0 : i32, i32
  }
  func.func @transform_13(%arg0: i32) -> (i32, i32) {
    %c0_i32 = arith.constant 0 : i32
    %c0_i32_0 = arith.constant 0 : i32
    %c0_i32_1 = arith.constant 0 : i32
    return %c0_i32, %c0_i32_0 : i32, i32
  }
  func.func @transform_15(%arg0: i32) -> (i32, i32) {
    %add3A = arith.constant 30 : i32
    %add3A_0 = arith.addi %add3A, %arg0 : i32
    %c0_i32 = arith.constant 0 : i32
    %c0_i32_1 = arith.constant 0 : i32
    return %add3A_0, %c0_i32 : i32, i32
  }
}

module attributes {stable_mosaic.version = 14 : i64} {
  func.func @_lambda_(%arg0: i32, %arg1: memref<4096x128xf32, #tpu.memory_space<vmem>>, %arg2: memref<5x4096xf32, #tpu.memory_space<vmem>>, %arg3: memref<512x1xf32, #tpu.memory_space<vmem>>, %arg4: memref<192x128xf32, #tpu.memory_space<vmem>>, %arg5: memref<1x128xf32, #tpu.memory_space<vmem>>, %arg6: memref<32x1xf32, #tpu.memory_space<vmem>>, %arg7: memref<32x1xf32, #tpu.memory_space<vmem>>, %arg8: memref<32x1xf32, #tpu.memory_space<vmem>>, %arg9: memref<32x1xf32, #tpu.memory_space<vmem>>, %arg10: memref<9x128xf32, #tpu.memory_space<vmem>>, %arg11: memref<3x128xf32, #tpu.memory_space<vmem>>, %arg12: memref<512x128xf32, #tpu.memory_space<vmem>>, %arg13: memref<1x128xf32, #tpu.memory_space<vmem>>, %arg14: memref<1x128xf32, #tpu.memory_space<vmem>>, %arg15: memref<204800x128xf32, #tpu.memory_space<any>>, %arg16: memref<4096x128xf32, #tpu.memory_space<vmem>>) attributes {dimension_semantics = [#tpu.dimension_semantics<arbitrary>], iteration_bounds = array<i64: 10>, scalar_prefetch = 0 : i64, scratch_operands = 0 : i64, tpu.core_type = #tpu.core_type<tc>, window_params = [{transform_indices = @transform_0, window_bounds = array<i64: 4096, 128>}, {transform_indices = @transform_1, window_bounds = array<i64: 5, 4096>}, {pipeline_mode = #tpu.pipeline_mode<synchronous>, transform_indices = @transform_2, window_bounds = array<i64: 512, 1>}, {pipeline_mode = #tpu.pipeline_mode<synchronous>, transform_indices = @transform_3, window_bounds = array<i64: 192, 128>}, {pipeline_mode = #tpu.pipeline_mode<synchronous>, transform_indices = @transform_4, window_bounds = array<i64: 1, 128>}, {pipeline_mode = #tpu.pipeline_mode<synchronous>, transform_indices = @transform_5, window_bounds = array<i64: 32, 1>}, {pipeline_mode = #tpu.pipeline_mode<synchronous>, transform_indices = @transform_6, window_bounds = array<i64: 32, 1>}, {pipeline_mode = #tpu.pipeline_mode<synchronous>, transform_indices = @transform_7, window_bounds = array<i64: 32, 1>}, {pipeline_mode = #tpu.pipeline_mode<synchronous>, transform_indices = @transform_8, window_bounds = array<i64: 32, 1>}, {pipeline_mode = #tpu.pipeline_mode<synchronous>, transform_indices = @transform_9, window_bounds = array<i64: 9, 128>}, {pipeline_mode = #tpu.pipeline_mode<synchronous>, transform_indices = @transform_10, window_bounds = array<i64: 3, 128>}, {pipeline_mode = #tpu.pipeline_mode<synchronous>, transform_indices = @transform_11, window_bounds = array<i64: 512, 128>}, {pipeline_mode = #tpu.pipeline_mode<synchronous>, transform_indices = @transform_12, window_bounds = array<i64: 1, 128>}, {pipeline_mode = #tpu.pipeline_mode<synchronous>, transform_indices = @transform_13, window_bounds = array<i64: 1, 128>}, {}, {transform_indices = @transform_15, window_bounds = array<i64: 4096, 128>}]} {
    %get3A = arith.constant 0 : index
    %get3A_0 = arith.constant 0 : index
    %get3A_1 = vector.load %arg2[%get3A, %get3A_0] : memref<5x4096xf32, #tpu.memory_space<vmem>>, vector<5x4096xf32>
    %slice3A = vector.extract_strided_slice %get3A_1 {offsets = [0, 0], sizes = [1, 4096], strides = [1, 1]} : vector<5x4096xf32> to vector<1x4096xf32>
    %slice3A_2 = vector.extract_strided_slice %get3A_1 {offsets = [1, 0], sizes = [1, 4096], strides = [1, 1]} : vector<5x4096xf32> to vector<1x4096xf32>
    %slice3A_3 = vector.extract_strided_slice %get3A_1 {offsets = [2, 0], sizes = [1, 4096], strides = [1, 1]} : vector<5x4096xf32> to vector<1x4096xf32>
    %slice3A_4 = vector.extract_strided_slice %get3A_1 {offsets = [3, 0], sizes = [1, 4096], strides = [1, 1]} : vector<5x4096xf32> to vector<1x4096xf32>
    %slice3A_5 = vector.extract_strided_slice %get3A_1 {offsets = [4, 0], sizes = [1, 4096], strides = [1, 1]} : vector<5x4096xf32> to vector<1x4096xf32>
    %get3A_6 = arith.constant 0 : index
    %get3A_7 = arith.constant 0 : index
    %get3A_8 = vector.load %arg6[%get3A_6, %get3A_7] : memref<32x1xf32, #tpu.memory_space<vmem>>, vector<32x1xf32>
    %mul3A = vector.broadcast %get3A_8 : vector<32x1xf32> to vector<32x4096xf32>
    %mul3A_9 = vector.broadcast %slice3A : vector<1x4096xf32> to vector<32x4096xf32>
    %mul3A_10 = arith.mulf %mul3A, %mul3A_9 : vector<32x4096xf32>
    %get3A_11 = arith.constant 0 : index
    %get3A_12 = arith.constant 0 : index
    %get3A_13 = vector.load %arg7[%get3A_11, %get3A_12] : memref<32x1xf32, #tpu.memory_space<vmem>>, vector<32x1xf32>
    %add3A = vector.broadcast %get3A_13 : vector<32x1xf32> to vector<32x4096xf32>
    %add3A_14 = arith.addf %mul3A_10, %add3A : vector<32x4096xf32>
    %mul3A_15 = arith.constant 0.159154937 : f32
    %mul3A_16 = vector.broadcast %mul3A_15 : f32 to vector<32x4096xf32>
    %mul3A_17 = arith.mulf %add3A_14, %mul3A_16 : vector<32x4096xf32>
    %add3A_18 = arith.constant 5.000000e-01 : f32
    %add3A_19 = vector.broadcast %add3A_18 : f32 to vector<32x4096xf32>
    %add3A_20 = arith.addf %mul3A_17, %add3A_19 : vector<32x4096xf32>
    %floor3A = math.floor %add3A_20 : vector<32x4096xf32>
    %mul3A_21 = arith.constant 6.281250e+00 : f32
    %mul3A_22 = vector.broadcast %mul3A_21 : f32 to vector<32x4096xf32>
    %mul3A_23 = arith.mulf %floor3A, %mul3A_22 : vector<32x4096xf32>
    %sub3A = arith.subf %add3A_14, %mul3A_23 : vector<32x4096xf32>
    %mul3A_24 = arith.constant 0.00193530717 : f32
    %mul3A_25 = vector.broadcast %mul3A_24 : f32 to vector<32x4096xf32>
    %mul3A_26 = arith.mulf %floor3A, %mul3A_25 : vector<32x4096xf32>
    %sub3A_27 = arith.subf %sub3A, %mul3A_26 : vector<32x4096xf32>
    %mul3A_28 = arith.mulf %sub3A_27, %sub3A_27 : vector<32x4096xf32>
    %mul3A_29 = arith.constant 2.1470546E-6 : f32
    %mul3A_30 = vector.broadcast %mul3A_29 : f32 to vector<32x4096xf32>
    %mul3A_31 = arith.mulf %mul3A_30, %mul3A_28 : vector<32x4096xf32>
    %add3A_32 = arith.constant -1.92631793E-4 : f32
    %add3A_33 = vector.broadcast %add3A_32 : f32 to vector<32x4096xf32>
    %add3A_34 = arith.addf %mul3A_31, %add3A_33 : vector<32x4096xf32>
    %mul3A_35 = arith.mulf %add3A_34, %mul3A_28 : vector<32x4096xf32>
    %add3A_36 = arith.constant 8.308850e-03 : f32
    %add3A_37 = vector.broadcast %add3A_36 : f32 to vector<32x4096xf32>
    %add3A_38 = arith.addf %mul3A_35, %add3A_37 : vector<32x4096xf32>
    %mul3A_39 = arith.mulf %add3A_38, %mul3A_28 : vector<32x4096xf32>
    %add3A_40 = arith.constant -0.16662401 : f32
    %add3A_41 = vector.broadcast %add3A_40 : f32 to vector<32x4096xf32>
    %add3A_42 = arith.addf %mul3A_39, %add3A_41 : vector<32x4096xf32>
    %mul3A_43 = arith.mulf %add3A_42, %mul3A_28 : vector<32x4096xf32>
    %add3A_44 = arith.constant 0.999979138 : f32
    %add3A_45 = vector.broadcast %add3A_44 : f32 to vector<32x4096xf32>
    %add3A_46 = arith.addf %mul3A_43, %add3A_45 : vector<32x4096xf32>
    %mul3A_47 = arith.mulf %sub3A_27, %add3A_46 : vector<32x4096xf32>
    %get3A_48 = arith.constant 0 : index
    %get3A_49 = arith.constant 0 : index
    %get3A_50 = vector.load %arg8[%get3A_48, %get3A_49] : memref<32x1xf32, #tpu.memory_space<vmem>>, vector<32x1xf32>
    %mul3A_51 = vector.broadcast %get3A_50 : vector<32x1xf32> to vector<32x4096xf32>
    %mul3A_52 = vector.broadcast %slice3A_2 : vector<1x4096xf32> to vector<32x4096xf32>
    %mul3A_53 = arith.mulf %mul3A_51, %mul3A_52 : vector<32x4096xf32>
    %get3A_54 = arith.constant 0 : index
    %get3A_55 = arith.constant 0 : index
    %get3A_56 = vector.load %arg9[%get3A_54, %get3A_55] : memref<32x1xf32, #tpu.memory_space<vmem>>, vector<32x1xf32>
    %add3A_57 = vector.broadcast %get3A_56 : vector<32x1xf32> to vector<32x4096xf32>
    %add3A_58 = arith.addf %mul3A_53, %add3A_57 : vector<32x4096xf32>
    %mul3A_59 = arith.constant 0.159154937 : f32
    %mul3A_60 = vector.broadcast %mul3A_59 : f32 to vector<32x4096xf32>
    %mul3A_61 = arith.mulf %add3A_58, %mul3A_60 : vector<32x4096xf32>
    %add3A_62 = arith.constant 5.000000e-01 : f32
    %add3A_63 = vector.broadcast %add3A_62 : f32 to vector<32x4096xf32>
    %add3A_64 = arith.addf %mul3A_61, %add3A_63 : vector<32x4096xf32>
    %floor3A_65 = math.floor %add3A_64 : vector<32x4096xf32>
    %mul3A_66 = arith.constant 6.281250e+00 : f32
    %mul3A_67 = vector.broadcast %mul3A_66 : f32 to vector<32x4096xf32>
    %mul3A_68 = arith.mulf %floor3A_65, %mul3A_67 : vector<32x4096xf32>
    %sub3A_69 = arith.subf %add3A_58, %mul3A_68 : vector<32x4096xf32>
    %mul3A_70 = arith.constant 0.00193530717 : f32
    %mul3A_71 = vector.broadcast %mul3A_70 : f32 to vector<32x4096xf32>
    %mul3A_72 = arith.mulf %floor3A_65, %mul3A_71 : vector<32x4096xf32>
    %sub3A_73 = arith.subf %sub3A_69, %mul3A_72 : vector<32x4096xf32>
    %mul3A_74 = arith.mulf %sub3A_73, %sub3A_73 : vector<32x4096xf32>
    %mul3A_75 = arith.constant 2.1470546E-6 : f32
    %mul3A_76 = vector.broadcast %mul3A_75 : f32 to vector<32x4096xf32>
    %mul3A_77 = arith.mulf %mul3A_76, %mul3A_74 : vector<32x4096xf32>
    %add3A_78 = arith.constant -1.92631793E-4 : f32
    %add3A_79 = vector.broadcast %add3A_78 : f32 to vector<32x4096xf32>
    %add3A_80 = arith.addf %mul3A_77, %add3A_79 : vector<32x4096xf32>
    %mul3A_81 = arith.mulf %add3A_80, %mul3A_74 : vector<32x4096xf32>
    %add3A_82 = arith.constant 8.308850e-03 : f32
    %add3A_83 = vector.broadcast %add3A_82 : f32 to vector<32x4096xf32>
    %add3A_84 = arith.addf %mul3A_81, %add3A_83 : vector<32x4096xf32>
    %mul3A_85 = arith.mulf %add3A_84, %mul3A_74 : vector<32x4096xf32>
    %add3A_86 = arith.constant -0.16662401 : f32
    %add3A_87 = vector.broadcast %add3A_86 : f32 to vector<32x4096xf32>
    %add3A_88 = arith.addf %mul3A_85, %add3A_87 : vector<32x4096xf32>
    %mul3A_89 = arith.mulf %add3A_88, %mul3A_74 : vector<32x4096xf32>
    %add3A_90 = arith.constant 0.999979138 : f32
    %add3A_91 = vector.broadcast %add3A_90 : f32 to vector<32x4096xf32>
    %add3A_92 = arith.addf %mul3A_89, %add3A_91 : vector<32x4096xf32>
    %mul3A_93 = arith.mulf %sub3A_73, %add3A_92 : vector<32x4096xf32>
    %get3A_94 = arith.constant 0 : index
    %get3A_95 = arith.constant 0 : index
    %get3A_96 = vector.load %arg4[%get3A_94, %get3A_95] : memref<192x128xf32, #tpu.memory_space<vmem>>, vector<192x128xf32>
    %get3A_97 = arith.constant 0 : index
    %get3A_98 = arith.constant 0 : index
    %get3A_99 = vector.load %arg1[%get3A_97, %get3A_98] : memref<4096x128xf32, #tpu.memory_space<vmem>>, vector<4096x128xf32>
    %slice3A_100 = vector.extract_strided_slice %get3A_96 {offsets = [0, 0], sizes = [128, 128], strides = [1, 1]} : vector<192x128xf32> to vector<128x128xf32>
    %dot_general3A = arith.constant dense<0.000000e+00> : vector<4096x128xf32>
    %dot_general3A_101 = tpu.matmul %get3A_99, %slice3A_100, %dot_general3A {dimension_numbers = #tpu.dot_dimension_numbers<[1], [0], [0], [1], [0, 0, 1, 1], [], []>, transpose_lhs_hint = false} : vector<4096x128xf32>, vector<128x128xf32>, vector<4096x128xf32> -> vector<4096x128xf32>
    %slice3A_102 = vector.extract_strided_slice %get3A_96 {offsets = [128, 0], sizes = [32, 128], strides = [1, 1]} : vector<192x128xf32> to vector<32x128xf32>
    %dot_general3A_103 = arith.constant dense<0.000000e+00> : vector<4096x128xf32>
    %dot_general3A_104 = tpu.matmul %mul3A_47, %slice3A_102, %dot_general3A_103 {dimension_numbers = #tpu.dot_dimension_numbers<[0], [0], [1], [1], [0, 1, 1, 1], [], []>, transpose_lhs_hint = false} : vector<32x4096xf32>, vector<32x128xf32>, vector<4096x128xf32> -> vector<4096x128xf32>
    %add3A_105 = arith.addf %dot_general3A_101, %dot_general3A_104 : vector<4096x128xf32>
    %slice3A_106 = vector.extract_strided_slice %get3A_96 {offsets = [160, 0], sizes = [32, 128], strides = [1, 1]} : vector<192x128xf32> to vector<32x128xf32>
    %dot_general3A_107 = arith.constant dense<0.000000e+00> : vector<4096x128xf32>
    %dot_general3A_108 = tpu.matmul %mul3A_93, %slice3A_106, %dot_general3A_107 {dimension_numbers = #tpu.dot_dimension_numbers<[0], [0], [1], [1], [0, 1, 1, 1], [], []>, transpose_lhs_hint = false} : vector<32x4096xf32>, vector<32x128xf32>, vector<4096x128xf32> -> vector<4096x128xf32>
    %add3A_109 = arith.addf %add3A_105, %dot_general3A_108 : vector<4096x128xf32>
    %get3A_110 = arith.constant 0 : index
    %get3A_111 = arith.constant 0 : index
    %get3A_112 = vector.load %arg5[%get3A_110, %get3A_111] : memref<1x128xf32, #tpu.memory_space<vmem>>, vector<1x128xf32>
    %add3A_113 = vector.broadcast %get3A_112 : vector<1x128xf32> to vector<4096x128xf32>
    %add3A_114 = arith.addf %add3A_109, %add3A_113 : vector<4096x128xf32>
    %tanh3A = math.tanh %add3A_114 : vector<4096x128xf32>
    %get3A_115 = arith.constant 0 : index
    %get3A_116 = arith.constant 0 : index
    %get3A_117 = vector.load %arg3[%get3A_115, %get3A_116] : memref<512x1xf32, #tpu.memory_space<vmem>>, vector<512x1xf32>
    %slice3A_118 = vector.extract_strided_slice %get3A_117 {offsets = [0, 0], sizes = [9, 1], strides = [1, 1]} : vector<512x1xf32> to vector<9x1xf32>
    %eq3A = vector.broadcast %slice3A_118 : vector<9x1xf32> to vector<9x4096xf32>
    %eq3A_119 = vector.broadcast %slice3A_3 : vector<1x4096xf32> to vector<9x4096xf32>
    %eq3A_120 = arith.cmpf oeq, %eq3A, %eq3A_119 : vector<9x4096xf32>
    %jit3A = arith.constant 1.000000e+00 : f32
    %jit3A_121 = arith.constant 0.000000e+00 : f32
    %broadcast_in_dim3A = vector.broadcast %jit3A : f32 to vector<9x4096xf32>
    %broadcast_in_dim3A_122 = vector.broadcast %jit3A_121 : f32 to vector<9x4096xf32>
    %select_n3A = arith.select %eq3A_120, %broadcast_in_dim3A, %broadcast_in_dim3A_122 : vector<9x4096xi1>, vector<9x4096xf32>
    %slice3A_123 = vector.extract_strided_slice %get3A_117 {offsets = [0, 0], sizes = [3, 1], strides = [1, 1]} : vector<512x1xf32> to vector<3x1xf32>
    %eq3A_124 = vector.broadcast %slice3A_123 : vector<3x1xf32> to vector<3x4096xf32>
    %eq3A_125 = vector.broadcast %slice3A_5 : vector<1x4096xf32> to vector<3x4096xf32>
    %eq3A_126 = arith.cmpf oeq, %eq3A_124, %eq3A_125 : vector<3x4096xf32>
    %jit3A_127 = arith.constant 1.000000e+00 : f32
    %jit3A_128 = arith.constant 0.000000e+00 : f32
    %broadcast_in_dim3A_129 = vector.broadcast %jit3A_127 : f32 to vector<3x4096xf32>
    %broadcast_in_dim3A_130 = vector.broadcast %jit3A_128 : f32 to vector<3x4096xf32>
    %select_n3A_131 = arith.select %eq3A_126, %broadcast_in_dim3A_129, %broadcast_in_dim3A_130 : vector<3x4096xi1>, vector<3x4096xf32>
    %eq3A_132 = vector.broadcast %get3A_117 : vector<512x1xf32> to vector<512x4096xf32>
    %eq3A_133 = vector.broadcast %slice3A_4 : vector<1x4096xf32> to vector<512x4096xf32>
    %eq3A_134 = arith.cmpf oeq, %eq3A_132, %eq3A_133 : vector<512x4096xf32>
    %jit3A_135 = arith.constant 1.000000e+00 : f32
    %jit3A_136 = arith.constant 0.000000e+00 : f32
    %broadcast_in_dim3A_137 = vector.broadcast %jit3A_135 : f32 to vector<512x4096xf32>
    %broadcast_in_dim3A_138 = vector.broadcast %jit3A_136 : f32 to vector<512x4096xf32>
    %select_n3A_139 = arith.select %eq3A_134, %broadcast_in_dim3A_137, %broadcast_in_dim3A_138 : vector<512x4096xi1>, vector<512x4096xf32>
    %get3A_140 = arith.constant 0 : index
    %get3A_141 = arith.constant 0 : index
    %get3A_142 = vector.load %arg10[%get3A_140, %get3A_141] : memref<9x128xf32, #tpu.memory_space<vmem>>, vector<9x128xf32>
    %dot_general3A_143 = arith.constant dense<0.000000e+00> : vector<4096x128xf32>
    %dot_general3A_144 = tpu.matmul %select_n3A, %get3A_142, %dot_general3A_143 {dimension_numbers = #tpu.dot_dimension_numbers<[0], [0], [1], [1], [0, 1, 1, 1], [], []>, transpose_lhs_hint = false} : vector<9x4096xf32>, vector<9x128xf32>, vector<4096x128xf32> -> vector<4096x128xf32>
    %get3A_145 = arith.constant 0 : index
    %get3A_146 = arith.constant 0 : index
    %get3A_147 = vector.load %arg11[%get3A_145, %get3A_146] : memref<3x128xf32, #tpu.memory_space<vmem>>, vector<3x128xf32>
    %dot_general3A_148 = arith.constant dense<0.000000e+00> : vector<4096x128xf32>
    %dot_general3A_149 = tpu.matmul %select_n3A_131, %get3A_147, %dot_general3A_148 {dimension_numbers = #tpu.dot_dimension_numbers<[0], [0], [1], [1], [0, 1, 1, 1], [], []>, transpose_lhs_hint = false} : vector<3x4096xf32>, vector<3x128xf32>, vector<4096x128xf32> -> vector<4096x128xf32>
    %add3A_150 = arith.addf %dot_general3A_144, %dot_general3A_149 : vector<4096x128xf32>
    %get3A_151 = arith.constant 0 : index
    %get3A_152 = arith.constant 0 : index
    %get3A_153 = vector.load %arg12[%get3A_151, %get3A_152] : memref<512x128xf32, #tpu.memory_space<vmem>>, vector<512x128xf32>
    %dot_general3A_154 = arith.constant dense<0.000000e+00> : vector<4096x128xf32>
    %dot_general3A_155 = tpu.matmul %select_n3A_139, %get3A_153, %dot_general3A_154 {dimension_numbers = #tpu.dot_dimension_numbers<[0], [0], [1], [1], [0, 1, 1, 1], [], []>, transpose_lhs_hint = false} : vector<512x4096xf32>, vector<512x128xf32>, vector<4096x128xf32> -> vector<4096x128xf32>
    %add3A_156 = arith.addf %add3A_150, %dot_general3A_155 : vector<4096x128xf32>
    %add3A_157 = arith.addf %tanh3A, %add3A_156 : vector<4096x128xf32>
    %reduce_sum3A = arith.constant dense<0.000000e+00> : vector<4096xf32>
    %reduce_sum3A_158 = vector.multi_reduction <add>, %add3A_157, %reduce_sum3A [1] : vector<4096x128xf32> to vector<4096xf32>
    %broadcast_in_dim3A_159 = vector.shape_cast %reduce_sum3A_158 : vector<4096xf32> to vector<4096x1xf32>
    %div3A = arith.constant 1.280000e+02 : f32
    %div3A_160 = vector.broadcast %div3A : f32 to vector<4096x1xf32>
    %div3A_161 = arith.divf %broadcast_in_dim3A_159, %div3A_160 : vector<4096x1xf32>
    %sub3A_162 = vector.broadcast %div3A_161 : vector<4096x1xf32> to vector<4096x128xf32>
    %sub3A_163 = arith.subf %add3A_157, %sub3A_162 : vector<4096x128xf32>
    %mul3A_164 = arith.mulf %sub3A_163, %sub3A_163 : vector<4096x128xf32>
    %reduce_sum3A_165 = arith.constant dense<0.000000e+00> : vector<4096xf32>
    %reduce_sum3A_166 = vector.multi_reduction <add>, %mul3A_164, %reduce_sum3A_165 [1] : vector<4096x128xf32> to vector<4096xf32>
    %broadcast_in_dim3A_167 = vector.shape_cast %reduce_sum3A_166 : vector<4096xf32> to vector<4096x1xf32>
    %div3A_168 = arith.constant 1.280000e+02 : f32
    %div3A_169 = vector.broadcast %div3A_168 : f32 to vector<4096x1xf32>
    %div3A_170 = arith.divf %broadcast_in_dim3A_167, %div3A_169 : vector<4096x1xf32>
    %add3A_171 = arith.constant 9.99999996E-13 : f32
    %add3A_172 = vector.broadcast %add3A_171 : f32 to vector<4096x1xf32>
    %add3A_173 = arith.addf %div3A_170, %add3A_172 : vector<4096x1xf32>
    %rsqrt3A = math.rsqrt %add3A_173 : vector<4096x1xf32>
    %mul3A_174 = vector.broadcast %rsqrt3A : vector<4096x1xf32> to vector<4096x128xf32>
    %mul3A_175 = arith.mulf %sub3A_163, %mul3A_174 : vector<4096x128xf32>
    %get3A_176 = arith.constant 0 : index
    %get3A_177 = arith.constant 0 : index
    %get3A_178 = vector.load %arg13[%get3A_176, %get3A_177] : memref<1x128xf32, #tpu.memory_space<vmem>>, vector<1x128xf32>
    %mul3A_179 = vector.broadcast %get3A_178 : vector<1x128xf32> to vector<4096x128xf32>
    %mul3A_180 = arith.mulf %mul3A_175, %mul3A_179 : vector<4096x128xf32>
    %get3A_181 = arith.constant 0 : index
    %get3A_182 = arith.constant 0 : index
    %get3A_183 = vector.load %arg14[%get3A_181, %get3A_182] : memref<1x128xf32, #tpu.memory_space<vmem>>, vector<1x128xf32>
    %add3A_184 = vector.broadcast %get3A_183 : vector<1x128xf32> to vector<4096x128xf32>
    %add3A_185 = arith.addf %mul3A_180, %add3A_184 : vector<4096x128xf32>
    %swap3A = arith.constant 0 : index
    %swap3A_186 = arith.constant 0 : index
    %swap3A_187 = vector.load %arg16[%swap3A, %swap3A_186] : memref<4096x128xf32, #tpu.memory_space<vmem>>, vector<4096x128xf32>
    tpu.vector_store %arg16[%swap3A, %swap3A_186], %add3A_185 {strides = array<i32>} : memref<4096x128xf32, #tpu.memory_space<vmem>>, vector<4096x128xf32>,
    return
  }
  func.func @transform_0(%arg0: i32) -> (i32, i32) {
    %c0_i32 = arith.constant 0 : i32
    %c0_i32_0 = arith.constant 0 : i32
    return %arg0, %c0_i32 : i32, i32
  }
  func.func @transform_1(%arg0: i32) -> (i32, i32) {
    %c0_i32 = arith.constant 0 : i32
    %c0_i32_0 = arith.constant 0 : i32
    return %c0_i32, %arg0 : i32, i32
  }
  func.func @transform_2(%arg0: i32) -> (i32, i32) {
    %c0_i32 = arith.constant 0 : i32
    %c0_i32_0 = arith.constant 0 : i32
    %c0_i32_1 = arith.constant 0 : i32
    return %c0_i32, %c0_i32_0 : i32, i32
  }
  func.func @transform_3(%arg0: i32) -> (i32, i32) {
    %c0_i32 = arith.constant 0 : i32
    %c0_i32_0 = arith.constant 0 : i32
    %c0_i32_1 = arith.constant 0 : i32
    return %c0_i32, %c0_i32_0 : i32, i32
  }
  func.func @transform_4(%arg0: i32) -> (i32, i32) {
    %c0_i32 = arith.constant 0 : i32
    %c0_i32_0 = arith.constant 0 : i32
    %c0_i32_1 = arith.constant 0 : i32
    return %c0_i32, %c0_i32_0 : i32, i32
  }
  func.func @transform_5(%arg0: i32) -> (i32, i32) {
    %c0_i32 = arith.constant 0 : i32
    %c0_i32_0 = arith.constant 0 : i32
    %c0_i32_1 = arith.constant 0 : i32
    return %c0_i32, %c0_i32_0 : i32, i32
  }
  func.func @transform_6(%arg0: i32) -> (i32, i32) {
    %c0_i32 = arith.constant 0 : i32
    %c0_i32_0 = arith.constant 0 : i32
    %c0_i32_1 = arith.constant 0 : i32
    return %c0_i32, %c0_i32_0 : i32, i32
  }
  func.func @transform_7(%arg0: i32) -> (i32, i32) {
    %c0_i32 = arith.constant 0 : i32
    %c0_i32_0 = arith.constant 0 : i32
    %c0_i32_1 = arith.constant 0 : i32
    return %c0_i32, %c0_i32_0 : i32, i32
  }
  func.func @transform_8(%arg0: i32) -> (i32, i32) {
    %c0_i32 = arith.constant 0 : i32
    %c0_i32_0 = arith.constant 0 : i32
    %c0_i32_1 = arith.constant 0 : i32
    return %c0_i32, %c0_i32_0 : i32, i32
  }
  func.func @transform_9(%arg0: i32) -> (i32, i32) {
    %c0_i32 = arith.constant 0 : i32
    %c0_i32_0 = arith.constant 0 : i32
    %c0_i32_1 = arith.constant 0 : i32
    return %c0_i32, %c0_i32_0 : i32, i32
  }
  func.func @transform_10(%arg0: i32) -> (i32, i32) {
    %c0_i32 = arith.constant 0 : i32
    %c0_i32_0 = arith.constant 0 : i32
    %c0_i32_1 = arith.constant 0 : i32
    return %c0_i32, %c0_i32_0 : i32, i32
  }
  func.func @transform_11(%arg0: i32) -> (i32, i32) {
    %c0_i32 = arith.constant 0 : i32
    %c0_i32_0 = arith.constant 0 : i32
    %c0_i32_1 = arith.constant 0 : i32
    return %c0_i32, %c0_i32_0 : i32, i32
  }
  func.func @transform_12(%arg0: i32) -> (i32, i32) {
    %c0_i32 = arith.constant 0 : i32
    %c0_i32_0 = arith.constant 0 : i32
    %c0_i32_1 = arith.constant 0 : i32
    return %c0_i32, %c0_i32_0 : i32, i32
  }
  func.func @transform_13(%arg0: i32) -> (i32, i32) {
    %c0_i32 = arith.constant 0 : i32
    %c0_i32_0 = arith.constant 0 : i32
    %c0_i32_1 = arith.constant 0 : i32
    return %c0_i32, %c0_i32_0 : i32, i32
  }
  func.func @transform_15(%arg0: i32) -> (i32, i32) {
    %add3A = arith.constant 40 : i32
    %add3A_0 = arith.addi %add3A, %arg0 : i32
    %c0_i32 = arith.constant 0 : i32
    %c0_i32_1 = arith.constant 0 : i32
    return %add3A_0, %c0_i32 : i32, i32
  }
}

</mosaic_0001>

<sc_bundles>
// kernel: kernel.12.cloned.1.call-start
scs
__scs_entry_jumppad:
0x0: {  	(pc) =	sbr.rel $0x88, $3  }
0x1: {  	(tag) =	ssettag $0x0;
	lr =	simm.s32 $0x1  }
0x2: {  	[smem:$0x3F8F] =	sst lr;
	_ =	strace $0xD0000000  }
0x3: {  	_ = 	snop  }
0x4: {  	_ = 	snop  }
0x5: {  	_ = 	snop  }
0x6: {  	_ = 	snop  }
0x7: {  	_ = 	snop  }
__scs_overlays_trampoline_lowered:
0x8: {  	[smem:$0x3F9E] =	sst s0  }
0x9: {  	[smem:$0x3F9F] =	sst s1  }
0xa: {  	[smem:$0x3FA0] =	sst s2  }
0xb: {  	[smem:$0x3FA1] =	sst s3  }
0xc: {  	[smem:$0x3FA2] =	sst s4  }
0xd: {  	[smem:$0x3FA3] =	sst s5  }
0xe: {  	[smem:$0x3FA4] =	sst s6  }
0xf: {  	[smem:$0x3FA5] =	sst s7  }
0x10: {  	[smem:$0x3FA6] =	sst s8  }
0x11: {  	[smem:$0x3FA7] =	sst s9;
	s0 =	simm.s32 @!p0 $0x0  }
0x12: {  	s1 =	sld [smem:$0x3F8D];
	s0 =	simm.s32 @p0 $0x1  }
0x13: {  	[smem:$0x3FA8] =	sst s0;
	s0 =	simm.s32 @!p1 $0x0  }
0x14: {  	s2 =	sld [smem:$0x3F8C];
	s0 =	simm.s32 @p1 $0x1  }
0x15: {  	[smem:$0x3FA9] =	sst s0;
	s0 =	simm.s32 @!p2 $0x0  }
0x16: {  	s3 =	sld [smem:$0x3FDB];
	s0 =	simm.s32 @p2 $0x1  }
0x17: {  	s4 =	simm.s32 $0x1BF5;
	[smem:$0x3FAB] =	sst s0  }
0x18: {  	s0 =	sld [smem:$0x3F8E];
	_ =	swait.ge [sflag:s4], $0x0  }
0x19: {  	s7 =	sld [smem:$0x3F8F]  }
0x1a: {  	s8 =	sadd.s32 $0xFFFFE003, lr  }
0x1b: {  	s9 =	sadd.s32 $0xFFFFFEF7, lr;
	s5 =	simm.s32 $0xFFFFFFFF;
	p2 =	slt.u32 s8, $0xFFFFF086  }
0x1c: {  	p1 =	slt.u32 s9, $0xF7A;
	s5 =	simm.s32 @!p2 $0x0  }
0x1d: {  	s5 =	simm.s32 @p1 $0x1;
	p0 =	seq.s32 s7, s2  }
0x1e: {  	s7 =	smul.u32 @!p0 $0xF7A, s2;
	p2 =	seq.s32 @!p0 s5, $0x0  }
0x1f: {  	s9 =	smul.u32 $0xF7A, s1;
	s8 =	simm.s32 @!p0 $0x1BF5;
	p2 =	por !p2, p0  }
0x20: {  	[sflag:s8] =	ssyncset.s32 @!p0 $0xFFFFF086;
	s6 =	sadd.s32 @!p0 s3, s7;
	s7 =	simm.s32 @!p0 $0x108  }
0x21: {  	s3 =	sadd.s32 s3, s9;
	s6 =	sadd.s32 @!p0 $0x88, s6;
	s7 =	simm.s32 @p2 $0x1082  }
0x22: {  	[simem:s7], [sflag:s8] =	dma.local @!p0 [hbm:s6], $0xF7A  }
0x23: {  	s9 =	sor.u32 $0xD0000000, s2;
	s6 =	simm.s32 $0x108;
	_ =	swait.ge @!p0 [sflag:s8], $0x0  }
0x24: {  	s3 =	sadd.s32 $0x88, s3;
	s6 =	simm.s32 @!p1 $0x1082;
	[sflag:s4] =	ssyncset.s32 $0xFFFFF086  }
0x25: {  	[simem:s6], [sflag:s4] =	dma.local [hbm:s3], $0xF7A  }
0x26: {  	[smem:$0x3F8F] =	sst s1;
	(tag) =	ssettag s2;
	_ =	strace s9  }
0x27: {  	s1 =	sld [smem:$0x3F9F]  }
0x28: {  	s2 =	sld [smem:$0x3FA0]  }
0x29: {  	s4 =	sld [smem:$0x3FA2]  }
0x2a: {  	p0 =	seq.s32 s5, $0x0;
	s5 =	sld [smem:$0x3FA3]  }
0x2b: {  	s6 =	sld [smem:$0x3FA4]  }
0x2c: {  	s7 =	sld [smem:$0x3FA5]  }
0x2d: {  	s3 =	simm.s32 $0x108;
	s8 =	sld [smem:$0x3FA6]  }
0x2e: {  	s3 =	simm.s32 @!p0 $0x1082;
	s9 =	sld [smem:$0x3FA7]  }
0x2f: {  	lr =	sadd.s32 s0, s3;
	s0 =	sld [smem:$0x3F9E]  }
0x30: {  	s3 =	sld [smem:$0x3FA1]  }
0x31: {  	[smem:$0x3FAA] =	sst s10  }
0x32: {  	s10 =	sld [smem:$0x3FA8];
	_ =	sdelay $0x3  }
0x33: {  	p0 =	seq.s32 s10, $0x1;
	s10 =	sld [smem:$0x3FAA];
	_ =	sdelay $0x3  }
0x34: {  	[smem:$0x3FAA] =	sst s10  }
0x35: {  	s10 =	sld [smem:$0x3FA9];
	_ =	sdelay $0x3  }
0x36: {  	p1 =	seq.s32 s10, $0x1;
	s10 =	sld [smem:$0x3FAA];
	_ =	sdelay $0x3  }
0x37: {  	[smem:$0x3FAA] =	sst s10  }
0x38: {  	s10 =	sld [smem:$0x3FAB]  }
0x39: {  	_ = 	snop;
	(pc) =	sbr.ind lr, $3  }
0x3a: {  	_ = 	snop  }
0x3b: {  	_ = 	snop  }
0x3c: {  	p2 =	seq.s32 s10, $0x1;
	s10 =	sld [smem:$0x3FAA]  }
0x3d: {  	_ =	shalt  }
0x3e: {  	_ =	shalt  }
0x3f: {  	_ =	shalt  }
0x40: {  	_ =	shalt  }
0x41: {  	_ =	shalt  }
0x42: {  	_ =	shalt  }
0x43: {  	_ =	shalt  }
0x44: {  	_ =	shalt  }
0x45: {  	_ =	shalt  }
0x46: {  	_ =	shalt  }
0x47: {  	_ =	shalt  }
0x48: {  	_ =	shalt  }
0x49: {  	_ =	shalt  }
0x4a: {  	_ =	shalt  }
0x4b: {  	_ =	shalt  }
0x4c: {  	_ =	shalt  }
0x4d: {  	_ =	shalt  }
0x4e: {  	_ =	shalt  }
0x4f: {  	_ =	shalt  }
0x50: {  	_ =	shalt  }
0x51: {  	_ =	shalt  }
0x52: {  	_ =	shalt  }
0x53: {  	_ =	shalt  }
0x54: {  	_ =	shalt  }
0x55: {  	_ =	shalt  }
0x56: {  	_ =	shalt  }
0x57: {  	_ =	shalt  }
0x58: {  	_ =	shalt  }
0x59: {  	_ =	shalt  }
0x5a: {  	_ =	shalt  }
0x5b: {  	_ =	shalt  }
0x5c: {  	_ =	shalt  }
0x5d: {  	_ =	shalt  }
0x5e: {  	_ =	shalt  }
0x5f: {  	_ =	shalt  }
0x60: {  	_ =	shalt  }
0x61: {  	_ =	shalt  }
0x62: {  	_ =	shalt  }
0x63: {  	_ =	shalt  }
0x64: {  	_ =	shalt  }
0x65: {  	_ =	shalt  }
0x66: {  	_ =	shalt  }
0x67: {  	_ =	shalt  }
0x68: {  	_ =	shalt  }
0x69: {  	_ =	shalt  }
0x6a: {  	_ =	shalt  }
0x6b: {  	_ =	shalt  }
0x6c: {  	_ =	shalt  }
0x6d: {  	_ =	shalt  }
0x6e: {  	_ =	shalt  }
0x6f: {  	_ =	shalt  }
0x70: {  	_ =	shalt  }
0x71: {  	_ =	shalt  }
0x72: {  	_ =	shalt  }
0x73: {  	_ =	shalt  }
0x74: {  	_ =	shalt  }
0x75: {  	_ =	shalt  }
0x76: {  	_ =	shalt  }
0x77: {  	_ =	shalt  }
0x78: {  	_ =	shalt  }
0x79: {  	_ =	shalt  }
0x7a: {  	_ =	shalt  }
0x7b: {  	_ =	shalt  }
0x7c: {  	_ =	shalt  }
0x7d: {  	_ =	shalt  }
0x7e: {  	_ =	shalt  }
0x7f: {  	_ =	shalt  }
0x80: {  	_ =	shalt  }
0x81: {  	_ =	shalt  }
0x82: {  	_ =	shalt  }
0x83: {  	_ =	shalt  }
0x84: {  	_ =	shalt  }
0x85: {  	_ =	shalt  }
0x86: {  	_ =	shalt  }
0x87: {  	_ =	shalt  }
.Lfunc_end0:
.L_simem_size_0:
called_computation_lowered:
.L_overlay_start_0:
0x88: {  	s2 =	sld [smem:$0x3FD9]  }
0x89: {  	s3 =	sld [smem:$0x3FFE];
	_ =	sdelay $0x1  }
0x8a: {  	s1 =	srdreg.scid  }
0x8b: {  	s0 =	sand.u32 $0x1, s1  }
0x8c: {  	s17 =	sshll.u32 s0, $0xA;
	s2 =	sadd.s32 s3, s2  }
0x8d: {  	s2 =	sadd.s32 s2, s17  }
0x8e: {  	[smem:$0x3FB6] =	sst s2  }
0x8f: {  	_ = 	snop  }
0x90: {  	s2 =	sld [smem:$0x3FC3]  }
0x91: {  	s18 =	sld [smem:$0x3FD0];
	(tm) =	ssettm $0x1  }
0x92: {  	s4 =	sld [smem:$0x3FFB];
	_ =	sdelay $0x3  }
0x93: {  	_ =	strace s4  }
0x94: {  	s4 =	sld [smem:$0x3FFC];
	_ =	sdelay $0x3  }
0x95: {  	_ =	strace s4  }
0x96: {  	s4 =	sld [smem:$0x3FFD];
	_ =	sdelay $0x3  }
0x97: {  	_ =	strace s4  }
0x98: {  	_ =	strace $0x8FFFFFFF  }
0x99: {  	s19 =	sld [smem:$0x3FDB];
	_ =	sdelay $0x1  }
0x9a: {  	s5 =	simm.s32 $_scs_section_size  }
0x9b: {  	s6 =	simm.s32 $_size__tile_overlayer_lowered;
	s7 =	simm.s32 $_tile_overlayer_lowered  }
0x9c: {  	s22 =	simm.s32 $0x1BFF;
	s21 =	sshll.u32 s7, $0x1;
	s4 =	sadd.s32 s5, s19  }
0x9d: {  	s8 =	simm.s32 $0x0;
	s20 =	sshll.u32 s6, $0x1;
	s6 =	sadd.s32 s21, s4  }
0x9e: {  	[timem:s8], [sflag:s22] =	dma.local [hbm:s6], s20  }
0x9f: {  	_ =	swait.ge [sflag:s22], s20  }
0xa0: {  	s5 =	ssub.s32 $0x0, s20;
	[sflag:s22] =	ssyncset.done $0x0  }
0xa1: {  	[sflag:s22] =	ssyncadd.s32 s5;
	_ =	sdelay $0x1  }
0xa2: {  	s23 =	simm.s32 $0x1B8B  }
0xa3: {  	_ =	swait.ge [sflag:s23], $0x1  }
0xa4: {  	[sflag:s23] =	ssyncset.done $0x0  }
0xa5: {  	s25 =	simm.s32 $0x1B8E;
	s24 =	sld [smem:$0x3FFE];
	[sflag:s23] =	ssyncadd.s32 $0xFFFFFFFF  }
0xa6: {  	s26 =	simm.s32 $execute0_lowered;
	[smem:$0x3FD2] =	sst s25  }
0xa7: {  	s6 =	sshll.u32 s26, $0x1;
	_ =	strace $0x80000046;
	[dreg:$0x1] =	wrdreg $0xFFFFFFFF  }
0xa8: {  	s28 =	simm.s32 $_size_execute0_lowered;
	s4 =	sadd.s32 s4, s6;
	[dreg:$0x0] =	wrdreg $0x0  }
0xa9: {  	s6 =	sshll.u32 s28, $0x1;
	[dreg:$0x2] =	wrdreg s4  }
0xaa: {  	[dreg:$0x3] =	wrdreg s6  }
0xab: {  	[dreg:$0x4] =	wrdreg $0xC0  }
0xac: {  	_ =	task [dreg:s8], $0x5FFFF  }
0xad: {  	[dreg:$0x1] =	wrdreg $0xFFFFFFFF  }
0xae: {  	[dreg:$0x0] =	wrdreg $0x60  }
0xaf: {  	[dreg:$0x2] =	wrdreg s2  }
0xb0: {  	[dreg:$0x3] =	wrdreg s24  }
0xb1: {  	[dreg:$0x4] =	wrdreg s18  }
0xb2: {  	[dreg:$0x5] =	wrdreg $0x9  }
0xb3: {  	_ =	task.clear_ibuf [dreg:s8], $0x6FFFF;
	_ =	strace $0x90000046  }
0xb4: {  	s29 =	simm.s32 $0x9;
	_ =	strace $0x8000004F  }
0xb5: {  	_ =	swait.ge [sflag:s29], $0x1  }
0xb6: {  	[sflag:s29] =	ssyncadd.s32 $0xFFFFFFFF  }
0xb7: {  	_ =	strace $0x9000004F  }
0xb8: {  	_ =	sfence  }
0xb9: {  	s30 =	sld [smem:$0x0];
	_ =	sdelay $0x2  }
0xba: {  	s31 =	sshll.u32 s1, $0xD;
	s1 =	sshrl.u32 s1, $0x2  }
0xbb: {  	s3 =	sand.u32 $0x4000, s31;
	s1 =	sadd.s32 s1, s30  }
0xbc: {  	s0 =	sor.u32 s3, s0;
	s1 =	sshll.u32 s1, $0x11  }
0xbd: {  	s0 =	sor.u32 s1, s0  }
0xbe: {  	s0 =	sadd.s32 $0x8F2B, s0  }
0xbf: {  	[sflag:s0] =	ssyncadd.remote.s32 $0x1  }
0xc0: {  	_ =	sfence.sel $0xFFFF  }
0xc1: {  	[dreg:$0x0] =	wrdreg $0xFFFFFFFF;
	(pc) =	sbr.abs _section_cstart, $3  }
0xc2: {  	[dreg:$0x1] =	wrdreg $0xFFFFFFFF  }
0xc3: {  	_ =	task.clear_ibuf [dreg:s8], $0x2FFFF;
	_ =	strace $0x9FFFFFFF  }
0xc4: {  	(tm) =	ssettm $0x7FFFFFFF  }
0xc5: {  	_ =	shalt  }
tec
execute0_lowered:
.L_overlay_start_1:
0x0: {  	(tag) =	ssettag $0x1  }
0x1: {  	s0 =	srdreg.scid  }
0x2: {  	s22 =	sand.u32 $0x1, s0  }
0x3: {  	s2 =	rddreg [dreg:$0x0];
	s0 =	stileid.u32;
	s1 =	sshll.u32 s22, $0x4  }
0x4: {  	s4 =	rddreg [dreg:$0x1];
	s11 =	sor.u32 s0, s1  }
0x5: {  	s10 =	rddreg [dreg:$0x2];
	s3 =	simm.s32 $0x0;
	s5 =	smul.u32 $0xA0, s11  }
0x6: {  	[smem:$0x7FF] =	sst s3  }
0x7: {  	s1 =	rddreg [dreg:$0x3];
	_ =	strace $0x80000047;
	s19 =	sadd.s32 s5, s4  }
0x8: {  	_ =	strace $0x80000048;
	s4 =	sadd.s32 $0x4600, s19  }
0x9: {  	[tilespmem:s3], [sflag:$0x1] =	stream.linear.gather [hbm4b:s4+s3], $0x100, $0x200038;
	[tilespmem:$0x10200] =	vst v63  }
0xa: {  	_ =	strace $0x90000048  }
0xb: {  	s6 =	simm.s32 $0x100;
	s5 =	sadd.s32 $0x4620, s19;
	_ =	strace $0x80000049  }
0xc: {  	[tilespmem:s6], [sflag:$0x2] =	stream.linear.gather [hbm4b:s5+s3], $0x100, $0x200038;
	[tilespmem:$0x10200] =	vst v63  }
0xd: {  	_ =	strace $0x90000049  }
0xe: {  	s7 =	simm.s32 $0x1;
	_ =	strace $0x8000004A  }
0xf: {  	_ =	swait.ge [sflag:s7], $0x100  }
0x10: {  	[sflag:s7] =	ssyncset.done $0x0  }
0x11: {  	[sflag:s7] =	ssyncadd.s32 $0xFFFFFF00  }
0x12: {  	_ =	strace $0x9000004A  }
0x13: {  	s8 =	simm.s32 $0x200;
	s9 =	simm.s32 $0x5;
	_ =	strace $0x8000004B  }
0x14: {  	[tilespmem:s8], [sflag:$0x5] =	stream.indirect.gather [hbm4b:s2+s6], $0x80, s3, s6, $0x2000b8;
	[tilespmem:$0x10200] =	vst v63  }
0x15: {  	_ =	swait.ge [sflag:s9], $0x8000  }
0x16: {  	[sflag:s9] =	ssyncset.done $0x0  }
0x17: {  	s11 =	smul.u32 $0x5000, s11;
	[sflag:s9] =	ssyncadd.s32 $0xFFFF8000  }
0x18: {  	_ =	strace $0x9000004B  }
0x19: {  	s10 =	sadd.s32 s10, s11;
	_ =	strace $0x8000004C  }
0x1a: {  	[hbm4b:s10+s3] =	stream.linear.scatter [tilespmem:s8], [sflag:$0x3], $0x8000, $0x200038;
	[tilespmem:$0x10200] =	vst v63  }
0x1b: {  	_ =	strace $0x9000004C  }
0x1c: {  	s11 =	sadd.s32 $0x4640, s19;
	_ =	strace $0x80000049  }
0x1d: {  	[tilespmem:s3], [sflag:$0x1] =	stream.linear.gather [hbm4b:s11+s3], $0x100, $0x200038;
	[tilespmem:$0x10200] =	vst v63  }
0x1e: {  	_ =	strace $0x90000049  }
0x1f: {  	s12 =	simm.s32 $0x2;
	_ =	strace $0x8000004A  }
0x20: {  	_ =	swait.ge [sflag:s12], $0x100  }
0x21: {  	[sflag:s12] =	ssyncset.done $0x0  }
0x22: {  	[sflag:s12] =	ssyncadd.s32 $0xFFFFFF00  }
0x23: {  	_ =	strace $0x9000004A  }
0x24: {  	s13 =	simm.s32 $0x8200;
	_ =	strace $0x8000004B  }
0x25: {  	[tilespmem:s13], [sflag:$0x5] =	stream.indirect.gather [hbm4b:s2+s6], $0x80, s6, s6, $0x2000b8;
	[tilespmem:$0x10200] =	vst v63  }
0x26: {  	_ =	swait.ge [sflag:s9], $0x8000  }
0x27: {  	[sflag:s9] =	ssyncset.done $0x0  }
0x28: {  	[sflag:s9] =	ssyncadd.s32 $0xFFFF8000  }
0x29: {  	_ =	strace $0x9000004B  }
0x2a: {  	s14 =	sadd.s32 $0x1000, s10;
	_ =	strace $0x8000004C  }
0x2b: {  	[hbm4b:s14+s3] =	stream.linear.scatter [tilespmem:s13], [sflag:$0x4], $0x8000, $0x200038;
	[tilespmem:$0x10200] =	vst v63  }
0x2c: {  	_ =	strace $0x9000004C  }
0x2d: {  	s15 =	simm.s32 $0x3;
	_ =	strace $0x8000004D  }
0x2e: {  	_ =	swait.ge [sflag:s15], $0x8000  }
0x2f: {  	[sflag:s15] =	ssyncset.done $0x0  }
0x30: {  	[sflag:s15] =	ssyncadd.s32 $0xFFFF8000  }
0x31: {  	_ =	strace $0x9000004D  }
0x32: {  	s16 =	sadd.s32 $0x4660, s19;
	_ =	strace $0x80000049  }
0x33: {  	[tilespmem:s6], [sflag:$0x2] =	stream.linear.gather [hbm4b:s16+s3], $0x100, $0x200038;
	[tilespmem:$0x10200] =	vst v63  }
0x34: {  	_ =	strace $0x90000049  }
0x35: {  	_ =	strace $0x8000004A  }
0x36: {  	_ =	swait.ge [sflag:s7], $0x100  }
0x37: {  	[sflag:s7] =	ssyncset.done $0x0  }
0x38: {  	[sflag:s7] =	ssyncadd.s32 $0xFFFFFF00  }
0x39: {  	_ =	strace $0x9000004A  }
0x3a: {  	_ =	strace $0x8000004B  }
0x3b: {  	[tilespmem:s8], [sflag:$0x5] =	stream.indirect.gather [hbm4b:s2+s6], $0x80, s3, s6, $0x2000b8;
	[tilespmem:$0x10200] =	vst v63  }
0x3c: {  	_ =	swait.ge [sflag:s9], $0x8000  }
0x3d: {  	[sflag:s9] =	ssyncset.done $0x0  }
0x3e: {  	[sflag:s9] =	ssyncadd.s32 $0xFFFF8000  }
0x3f: {  	_ =	strace $0x9000004B  }
0x40: {  	s17 =	sadd.s32 $0x2000, s10;
	_ =	strace $0x8000004C  }
0x41: {  	[hbm4b:s17+s3] =	stream.linear.scatter [tilespmem:s8], [sflag:$0x3], $0x8000, $0x200038;
	[tilespmem:$0x10200] =	vst v63  }
0x42: {  	_ =	strace $0x9000004C  }
0x43: {  	s18 =	simm.s32 $0x4;
	_ =	strace $0x8000004D  }
0x44: {  	_ =	swait.ge [sflag:s18], $0x8000  }
0x45: {  	[sflag:s18] =	ssyncset.done $0x0  }
0x46: {  	[sflag:s18] =	ssyncadd.s32 $0xFFFF8000  }
0x47: {  	_ =	strace $0x9000004D  }
0x48: {  	s19 =	sadd.s32 $0x4680, s19;
	_ =	strace $0x80000049  }
0x49: {  	[tilespmem:s3], [sflag:$0x1] =	stream.linear.gather [hbm4b:s19+s3], $0x100, $0x200038;
	[tilespmem:$0x10200] =	vst v63  }
0x4a: {  	_ =	strace $0x90000049  }
0x4b: {  	_ =	strace $0x8000004A  }
0x4c: {  	_ =	swait.ge [sflag:s12], $0x100  }
0x4d: {  	[sflag:s12] =	ssyncset.done $0x0  }
0x4e: {  	[sflag:s12] =	ssyncadd.s32 $0xFFFFFF00  }
0x4f: {  	_ =	strace $0x9000004A  }
0x50: {  	_ =	strace $0x8000004B  }
0x51: {  	[tilespmem:s13], [sflag:$0x5] =	stream.indirect.gather [hbm4b:s2+s6], $0x80, s6, s6, $0x2000b8;
	[tilespmem:$0x10200] =	vst v63  }
0x52: {  	_ =	swait.ge [sflag:s9], $0x8000  }
0x53: {  	[sflag:s9] =	ssyncset.done $0x0  }
0x54: {  	[sflag:s9] =	ssyncadd.s32 $0xFFFF8000  }
0x55: {  	_ =	strace $0x9000004B  }
0x56: {  	s20 =	sadd.s32 $0x3000, s10;
	_ =	strace $0x8000004C  }
0x57: {  	[hbm4b:s20+s3] =	stream.linear.scatter [tilespmem:s13], [sflag:$0x4], $0x8000, $0x200038;
	[tilespmem:$0x10200] =	vst v63  }
0x58: {  	_ =	strace $0x9000004C  }
0x59: {  	_ =	strace $0x8000004D  }
0x5a: {  	_ =	swait.ge [sflag:s15], $0x8000  }
0x5b: {  	[sflag:s15] =	ssyncset.done $0x0  }
0x5c: {  	[sflag:s15] =	ssyncadd.s32 $0xFFFF8000  }
0x5d: {  	_ =	strace $0x9000004D  }
0x5e: {  	_ =	strace $0x8000004A  }
0x5f: {  	_ =	swait.ge [sflag:s7], $0x100  }
0x60: {  	[sflag:s7] =	ssyncset.done $0x0  }
0x61: {  	[sflag:s7] =	ssyncadd.s32 $0xFFFFFF00  }
0x62: {  	_ =	strace $0x9000004A  }
0x63: {  	_ =	strace $0x8000004B  }
0x64: {  	[tilespmem:s8], [sflag:$0x5] =	stream.indirect.gather [hbm4b:s2+s6], $0x80, s3, s6, $0x2000b8;
	[tilespmem:$0x10200] =	vst v63  }
0x65: {  	_ =	swait.ge [sflag:s9], $0x8000  }
0x66: {  	[sflag:s9] =	ssyncset.done $0x0  }
0x67: {  	[sflag:s9] =	ssyncadd.s32 $0xFFFF8000  }
0x68: {  	_ =	strace $0x9000004B  }
0x69: {  	s21 =	sadd.s32 $0x4000, s10;
	_ =	strace $0x8000004C  }
0x6a: {  	[hbm4b:s21+s3] =	stream.linear.scatter [tilespmem:s8], [sflag:$0x3], $0x8000, $0x200038;
	[tilespmem:$0x10200] =	vst v63  }
0x6b: {  	s22 =	ssub.s32 $0x2, s22;
	_ =	strace $0x9000004C  }
0x6c: {  	s23 =	sshrl.u32 s22, $0x1;
	_ =	strace $0x8000004D  }
0x6d: {  	s22 =	ssub.s32 s22, s23;
	_ =	swait.ge [sflag:s18], $0x8000  }
0x6e: {  	s22 =	smax.u32 s22, $0x1;
	[sflag:s18] =	ssyncset.done $0x0  }
0x6f: {  	p0 =	sne.s32 s22, $0x1;
	[sflag:s18] =	ssyncadd.s32 $0xFFFF8000  }
.Ltmp0:
0x70: {  	_ =	strace $0x9000004D;
	(pc) =	sbr.rel @!p0 .LBB2_2-.Ltmp0, $4  }
0x71: {  	_ =	strace $0x8000004E  }
0x72: {  	_ =	swait.ge [sflag:s15], $0x8000  }
0x73: {  	[sflag:s15] =	ssyncset.done $0x0  }
0x74: {  	s22 =	sadd.s32 $0xFFFFFFFF, s22;
	[sflag:s15] =	ssyncadd.s32 $0xFFFF8000  }
.LBB2_1:
0x75: {  	p0 =	sne.s32 s22, $0x1;
	s22 =	sadd.s32 $0xFFFFFFFF, s22;
	_ =	strace $0x9000004E  }
0x76: {  	_ =	strace $0x80000048  }
0x77: {  	[tilespmem:s3], [sflag:$0x1] =	stream.linear.gather [hbm4b:s4+s3], $0x100, $0x200038;
	[tilespmem:$0x10200] =	vst v63  }
0x78: {  	_ =	strace $0x90000048  }
0x79: {  	_ =	strace $0x80000049  }
0x7a: {  	[tilespmem:s6], [sflag:$0x2] =	stream.linear.gather [hbm4b:s5+s3], $0x100, $0x200038;
	[tilespmem:$0x10200] =	vst v63  }
0x7b: {  	_ =	strace $0x90000049  }
0x7c: {  	_ =	strace $0x8000004A  }
0x7d: {  	_ =	swait.ge [sflag:s7], $0x100  }
0x7e: {  	[sflag:s7] =	ssyncset.done $0x0  }
0x7f: {  	[sflag:s7] =	ssyncadd.s32 $0xFFFFFF00  }
0x80: {  	_ =	strace $0x9000004A  }
0x81: {  	_ =	strace $0x8000004B  }
0x82: {  	[tilespmem:s8], [sflag:$0x5] =	stream.indirect.gather [hbm4b:s2+s6], $0x80, s3, s6, $0x2000b8;
	[tilespmem:$0x10200] =	vst v63  }
0x83: {  	_ =	swait.ge [sflag:s9], $0x8000  }
0x84: {  	[sflag:s9] =	ssyncset.done $0x0  }
0x85: {  	[sflag:s9] =	ssyncadd.s32 $0xFFFF8000  }
0x86: {  	_ =	strace $0x9000004B  }
0x87: {  	_ =	strace $0x8000004C  }
0x88: {  	[hbm4b:s10+s3] =	stream.linear.scatter [tilespmem:s8], [sflag:$0x3], $0x8000, $0x200038;
	[tilespmem:$0x10200] =	vst v63  }
0x89: {  	_ =	strace $0x9000004C  }
0x8a: {  	_ =	strace $0x80000049  }
0x8b: {  	[tilespmem:s3], [sflag:$0x1] =	stream.linear.gather [hbm4b:s11+s3], $0x100, $0x200038;
	[tilespmem:$0x10200] =	vst v63  }
0x8c: {  	_ =	strace $0x90000049  }
0x8d: {  	_ =	strace $0x8000004A  }
0x8e: {  	_ =	swait.ge [sflag:s12], $0x100  }
0x8f: {  	[sflag:s12] =	ssyncset.done $0x0  }
0x90: {  	[sflag:s12] =	ssyncadd.s32 $0xFFFFFF00  }
0x91: {  	_ =	strace $0x9000004A  }
0x92: {  	_ =	strace $0x8000004B  }
0x93: {  	[tilespmem:s13], [sflag:$0x5] =	stream.indirect.gather [hbm4b:s2+s6], $0x80, s6, s6, $0x2000b8;
	[tilespmem:$0x10200] =	vst v63  }
0x94: {  	_ =	swait.ge [sflag:s9], $0x8000  }
0x95: {  	[sflag:s9] =	ssyncset.done $0x0  }
0x96: {  	[sflag:s9] =	ssyncadd.s32 $0xFFFF8000  }
0x97: {  	_ =	strace $0x9000004B  }
0x98: {  	_ =	strace $0x8000004C  }
0x99: {  	[hbm4b:s14+s3] =	stream.linear.scatter [tilespmem:s13], [sflag:$0x4], $0x8000, $0x200038;
	[tilespmem:$0x10200] =	vst v63  }
0x9a: {  	_ =	strace $0x9000004C  }
0x9b: {  	_ =	strace $0x8000004D  }
0x9c: {  	_ =	swait.ge [sflag:s15], $0x8000  }
0x9d: {  	[sflag:s15] =	ssyncset.done $0x0  }
0x9e: {  	[sflag:s15] =	ssyncadd.s32 $0xFFFF8000  }
0x9f: {  	_ =	strace $0x9000004D  }
0xa0: {  	_ =	strace $0x80000049  }
0xa1: {  	[tilespmem:s6], [sflag:$0x2] =	stream.linear.gather [hbm4b:s16+s3], $0x100, $0x200038;
	[tilespmem:$0x10200] =	vst v63  }
0xa2: {  	_ =	strace $0x90000049  }
0xa3: {  	_ =	strace $0x8000004A  }
0xa4: {  	_ =	swait.ge [sflag:s7], $0x100  }
0xa5: {  	[sflag:s7] =	ssyncset.done $0x0  }
0xa6: {  	[sflag:s7] =	ssyncadd.s32 $0xFFFFFF00  }
0xa7: {  	_ =	strace $0x9000004A  }
0xa8: {  	_ =	strace $0x8000004B  }
0xa9: {  	[tilespmem:s8], [sflag:$0x5] =	stream.indirect.gather [hbm4b:s2+s6], $0x80, s3, s6, $0x2000b8;
	[tilespmem:$0x10200] =	vst v63  }
0xaa: {  	_ =	swait.ge [sflag:s9], $0x8000  }
0xab: {  	[sflag:s9] =	ssyncset.done $0x0  }
0xac: {  	[sflag:s9] =	ssyncadd.s32 $0xFFFF8000  }
0xad: {  	_ =	strace $0x9000004B  }
0xae: {  	_ =	strace $0x8000004C  }
0xaf: {  	[hbm4b:s17+s3] =	stream.linear.scatter [tilespmem:s8], [sflag:$0x3], $0x8000, $0x200038;
	[tilespmem:$0x10200] =	vst v63  }
0xb0: {  	_ =	strace $0x9000004C  }
0xb1: {  	_ =	strace $0x8000004D  }
0xb2: {  	_ =	swait.ge [sflag:s18], $0x8000  }
0xb3: {  	[sflag:s18] =	ssyncset.done $0x0  }
0xb4: {  	[sflag:s18] =	ssyncadd.s32 $0xFFFF8000  }
0xb5: {  	_ =	strace $0x9000004D  }
0xb6: {  	_ =	strace $0x80000049  }
0xb7: {  	[tilespmem:s3], [sflag:$0x1] =	stream.linear.gather [hbm4b:s19+s3], $0x100, $0x200038;
	[tilespmem:$0x10200] =	vst v63  }
0xb8: {  	_ =	strace $0x90000049  }
0xb9: {  	_ =	strace $0x8000004A  }
0xba: {  	_ =	swait.ge [sflag:s12], $0x100  }
0xbb: {  	[sflag:s12] =	ssyncset.done $0x0  }
0xbc: {  	[sflag:s12] =	ssyncadd.s32 $0xFFFFFF00  }
0xbd: {  	_ =	strace $0x9000004A  }
0xbe: {  	_ =	strace $0x8000004B  }
0xbf: {  	[tilespmem:s13], [sflag:$0x5] =	stream.indirect.gather [hbm4b:s2+s6], $0x80, s6, s6, $0x2000b8;
	[tilespmem:$0x10200] =	vst v63  }
0xc0: {  	_ =	swait.ge [sflag:s9], $0x8000  }
0xc1: {  	[sflag:s9] =	ssyncset.done $0x0  }
0xc2: {  	[sflag:s9] =	ssyncadd.s32 $0xFFFF8000  }
0xc3: {  	_ =	strace $0x9000004B  }
0xc4: {  	_ =	strace $0x8000004C  }
0xc5: {  	[hbm4b:s20+s3] =	stream.linear.scatter [tilespmem:s13], [sflag:$0x4], $0x8000, $0x200038;
	[tilespmem:$0x10200] =	vst v63  }
0xc6: {  	_ =	strace $0x9000004C  }
0xc7: {  	_ =	strace $0x8000004D  }
0xc8: {  	_ =	swait.ge [sflag:s15], $0x8000  }
0xc9: {  	[sflag:s15] =	ssyncset.done $0x0  }
0xca: {  	[sflag:s15] =	ssyncadd.s32 $0xFFFF8000  }
0xcb: {  	_ =	strace $0x9000004D  }
0xcc: {  	_ =	strace $0x8000004A  }
0xcd: {  	_ =	swait.ge [sflag:s7], $0x100  }
0xce: {  	[sflag:s7] =	ssyncset.done $0x0  }
0xcf: {  	[sflag:s7] =	ssyncadd.s32 $0xFFFFFF00  }
0xd0: {  	_ =	strace $0x9000004A  }
0xd1: {  	_ =	strace $0x8000004B  }
0xd2: {  	[tilespmem:s8], [sflag:$0x5] =	stream.indirect.gather [hbm4b:s2+s6], $0x80, s3, s6, $0x2000b8;
	[tilespmem:$0x10200] =	vst v63  }
0xd3: {  	_ =	swait.ge [sflag:s9], $0x8000  }
0xd4: {  	[sflag:s9] =	ssyncset.done $0x0  }
0xd5: {  	[sflag:s9] =	ssyncadd.s32 $0xFFFF8000  }
0xd6: {  	_ =	strace $0x9000004B  }
0xd7: {  	_ =	strace $0x8000004C  }
0xd8: {  	[hbm4b:s21+s3] =	stream.linear.scatter [tilespmem:s8], [sflag:$0x3], $0x8000, $0x200038;
	[tilespmem:$0x10200] =	vst v63  }
0xd9: {  	_ =	strace $0x9000004C  }
0xda: {  	_ =	strace $0x8000004D  }
0xdb: {  	_ =	swait.ge [sflag:s18], $0x8000  }
0xdc: {  	[sflag:s18] =	ssyncset.done $0x0  }
0xdd: {  	[sflag:s18] =	ssyncadd.s32 $0xFFFF8000  }
.Ltmp1:
0xde: {  	_ =	strace $0x9000004D;
	(pc) =	sbr.rel @p0 .LBB2_1-.Ltmp1, $4  }
0xdf: {  	_ =	strace $0x8000004E  }
0xe0: {  	_ =	swait.ge [sflag:s15], $0x8000  }
0xe1: {  	[sflag:s15] =	ssyncset.done $0x0  }
0xe2: {  	[sflag:s15] =	ssyncadd.s32 $0xFFFF8000  }
.LBB2_2:
0xe3: {  	_ =	strace $0x9000004E  }
0xe4: {  	_ =	sfence.sel $0x180000  }
0xe5: {  	[bflag:$0x0] =	sbarrier.arrive $0xFFFF  }
0xe6: {  	p0 =	sne.s32 s0, $0x0;
	_ =	strace $0x90000047  }
0xe7: {  	s0 =	sadd.s32 @!p0 $0x100000, s1;
	[bflag:$0x2] =	sbarrier.arrive $0xFFFF  }
0xe8: {  	[sflag:s0] =	ssyncadd.tile.s32 @!p0 $0x1;
	_ =	shalt  }
.Lfunc_end2:
_tile_overlayer_lowered:
.L_overlay_start_2:
0xe9: {  	(tag) =	ssettag $0x2  }
0xea: {  	s0 =	rddreg [dreg:$0x0];
	s2 =	stileid.u32  }
0xeb: {  	s1 =	rddreg [dreg:$0x1];
	p0 =	sne.s32 s2, $0x0  }
0xec: {  	s3 =	rddreg [dreg:$0x2];
	[bflag:$0x3] =	sbarrier.arrive $0xFFFF;
	s2 =	simm.s32 @!p0 $0x1C01  }
0xed: {  	[timem:s3], [sflag:s2] =	dma.local @!p0 [hbm:s0], s1  }
0xee: {  	s0 =	simm.s32 @!p0 $0x1  }
0xef: {  	_ =	swait.ge @!p0 [sflag:s0], s1  }
0xf0: {  	s1 =	ssub.s32 @!p0 $0x0, s1;
	[sflag:s0] =	ssyncset.done @!p0 $0x0  }
0xf1: {  	[sflag:s0] =	ssyncadd.s32 @!p0 s1  }
0xf2: {  	[bflag:$0x3] =	sbarrier.arrive $0xFFFF  }
0xf3: {  	_ =	shalt  }

// kernel: kernel.15.cloned.1.call-start
scs
__scs_entry_jumppad:
0x0: {  	(pc) =	sbr.rel $0x88, $3  }
0x1: {  	(tag) =	ssettag $0x0;
	lr =	simm.s32 $0x1  }
0x2: {  	[smem:$0x3F8F] =	sst lr;
	_ =	strace $0xD0000000  }
0x3: {  	_ = 	snop  }
0x4: {  	_ = 	snop  }
0x5: {  	_ = 	snop  }
0x6: {  	_ = 	snop  }
0x7: {  	_ = 	snop  }
__scs_overlays_trampoline_lowered:
0x8: {  	[smem:$0x3F9E] =	sst s0  }
0x9: {  	[smem:$0x3F9F] =	sst s1  }
0xa: {  	[smem:$0x3FA0] =	sst s2  }
0xb: {  	[smem:$0x3FA1] =	sst s3  }
0xc: {  	[smem:$0x3FA2] =	sst s4  }
0xd: {  	[smem:$0x3FA3] =	sst s5  }
0xe: {  	[smem:$0x3FA4] =	sst s6  }
0xf: {  	[smem:$0x3FA5] =	sst s7  }
0x10: {  	[smem:$0x3FA6] =	sst s8  }
0x11: {  	[smem:$0x3FA7] =	sst s9;
	s0 =	simm.s32 @!p0 $0x0  }
0x12: {  	s1 =	sld [smem:$0x3F8D];
	s0 =	simm.s32 @p0 $0x1  }
0x13: {  	[smem:$0x3FA8] =	sst s0;
	s0 =	simm.s32 @!p1 $0x0  }
0x14: {  	s2 =	sld [smem:$0x3F8C];
	s0 =	simm.s32 @p1 $0x1  }
0x15: {  	[smem:$0x3FA9] =	sst s0;
	s0 =	simm.s32 @!p2 $0x0  }
0x16: {  	s3 =	sld [smem:$0x3FDB];
	s0 =	simm.s32 @p2 $0x1  }
0x17: {  	s4 =	simm.s32 $0x1BF5;
	[smem:$0x3FAB] =	sst s0  }
0x18: {  	s0 =	sld [smem:$0x3F8E];
	_ =	swait.ge [sflag:s4], $0x0  }
0x19: {  	s7 =	sld [smem:$0x3F8F]  }
0x1a: {  	s8 =	sadd.s32 $0xFFFFE003, lr  }
0x1b: {  	s9 =	sadd.s32 $0xFFFFFEF7, lr;
	s5 =	simm.s32 $0xFFFFFFFF;
	p2 =	slt.u32 s8, $0xFFFFF086  }
0x1c: {  	p1 =	slt.u32 s9, $0xF7A;
	s5 =	simm.s32 @!p2 $0x0  }
0x1d: {  	s5 =	simm.s32 @p1 $0x1;
	p0 =	seq.s32 s7, s2  }
0x1e: {  	s7 =	smul.u32 @!p0 $0xF7A, s2;
	p2 =	seq.s32 @!p0 s5, $0x0  }
0x1f: {  	s9 =	smul.u32 $0xF7A, s1;
	s8 =	simm.s32 @!p0 $0x1BF5;
	p2 =	por !p2, p0  }
0x20: {  	[sflag:s8] =	ssyncset.s32 @!p0 $0xFFFFF086;
	s6 =	sadd.s32 @!p0 s3, s7;
	s7 =	simm.s32 @!p0 $0x108  }
0x21: {  	s3 =	sadd.s32 s3, s9;
	s6 =	sadd.s32 @!p0 $0x88, s6;
	s7 =	simm.s32 @p2 $0x1082  }
0x22: {  	[simem:s7], [sflag:s8] =	dma.local @!p0 [hbm:s6], $0xF7A  }
0x23: {  	s9 =	sor.u32 $0xD0000000, s2;
	s6 =	simm.s32 $0x108;
	_ =	swait.ge @!p0 [sflag:s8], $0x0  }
0x24: {  	s3 =	sadd.s32 $0x88, s3;
	s6 =	simm.s32 @!p1 $0x1082;
	[sflag:s4] =	ssyncset.s32 $0xFFFFF086  }
0x25: {  	[simem:s6], [sflag:s4] =	dma.local [hbm:s3], $0xF7A  }
0x26: {  	[smem:$0x3F8F] =	sst s1;
	(tag) =	ssettag s2;
	_ =	strace s9  }
0x27: {  	s1 =	sld [smem:$0x3F9F]  }
0x28: {  	s2 =	sld [smem:$0x3FA0]  }
0x29: {  	s4 =	sld [smem:$0x3FA2]  }
0x2a: {  	p0 =	seq.s32 s5, $0x0;
	s5 =	sld [smem:$0x3FA3]  }
0x2b: {  	s6 =	sld [smem:$0x3FA4]  }
0x2c: {  	s7 =	sld [smem:$0x3FA5]  }
0x2d: {  	s3 =	simm.s32 $0x108;
	s8 =	sld [smem:$0x3FA6]  }
0x2e: {  	s3 =	simm.s32 @!p0 $0x1082;
	s9 =	sld [smem:$0x3FA7]  }
0x2f: {  	lr =	sadd.s32 s0, s3;
	s0 =	sld [smem:$0x3F9E]  }
0x30: {  	s3 =	sld [smem:$0x3FA1]  }
0x31: {  	[smem:$0x3FAA] =	sst s10  }
0x32: {  	s10 =	sld [smem:$0x3FA8];
	_ =	sdelay $0x3  }
0x33: {  	p0 =	seq.s32 s10, $0x1;
	s10 =	sld [smem:$0x3FAA];
	_ =	sdelay $0x3  }
0x34: {  	[smem:$0x3FAA] =	sst s10  }
0x35: {  	s10 =	sld [smem:$0x3FA9];
	_ =	sdelay $0x3  }
0x36: {  	p1 =	seq.s32 s10, $0x1;
	s10 =	sld [smem:$0x3FAA];
	_ =	sdelay $0x3  }
0x37: {  	[smem:$0x3FAA] =	sst s10  }
0x38: {  	s10 =	sld [smem:$0x3FAB]  }
0x39: {  	_ = 	snop;
	(pc) =	sbr.ind lr, $3  }
0x3a: {  	_ = 	snop  }
0x3b: {  	_ = 	snop  }
0x3c: {  	p2 =	seq.s32 s10, $0x1;
	s10 =	sld [smem:$0x3FAA]  }
0x3d: {  	_ =	shalt  }
0x3e: {  	_ =	shalt  }
0x3f: {  	_ =	shalt  }
0x40: {  	_ =	shalt  }
0x41: {  	_ =	shalt  }
0x42: {  	_ =	shalt  }
0x43: {  	_ =	shalt  }
0x44: {  	_ =	shalt  }
0x45: {  	_ =	shalt  }
0x46: {  	_ =	shalt  }
0x47: {  	_ =	shalt  }
0x48: {  	_ =	shalt  }
0x49: {  	_ =	shalt  }
0x4a: {  	_ =	shalt  }
0x4b: {  	_ =	shalt  }
0x4c: {  	_ =	shalt  }
0x4d: {  	_ =	shalt  }
0x4e: {  	_ =	shalt  }
0x4f: {  	_ =	shalt  }
0x50: {  	_ =	shalt  }
0x51: {  	_ =	shalt  }
0x52: {  	_ =	shalt  }
0x53: {  	_ =	shalt  }
0x54: {  	_ =	shalt  }
0x55: {  	_ =	shalt  }
0x56: {  	_ =	shalt  }
0x57: {  	_ =	shalt  }
0x58: {  	_ =	shalt  }
0x59: {  	_ =	shalt  }
0x5a: {  	_ =	shalt  }
0x5b: {  	_ =	shalt  }
0x5c: {  	_ =	shalt  }
0x5d: {  	_ =	shalt  }
0x5e: {  	_ =	shalt  }
0x5f: {  	_ =	shalt  }
0x60: {  	_ =	shalt  }
0x61: {  	_ =	shalt  }
0x62: {  	_ =	shalt  }
0x63: {  	_ =	shalt  }
0x64: {  	_ =	shalt  }
0x65: {  	_ =	shalt  }
0x66: {  	_ =	shalt  }
0x67: {  	_ =	shalt  }
0x68: {  	_ =	shalt  }
0x69: {  	_ =	shalt  }
0x6a: {  	_ =	shalt  }
0x6b: {  	_ =	shalt  }
0x6c: {  	_ =	shalt  }
0x6d: {  	_ =	shalt  }
0x6e: {  	_ =	shalt  }
0x6f: {  	_ =	shalt  }
0x70: {  	_ =	shalt  }
0x71: {  	_ =	shalt  }
0x72: {  	_ =	shalt  }
0x73: {  	_ =	shalt  }
0x74: {  	_ =	shalt  }
0x75: {  	_ =	shalt  }
0x76: {  	_ =	shalt  }
0x77: {  	_ =	shalt  }
0x78: {  	_ =	shalt  }
0x79: {  	_ =	shalt  }
0x7a: {  	_ =	shalt  }
0x7b: {  	_ =	shalt  }
0x7c: {  	_ =	shalt  }
0x7d: {  	_ =	shalt  }
0x7e: {  	_ =	shalt  }
0x7f: {  	_ =	shalt  }
0x80: {  	_ =	shalt  }
0x81: {  	_ =	shalt  }
0x82: {  	_ =	shalt  }
0x83: {  	_ =	shalt  }
0x84: {  	_ =	shalt  }
0x85: {  	_ =	shalt  }
0x86: {  	_ =	shalt  }
0x87: {  	_ =	shalt  }
.Lfunc_end0:
.L_simem_size_0:
called_computation.1_lowered:
.L_overlay_start_0:
0x88: {  	s2 =	sld [smem:$0x3FD9]  }
0x89: {  	s3 =	sld [smem:$0x3FFE];
	_ =	sdelay $0x1  }
0x8a: {  	s1 =	srdreg.scid  }
0x8b: {  	s0 =	sand.u32 $0x1, s1  }
0x8c: {  	s17 =	sshll.u32 s0, $0xA;
	s2 =	sadd.s32 s3, s2  }
0x8d: {  	s2 =	sadd.s32 s2, s17  }
0x8e: {  	[smem:$0x3FB6] =	sst s2  }
0x8f: {  	_ = 	snop  }
0x90: {  	s18 =	sld [smem:$0x3FC3];
	(tm) =	ssettm $0x1  }
0x91: {  	s19 =	sld [smem:$0x3FFB];
	_ =	sdelay $0x3  }
0x92: {  	_ =	strace s19  }
0x93: {  	s2 =	sld [smem:$0x3FFC];
	_ =	sdelay $0x3  }
0x94: {  	_ =	strace s2  }
0x95: {  	s2 =	sld [smem:$0x3FFD];
	_ =	sdelay $0x3  }
0x96: {  	_ =	strace s2  }
0x97: {  	_ =	strace $0x8FFFFFFF  }
0x98: {  	s20 =	sld [smem:$0x3FDB];
	_ =	sdelay $0x1  }
0x99: {  	s4 =	simm.s32 $_scs_section_size  }
0x9a: {  	s5 =	simm.s32 $_size__tile_overlayer_lowered;
	s6 =	simm.s32 $_tile_overlayer_lowered  }
0x9b: {  	s7 =	simm.s32 $0x1BFF;
	s21 =	sshll.u32 s6, $0x1;
	s4 =	sadd.s32 s4, s20  }
0x9c: {  	s22 =	simm.s32 $0x0;
	s5 =	sshll.u32 s5, $0x1;
	s6 =	sadd.s32 s21, s4  }
0x9d: {  	[timem:s22], [sflag:s7] =	dma.local [hbm:s6], s5  }
0x9e: {  	_ =	swait.ge [sflag:s7], s5  }
0x9f: {  	s5 =	ssub.s32 $0x0, s5;
	[sflag:s7] =	ssyncset.done $0x0  }
0xa0: {  	[sflag:s7] =	ssyncadd.s32 s5;
	_ =	sdelay $0x1  }
0xa1: {  	s23 =	simm.s32 $0x1B8B  }
0xa2: {  	_ =	swait.ge [sflag:s23], $0x1  }
0xa3: {  	[sflag:s23] =	ssyncset.done $0x0  }
0xa4: {  	[sflag:s23] =	ssyncadd.s32 $0xFFFFFFFF  }
0xa5: {  	s5 =	sld [smem:$0x0]  }
0xa6: {  	s6 =	sand.u32 $0xFFFFFFFE, s1  }
0xa7: {  	p0 =	sne.s32 s1, s6  }
0xa8: {  	s6 =	sshll.u32 @p0 s6, $0xE  }
0xa9: {  	s6 =	sadd.s32 @p0 $0x11B8D, s6;
	s7 =	sshll.u32 @p0 s5, $0x11  }
0xaa: {  	s6 =	sor.u32 @p0 s7, s6  }
0xab: {  	[sflag:s6] =	ssyncadd.remote.s32 @p0 $0x1;
	_ =	sdelay $0x1  }
0xac: {  	s6 =	simm.s32 @p0 $0x1B8D  }
0xad: {  	_ =	swait.eq @p0 [sflag:s6], $0x1  }
0xae: {  	[sflag:s6] =	ssyncadd.s32 @p0 $0xFFFFFFFF  }
0xaf: {  	s7 =	sshll.u32 @!p0 s1, $0xE  }
0xb0: {  	s7 =	sor.u32 @!p0 $0x4000, s7;
	s6 =	simm.s32 @!p0 $0x1B8D  }
0xb1: {  	s5 =	sshll.u32 @!p0 s5, $0x11;
	s7 =	sadd.s32 @!p0 $0x11B8D, s7;
	_ =	swait.eq @!p0 [sflag:s6], $0x1  }
0xb2: {  	s5 =	sor.u32 @!p0 s5, s7;
	[sflag:s6] =	ssyncadd.s32 @!p0 $0xFFFFFFFF  }
0xb3: {  	s25 =	simm.s32 $0x1B8E;
	s24 =	sld [smem:$0x3FFE];
	[sflag:s5] =	ssyncadd.remote.s32 @!p0 $0x1  }
0xb4: {  	s26 =	simm.s32 $execute0_lowered;
	[smem:$0x3FD2] =	sst s25  }
0xb5: {  	s6 =	sshll.u32 s26, $0x1;
	_ =	strace $0x80000050;
	[dreg:$0x1] =	wrdreg $0xFFFFFFFF  }
0xb6: {  	s28 =	simm.s32 $_size_execute0_lowered;
	s4 =	sadd.s32 s4, s6;
	[dreg:$0x0] =	wrdreg $0x0  }
0xb7: {  	s6 =	sshll.u32 s28, $0x1;
	[dreg:$0x2] =	wrdreg s4  }
0xb8: {  	[dreg:$0x3] =	wrdreg s6  }
0xb9: {  	[dreg:$0x4] =	wrdreg $0xC0  }
0xba: {  	_ =	task [dreg:s22], $0x5FFFF  }
0xbb: {  	[dreg:$0x1] =	wrdreg $0xFFFFFFFF  }
0xbc: {  	[dreg:$0x0] =	wrdreg $0x60  }
0xbd: {  	[dreg:$0x2] =	wrdreg s18  }
0xbe: {  	[dreg:$0x3] =	wrdreg s24  }
0xbf: {  	[dreg:$0x4] =	wrdreg $0xA  }
0xc0: {  	_ =	task.clear_ibuf [dreg:s22], $0x5FFFF;
	_ =	strace $0x90000050  }
0xc1: {  	s29 =	simm.s32 $0xA;
	_ =	strace $0x80000059  }
0xc2: {  	_ =	swait.ge [sflag:s29], $0x1  }
0xc3: {  	[sflag:s29] =	ssyncadd.s32 $0xFFFFFFFF  }
0xc4: {  	_ =	strace $0x90000059  }
0xc5: {  	_ =	sfence  }
0xc6: {  	s30 =	sld [smem:$0x0];
	_ =	sdelay $0x2  }
0xc7: {  	s31 =	sshll.u32 s1, $0xD;
	s1 =	sshrl.u32 s1, $0x2  }
0xc8: {  	s4 =	sand.u32 $0x4000, s31;
	s1 =	sadd.s32 s1, s30  }
0xc9: {  	s0 =	sor.u32 s4, s0;
	s1 =	sshll.u32 s1, $0x11  }
0xca: {  	s0 =	sor.u32 s1, s0  }
0xcb: {  	s0 =	sadd.s32 $0x8F2B, s0  }
0xcc: {  	[sflag:s0] =	ssyncadd.remote.s32 $0x1  }
0xcd: {  	_ =	sfence.sel $0xFFFF  }
0xce: {  	[dreg:$0x0] =	wrdreg $0xFFFFFFFF;
	(pc) =	sbr.abs _section_cstart, $3  }
0xcf: {  	[dreg:$0x1] =	wrdreg $0xFFFFFFFF  }
0xd0: {  	_ =	task.clear_ibuf [dreg:s22], $0x2FFFF;
	_ =	strace $0x9FFFFFFF  }
0xd1: {  	(tm) =	ssettm $0x7FFFFFFF  }
tec
execute0_lowered:
.L_overlay_start_1:
0x0: {  	(tag) =	ssettag $0x1  }
0x1: {  	s0 =	srdreg.scid  }
0x2: {  	s22 =	sand.u32 $0x1, s0  }
0x3: {  	s0 =	stileid.u32;
	s1 =	sshll.u32 s22, $0x4  }
0x4: {  	s2 =	rddreg [dreg:$0x0];
	s11 =	sor.u32 s0, s1  }
0x5: {  	s10 =	rddreg [dreg:$0x1];
	s3 =	simm.s32 $0x0;
	s4 =	smul.u32 $0xA0, s11  }
0x6: {  	[smem:$0x7FF] =	sst s3  }
0x7: {  	s1 =	rddreg [dreg:$0x2];
	_ =	strace $0x80000051;
	s19 =	sadd.s32 s4, s10  }
0x8: {  	_ =	strace $0x80000052;
	s4 =	sadd.s32 $0x5A00, s19  }
0x9: {  	[tilespmem:s3], [sflag:$0x1] =	stream.linear.gather [hbm4b:s4+s3], $0x100, $0x200038;
	[tilespmem:$0x10200] =	vst v63  }
0xa: {  	_ =	strace $0x90000052  }
0xb: {  	s6 =	simm.s32 $0x100;
	s5 =	sadd.s32 $0x5A20, s19;
	_ =	strace $0x80000053  }
0xc: {  	[tilespmem:s6], [sflag:$0x2] =	stream.linear.gather [hbm4b:s5+s3], $0x100, $0x200038;
	[tilespmem:$0x10200] =	vst v63  }
0xd: {  	_ =	strace $0x90000053  }
0xe: {  	s7 =	simm.s32 $0x1;
	_ =	strace $0x80000054  }
0xf: {  	_ =	swait.ge [sflag:s7], $0x100  }
0x10: {  	[sflag:s7] =	ssyncset.done $0x0  }
0x11: {  	[sflag:s7] =	ssyncadd.s32 $0xFFFFFF00  }
0x12: {  	_ =	strace $0x90000054  }
0x13: {  	s8 =	simm.s32 $0x200;
	s9 =	simm.s32 $0x5;
	_ =	strace $0x80000055  }
0x14: {  	[tilespmem:s8], [sflag:$0x5] =	stream.indirect.gather [hbm4b:s2+s6], $0x80, s3, s6, $0x2000b8;
	[tilespmem:$0x10200] =	vst v63  }
0x15: {  	_ =	swait.ge [sflag:s9], $0x8000  }
0x16: {  	s11 =	smul.u32 $0x5000, s11;
	[sflag:s9] =	ssyncset.done $0x0  }
0x17: {  	[sflag:s9] =	ssyncadd.s32 $0xFFFF8000  }
0x18: {  	s21 =	sadd.s32 s11, s10;
	_ =	strace $0x90000055  }
0x19: {  	s10 =	sadd.s32 $0xAA00, s21;
	_ =	strace $0x80000056  }
0x1a: {  	[hbm4b:s10+s3] =	stream.linear.scatter [tilespmem:s8], [sflag:$0x3], $0x8000, $0x200038;
	[tilespmem:$0x10200] =	vst v63  }
0x1b: {  	_ =	strace $0x90000056  }
0x1c: {  	s11 =	sadd.s32 $0x5A40, s19;
	_ =	strace $0x80000053  }
0x1d: {  	[tilespmem:s3], [sflag:$0x1] =	stream.linear.gather [hbm4b:s11+s3], $0x100, $0x200038;
	[tilespmem:$0x10200] =	vst v63  }
0x1e: {  	_ =	strace $0x90000053  }
0x1f: {  	s12 =	simm.s32 $0x2;
	_ =	strace $0x80000054  }
0x20: {  	_ =	swait.ge [sflag:s12], $0x100  }
0x21: {  	[sflag:s12] =	ssyncset.done $0x0  }
0x22: {  	[sflag:s12] =	ssyncadd.s32 $0xFFFFFF00  }
0x23: {  	_ =	strace $0x90000054  }
0x24: {  	s13 =	simm.s32 $0x8200;
	_ =	strace $0x80000055  }
0x25: {  	[tilespmem:s13], [sflag:$0x5] =	stream.indirect.gather [hbm4b:s2+s6], $0x80, s6, s6, $0x2000b8;
	[tilespmem:$0x10200] =	vst v63  }
0x26: {  	_ =	swait.ge [sflag:s9], $0x8000  }
0x27: {  	[sflag:s9] =	ssyncset.done $0x0  }
0x28: {  	[sflag:s9] =	ssyncadd.s32 $0xFFFF8000  }
0x29: {  	_ =	strace $0x90000055  }
0x2a: {  	s14 =	sadd.s32 $0xBA00, s21;
	_ =	strace $0x80000056  }
0x2b: {  	[hbm4b:s14+s3] =	stream.linear.scatter [tilespmem:s13], [sflag:$0x4], $0x8000, $0x200038;
	[tilespmem:$0x10200] =	vst v63  }
0x2c: {  	_ =	strace $0x90000056  }
0x2d: {  	s15 =	simm.s32 $0x3;
	_ =	strace $0x80000057  }
0x2e: {  	_ =	swait.ge [sflag:s15], $0x8000  }
0x2f: {  	[sflag:s15] =	ssyncset.done $0x0  }
0x30: {  	[sflag:s15] =	ssyncadd.s32 $0xFFFF8000  }
0x31: {  	_ =	strace $0x90000057  }
0x32: {  	s16 =	sadd.s32 $0x5A60, s19;
	_ =	strace $0x80000053  }
0x33: {  	[tilespmem:s6], [sflag:$0x2] =	stream.linear.gather [hbm4b:s16+s3], $0x100, $0x200038;
	[tilespmem:$0x10200] =	vst v63  }
0x34: {  	_ =	strace $0x90000053  }
0x35: {  	_ =	strace $0x80000054  }
0x36: {  	_ =	swait.ge [sflag:s7], $0x100  }
0x37: {  	[sflag:s7] =	ssyncset.done $0x0  }
0x38: {  	[sflag:s7] =	ssyncadd.s32 $0xFFFFFF00  }
0x39: {  	_ =	strace $0x90000054  }
0x3a: {  	_ =	strace $0x80000055  }
0x3b: {  	[tilespmem:s8], [sflag:$0x5] =	stream.indirect.gather [hbm4b:s2+s6], $0x80, s3, s6, $0x2000b8;
	[tilespmem:$0x10200] =	vst v63  }
0x3c: {  	_ =	swait.ge [sflag:s9], $0x8000  }
0x3d: {  	[sflag:s9] =	ssyncset.done $0x0  }
0x3e: {  	[sflag:s9] =	ssyncadd.s32 $0xFFFF8000  }
0x3f: {  	_ =	strace $0x90000055  }
0x40: {  	s17 =	sadd.s32 $0xCA00, s21;
	_ =	strace $0x80000056  }
0x41: {  	[hbm4b:s17+s3] =	stream.linear.scatter [tilespmem:s8], [sflag:$0x3], $0x8000, $0x200038;
	[tilespmem:$0x10200] =	vst v63  }
0x42: {  	_ =	strace $0x90000056  }
0x43: {  	s18 =	simm.s32 $0x4;
	_ =	strace $0x80000057  }
0x44: {  	_ =	swait.ge [sflag:s18], $0x8000  }
0x45: {  	[sflag:s18] =	ssyncset.done $0x0  }
0x46: {  	[sflag:s18] =	ssyncadd.s32 $0xFFFF8000  }
0x47: {  	_ =	strace $0x90000057  }
0x48: {  	s19 =	sadd.s32 $0x5A80, s19;
	_ =	strace $0x80000053  }
0x49: {  	[tilespmem:s3], [sflag:$0x1] =	stream.linear.gather [hbm4b:s19+s3], $0x100, $0x200038;
	[tilespmem:$0x10200] =	vst v63  }
0x4a: {  	_ =	strace $0x90000053  }
0x4b: {  	_ =	strace $0x80000054  }
0x4c: {  	_ =	swait.ge [sflag:s12], $0x100  }
0x4d: {  	[sflag:s12] =	ssyncset.done $0x0  }
0x4e: {  	[sflag:s12] =	ssyncadd.s32 $0xFFFFFF00  }
0x4f: {  	_ =	strace $0x90000054  }
0x50: {  	_ =	strace $0x80000055  }
0x51: {  	[tilespmem:s13], [sflag:$0x5] =	stream.indirect.gather [hbm4b:s2+s6], $0x80, s6, s6, $0x2000b8;
	[tilespmem:$0x10200] =	vst v63  }
0x52: {  	_ =	swait.ge [sflag:s9], $0x8000  }
0x53: {  	[sflag:s9] =	ssyncset.done $0x0  }
0x54: {  	[sflag:s9] =	ssyncadd.s32 $0xFFFF8000  }
0x55: {  	_ =	strace $0x90000055  }
0x56: {  	s20 =	sadd.s32 $0xDA00, s21;
	_ =	strace $0x80000056  }
0x57: {  	[hbm4b:s20+s3] =	stream.linear.scatter [tilespmem:s13], [sflag:$0x4], $0x8000, $0x200038;
	[tilespmem:$0x10200] =	vst v63  }
0x58: {  	_ =	strace $0x90000056  }
0x59: {  	_ =	strace $0x80000057  }
0x5a: {  	_ =	swait.ge [sflag:s15], $0x8000  }
0x5b: {  	[sflag:s15] =	ssyncset.done $0x0  }
0x5c: {  	[sflag:s15] =	ssyncadd.s32 $0xFFFF8000  }
0x5d: {  	_ =	strace $0x90000057  }
0x5e: {  	_ =	strace $0x80000054  }
0x5f: {  	_ =	swait.ge [sflag:s7], $0x100  }
0x60: {  	[sflag:s7] =	ssyncset.done $0x0  }
0x61: {  	[sflag:s7] =	ssyncadd.s32 $0xFFFFFF00  }
0x62: {  	_ =	strace $0x90000054  }
0x63: {  	_ =	strace $0x80000055  }
0x64: {  	[tilespmem:s8], [sflag:$0x5] =	stream.indirect.gather [hbm4b:s2+s6], $0x80, s3, s6, $0x2000b8;
	[tilespmem:$0x10200] =	vst v63  }
0x65: {  	_ =	swait.ge [sflag:s9], $0x8000  }
0x66: {  	[sflag:s9] =	ssyncset.done $0x0  }
0x67: {  	[sflag:s9] =	ssyncadd.s32 $0xFFFF8000  }
0x68: {  	_ =	strace $0x90000055  }
0x69: {  	s21 =	sadd.s32 $0xEA00, s21;
	_ =	strace $0x80000056  }
0x6a: {  	[hbm4b:s21+s3] =	stream.linear.scatter [tilespmem:s8], [sflag:$0x3], $0x8000, $0x200038;
	[tilespmem:$0x10200] =	vst v63  }
0x6b: {  	s22 =	ssub.s32 $0x2, s22;
	_ =	strace $0x90000056  }
0x6c: {  	s23 =	sshrl.u32 s22, $0x1;
	_ =	strace $0x80000057  }
0x6d: {  	s22 =	ssub.s32 s22, s23;
	_ =	swait.ge [sflag:s18], $0x8000  }
0x6e: {  	s22 =	smax.u32 s22, $0x1;
	[sflag:s18] =	ssyncset.done $0x0  }
0x6f: {  	p0 =	sne.s32 s22, $0x1;
	[sflag:s18] =	ssyncadd.s32 $0xFFFF8000  }
.Ltmp0:
0x70: {  	_ =	strace $0x90000057;
	(pc) =	sbr.rel @!p0 .LBB2_2-.Ltmp0, $4  }
0x71: {  	_ =	strace $0x80000058  }
0x72: {  	_ =	swait.ge [sflag:s15], $0x8000  }
0x73: {  	[sflag:s15] =	ssyncset.done $0x0  }
0x74: {  	s22 =	sadd.s32 $0xFFFFFFFF, s22;
	[sflag:s15] =	ssyncadd.s32 $0xFFFF8000  }
.LBB2_1:
0x75: {  	p0 =	sne.s32 s22, $0x1;
	s22 =	sadd.s32 $0xFFFFFFFF, s22;
	_ =	strace $0x90000058  }
0x76: {  	_ =	strace $0x80000052  }
0x77: {  	[tilespmem:s3], [sflag:$0x1] =	stream.linear.gather [hbm4b:s4+s3], $0x100, $0x200038;
	[tilespmem:$0x10200] =	vst v63  }
0x78: {  	_ =	strace $0x90000052  }
0x79: {  	_ =	strace $0x80000053  }
0x7a: {  	[tilespmem:s6], [sflag:$0x2] =	stream.linear.gather [hbm4b:s5+s3], $0x100, $0x200038;
	[tilespmem:$0x10200] =	vst v63  }
0x7b: {  	_ =	strace $0x90000053  }
0x7c: {  	_ =	strace $0x80000054  }
0x7d: {  	_ =	swait.ge [sflag:s7], $0x100  }
0x7e: {  	[sflag:s7] =	ssyncset.done $0x0  }
0x7f: {  	[sflag:s7] =	ssyncadd.s32 $0xFFFFFF00  }
0x80: {  	_ =	strace $0x90000054  }
0x81: {  	_ =	strace $0x80000055  }
0x82: {  	[tilespmem:s8], [sflag:$0x5] =	stream.indirect.gather [hbm4b:s2+s6], $0x80, s3, s6, $0x2000b8;
	[tilespmem:$0x10200] =	vst v63  }
0x83: {  	_ =	swait.ge [sflag:s9], $0x8000  }
0x84: {  	[sflag:s9] =	ssyncset.done $0x0  }
0x85: {  	[sflag:s9] =	ssyncadd.s32 $0xFFFF8000  }
0x86: {  	_ =	strace $0x90000055  }
0x87: {  	_ =	strace $0x80000056  }
0x88: {  	[hbm4b:s10+s3] =	stream.linear.scatter [tilespmem:s8], [sflag:$0x3], $0x8000, $0x200038;
	[tilespmem:$0x10200] =	vst v63  }
0x89: {  	_ =	strace $0x90000056  }
0x8a: {  	_ =	strace $0x80000053  }
0x8b: {  	[tilespmem:s3], [sflag:$0x1] =	stream.linear.gather [hbm4b:s11+s3], $0x100, $0x200038;
	[tilespmem:$0x10200] =	vst v63  }
0x8c: {  	_ =	strace $0x90000053  }
0x8d: {  	_ =	strace $0x80000054  }
0x8e: {  	_ =	swait.ge [sflag:s12], $0x100  }
0x8f: {  	[sflag:s12] =	ssyncset.done $0x0  }
0x90: {  	[sflag:s12] =	ssyncadd.s32 $0xFFFFFF00  }
0x91: {  	_ =	strace $0x90000054  }
0x92: {  	_ =	strace $0x80000055  }
0x93: {  	[tilespmem:s13], [sflag:$0x5] =	stream.indirect.gather [hbm4b:s2+s6], $0x80, s6, s6, $0x2000b8;
	[tilespmem:$0x10200] =	vst v63  }
0x94: {  	_ =	swait.ge [sflag:s9], $0x8000  }
0x95: {  	[sflag:s9] =	ssyncset.done $0x0  }
0x96: {  	[sflag:s9] =	ssyncadd.s32 $0xFFFF8000  }
0x97: {  	_ =	strace $0x90000055  }
0x98: {  	_ =	strace $0x80000056  }
0x99: {  	[hbm4b:s14+s3] =	stream.linear.scatter [tilespmem:s13], [sflag:$0x4], $0x8000, $0x200038;
	[tilespmem:$0x10200] =	vst v63  }
0x9a: {  	_ =	strace $0x90000056  }
0x9b: {  	_ =	strace $0x80000057  }
0x9c: {  	_ =	swait.ge [sflag:s15], $0x8000  }
0x9d: {  	[sflag:s15] =	ssyncset.done $0x0  }
0x9e: {  	[sflag:s15] =	ssyncadd.s32 $0xFFFF8000  }
0x9f: {  	_ =	strace $0x90000057  }
0xa0: {  	_ =	strace $0x80000053  }
0xa1: {  	[tilespmem:s6], [sflag:$0x2] =	stream.linear.gather [hbm4b:s16+s3], $0x100, $0x200038;
	[tilespmem:$0x10200] =	vst v63  }
0xa2: {  	_ =	strace $0x90000053  }
0xa3: {  	_ =	strace $0x80000054  }
0xa4: {  	_ =	swait.ge [sflag:s7], $0x100  }
0xa5: {  	[sflag:s7] =	ssyncset.done $0x0  }
0xa6: {  	[sflag:s7] =	ssyncadd.s32 $0xFFFFFF00  }
0xa7: {  	_ =	strace $0x90000054  }
0xa8: {  	_ =	strace $0x80000055  }
0xa9: {  	[tilespmem:s8], [sflag:$0x5] =	stream.indirect.gather [hbm4b:s2+s6], $0x80, s3, s6, $0x2000b8;
	[tilespmem:$0x10200] =	vst v63  }
0xaa: {  	_ =	swait.ge [sflag:s9], $0x8000  }
0xab: {  	[sflag:s9] =	ssyncset.done $0x0  }
0xac: {  	[sflag:s9] =	ssyncadd.s32 $0xFFFF8000  }
0xad: {  	_ =	strace $0x90000055  }
0xae: {  	_ =	strace $0x80000056  }
0xaf: {  	[hbm4b:s17+s3] =	stream.linear.scatter [tilespmem:s8], [sflag:$0x3], $0x8000, $0x200038;
	[tilespmem:$0x10200] =	vst v63  }
0xb0: {  	_ =	strace $0x90000056  }
0xb1: {  	_ =	strace $0x80000057  }
0xb2: {  	_ =	swait.ge [sflag:s18], $0x8000  }
0xb3: {  	[sflag:s18] =	ssyncset.done $0x0  }
0xb4: {  	[sflag:s18] =	ssyncadd.s32 $0xFFFF8000  }
0xb5: {  	_ =	strace $0x90000057  }
0xb6: {  	_ =	strace $0x80000053  }
0xb7: {  	[tilespmem:s3], [sflag:$0x1] =	stream.linear.gather [hbm4b:s19+s3], $0x100, $0x200038;
	[tilespmem:$0x10200] =	vst v63  }
0xb8: {  	_ =	strace $0x90000053  }
0xb9: {  	_ =	strace $0x80000054  }
0xba: {  	_ =	swait.ge [sflag:s12], $0x100  }
0xbb: {  	[sflag:s12] =	ssyncset.done $0x0  }
0xbc: {  	[sflag:s12] =	ssyncadd.s32 $0xFFFFFF00  }
0xbd: {  	_ =	strace $0x90000054  }
0xbe: {  	_ =	strace $0x80000055  }
0xbf: {  	[tilespmem:s13], [sflag:$0x5] =	stream.indirect.gather [hbm4b:s2+s6], $0x80, s6, s6, $0x2000b8;
	[tilespmem:$0x10200] =	vst v63  }
0xc0: {  	_ =	swait.ge [sflag:s9], $0x8000  }
0xc1: {  	[sflag:s9] =	ssyncset.done $0x0  }
0xc2: {  	[sflag:s9] =	ssyncadd.s32 $0xFFFF8000  }
0xc3: {  	_ =	strace $0x90000055  }
0xc4: {  	_ =	strace $0x80000056  }
0xc5: {  	[hbm4b:s20+s3] =	stream.linear.scatter [tilespmem:s13], [sflag:$0x4], $0x8000, $0x200038;
	[tilespmem:$0x10200] =	vst v63  }
0xc6: {  	_ =	strace $0x90000056  }
0xc7: {  	_ =	strace $0x80000057  }
0xc8: {  	_ =	swait.ge [sflag:s15], $0x8000  }
0xc9: {  	[sflag:s15] =	ssyncset.done $0x0  }
0xca: {  	[sflag:s15] =	ssyncadd.s32 $0xFFFF8000  }
0xcb: {  	_ =	strace $0x90000057  }
0xcc: {  	_ =	strace $0x80000054  }
0xcd: {  	_ =	swait.ge [sflag:s7], $0x100  }
0xce: {  	[sflag:s7] =	ssyncset.done $0x0  }
0xcf: {  	[sflag:s7] =	ssyncadd.s32 $0xFFFFFF00  }
0xd0: {  	_ =	strace $0x90000054  }
0xd1: {  	_ =	strace $0x80000055  }
0xd2: {  	[tilespmem:s8], [sflag:$0x5] =	stream.indirect.gather [hbm4b:s2+s6], $0x80, s3, s6, $0x2000b8;
	[tilespmem:$0x10200] =	vst v63  }
0xd3: {  	_ =	swait.ge [sflag:s9], $0x8000  }
0xd4: {  	[sflag:s9] =	ssyncset.done $0x0  }
0xd5: {  	[sflag:s9] =	ssyncadd.s32 $0xFFFF8000  }
0xd6: {  	_ =	strace $0x90000055  }
0xd7: {  	_ =	strace $0x80000056  }
0xd8: {  	[hbm4b:s21+s3] =	stream.linear.scatter [tilespmem:s8], [sflag:$0x3], $0x8000, $0x200038;
	[tilespmem:$0x10200] =	vst v63  }
0xd9: {  	_ =	strace $0x90000056  }
0xda: {  	_ =	strace $0x80000057  }
0xdb: {  	_ =	swait.ge [sflag:s18], $0x8000  }
0xdc: {  	[sflag:s18] =	ssyncset.done $0x0  }
0xdd: {  	[sflag:s18] =	ssyncadd.s32 $0xFFFF8000  }
.Ltmp1:
0xde: {  	_ =	strace $0x90000057;
	(pc) =	sbr.rel @p0 .LBB2_1-.Ltmp1, $4  }
0xdf: {  	_ =	strace $0x80000058  }
0xe0: {  	_ =	swait.ge [sflag:s15], $0x8000  }
0xe1: {  	[sflag:s15] =	ssyncset.done $0x0  }
0xe2: {  	[sflag:s15] =	ssyncadd.s32 $0xFFFF8000  }
.LBB2_2:
0xe3: {  	_ =	strace $0x90000058  }
0xe4: {  	_ =	sfence.sel $0x180000  }
0xe5: {  	[bflag:$0x0] =	sbarrier.arrive $0xFFFF  }
0xe6: {  	p0 =	sne.s32 s0, $0x0;
	_ =	strace $0x90000051  }
0xe7: {  	s0 =	sadd.s32 @!p0 $0x100000, s1;
	[bflag:$0x2] =	sbarrier.arrive $0xFFFF  }
0xe8: {  	[sflag:s0] =	ssyncadd.tile.s32 @!p0 $0x1;
	_ =	shalt  }
.Lfunc_end2:
_tile_overlayer_lowered:
.L_overlay_start_2:
0xe9: {  	(tag) =	ssettag $0x2  }
0xea: {  	s0 =	rddreg [dreg:$0x0];
	s2 =	stileid.u32  }
0xeb: {  	s1 =	rddreg [dreg:$0x1];
	p0 =	sne.s32 s2, $0x0  }
0xec: {  	s3 =	rddreg [dreg:$0x2];
	[bflag:$0x3] =	sbarrier.arrive $0xFFFF;
	s2 =	simm.s32 @!p0 $0x1C01  }
0xed: {  	[timem:s3], [sflag:s2] =	dma.local @!p0 [hbm:s0], s1  }
0xee: {  	s0 =	simm.s32 @!p0 $0x1  }
0xef: {  	_ =	swait.ge @!p0 [sflag:s0], s1  }
0xf0: {  	s1 =	ssub.s32 @!p0 $0x0, s1;
	[sflag:s0] =	ssyncset.done @!p0 $0x0  }
0xf1: {  	[sflag:s0] =	ssyncadd.s32 @!p0 s1  }
0xf2: {  	[bflag:$0x3] =	sbarrier.arrive $0xFFFF  }
0xf3: {  	_ =	shalt  }

// kernel: kernel.18.cloned.1.call-start
scs
__scs_entry_jumppad:
0x0: {  	(pc) =	sbr.rel $0x88, $3  }
0x1: {  	(tag) =	ssettag $0x0;
	lr =	simm.s32 $0x1  }
0x2: {  	[smem:$0x3F8F] =	sst lr;
	_ =	strace $0xD0000000  }
0x3: {  	_ = 	snop  }
0x4: {  	_ = 	snop  }
0x5: {  	_ = 	snop  }
0x6: {  	_ = 	snop  }
0x7: {  	_ = 	snop  }
__scs_overlays_trampoline_lowered:
0x8: {  	[smem:$0x3F9E] =	sst s0  }
0x9: {  	[smem:$0x3F9F] =	sst s1  }
0xa: {  	[smem:$0x3FA0] =	sst s2  }
0xb: {  	[smem:$0x3FA1] =	sst s3  }
0xc: {  	[smem:$0x3FA2] =	sst s4  }
0xd: {  	[smem:$0x3FA3] =	sst s5  }
0xe: {  	[smem:$0x3FA4] =	sst s6  }
0xf: {  	[smem:$0x3FA5] =	sst s7  }
0x10: {  	[smem:$0x3FA6] =	sst s8  }
0x11: {  	[smem:$0x3FA7] =	sst s9;
	s0 =	simm.s32 @!p0 $0x0  }
0x12: {  	s1 =	sld [smem:$0x3F8D];
	s0 =	simm.s32 @p0 $0x1  }
0x13: {  	[smem:$0x3FA8] =	sst s0;
	s0 =	simm.s32 @!p1 $0x0  }
0x14: {  	s2 =	sld [smem:$0x3F8C];
	s0 =	simm.s32 @p1 $0x1  }
0x15: {  	[smem:$0x3FA9] =	sst s0;
	s0 =	simm.s32 @!p2 $0x0  }
0x16: {  	s3 =	sld [smem:$0x3FDB];
	s0 =	simm.s32 @p2 $0x1  }
0x17: {  	s4 =	simm.s32 $0x1BF5;
	[smem:$0x3FAB] =	sst s0  }
0x18: {  	s0 =	sld [smem:$0x3F8E];
	_ =	swait.ge [sflag:s4], $0x0  }
0x19: {  	s7 =	sld [smem:$0x3F8F]  }
0x1a: {  	s8 =	sadd.s32 $0xFFFFE003, lr  }
0x1b: {  	s9 =	sadd.s32 $0xFFFFFEF7, lr;
	s5 =	simm.s32 $0xFFFFFFFF;
	p2 =	slt.u32 s8, $0xFFFFF086  }
0x1c: {  	p1 =	slt.u32 s9, $0xF7A;
	s5 =	simm.s32 @!p2 $0x0  }
0x1d: {  	s5 =	simm.s32 @p1 $0x1;
	p0 =	seq.s32 s7, s2  }
0x1e: {  	s7 =	smul.u32 @!p0 $0xF7A, s2;
	p2 =	seq.s32 @!p0 s5, $0x0  }
0x1f: {  	s9 =	smul.u32 $0xF7A, s1;
	s8 =	simm.s32 @!p0 $0x1BF5;
	p2 =	por !p2, p0  }
0x20: {  	[sflag:s8] =	ssyncset.s32 @!p0 $0xFFFFF086;
	s6 =	sadd.s32 @!p0 s3, s7;
	s7 =	simm.s32 @!p0 $0x108  }
0x21: {  	s3 =	sadd.s32 s3, s9;
	s6 =	sadd.s32 @!p0 $0x88, s6;
	s7 =	simm.s32 @p2 $0x1082  }
0x22: {  	[simem:s7], [sflag:s8] =	dma.local @!p0 [hbm:s6], $0xF7A  }
0x23: {  	s9 =	sor.u32 $0xD0000000, s2;
	s6 =	simm.s32 $0x108;
	_ =	swait.ge @!p0 [sflag:s8], $0x0  }
0x24: {  	s3 =	sadd.s32 $0x88, s3;
	s6 =	simm.s32 @!p1 $0x1082;
	[sflag:s4] =	ssyncset.s32 $0xFFFFF086  }
0x25: {  	[simem:s6], [sflag:s4] =	dma.local [hbm:s3], $0xF7A  }
0x26: {  	[smem:$0x3F8F] =	sst s1;
	(tag) =	ssettag s2;
	_ =	strace s9  }
0x27: {  	s1 =	sld [smem:$0x3F9F]  }
0x28: {  	s2 =	sld [smem:$0x3FA0]  }
0x29: {  	s4 =	sld [smem:$0x3FA2]  }
0x2a: {  	p0 =	seq.s32 s5, $0x0;
	s5 =	sld [smem:$0x3FA3]  }
0x2b: {  	s6 =	sld [smem:$0x3FA4]  }
0x2c: {  	s7 =	sld [smem:$0x3FA5]  }
0x2d: {  	s3 =	simm.s32 $0x108;
	s8 =	sld [smem:$0x3FA6]  }
0x2e: {  	s3 =	simm.s32 @!p0 $0x1082;
	s9 =	sld [smem:$0x3FA7]  }
0x2f: {  	lr =	sadd.s32 s0, s3;
	s0 =	sld [smem:$0x3F9E]  }
0x30: {  	s3 =	sld [smem:$0x3FA1]  }
0x31: {  	[smem:$0x3FAA] =	sst s10  }
0x32: {  	s10 =	sld [smem:$0x3FA8];
	_ =	sdelay $0x3  }
0x33: {  	p0 =	seq.s32 s10, $0x1;
	s10 =	sld [smem:$0x3FAA];
	_ =	sdelay $0x3  }
0x34: {  	[smem:$0x3FAA] =	sst s10  }
0x35: {  	s10 =	sld [smem:$0x3FA9];
	_ =	sdelay $0x3  }
0x36: {  	p1 =	seq.s32 s10, $0x1;
	s10 =	sld [smem:$0x3FAA];
	_ =	sdelay $0x3  }
0x37: {  	[smem:$0x3FAA] =	sst s10  }
0x38: {  	s10 =	sld [smem:$0x3FAB]  }
0x39: {  	_ = 	snop;
	(pc) =	sbr.ind lr, $3  }
0x3a: {  	_ = 	snop  }
0x3b: {  	_ = 	snop  }
0x3c: {  	p2 =	seq.s32 s10, $0x1;
	s10 =	sld [smem:$0x3FAA]  }
0x3d: {  	_ =	shalt  }
0x3e: {  	_ =	shalt  }
0x3f: {  	_ =	shalt  }
0x40: {  	_ =	shalt  }
0x41: {  	_ =	shalt  }
0x42: {  	_ =	shalt  }
0x43: {  	_ =	shalt  }
0x44: {  	_ =	shalt  }
0x45: {  	_ =	shalt  }
0x46: {  	_ =	shalt  }
0x47: {  	_ =	shalt  }
0x48: {  	_ =	shalt  }
0x49: {  	_ =	shalt  }
0x4a: {  	_ =	shalt  }
0x4b: {  	_ =	shalt  }
0x4c: {  	_ =	shalt  }
0x4d: {  	_ =	shalt  }
0x4e: {  	_ =	shalt  }
0x4f: {  	_ =	shalt  }
0x50: {  	_ =	shalt  }
0x51: {  	_ =	shalt  }
0x52: {  	_ =	shalt  }
0x53: {  	_ =	shalt  }
0x54: {  	_ =	shalt  }
0x55: {  	_ =	shalt  }
0x56: {  	_ =	shalt  }
0x57: {  	_ =	shalt  }
0x58: {  	_ =	shalt  }
0x59: {  	_ =	shalt  }
0x5a: {  	_ =	shalt  }
0x5b: {  	_ =	shalt  }
0x5c: {  	_ =	shalt  }
0x5d: {  	_ =	shalt  }
0x5e: {  	_ =	shalt  }
0x5f: {  	_ =	shalt  }
0x60: {  	_ =	shalt  }
0x61: {  	_ =	shalt  }
0x62: {  	_ =	shalt  }
0x63: {  	_ =	shalt  }
0x64: {  	_ =	shalt  }
0x65: {  	_ =	shalt  }
0x66: {  	_ =	shalt  }
0x67: {  	_ =	shalt  }
0x68: {  	_ =	shalt  }
0x69: {  	_ =	shalt  }
0x6a: {  	_ =	shalt  }
0x6b: {  	_ =	shalt  }
0x6c: {  	_ =	shalt  }
0x6d: {  	_ =	shalt  }
0x6e: {  	_ =	shalt  }
0x6f: {  	_ =	shalt  }
0x70: {  	_ =	shalt  }
0x71: {  	_ =	shalt  }
0x72: {  	_ =	shalt  }
0x73: {  	_ =	shalt  }
0x74: {  	_ =	shalt  }
0x75: {  	_ =	shalt  }
0x76: {  	_ =	shalt  }
0x77: {  	_ =	shalt  }
0x78: {  	_ =	shalt  }
0x79: {  	_ =	shalt  }
0x7a: {  	_ =	shalt  }
0x7b: {  	_ =	shalt  }
0x7c: {  	_ =	shalt  }
0x7d: {  	_ =	shalt  }
0x7e: {  	_ =	shalt  }
0x7f: {  	_ =	shalt  }
0x80: {  	_ =	shalt  }
0x81: {  	_ =	shalt  }
0x82: {  	_ =	shalt  }
0x83: {  	_ =	shalt  }
0x84: {  	_ =	shalt  }
0x85: {  	_ =	shalt  }
0x86: {  	_ =	shalt  }
0x87: {  	_ =	shalt  }
.Lfunc_end0:
.L_simem_size_0:
called_computation.2_lowered:
.L_overlay_start_0:
0x88: {  	s2 =	sld [smem:$0x3FD9]  }
0x89: {  	s3 =	sld [smem:$0x3FFE];
	_ =	sdelay $0x1  }
0x8a: {  	s1 =	srdreg.scid  }
0x8b: {  	s0 =	sand.u32 $0x1, s1  }
0x8c: {  	s17 =	sshll.u32 s0, $0xA;
	s2 =	sadd.s32 s3, s2  }
0x8d: {  	s2 =	sadd.s32 s2, s17  }
0x8e: {  	[smem:$0x3FB6] =	sst s2  }
0x8f: {  	_ = 	snop  }
0x90: {  	s18 =	sld [smem:$0x3FC3];
	(tm) =	ssettm $0x1  }
0x91: {  	s19 =	sld [smem:$0x3FFB];
	_ =	sdelay $0x3  }
0x92: {  	_ =	strace s19  }
0x93: {  	s2 =	sld [smem:$0x3FFC];
	_ =	sdelay $0x3  }
0x94: {  	_ =	strace s2  }
0x95: {  	s2 =	sld [smem:$0x3FFD];
	_ =	sdelay $0x3  }
0x96: {  	_ =	strace s2  }
0x97: {  	_ =	strace $0x8FFFFFFF  }
0x98: {  	s20 =	sld [smem:$0x3FDB];
	_ =	sdelay $0x1  }
0x99: {  	s4 =	simm.s32 $_scs_section_size  }
0x9a: {  	s5 =	simm.s32 $_size__tile_overlayer_lowered;
	s6 =	simm.s32 $_tile_overlayer_lowered  }
0x9b: {  	s7 =	simm.s32 $0x1BFF;
	s21 =	sshll.u32 s6, $0x1;
	s4 =	sadd.s32 s4, s20  }
0x9c: {  	s22 =	simm.s32 $0x0;
	s5 =	sshll.u32 s5, $0x1;
	s6 =	sadd.s32 s21, s4  }
0x9d: {  	[timem:s22], [sflag:s7] =	dma.local [hbm:s6], s5  }
0x9e: {  	_ =	swait.ge [sflag:s7], s5  }
0x9f: {  	s5 =	ssub.s32 $0x0, s5;
	[sflag:s7] =	ssyncset.done $0x0  }
0xa0: {  	[sflag:s7] =	ssyncadd.s32 s5;
	_ =	sdelay $0x1  }
0xa1: {  	s23 =	simm.s32 $0x1B8B  }
0xa2: {  	_ =	swait.ge [sflag:s23], $0x1  }
0xa3: {  	[sflag:s23] =	ssyncset.done $0x0  }
0xa4: {  	[sflag:s23] =	ssyncadd.s32 $0xFFFFFFFF  }
0xa5: {  	s5 =	sld [smem:$0x0]  }
0xa6: {  	s6 =	sand.u32 $0xFFFFFFFE, s1  }
0xa7: {  	p0 =	sne.s32 s1, s6  }
0xa8: {  	s6 =	sshll.u32 @p0 s6, $0xE  }
0xa9: {  	s6 =	sadd.s32 @p0 $0x11B8D, s6;
	s7 =	sshll.u32 @p0 s5, $0x11  }
0xaa: {  	s6 =	sor.u32 @p0 s7, s6  }
0xab: {  	[sflag:s6] =	ssyncadd.remote.s32 @p0 $0x1;
	_ =	sdelay $0x1  }
0xac: {  	s6 =	simm.s32 @p0 $0x1B8D  }
0xad: {  	_ =	swait.eq @p0 [sflag:s6], $0x1  }
0xae: {  	[sflag:s6] =	ssyncadd.s32 @p0 $0xFFFFFFFF  }
0xaf: {  	s7 =	sshll.u32 @!p0 s1, $0xE  }
0xb0: {  	s7 =	sor.u32 @!p0 $0x4000, s7;
	s6 =	simm.s32 @!p0 $0x1B8D  }
0xb1: {  	s5 =	sshll.u32 @!p0 s5, $0x11;
	s7 =	sadd.s32 @!p0 $0x11B8D, s7;
	_ =	swait.eq @!p0 [sflag:s6], $0x1  }
0xb2: {  	s5 =	sor.u32 @!p0 s5, s7;
	[sflag:s6] =	ssyncadd.s32 @!p0 $0xFFFFFFFF  }
0xb3: {  	s25 =	simm.s32 $0x1B8E;
	s24 =	sld [smem:$0x3FFE];
	[sflag:s5] =	ssyncadd.remote.s32 @!p0 $0x1  }
0xb4: {  	s26 =	simm.s32 $execute0_lowered;
	[smem:$0x3FD2] =	sst s25  }
0xb5: {  	s6 =	sshll.u32 s26, $0x1;
	_ =	strace $0x8000005A;
	[dreg:$0x1] =	wrdreg $0xFFFFFFFF  }
0xb6: {  	s28 =	simm.s32 $_size_execute0_lowered;
	s4 =	sadd.s32 s4, s6;
	[dreg:$0x0] =	wrdreg $0x0  }
0xb7: {  	s6 =	sshll.u32 s28, $0x1;
	[dreg:$0x2] =	wrdreg s4  }
0xb8: {  	[dreg:$0x3] =	wrdreg s6  }
0xb9: {  	[dreg:$0x4] =	wrdreg $0xC0  }
0xba: {  	_ =	task [dreg:s22], $0x5FFFF  }
0xbb: {  	[dreg:$0x1] =	wrdreg $0xFFFFFFFF  }
0xbc: {  	[dreg:$0x0] =	wrdreg $0x60  }
0xbd: {  	[dreg:$0x2] =	wrdreg s18  }
0xbe: {  	[dreg:$0x3] =	wrdreg s24  }
0xbf: {  	[dreg:$0x4] =	wrdreg $0xB  }
0xc0: {  	_ =	task.clear_ibuf [dreg:s22], $0x5FFFF;
	_ =	strace $0x9000005A  }
0xc1: {  	s29 =	simm.s32 $0xB;
	_ =	strace $0x80000063  }
0xc2: {  	_ =	swait.ge [sflag:s29], $0x1  }
0xc3: {  	[sflag:s29] =	ssyncadd.s32 $0xFFFFFFFF  }
0xc4: {  	_ =	strace $0x90000063  }
0xc5: {  	_ =	sfence  }
0xc6: {  	s30 =	sld [smem:$0x0];
	_ =	sdelay $0x2  }
0xc7: {  	s31 =	sshll.u32 s1, $0xD;
	s1 =	sshrl.u32 s1, $0x2  }
0xc8: {  	s4 =	sand.u32 $0x4000, s31;
	s1 =	sadd.s32 s1, s30  }
0xc9: {  	s0 =	sor.u32 s4, s0;
	s1 =	sshll.u32 s1, $0x11  }
0xca: {  	s0 =	sor.u32 s1, s0  }
0xcb: {  	s0 =	sadd.s32 $0x8F2B, s0  }
0xcc: {  	[sflag:s0] =	ssyncadd.remote.s32 $0x1  }
0xcd: {  	_ =	sfence.sel $0xFFFF  }
0xce: {  	[dreg:$0x0] =	wrdreg $0xFFFFFFFF;
	(pc) =	sbr.abs _section_cstart, $3  }
0xcf: {  	[dreg:$0x1] =	wrdreg $0xFFFFFFFF  }
0xd0: {  	_ =	task.clear_ibuf [dreg:s22], $0x2FFFF;
	_ =	strace $0x9FFFFFFF  }
0xd1: {  	(tm) =	ssettm $0x7FFFFFFF  }
tec
execute0_lowered:
.L_overlay_start_1:
0x0: {  	(tag) =	ssettag $0x1  }
0x1: {  	s0 =	srdreg.scid  }
0x2: {  	s22 =	sand.u32 $0x1, s0  }
0x3: {  	s0 =	stileid.u32;
	s1 =	sshll.u32 s22, $0x4  }
0x4: {  	s2 =	rddreg [dreg:$0x0];
	s11 =	sor.u32 s0, s1  }
0x5: {  	s10 =	rddreg [dreg:$0x1];
	s3 =	simm.s32 $0x0;
	s4 =	smul.u32 $0xA0, s11  }
0x6: {  	[smem:$0x7FF] =	sst s3  }
0x7: {  	s1 =	rddreg [dreg:$0x2];
	_ =	strace $0x8000005B;
	s19 =	sadd.s32 s4, s10  }
0x8: {  	_ =	strace $0x8000005C;
	s4 =	sadd.s32 $0x6E00, s19  }
0x9: {  	[tilespmem:s3], [sflag:$0x1] =	stream.linear.gather [hbm4b:s4+s3], $0x100, $0x200038;
	[tilespmem:$0x10200] =	vst v63  }
0xa: {  	_ =	strace $0x9000005C  }
0xb: {  	s6 =	simm.s32 $0x100;
	s5 =	sadd.s32 $0x6E20, s19;
	_ =	strace $0x8000005D  }
0xc: {  	[tilespmem:s6], [sflag:$0x2] =	stream.linear.gather [hbm4b:s5+s3], $0x100, $0x200038;
	[tilespmem:$0x10200] =	vst v63  }
0xd: {  	_ =	strace $0x9000005D  }
0xe: {  	s7 =	simm.s32 $0x1;
	_ =	strace $0x8000005E  }
0xf: {  	_ =	swait.ge [sflag:s7], $0x100  }
0x10: {  	[sflag:s7] =	ssyncset.done $0x0  }
0x11: {  	[sflag:s7] =	ssyncadd.s32 $0xFFFFFF00  }
0x12: {  	_ =	strace $0x9000005E  }
0x13: {  	s8 =	simm.s32 $0x200;
	s9 =	simm.s32 $0x5;
	_ =	strace $0x8000005F  }
0x14: {  	[tilespmem:s8], [sflag:$0x5] =	stream.indirect.gather [hbm4b:s2+s6], $0x80, s3, s6, $0x2000b8;
	[tilespmem:$0x10200] =	vst v63  }
0x15: {  	_ =	swait.ge [sflag:s9], $0x8000  }
0x16: {  	s11 =	smul.u32 $0x5000, s11;
	[sflag:s9] =	ssyncset.done $0x0  }
0x17: {  	[sflag:s9] =	ssyncadd.s32 $0xFFFF8000  }
0x18: {  	s21 =	sadd.s32 s11, s10;
	_ =	strace $0x9000005F  }
0x19: {  	s10 =	sadd.s32 $0xAAA00, s21;
	_ =	strace $0x80000060  }
0x1a: {  	[hbm4b:s10+s3] =	stream.linear.scatter [tilespmem:s8], [sflag:$0x3], $0x8000, $0x200038;
	[tilespmem:$0x10200] =	vst v63  }
0x1b: {  	_ =	strace $0x90000060  }
0x1c: {  	s11 =	sadd.s32 $0x6E40, s19;
	_ =	strace $0x8000005D  }
0x1d: {  	[tilespmem:s3], [sflag:$0x1] =	stream.linear.gather [hbm4b:s11+s3], $0x100, $0x200038;
	[tilespmem:$0x10200] =	vst v63  }
0x1e: {  	_ =	strace $0x9000005D  }
0x1f: {  	s12 =	simm.s32 $0x2;
	_ =	strace $0x8000005E  }
0x20: {  	_ =	swait.ge [sflag:s12], $0x100  }
0x21: {  	[sflag:s12] =	ssyncset.done $0x0  }
0x22: {  	[sflag:s12] =	ssyncadd.s32 $0xFFFFFF00  }
0x23: {  	_ =	strace $0x9000005E  }
0x24: {  	s13 =	simm.s32 $0x8200;
	_ =	strace $0x8000005F  }
0x25: {  	[tilespmem:s13], [sflag:$0x5] =	stream.indirect.gather [hbm4b:s2+s6], $0x80, s6, s6, $0x2000b8;
	[tilespmem:$0x10200] =	vst v63  }
0x26: {  	_ =	swait.ge [sflag:s9], $0x8000  }
0x27: {  	[sflag:s9] =	ssyncset.done $0x0  }
0x28: {  	[sflag:s9] =	ssyncadd.s32 $0xFFFF8000  }
0x29: {  	_ =	strace $0x9000005F  }
0x2a: {  	s14 =	sadd.s32 $0xABA00, s21;
	_ =	strace $0x80000060  }
0x2b: {  	[hbm4b:s14+s3] =	stream.linear.scatter [tilespmem:s13], [sflag:$0x4], $0x8000, $0x200038;
	[tilespmem:$0x10200] =	vst v63  }
0x2c: {  	_ =	strace $0x90000060  }
0x2d: {  	s15 =	simm.s32 $0x3;
	_ =	strace $0x80000061  }
0x2e: {  	_ =	swait.ge [sflag:s15], $0x8000  }
0x2f: {  	[sflag:s15] =	ssyncset.done $0x0  }
0x30: {  	[sflag:s15] =	ssyncadd.s32 $0xFFFF8000  }
0x31: {  	_ =	strace $0x90000061  }
0x32: {  	s16 =	sadd.s32 $0x6E60, s19;
	_ =	strace $0x8000005D  }
0x33: {  	[tilespmem:s6], [sflag:$0x2] =	stream.linear.gather [hbm4b:s16+s3], $0x100, $0x200038;
	[tilespmem:$0x10200] =	vst v63  }
0x34: {  	_ =	strace $0x9000005D  }
0x35: {  	_ =	strace $0x8000005E  }
0x36: {  	_ =	swait.ge [sflag:s7], $0x100  }
0x37: {  	[sflag:s7] =	ssyncset.done $0x0  }
0x38: {  	[sflag:s7] =	ssyncadd.s32 $0xFFFFFF00  }
0x39: {  	_ =	strace $0x9000005E  }
0x3a: {  	_ =	strace $0x8000005F  }
0x3b: {  	[tilespmem:s8], [sflag:$0x5] =	stream.indirect.gather [hbm4b:s2+s6], $0x80, s3, s6, $0x2000b8;
	[tilespmem:$0x10200] =	vst v63  }
0x3c: {  	_ =	swait.ge [sflag:s9], $0x8000  }
0x3d: {  	[sflag:s9] =	ssyncset.done $0x0  }
0x3e: {  	[sflag:s9] =	ssyncadd.s32 $0xFFFF8000  }
0x3f: {  	_ =	strace $0x9000005F  }
0x40: {  	s17 =	sadd.s32 $0xACA00, s21;
	_ =	strace $0x80000060  }
0x41: {  	[hbm4b:s17+s3] =	stream.linear.scatter [tilespmem:s8], [sflag:$0x3], $0x8000, $0x200038;
	[tilespmem:$0x10200] =	vst v63  }
0x42: {  	_ =	strace $0x90000060  }
0x43: {  	s18 =	simm.s32 $0x4;
	_ =	strace $0x80000061  }
0x44: {  	_ =	swait.ge [sflag:s18], $0x8000  }
0x45: {  	[sflag:s18] =	ssyncset.done $0x0  }
0x46: {  	[sflag:s18] =	ssyncadd.s32 $0xFFFF8000  }
0x47: {  	_ =	strace $0x90000061  }
0x48: {  	s19 =	sadd.s32 $0x6E80, s19;
	_ =	strace $0x8000005D  }
0x49: {  	[tilespmem:s3], [sflag:$0x1] =	stream.linear.gather [hbm4b:s19+s3], $0x100, $0x200038;
	[tilespmem:$0x10200] =	vst v63  }
0x4a: {  	_ =	strace $0x9000005D  }
0x4b: {  	_ =	strace $0x8000005E  }
0x4c: {  	_ =	swait.ge [sflag:s12], $0x100  }
0x4d: {  	[sflag:s12] =	ssyncset.done $0x0  }
0x4e: {  	[sflag:s12] =	ssyncadd.s32 $0xFFFFFF00  }
0x4f: {  	_ =	strace $0x9000005E  }
0x50: {  	_ =	strace $0x8000005F  }
0x51: {  	[tilespmem:s13], [sflag:$0x5] =	stream.indirect.gather [hbm4b:s2+s6], $0x80, s6, s6, $0x2000b8;
	[tilespmem:$0x10200] =	vst v63  }
0x52: {  	_ =	swait.ge [sflag:s9], $0x8000  }
0x53: {  	[sflag:s9] =	ssyncset.done $0x0  }
0x54: {  	[sflag:s9] =	ssyncadd.s32 $0xFFFF8000  }
0x55: {  	_ =	strace $0x9000005F  }
0x56: {  	s20 =	sadd.s32 $0xADA00, s21;
	_ =	strace $0x80000060  }
0x57: {  	[hbm4b:s20+s3] =	stream.linear.scatter [tilespmem:s13], [sflag:$0x4], $0x8000, $0x200038;
	[tilespmem:$0x10200] =	vst v63  }
0x58: {  	_ =	strace $0x90000060  }
0x59: {  	_ =	strace $0x80000061  }
0x5a: {  	_ =	swait.ge [sflag:s15], $0x8000  }
0x5b: {  	[sflag:s15] =	ssyncset.done $0x0  }
0x5c: {  	[sflag:s15] =	ssyncadd.s32 $0xFFFF8000  }
0x5d: {  	_ =	strace $0x90000061  }
0x5e: {  	_ =	strace $0x8000005E  }
0x5f: {  	_ =	swait.ge [sflag:s7], $0x100  }
0x60: {  	[sflag:s7] =	ssyncset.done $0x0  }
0x61: {  	[sflag:s7] =	ssyncadd.s32 $0xFFFFFF00  }
0x62: {  	_ =	strace $0x9000005E  }
0x63: {  	_ =	strace $0x8000005F  }
0x64: {  	[tilespmem:s8], [sflag:$0x5] =	stream.indirect.gather [hbm4b:s2+s6], $0x80, s3, s6, $0x2000b8;
	[tilespmem:$0x10200] =	vst v63  }
0x65: {  	_ =	swait.ge [sflag:s9], $0x8000  }
0x66: {  	[sflag:s9] =	ssyncset.done $0x0  }
0x67: {  	[sflag:s9] =	ssyncadd.s32 $0xFFFF8000  }
0x68: {  	_ =	strace $0x9000005F  }
0x69: {  	s21 =	sadd.s32 $0xAEA00, s21;
	_ =	strace $0x80000060  }
0x6a: {  	[hbm4b:s21+s3] =	stream.linear.scatter [tilespmem:s8], [sflag:$0x3], $0x8000, $0x200038;
	[tilespmem:$0x10200] =	vst v63  }
0x6b: {  	s22 =	ssub.s32 $0x2, s22;
	_ =	strace $0x90000060  }
0x6c: {  	s23 =	sshrl.u32 s22, $0x1;
	_ =	strace $0x80000061  }
0x6d: {  	s22 =	ssub.s32 s22, s23;
	_ =	swait.ge [sflag:s18], $0x8000  }
0x6e: {  	s22 =	smax.u32 s22, $0x1;
	[sflag:s18] =	ssyncset.done $0x0  }
0x6f: {  	p0 =	sne.s32 s22, $0x1;
	[sflag:s18] =	ssyncadd.s32 $0xFFFF8000  }
.Ltmp0:
0x70: {  	_ =	strace $0x90000061;
	(pc) =	sbr.rel @!p0 .LBB2_2-.Ltmp0, $4  }
0x71: {  	_ =	strace $0x80000062  }
0x72: {  	_ =	swait.ge [sflag:s15], $0x8000  }
0x73: {  	[sflag:s15] =	ssyncset.done $0x0  }
0x74: {  	s22 =	sadd.s32 $0xFFFFFFFF, s22;
	[sflag:s15] =	ssyncadd.s32 $0xFFFF8000  }
.LBB2_1:
0x75: {  	p0 =	sne.s32 s22, $0x1;
	s22 =	sadd.s32 $0xFFFFFFFF, s22;
	_ =	strace $0x90000062  }
0x76: {  	_ =	strace $0x8000005C  }
0x77: {  	[tilespmem:s3], [sflag:$0x1] =	stream.linear.gather [hbm4b:s4+s3], $0x100, $0x200038;
	[tilespmem:$0x10200] =	vst v63  }
0x78: {  	_ =	strace $0x9000005C  }
0x79: {  	_ =	strace $0x8000005D  }
0x7a: {  	[tilespmem:s6], [sflag:$0x2] =	stream.linear.gather [hbm4b:s5+s3], $0x100, $0x200038;
	[tilespmem:$0x10200] =	vst v63  }
0x7b: {  	_ =	strace $0x9000005D  }
0x7c: {  	_ =	strace $0x8000005E  }
0x7d: {  	_ =	swait.ge [sflag:s7], $0x100  }
0x7e: {  	[sflag:s7] =	ssyncset.done $0x0  }
0x7f: {  	[sflag:s7] =	ssyncadd.s32 $0xFFFFFF00  }
0x80: {  	_ =	strace $0x9000005E  }
0x81: {  	_ =	strace $0x8000005F  }
0x82: {  	[tilespmem:s8], [sflag:$0x5] =	stream.indirect.gather [hbm4b:s2+s6], $0x80, s3, s6, $0x2000b8;
	[tilespmem:$0x10200] =	vst v63  }
0x83: {  	_ =	swait.ge [sflag:s9], $0x8000  }
0x84: {  	[sflag:s9] =	ssyncset.done $0x0  }
0x85: {  	[sflag:s9] =	ssyncadd.s32 $0xFFFF8000  }
0x86: {  	_ =	strace $0x9000005F  }
0x87: {  	_ =	strace $0x80000060  }
0x88: {  	[hbm4b:s10+s3] =	stream.linear.scatter [tilespmem:s8], [sflag:$0x3], $0x8000, $0x200038;
	[tilespmem:$0x10200] =	vst v63  }
0x89: {  	_ =	strace $0x90000060  }
0x8a: {  	_ =	strace $0x8000005D  }
0x8b: {  	[tilespmem:s3], [sflag:$0x1] =	stream.linear.gather [hbm4b:s11+s3], $0x100, $0x200038;
	[tilespmem:$0x10200] =	vst v63  }
0x8c: {  	_ =	strace $0x9000005D  }
0x8d: {  	_ =	strace $0x8000005E  }
0x8e: {  	_ =	swait.ge [sflag:s12], $0x100  }
0x8f: {  	[sflag:s12] =	ssyncset.done $0x0  }
0x90: {  	[sflag:s12] =	ssyncadd.s32 $0xFFFFFF00  }
0x91: {  	_ =	strace $0x9000005E  }
0x92: {  	_ =	strace $0x8000005F  }
0x93: {  	[tilespmem:s13], [sflag:$0x5] =	stream.indirect.gather [hbm4b:s2+s6], $0x80, s6, s6, $0x2000b8;
	[tilespmem:$0x10200] =	vst v63  }
0x94: {  	_ =	swait.ge [sflag:s9], $0x8000  }
0x95: {  	[sflag:s9] =	ssyncset.done $0x0  }
0x96: {  	[sflag:s9] =	ssyncadd.s32 $0xFFFF8000  }
0x97: {  	_ =	strace $0x9000005F  }
0x98: {  	_ =	strace $0x80000060  }
0x99: {  	[hbm4b:s14+s3] =	stream.linear.scatter [tilespmem:s13], [sflag:$0x4], $0x8000, $0x200038;
	[tilespmem:$0x10200] =	vst v63  }
0x9a: {  	_ =	strace $0x90000060  }
0x9b: {  	_ =	strace $0x80000061  }
0x9c: {  	_ =	swait.ge [sflag:s15], $0x8000  }
0x9d: {  	[sflag:s15] =	ssyncset.done $0x0  }
0x9e: {  	[sflag:s15] =	ssyncadd.s32 $0xFFFF8000  }
0x9f: {  	_ =	strace $0x90000061  }
0xa0: {  	_ =	strace $0x8000005D  }
0xa1: {  	[tilespmem:s6], [sflag:$0x2] =	stream.linear.gather [hbm4b:s16+s3], $0x100, $0x200038;
	[tilespmem:$0x10200] =	vst v63  }
0xa2: {  	_ =	strace $0x9000005D  }
0xa3: {  	_ =	strace $0x8000005E  }
0xa4: {  	_ =	swait.ge [sflag:s7], $0x100  }
0xa5: {  	[sflag:s7] =	ssyncset.done $0x0  }
0xa6: {  	[sflag:s7] =	ssyncadd.s32 $0xFFFFFF00  }
0xa7: {  	_ =	strace $0x9000005E  }
0xa8: {  	_ =	strace $0x8000005F  }
0xa9: {  	[tilespmem:s8], [sflag:$0x5] =	stream.indirect.gather [hbm4b:s2+s6], $0x80, s3, s6, $0x2000b8;
	[tilespmem:$0x10200] =	vst v63  }
0xaa: {  	_ =	swait.ge [sflag:s9], $0x8000  }
0xab: {  	[sflag:s9] =	ssyncset.done $0x0  }
0xac: {  	[sflag:s9] =	ssyncadd.s32 $0xFFFF8000  }
0xad: {  	_ =	strace $0x9000005F  }
0xae: {  	_ =	strace $0x80000060  }
0xaf: {  	[hbm4b:s17+s3] =	stream.linear.scatter [tilespmem:s8], [sflag:$0x3], $0x8000, $0x200038;
	[tilespmem:$0x10200] =	vst v63  }
0xb0: {  	_ =	strace $0x90000060  }
0xb1: {  	_ =	strace $0x80000061  }
0xb2: {  	_ =	swait.ge [sflag:s18], $0x8000  }
0xb3: {  	[sflag:s18] =	ssyncset.done $0x0  }
0xb4: {  	[sflag:s18] =	ssyncadd.s32 $0xFFFF8000  }
0xb5: {  	_ =	strace $0x90000061  }
0xb6: {  	_ =	strace $0x8000005D  }
0xb7: {  	[tilespmem:s3], [sflag:$0x1] =	stream.linear.gather [hbm4b:s19+s3], $0x100, $0x200038;
	[tilespmem:$0x10200] =	vst v63  }
0xb8: {  	_ =	strace $0x9000005D  }
0xb9: {  	_ =	strace $0x8000005E  }
0xba: {  	_ =	swait.ge [sflag:s12], $0x100  }
0xbb: {  	[sflag:s12] =	ssyncset.done $0x0  }
0xbc: {  	[sflag:s12] =	ssyncadd.s32 $0xFFFFFF00  }
0xbd: {  	_ =	strace $0x9000005E  }
0xbe: {  	_ =	strace $0x8000005F  }
0xbf: {  	[tilespmem:s13], [sflag:$0x5] =	stream.indirect.gather [hbm4b:s2+s6], $0x80, s6, s6, $0x2000b8;
	[tilespmem:$0x10200] =	vst v63  }
0xc0: {  	_ =	swait.ge [sflag:s9], $0x8000  }
0xc1: {  	[sflag:s9] =	ssyncset.done $0x0  }
0xc2: {  	[sflag:s9] =	ssyncadd.s32 $0xFFFF8000  }
0xc3: {  	_ =	strace $0x9000005F  }
0xc4: {  	_ =	strace $0x80000060  }
0xc5: {  	[hbm4b:s20+s3] =	stream.linear.scatter [tilespmem:s13], [sflag:$0x4], $0x8000, $0x200038;
	[tilespmem:$0x10200] =	vst v63  }
0xc6: {  	_ =	strace $0x90000060  }
0xc7: {  	_ =	strace $0x80000061  }
0xc8: {  	_ =	swait.ge [sflag:s15], $0x8000  }
0xc9: {  	[sflag:s15] =	ssyncset.done $0x0  }
0xca: {  	[sflag:s15] =	ssyncadd.s32 $0xFFFF8000  }
0xcb: {  	_ =	strace $0x90000061  }
0xcc: {  	_ =	strace $0x8000005E  }
0xcd: {  	_ =	swait.ge [sflag:s7], $0x100  }
0xce: {  	[sflag:s7] =	ssyncset.done $0x0  }
0xcf: {  	[sflag:s7] =	ssyncadd.s32 $0xFFFFFF00  }
0xd0: {  	_ =	strace $0x9000005E  }
0xd1: {  	_ =	strace $0x8000005F  }
0xd2: {  	[tilespmem:s8], [sflag:$0x5] =	stream.indirect.gather [hbm4b:s2+s6], $0x80, s3, s6, $0x2000b8;
	[tilespmem:$0x10200] =	vst v63  }
0xd3: {  	_ =	swait.ge [sflag:s9], $0x8000  }
0xd4: {  	[sflag:s9] =	ssyncset.done $0x0  }
0xd5: {  	[sflag:s9] =	ssyncadd.s32 $0xFFFF8000  }
0xd6: {  	_ =	strace $0x9000005F  }
0xd7: {  	_ =	strace $0x80000060  }
0xd8: {  	[hbm4b:s21+s3] =	stream.linear.scatter [tilespmem:s8], [sflag:$0x3], $0x8000, $0x200038;
	[tilespmem:$0x10200] =	vst v63  }
0xd9: {  	_ =	strace $0x90000060  }
0xda: {  	_ =	strace $0x80000061  }
0xdb: {  	_ =	swait.ge [sflag:s18], $0x8000  }
0xdc: {  	[sflag:s18] =	ssyncset.done $0x0  }
0xdd: {  	[sflag:s18] =	ssyncadd.s32 $0xFFFF8000  }
.Ltmp1:
0xde: {  	_ =	strace $0x90000061;
	(pc) =	sbr.rel @p0 .LBB2_1-.Ltmp1, $4  }
0xdf: {  	_ =	strace $0x80000062  }
0xe0: {  	_ =	swait.ge [sflag:s15], $0x8000  }
0xe1: {  	[sflag:s15] =	ssyncset.done $0x0  }
0xe2: {  	[sflag:s15] =	ssyncadd.s32 $0xFFFF8000  }
.LBB2_2:
0xe3: {  	_ =	strace $0x90000062  }
0xe4: {  	_ =	sfence.sel $0x180000  }
0xe5: {  	[bflag:$0x0] =	sbarrier.arrive $0xFFFF  }
0xe6: {  	p0 =	sne.s32 s0, $0x0;
	_ =	strace $0x9000005B  }
0xe7: {  	s0 =	sadd.s32 @!p0 $0x100000, s1;
	[bflag:$0x2] =	sbarrier.arrive $0xFFFF  }
0xe8: {  	[sflag:s0] =	ssyncadd.tile.s32 @!p0 $0x1;
	_ =	shalt  }
.Lfunc_end2:
_tile_overlayer_lowered:
.L_overlay_start_2:
0xe9: {  	(tag) =	ssettag $0x2  }
0xea: {  	s0 =	rddreg [dreg:$0x0];
	s2 =	stileid.u32  }
0xeb: {  	s1 =	rddreg [dreg:$0x1];
	p0 =	sne.s32 s2, $0x0  }
0xec: {  	s3 =	rddreg [dreg:$0x2];
	[bflag:$0x3] =	sbarrier.arrive $0xFFFF;
	s2 =	simm.s32 @!p0 $0x1C01  }
0xed: {  	[timem:s3], [sflag:s2] =	dma.local @!p0 [hbm:s0], s1  }
0xee: {  	s0 =	simm.s32 @!p0 $0x1  }
0xef: {  	_ =	swait.ge @!p0 [sflag:s0], s1  }
0xf0: {  	s1 =	ssub.s32 @!p0 $0x0, s1;
	[sflag:s0] =	ssyncset.done @!p0 $0x0  }
0xf1: {  	[sflag:s0] =	ssyncadd.s32 @!p0 s1  }
0xf2: {  	[bflag:$0x3] =	sbarrier.arrive $0xFFFF  }
0xf3: {  	_ =	shalt  }

// kernel: kernel.21.cloned.1.call-start
scs
__scs_entry_jumppad:
0x0: {  	(pc) =	sbr.rel $0x88, $3  }
0x1: {  	(tag) =	ssettag $0x0;
	lr =	simm.s32 $0x1  }
0x2: {  	[smem:$0x3F8F] =	sst lr;
	_ =	strace $0xD0000000  }
0x3: {  	_ = 	snop  }
0x4: {  	_ = 	snop  }
0x5: {  	_ = 	snop  }
0x6: {  	_ = 	snop  }
0x7: {  	_ = 	snop  }
__scs_overlays_trampoline_lowered:
0x8: {  	[smem:$0x3F9E] =	sst s0  }
0x9: {  	[smem:$0x3F9F] =	sst s1  }
0xa: {  	[smem:$0x3FA0] =	sst s2  }
0xb: {  	[smem:$0x3FA1] =	sst s3  }
0xc: {  	[smem:$0x3FA2] =	sst s4  }
0xd: {  	[smem:$0x3FA3] =	sst s5  }
0xe: {  	[smem:$0x3FA4] =	sst s6  }
0xf: {  	[smem:$0x3FA5] =	sst s7  }
0x10: {  	[smem:$0x3FA6] =	sst s8  }
0x11: {  	[smem:$0x3FA7] =	sst s9;
	s0 =	simm.s32 @!p0 $0x0  }
0x12: {  	s1 =	sld [smem:$0x3F8D];
	s0 =	simm.s32 @p0 $0x1  }
0x13: {  	[smem:$0x3FA8] =	sst s0;
	s0 =	simm.s32 @!p1 $0x0  }
0x14: {  	s2 =	sld [smem:$0x3F8C];
	s0 =	simm.s32 @p1 $0x1  }
0x15: {  	[smem:$0x3FA9] =	sst s0;
	s0 =	simm.s32 @!p2 $0x0  }
0x16: {  	s3 =	sld [smem:$0x3FDB];
	s0 =	simm.s32 @p2 $0x1  }
0x17: {  	s4 =	simm.s32 $0x1BF5;
	[smem:$0x3FAB] =	sst s0  }
0x18: {  	s0 =	sld [smem:$0x3F8E];
	_ =	swait.ge [sflag:s4], $0x0  }
0x19: {  	s7 =	sld [smem:$0x3F8F]  }
0x1a: {  	s8 =	sadd.s32 $0xFFFFE003, lr  }
0x1b: {  	s9 =	sadd.s32 $0xFFFFFEF7, lr;
	s5 =	simm.s32 $0xFFFFFFFF;
	p2 =	slt.u32 s8, $0xFFFFF086  }
0x1c: {  	p1 =	slt.u32 s9, $0xF7A;
	s5 =	simm.s32 @!p2 $0x0  }
0x1d: {  	s5 =	simm.s32 @p1 $0x1;
	p0 =	seq.s32 s7, s2  }
0x1e: {  	s7 =	smul.u32 @!p0 $0xF7A, s2;
	p2 =	seq.s32 @!p0 s5, $0x0  }
0x1f: {  	s9 =	smul.u32 $0xF7A, s1;
	s8 =	simm.s32 @!p0 $0x1BF5;
	p2 =	por !p2, p0  }
0x20: {  	[sflag:s8] =	ssyncset.s32 @!p0 $0xFFFFF086;
	s6 =	sadd.s32 @!p0 s3, s7;
	s7 =	simm.s32 @!p0 $0x108  }
0x21: {  	s3 =	sadd.s32 s3, s9;
	s6 =	sadd.s32 @!p0 $0x88, s6;
	s7 =	simm.s32 @p2 $0x1082  }
0x22: {  	[simem:s7], [sflag:s8] =	dma.local @!p0 [hbm:s6], $0xF7A  }
0x23: {  	s9 =	sor.u32 $0xD0000000, s2;
	s6 =	simm.s32 $0x108;
	_ =	swait.ge @!p0 [sflag:s8], $0x0  }
0x24: {  	s3 =	sadd.s32 $0x88, s3;
	s6 =	simm.s32 @!p1 $0x1082;
	[sflag:s4] =	ssyncset.s32 $0xFFFFF086  }
0x25: {  	[simem:s6], [sflag:s4] =	dma.local [hbm:s3], $0xF7A  }
0x26: {  	[smem:$0x3F8F] =	sst s1;
	(tag) =	ssettag s2;
	_ =	strace s9  }
0x27: {  	s1 =	sld [smem:$0x3F9F]  }
0x28: {  	s2 =	sld [smem:$0x3FA0]  }
0x29: {  	s4 =	sld [smem:$0x3FA2]  }
0x2a: {  	p0 =	seq.s32 s5, $0x0;
	s5 =	sld [smem:$0x3FA3]  }
0x2b: {  	s6 =	sld [smem:$0x3FA4]  }
0x2c: {  	s7 =	sld [smem:$0x3FA5]  }
0x2d: {  	s3 =	simm.s32 $0x108;
	s8 =	sld [smem:$0x3FA6]  }
0x2e: {  	s3 =	simm.s32 @!p0 $0x1082;
	s9 =	sld [smem:$0x3FA7]  }
0x2f: {  	lr =	sadd.s32 s0, s3;
	s0 =	sld [smem:$0x3F9E]  }
0x30: {  	s3 =	sld [smem:$0x3FA1]  }
0x31: {  	[smem:$0x3FAA] =	sst s10  }
0x32: {  	s10 =	sld [smem:$0x3FA8];
	_ =	sdelay $0x3  }
0x33: {  	p0 =	seq.s32 s10, $0x1;
	s10 =	sld [smem:$0x3FAA];
	_ =	sdelay $0x3  }
0x34: {  	[smem:$0x3FAA] =	sst s10  }
0x35: {  	s10 =	sld [smem:$0x3FA9];
	_ =	sdelay $0x3  }
0x36: {  	p1 =	seq.s32 s10, $0x1;
	s10 =	sld [smem:$0x3FAA];
	_ =	sdelay $0x3  }
0x37: {  	[smem:$0x3FAA] =	sst s10  }
0x38: {  	s10 =	sld [smem:$0x3FAB]  }
0x39: {  	_ = 	snop;
	(pc) =	sbr.ind lr, $3  }
0x3a: {  	_ = 	snop  }
0x3b: {  	_ = 	snop  }
0x3c: {  	p2 =	seq.s32 s10, $0x1;
	s10 =	sld [smem:$0x3FAA]  }
0x3d: {  	_ =	shalt  }
0x3e: {  	_ =	shalt  }
0x3f: {  	_ =	shalt  }
0x40: {  	_ =	shalt  }
0x41: {  	_ =	shalt  }
0x42: {  	_ =	shalt  }
0x43: {  	_ =	shalt  }
0x44: {  	_ =	shalt  }
0x45: {  	_ =	shalt  }
0x46: {  	_ =	shalt  }
0x47: {  	_ =	shalt  }
0x48: {  	_ =	shalt  }
0x49: {  	_ =	shalt  }
0x4a: {  	_ =	shalt  }
0x4b: {  	_ =	shalt  }
0x4c: {  	_ =	shalt  }
0x4d: {  	_ =	shalt  }
0x4e: {  	_ =	shalt  }
0x4f: {  	_ =	shalt  }
0x50: {  	_ =	shalt  }
0x51: {  	_ =	shalt  }
0x52: {  	_ =	shalt  }
0x53: {  	_ =	shalt  }
0x54: {  	_ =	shalt  }
0x55: {  	_ =	shalt  }
0x56: {  	_ =	shalt  }
0x57: {  	_ =	shalt  }
0x58: {  	_ =	shalt  }
0x59: {  	_ =	shalt  }
0x5a: {  	_ =	shalt  }
0x5b: {  	_ =	shalt  }
0x5c: {  	_ =	shalt  }
0x5d: {  	_ =	shalt  }
0x5e: {  	_ =	shalt  }
0x5f: {  	_ =	shalt  }
0x60: {  	_ =	shalt  }
0x61: {  	_ =	shalt  }
0x62: {  	_ =	shalt  }
0x63: {  	_ =	shalt  }
0x64: {  	_ =	shalt  }
0x65: {  	_ =	shalt  }
0x66: {  	_ =	shalt  }
0x67: {  	_ =	shalt  }
0x68: {  	_ =	shalt  }
0x69: {  	_ =	shalt  }
0x6a: {  	_ =	shalt  }
0x6b: {  	_ =	shalt  }
0x6c: {  	_ =	shalt  }
0x6d: {  	_ =	shalt  }
0x6e: {  	_ =	shalt  }
0x6f: {  	_ =	shalt  }
0x70: {  	_ =	shalt  }
0x71: {  	_ =	shalt  }
0x72: {  	_ =	shalt  }
0x73: {  	_ =	shalt  }
0x74: {  	_ =	shalt  }
0x75: {  	_ =	shalt  }
0x76: {  	_ =	shalt  }
0x77: {  	_ =	shalt  }
0x78: {  	_ =	shalt  }
0x79: {  	_ =	shalt  }
0x7a: {  	_ =	shalt  }
0x7b: {  	_ =	shalt  }
0x7c: {  	_ =	shalt  }
0x7d: {  	_ =	shalt  }
0x7e: {  	_ =	shalt  }
0x7f: {  	_ =	shalt  }
0x80: {  	_ =	shalt  }
0x81: {  	_ =	shalt  }
0x82: {  	_ =	shalt  }
0x83: {  	_ =	shalt  }
0x84: {  	_ =	shalt  }
0x85: {  	_ =	shalt  }
0x86: {  	_ =	shalt  }
0x87: {  	_ =	shalt  }
.Lfunc_end0:
.L_simem_size_0:
called_computation.3_lowered:
.L_overlay_start_0:
0x88: {  	s2 =	sld [smem:$0x3FD9]  }
0x89: {  	s3 =	sld [smem:$0x3FFE];
	_ =	sdelay $0x1  }
0x8a: {  	s1 =	srdreg.scid  }
0x8b: {  	s0 =	sand.u32 $0x1, s1  }
0x8c: {  	s17 =	sshll.u32 s0, $0xA;
	s2 =	sadd.s32 s3, s2  }
0x8d: {  	s2 =	sadd.s32 s2, s17  }
0x8e: {  	[smem:$0x3FB6] =	sst s2  }
0x8f: {  	_ = 	snop  }
0x90: {  	s18 =	sld [smem:$0x3FC3];
	(tm) =	ssettm $0x1  }
0x91: {  	s19 =	sld [smem:$0x3FFB];
	_ =	sdelay $0x3  }
0x92: {  	_ =	strace s19  }
0x93: {  	s2 =	sld [smem:$0x3FFC];
	_ =	sdelay $0x3  }
0x94: {  	_ =	strace s2  }
0x95: {  	s2 =	sld [smem:$0x3FFD];
	_ =	sdelay $0x3  }
0x96: {  	_ =	strace s2  }
0x97: {  	_ =	strace $0x8FFFFFFF  }
0x98: {  	s20 =	sld [smem:$0x3FDB];
	_ =	sdelay $0x1  }
0x99: {  	s4 =	simm.s32 $_scs_section_size  }
0x9a: {  	s5 =	simm.s32 $_size__tile_overlayer_lowered;
	s6 =	simm.s32 $_tile_overlayer_lowered  }
0x9b: {  	s7 =	simm.s32 $0x1BFF;
	s21 =	sshll.u32 s6, $0x1;
	s4 =	sadd.s32 s4, s20  }
0x9c: {  	s22 =	simm.s32 $0x0;
	s5 =	sshll.u32 s5, $0x1;
	s6 =	sadd.s32 s21, s4  }
0x9d: {  	[timem:s22], [sflag:s7] =	dma.local [hbm:s6], s5  }
0x9e: {  	_ =	swait.ge [sflag:s7], s5  }
0x9f: {  	s5 =	ssub.s32 $0x0, s5;
	[sflag:s7] =	ssyncset.done $0x0  }
0xa0: {  	[sflag:s7] =	ssyncadd.s32 s5;
	_ =	sdelay $0x1  }
0xa1: {  	s23 =	simm.s32 $0x1B8B  }
0xa2: {  	_ =	swait.ge [sflag:s23], $0x1  }
0xa3: {  	[sflag:s23] =	ssyncset.done $0x0  }
0xa4: {  	[sflag:s23] =	ssyncadd.s32 $0xFFFFFFFF  }
0xa5: {  	s5 =	sld [smem:$0x0]  }
0xa6: {  	s6 =	sand.u32 $0xFFFFFFFE, s1  }
0xa7: {  	p0 =	sne.s32 s1, s6  }
0xa8: {  	s6 =	sshll.u32 @p0 s6, $0xE  }
0xa9: {  	s6 =	sadd.s32 @p0 $0x11B8D, s6;
	s7 =	sshll.u32 @p0 s5, $0x11  }
0xaa: {  	s6 =	sor.u32 @p0 s7, s6  }
0xab: {  	[sflag:s6] =	ssyncadd.remote.s32 @p0 $0x1;
	_ =	sdelay $0x1  }
0xac: {  	s6 =	simm.s32 @p0 $0x1B8D  }
0xad: {  	_ =	swait.eq @p0 [sflag:s6], $0x1  }
0xae: {  	[sflag:s6] =	ssyncadd.s32 @p0 $0xFFFFFFFF  }
0xaf: {  	s7 =	sshll.u32 @!p0 s1, $0xE  }
0xb0: {  	s7 =	sor.u32 @!p0 $0x4000, s7;
	s6 =	simm.s32 @!p0 $0x1B8D  }
0xb1: {  	s5 =	sshll.u32 @!p0 s5, $0x11;
	s7 =	sadd.s32 @!p0 $0x11B8D, s7;
	_ =	swait.eq @!p0 [sflag:s6], $0x1  }
0xb2: {  	s5 =	sor.u32 @!p0 s5, s7;
	[sflag:s6] =	ssyncadd.s32 @!p0 $0xFFFFFFFF  }
0xb3: {  	s25 =	simm.s32 $0x1B8E;
	s24 =	sld [smem:$0x3FFE];
	[sflag:s5] =	ssyncadd.remote.s32 @!p0 $0x1  }
0xb4: {  	s26 =	simm.s32 $execute0_lowered;
	[smem:$0x3FD2] =	sst s25  }
0xb5: {  	s6 =	sshll.u32 s26, $0x1;
	_ =	strace $0x80000064;
	[dreg:$0x1] =	wrdreg $0xFFFFFFFF  }
0xb6: {  	s28 =	simm.s32 $_size_execute0_lowered;
	s4 =	sadd.s32 s4, s6;
	[dreg:$0x0] =	wrdreg $0x0  }
0xb7: {  	s6 =	sshll.u32 s28, $0x1;
	[dreg:$0x2] =	wrdreg s4  }
0xb8: {  	[dreg:$0x3] =	wrdreg s6  }
0xb9: {  	[dreg:$0x4] =	wrdreg $0xC0  }
0xba: {  	_ =	task [dreg:s22], $0x5FFFF  }
0xbb: {  	[dreg:$0x1] =	wrdreg $0xFFFFFFFF  }
0xbc: {  	[dreg:$0x0] =	wrdreg $0x60  }
0xbd: {  	[dreg:$0x2] =	wrdreg s18  }
0xbe: {  	[dreg:$0x3] =	wrdreg s24  }
0xbf: {  	[dreg:$0x4] =	wrdreg $0xC  }
0xc0: {  	_ =	task.clear_ibuf [dreg:s22], $0x5FFFF;
	_ =	strace $0x90000064  }
0xc1: {  	s29 =	simm.s32 $0xC;
	_ =	strace $0x8000006D  }
0xc2: {  	_ =	swait.ge [sflag:s29], $0x1  }
0xc3: {  	[sflag:s29] =	ssyncadd.s32 $0xFFFFFFFF  }
0xc4: {  	_ =	strace $0x9000006D  }
0xc5: {  	_ =	sfence  }
0xc6: {  	s30 =	sld [smem:$0x0];
	_ =	sdelay $0x2  }
0xc7: {  	s31 =	sshll.u32 s1, $0xD;
	s1 =	sshrl.u32 s1, $0x2  }
0xc8: {  	s4 =	sand.u32 $0x4000, s31;
	s1 =	sadd.s32 s1, s30  }
0xc9: {  	s0 =	sor.u32 s4, s0;
	s1 =	sshll.u32 s1, $0x11  }
0xca: {  	s0 =	sor.u32 s1, s0  }
0xcb: {  	s0 =	sadd.s32 $0x8F2B, s0  }
0xcc: {  	[sflag:s0] =	ssyncadd.remote.s32 $0x1  }
0xcd: {  	_ =	sfence.sel $0xFFFF  }
0xce: {  	[dreg:$0x0] =	wrdreg $0xFFFFFFFF;
	(pc) =	sbr.abs _section_cstart, $3  }
0xcf: {  	[dreg:$0x1] =	wrdreg $0xFFFFFFFF  }
0xd0: {  	_ =	task.clear_ibuf [dreg:s22], $0x2FFFF;
	_ =	strace $0x9FFFFFFF  }
0xd1: {  	(tm) =	ssettm $0x7FFFFFFF  }
tec
execute0_lowered:
.L_overlay_start_1:
0x0: {  	(tag) =	ssettag $0x1  }
0x1: {  	s0 =	srdreg.scid  }
0x2: {  	s22 =	sand.u32 $0x1, s0  }
0x3: {  	s0 =	stileid.u32;
	s1 =	sshll.u32 s22, $0x4  }
0x4: {  	s2 =	rddreg [dreg:$0x0];
	s11 =	sor.u32 s0, s1  }
0x5: {  	s10 =	rddreg [dreg:$0x1];
	s3 =	simm.s32 $0x0;
	s4 =	smul.u32 $0xA0, s11  }
0x6: {  	[smem:$0x7FF] =	sst s3  }
0x7: {  	s1 =	rddreg [dreg:$0x2];
	_ =	strace $0x80000065;
	s19 =	sadd.s32 s4, s10  }
0x8: {  	_ =	strace $0x80000066;
	s4 =	sadd.s32 $0x8200, s19  }
0x9: {  	[tilespmem:s3], [sflag:$0x1] =	stream.linear.gather [hbm4b:s4+s3], $0x100, $0x200038;
	[tilespmem:$0x10200] =	vst v63  }
0xa: {  	_ =	strace $0x90000066  }
0xb: {  	s6 =	simm.s32 $0x100;
	s5 =	sadd.s32 $0x8220, s19;
	_ =	strace $0x80000067  }
0xc: {  	[tilespmem:s6], [sflag:$0x2] =	stream.linear.gather [hbm4b:s5+s3], $0x100, $0x200038;
	[tilespmem:$0x10200] =	vst v63  }
0xd: {  	_ =	strace $0x90000067  }
0xe: {  	s7 =	simm.s32 $0x1;
	_ =	strace $0x80000068  }
0xf: {  	_ =	swait.ge [sflag:s7], $0x100  }
0x10: {  	[sflag:s7] =	ssyncset.done $0x0  }
0x11: {  	[sflag:s7] =	ssyncadd.s32 $0xFFFFFF00  }
0x12: {  	_ =	strace $0x90000068  }
0x13: {  	s8 =	simm.s32 $0x200;
	s9 =	simm.s32 $0x5;
	_ =	strace $0x80000069  }
0x14: {  	[tilespmem:s8], [sflag:$0x5] =	stream.indirect.gather [hbm4b:s2+s6], $0x80, s3, s6, $0x2000b8;
	[tilespmem:$0x10200] =	vst v63  }
0x15: {  	_ =	swait.ge [sflag:s9], $0x8000  }
0x16: {  	s11 =	smul.u32 $0x5000, s11;
	[sflag:s9] =	ssyncset.done $0x0  }
0x17: {  	[sflag:s9] =	ssyncadd.s32 $0xFFFF8000  }
0x18: {  	s21 =	sadd.s32 s11, s10;
	_ =	strace $0x90000069  }
0x19: {  	s10 =	sadd.s32 $0x14AA00, s21;
	_ =	strace $0x8000006A  }
0x1a: {  	[hbm4b:s10+s3] =	stream.linear.scatter [tilespmem:s8], [sflag:$0x3], $0x8000, $0x200038;
	[tilespmem:$0x10200] =	vst v63  }
0x1b: {  	_ =	strace $0x9000006A  }
0x1c: {  	s11 =	sadd.s32 $0x8240, s19;
	_ =	strace $0x80000067  }
0x1d: {  	[tilespmem:s3], [sflag:$0x1] =	stream.linear.gather [hbm4b:s11+s3], $0x100, $0x200038;
	[tilespmem:$0x10200] =	vst v63  }
0x1e: {  	_ =	strace $0x90000067  }
0x1f: {  	s12 =	simm.s32 $0x2;
	_ =	strace $0x80000068  }
0x20: {  	_ =	swait.ge [sflag:s12], $0x100  }
0x21: {  	[sflag:s12] =	ssyncset.done $0x0  }
0x22: {  	[sflag:s12] =	ssyncadd.s32 $0xFFFFFF00  }
0x23: {  	_ =	strace $0x90000068  }
0x24: {  	s13 =	simm.s32 $0x8200;
	_ =	strace $0x80000069  }
0x25: {  	[tilespmem:s13], [sflag:$0x5] =	stream.indirect.gather [hbm4b:s2+s6], $0x80, s6, s6, $0x2000b8;
	[tilespmem:$0x10200] =	vst v63  }
0x26: {  	_ =	swait.ge [sflag:s9], $0x8000  }
0x27: {  	[sflag:s9] =	ssyncset.done $0x0  }
0x28: {  	[sflag:s9] =	ssyncadd.s32 $0xFFFF8000  }
0x29: {  	_ =	strace $0x90000069  }
0x2a: {  	s14 =	sadd.s32 $0x14BA00, s21;
	_ =	strace $0x8000006A  }
0x2b: {  	[hbm4b:s14+s3] =	stream.linear.scatter [tilespmem:s13], [sflag:$0x4], $0x8000, $0x200038;
	[tilespmem:$0x10200] =	vst v63  }
0x2c: {  	_ =	strace $0x9000006A  }
0x2d: {  	s15 =	simm.s32 $0x3;
	_ =	strace $0x8000006B  }
0x2e: {  	_ =	swait.ge [sflag:s15], $0x8000  }
0x2f: {  	[sflag:s15] =	ssyncset.done $0x0  }
0x30: {  	[sflag:s15] =	ssyncadd.s32 $0xFFFF8000  }
0x31: {  	_ =	strace $0x9000006B  }
0x32: {  	s16 =	sadd.s32 $0x8260, s19;
	_ =	strace $0x80000067  }
0x33: {  	[tilespmem:s6], [sflag:$0x2] =	stream.linear.gather [hbm4b:s16+s3], $0x100, $0x200038;
	[tilespmem:$0x10200] =	vst v63  }
0x34: {  	_ =	strace $0x90000067  }
0x35: {  	_ =	strace $0x80000068  }
0x36: {  	_ =	swait.ge [sflag:s7], $0x100  }
0x37: {  	[sflag:s7] =	ssyncset.done $0x0  }
0x38: {  	[sflag:s7] =	ssyncadd.s32 $0xFFFFFF00  }
0x39: {  	_ =	strace $0x90000068  }
0x3a: {  	_ =	strace $0x80000069  }
0x3b: {  	[tilespmem:s8], [sflag:$0x5] =	stream.indirect.gather [hbm4b:s2+s6], $0x80, s3, s6, $0x2000b8;
	[tilespmem:$0x10200] =	vst v63  }
0x3c: {  	_ =	swait.ge [sflag:s9], $0x8000  }
0x3d: {  	[sflag:s9] =	ssyncset.done $0x0  }
0x3e: {  	[sflag:s9] =	ssyncadd.s32 $0xFFFF8000  }
0x3f: {  	_ =	strace $0x90000069  }
0x40: {  	s17 =	sadd.s32 $0x14CA00, s21;
	_ =	strace $0x8000006A  }
0x41: {  	[hbm4b:s17+s3] =	stream.linear.scatter [tilespmem:s8], [sflag:$0x3], $0x8000, $0x200038;
	[tilespmem:$0x10200] =	vst v63  }
0x42: {  	_ =	strace $0x9000006A  }
0x43: {  	s18 =	simm.s32 $0x4;
	_ =	strace $0x8000006B  }
0x44: {  	_ =	swait.ge [sflag:s18], $0x8000  }
0x45: {  	[sflag:s18] =	ssyncset.done $0x0  }
0x46: {  	[sflag:s18] =	ssyncadd.s32 $0xFFFF8000  }
0x47: {  	_ =	strace $0x9000006B  }
0x48: {  	s19 =	sadd.s32 $0x8280, s19;
	_ =	strace $0x80000067  }
0x49: {  	[tilespmem:s3], [sflag:$0x1] =	stream.linear.gather [hbm4b:s19+s3], $0x100, $0x200038;
	[tilespmem:$0x10200] =	vst v63  }
0x4a: {  	_ =	strace $0x90000067  }
0x4b: {  	_ =	strace $0x80000068  }
0x4c: {  	_ =	swait.ge [sflag:s12], $0x100  }
0x4d: {  	[sflag:s12] =	ssyncset.done $0x0  }
0x4e: {  	[sflag:s12] =	ssyncadd.s32 $0xFFFFFF00  }
0x4f: {  	_ =	strace $0x90000068  }
0x50: {  	_ =	strace $0x80000069  }
0x51: {  	[tilespmem:s13], [sflag:$0x5] =	stream.indirect.gather [hbm4b:s2+s6], $0x80, s6, s6, $0x2000b8;
	[tilespmem:$0x10200] =	vst v63  }
0x52: {  	_ =	swait.ge [sflag:s9], $0x8000  }
0x53: {  	[sflag:s9] =	ssyncset.done $0x0  }
0x54: {  	[sflag:s9] =	ssyncadd.s32 $0xFFFF8000  }
0x55: {  	_ =	strace $0x90000069  }
0x56: {  	s20 =	sadd.s32 $0x14DA00, s21;
	_ =	strace $0x8000006A  }
0x57: {  	[hbm4b:s20+s3] =	stream.linear.scatter [tilespmem:s13], [sflag:$0x4], $0x8000, $0x200038;
	[tilespmem:$0x10200] =	vst v63  }
0x58: {  	_ =	strace $0x9000006A  }
0x59: {  	_ =	strace $0x8000006B  }
0x5a: {  	_ =	swait.ge [sflag:s15], $0x8000  }
0x5b: {  	[sflag:s15] =	ssyncset.done $0x0  }
0x5c: {  	[sflag:s15] =	ssyncadd.s32 $0xFFFF8000  }
0x5d: {  	_ =	strace $0x9000006B  }
0x5e: {  	_ =	strace $0x80000068  }
0x5f: {  	_ =	swait.ge [sflag:s7], $0x100  }
0x60: {  	[sflag:s7] =	ssyncset.done $0x0  }
0x61: {  	[sflag:s7] =	ssyncadd.s32 $0xFFFFFF00  }
0x62: {  	_ =	strace $0x90000068  }
0x63: {  	_ =	strace $0x80000069  }
0x64: {  	[tilespmem:s8], [sflag:$0x5] =	stream.indirect.gather [hbm4b:s2+s6], $0x80, s3, s6, $0x2000b8;
	[tilespmem:$0x10200] =	vst v63  }
0x65: {  	_ =	swait.ge [sflag:s9], $0x8000  }
0x66: {  	[sflag:s9] =	ssyncset.done $0x0  }
0x67: {  	[sflag:s9] =	ssyncadd.s32 $0xFFFF8000  }
0x68: {  	_ =	strace $0x90000069  }
0x69: {  	s21 =	sadd.s32 $0x14EA00, s21;
	_ =	strace $0x8000006A  }
0x6a: {  	[hbm4b:s21+s3] =	stream.linear.scatter [tilespmem:s8], [sflag:$0x3], $0x8000, $0x200038;
	[tilespmem:$0x10200] =	vst v63  }
0x6b: {  	s22 =	ssub.s32 $0x2, s22;
	_ =	strace $0x9000006A  }
0x6c: {  	s23 =	sshrl.u32 s22, $0x1;
	_ =	strace $0x8000006B  }
0x6d: {  	s22 =	ssub.s32 s22, s23;
	_ =	swait.ge [sflag:s18], $0x8000  }
0x6e: {  	s22 =	smax.u32 s22, $0x1;
	[sflag:s18] =	ssyncset.done $0x0  }
0x6f: {  	p0 =	sne.s32 s22, $0x1;
	[sflag:s18] =	ssyncadd.s32 $0xFFFF8000  }
.Ltmp0:
0x70: {  	_ =	strace $0x9000006B;
	(pc) =	sbr.rel @!p0 .LBB2_2-.Ltmp0, $4  }
0x71: {  	_ =	strace $0x8000006C  }
0x72: {  	_ =	swait.ge [sflag:s15], $0x8000  }
0x73: {  	[sflag:s15] =	ssyncset.done $0x0  }
0x74: {  	s22 =	sadd.s32 $0xFFFFFFFF, s22;
	[sflag:s15] =	ssyncadd.s32 $0xFFFF8000  }
.LBB2_1:
0x75: {  	p0 =	sne.s32 s22, $0x1;
	s22 =	sadd.s32 $0xFFFFFFFF, s22;
	_ =	strace $0x9000006C  }
0x76: {  	_ =	strace $0x80000066  }
0x77: {  	[tilespmem:s3], [sflag:$0x1] =	stream.linear.gather [hbm4b:s4+s3], $0x100, $0x200038;
	[tilespmem:$0x10200] =	vst v63  }
0x78: {  	_ =	strace $0x90000066  }
0x79: {  	_ =	strace $0x80000067  }
0x7a: {  	[tilespmem:s6], [sflag:$0x2] =	stream.linear.gather [hbm4b:s5+s3], $0x100, $0x200038;
	[tilespmem:$0x10200] =	vst v63  }
0x7b: {  	_ =	strace $0x90000067  }
0x7c: {  	_ =	strace $0x80000068  }
0x7d: {  	_ =	swait.ge [sflag:s7], $0x100  }
0x7e: {  	[sflag:s7] =	ssyncset.done $0x0  }
0x7f: {  	[sflag:s7] =	ssyncadd.s32 $0xFFFFFF00  }
0x80: {  	_ =	strace $0x90000068  }
0x81: {  	_ =	strace $0x80000069  }
0x82: {  	[tilespmem:s8], [sflag:$0x5] =	stream.indirect.gather [hbm4b:s2+s6], $0x80, s3, s6, $0x2000b8;
	[tilespmem:$0x10200] =	vst v63  }
0x83: {  	_ =	swait.ge [sflag:s9], $0x8000  }
0x84: {  	[sflag:s9] =	ssyncset.done $0x0  }
0x85: {  	[sflag:s9] =	ssyncadd.s32 $0xFFFF8000  }
0x86: {  	_ =	strace $0x90000069  }
0x87: {  	_ =	strace $0x8000006A  }
0x88: {  	[hbm4b:s10+s3] =	stream.linear.scatter [tilespmem:s8], [sflag:$0x3], $0x8000, $0x200038;
	[tilespmem:$0x10200] =	vst v63  }
0x89: {  	_ =	strace $0x9000006A  }
0x8a: {  	_ =	strace $0x80000067  }
0x8b: {  	[tilespmem:s3], [sflag:$0x1] =	stream.linear.gather [hbm4b:s11+s3], $0x100, $0x200038;
	[tilespmem:$0x10200] =	vst v63  }
0x8c: {  	_ =	strace $0x90000067  }
0x8d: {  	_ =	strace $0x80000068  }
0x8e: {  	_ =	swait.ge [sflag:s12], $0x100  }
0x8f: {  	[sflag:s12] =	ssyncset.done $0x0  }
0x90: {  	[sflag:s12] =	ssyncadd.s32 $0xFFFFFF00  }
0x91: {  	_ =	strace $0x90000068  }
0x92: {  	_ =	strace $0x80000069  }
0x93: {  	[tilespmem:s13], [sflag:$0x5] =	stream.indirect.gather [hbm4b:s2+s6], $0x80, s6, s6, $0x2000b8;
	[tilespmem:$0x10200] =	vst v63  }
0x94: {  	_ =	swait.ge [sflag:s9], $0x8000  }
0x95: {  	[sflag:s9] =	ssyncset.done $0x0  }
0x96: {  	[sflag:s9] =	ssyncadd.s32 $0xFFFF8000  }
0x97: {  	_ =	strace $0x90000069  }
0x98: {  	_ =	strace $0x8000006A  }
0x99: {  	[hbm4b:s14+s3] =	stream.linear.scatter [tilespmem:s13], [sflag:$0x4], $0x8000, $0x200038;
	[tilespmem:$0x10200] =	vst v63  }
0x9a: {  	_ =	strace $0x9000006A  }
0x9b: {  	_ =	strace $0x8000006B  }
0x9c: {  	_ =	swait.ge [sflag:s15], $0x8000  }
0x9d: {  	[sflag:s15] =	ssyncset.done $0x0  }
0x9e: {  	[sflag:s15] =	ssyncadd.s32 $0xFFFF8000  }
0x9f: {  	_ =	strace $0x9000006B  }
0xa0: {  	_ =	strace $0x80000067  }
0xa1: {  	[tilespmem:s6], [sflag:$0x2] =	stream.linear.gather [hbm4b:s16+s3], $0x100, $0x200038;
	[tilespmem:$0x10200] =	vst v63  }
0xa2: {  	_ =	strace $0x90000067  }
0xa3: {  	_ =	strace $0x80000068  }
0xa4: {  	_ =	swait.ge [sflag:s7], $0x100  }
0xa5: {  	[sflag:s7] =	ssyncset.done $0x0  }
0xa6: {  	[sflag:s7] =	ssyncadd.s32 $0xFFFFFF00  }
0xa7: {  	_ =	strace $0x90000068  }
0xa8: {  	_ =	strace $0x80000069  }
0xa9: {  	[tilespmem:s8], [sflag:$0x5] =	stream.indirect.gather [hbm4b:s2+s6], $0x80, s3, s6, $0x2000b8;
	[tilespmem:$0x10200] =	vst v63  }
0xaa: {  	_ =	swait.ge [sflag:s9], $0x8000  }
0xab: {  	[sflag:s9] =	ssyncset.done $0x0  }
0xac: {  	[sflag:s9] =	ssyncadd.s32 $0xFFFF8000  }
0xad: {  	_ =	strace $0x90000069  }
0xae: {  	_ =	strace $0x8000006A  }
0xaf: {  	[hbm4b:s17+s3] =	stream.linear.scatter [tilespmem:s8], [sflag:$0x3], $0x8000, $0x200038;
	[tilespmem:$0x10200] =	vst v63  }
0xb0: {  	_ =	strace $0x9000006A  }
0xb1: {  	_ =	strace $0x8000006B  }
0xb2: {  	_ =	swait.ge [sflag:s18], $0x8000  }
0xb3: {  	[sflag:s18] =	ssyncset.done $0x0  }
0xb4: {  	[sflag:s18] =	ssyncadd.s32 $0xFFFF8000  }
0xb5: {  	_ =	strace $0x9000006B  }
0xb6: {  	_ =	strace $0x80000067  }
0xb7: {  	[tilespmem:s3], [sflag:$0x1] =	stream.linear.gather [hbm4b:s19+s3], $0x100, $0x200038;
	[tilespmem:$0x10200] =	vst v63  }
0xb8: {  	_ =	strace $0x90000067  }
0xb9: {  	_ =	strace $0x80000068  }
0xba: {  	_ =	swait.ge [sflag:s12], $0x100  }
0xbb: {  	[sflag:s12] =	ssyncset.done $0x0  }
0xbc: {  	[sflag:s12] =	ssyncadd.s32 $0xFFFFFF00  }
0xbd: {  	_ =	strace $0x90000068  }
0xbe: {  	_ =	strace $0x80000069  }
0xbf: {  	[tilespmem:s13], [sflag:$0x5] =	stream.indirect.gather [hbm4b:s2+s6], $0x80, s6, s6, $0x2000b8;
	[tilespmem:$0x10200] =	vst v63  }
0xc0: {  	_ =	swait.ge [sflag:s9], $0x8000  }
0xc1: {  	[sflag:s9] =	ssyncset.done $0x0  }
0xc2: {  	[sflag:s9] =	ssyncadd.s32 $0xFFFF8000  }
0xc3: {  	_ =	strace $0x90000069  }
0xc4: {  	_ =	strace $0x8000006A  }
0xc5: {  	[hbm4b:s20+s3] =	stream.linear.scatter [tilespmem:s13], [sflag:$0x4], $0x8000, $0x200038;
	[tilespmem:$0x10200] =	vst v63  }
0xc6: {  	_ =	strace $0x9000006A  }
0xc7: {  	_ =	strace $0x8000006B  }
0xc8: {  	_ =	swait.ge [sflag:s15], $0x8000  }
0xc9: {  	[sflag:s15] =	ssyncset.done $0x0  }
0xca: {  	[sflag:s15] =	ssyncadd.s32 $0xFFFF8000  }
0xcb: {  	_ =	strace $0x9000006B  }
0xcc: {  	_ =	strace $0x80000068  }
0xcd: {  	_ =	swait.ge [sflag:s7], $0x100  }
0xce: {  	[sflag:s7] =	ssyncset.done $0x0  }
0xcf: {  	[sflag:s7] =	ssyncadd.s32 $0xFFFFFF00  }
0xd0: {  	_ =	strace $0x90000068  }
0xd1: {  	_ =	strace $0x80000069  }
0xd2: {  	[tilespmem:s8], [sflag:$0x5] =	stream.indirect.gather [hbm4b:s2+s6], $0x80, s3, s6, $0x2000b8;
	[tilespmem:$0x10200] =	vst v63  }
0xd3: {  	_ =	swait.ge [sflag:s9], $0x8000  }
0xd4: {  	[sflag:s9] =	ssyncset.done $0x0  }
0xd5: {  	[sflag:s9] =	ssyncadd.s32 $0xFFFF8000  }
0xd6: {  	_ =	strace $0x90000069  }
0xd7: {  	_ =	strace $0x8000006A  }
0xd8: {  	[hbm4b:s21+s3] =	stream.linear.scatter [tilespmem:s8], [sflag:$0x3], $0x8000, $0x200038;
	[tilespmem:$0x10200] =	vst v63  }
0xd9: {  	_ =	strace $0x9000006A  }
0xda: {  	_ =	strace $0x8000006B  }
0xdb: {  	_ =	swait.ge [sflag:s18], $0x8000  }
0xdc: {  	[sflag:s18] =	ssyncset.done $0x0  }
0xdd: {  	[sflag:s18] =	ssyncadd.s32 $0xFFFF8000  }
.Ltmp1:
0xde: {  	_ =	strace $0x9000006B;
	(pc) =	sbr.rel @p0 .LBB2_1-.Ltmp1, $4  }
0xdf: {  	_ =	strace $0x8000006C  }
0xe0: {  	_ =	swait.ge [sflag:s15], $0x8000  }
0xe1: {  	[sflag:s15] =	ssyncset.done $0x0  }
0xe2: {  	[sflag:s15] =	ssyncadd.s32 $0xFFFF8000  }
.LBB2_2:
0xe3: {  	_ =	strace $0x9000006C  }
0xe4: {  	_ =	sfence.sel $0x180000  }
0xe5: {  	[bflag:$0x0] =	sbarrier.arrive $0xFFFF  }
0xe6: {  	p0 =	sne.s32 s0, $0x0;
	_ =	strace $0x90000065  }
0xe7: {  	s0 =	sadd.s32 @!p0 $0x100000, s1;
	[bflag:$0x2] =	sbarrier.arrive $0xFFFF  }
0xe8: {  	[sflag:s0] =	ssyncadd.tile.s32 @!p0 $0x1;
	_ =	shalt  }
.Lfunc_end2:
_tile_overlayer_lowered:
.L_overlay_start_2:
0xe9: {  	(tag) =	ssettag $0x2  }
0xea: {  	s0 =	rddreg [dreg:$0x0];
	s2 =	stileid.u32  }
0xeb: {  	s1 =	rddreg [dreg:$0x1];
	p0 =	sne.s32 s2, $0x0  }
0xec: {  	s3 =	rddreg [dreg:$0x2];
	[bflag:$0x3] =	sbarrier.arrive $0xFFFF;
	s2 =	simm.s32 @!p0 $0x1C01  }
0xed: {  	[timem:s3], [sflag:s2] =	dma.local @!p0 [hbm:s0], s1  }
0xee: {  	s0 =	simm.s32 @!p0 $0x1  }
0xef: {  	_ =	swait.ge @!p0 [sflag:s0], s1  }
0xf0: {  	s1 =	ssub.s32 @!p0 $0x0, s1;
	[sflag:s0] =	ssyncset.done @!p0 $0x0  }
0xf1: {  	[sflag:s0] =	ssyncadd.s32 @!p0 s1  }
0xf2: {  	[bflag:$0x3] =	sbarrier.arrive $0xFFFF  }
0xf3: {  	_ =	shalt  }

// kernel: kernel.24.cloned.1.call-start
scs
__scs_entry_jumppad:
0x0: {  	(pc) =	sbr.rel $0x88, $3  }
0x1: {  	(tag) =	ssettag $0x0;
	lr =	simm.s32 $0x1  }
0x2: {  	[smem:$0x3F8F] =	sst lr;
	_ =	strace $0xD0000000  }
0x3: {  	_ = 	snop  }
0x4: {  	_ = 	snop  }
0x5: {  	_ = 	snop  }
0x6: {  	_ = 	snop  }
0x7: {  	_ = 	snop  }
__scs_overlays_trampoline_lowered:
0x8: {  	[smem:$0x3F9E] =	sst s0  }
0x9: {  	[smem:$0x3F9F] =	sst s1  }
0xa: {  	[smem:$0x3FA0] =	sst s2  }
0xb: {  	[smem:$0x3FA1] =	sst s3  }
0xc: {  	[smem:$0x3FA2] =	sst s4  }
0xd: {  	[smem:$0x3FA3] =	sst s5  }
0xe: {  	[smem:$0x3FA4] =	sst s6  }
0xf: {  	[smem:$0x3FA5] =	sst s7  }
0x10: {  	[smem:$0x3FA6] =	sst s8  }
0x11: {  	[smem:$0x3FA7] =	sst s9;
	s0 =	simm.s32 @!p0 $0x0  }
0x12: {  	s1 =	sld [smem:$0x3F8D];
	s0 =	simm.s32 @p0 $0x1  }
0x13: {  	[smem:$0x3FA8] =	sst s0;
	s0 =	simm.s32 @!p1 $0x0  }
0x14: {  	s2 =	sld [smem:$0x3F8C];
	s0 =	simm.s32 @p1 $0x1  }
0x15: {  	[smem:$0x3FA9] =	sst s0;
	s0 =	simm.s32 @!p2 $0x0  }
0x16: {  	s3 =	sld [smem:$0x3FDB];
	s0 =	simm.s32 @p2 $0x1  }
0x17: {  	s4 =	simm.s32 $0x1BF5;
	[smem:$0x3FAB] =	sst s0  }
0x18: {  	s0 =	sld [smem:$0x3F8E];
	_ =	swait.ge [sflag:s4], $0x0  }
0x19: {  	s7 =	sld [smem:$0x3F8F]  }
0x1a: {  	s8 =	sadd.s32 $0xFFFFE003, lr  }
0x1b: {  	s9 =	sadd.s32 $0xFFFFFEF7, lr;
	s5 =	simm.s32 $0xFFFFFFFF;
	p2 =	slt.u32 s8, $0xFFFFF086  }
0x1c: {  	p1 =	slt.u32 s9, $0xF7A;
	s5 =	simm.s32 @!p2 $0x0  }
0x1d: {  	s5 =	simm.s32 @p1 $0x1;
	p0 =	seq.s32 s7, s2  }
0x1e: {  	s7 =	smul.u32 @!p0 $0xF7A, s2;
	p2 =	seq.s32 @!p0 s5, $0x0  }
0x1f: {  	s9 =	smul.u32 $0xF7A, s1;
	s8 =	simm.s32 @!p0 $0x1BF5;
	p2 =	por !p2, p0  }
0x20: {  	[sflag:s8] =	ssyncset.s32 @!p0 $0xFFFFF086;
	s6 =	sadd.s32 @!p0 s3, s7;
	s7 =	simm.s32 @!p0 $0x108  }
0x21: {  	s3 =	sadd.s32 s3, s9;
	s6 =	sadd.s32 @!p0 $0x88, s6;
	s7 =	simm.s32 @p2 $0x1082  }
0x22: {  	[simem:s7], [sflag:s8] =	dma.local @!p0 [hbm:s6], $0xF7A  }
0x23: {  	s9 =	sor.u32 $0xD0000000, s2;
	s6 =	simm.s32 $0x108;
	_ =	swait.ge @!p0 [sflag:s8], $0x0  }
0x24: {  	s3 =	sadd.s32 $0x88, s3;
	s6 =	simm.s32 @!p1 $0x1082;
	[sflag:s4] =	ssyncset.s32 $0xFFFFF086  }
0x25: {  	[simem:s6], [sflag:s4] =	dma.local [hbm:s3], $0xF7A  }
0x26: {  	[smem:$0x3F8F] =	sst s1;
	(tag) =	ssettag s2;
	_ =	strace s9  }
0x27: {  	s1 =	sld [smem:$0x3F9F]  }
0x28: {  	s2 =	sld [smem:$0x3FA0]  }
0x29: {  	s4 =	sld [smem:$0x3FA2]  }
0x2a: {  	p0 =	seq.s32 s5, $0x0;
	s5 =	sld [smem:$0x3FA3]  }
0x2b: {  	s6 =	sld [smem:$0x3FA4]  }
0x2c: {  	s7 =	sld [smem:$0x3FA5]  }
0x2d: {  	s3 =	simm.s32 $0x108;
	s8 =	sld [smem:$0x3FA6]  }
0x2e: {  	s3 =	simm.s32 @!p0 $0x1082;
	s9 =	sld [smem:$0x3FA7]  }
0x2f: {  	lr =	sadd.s32 s0, s3;
	s0 =	sld [smem:$0x3F9E]  }
0x30: {  	s3 =	sld [smem:$0x3FA1]  }
0x31: {  	[smem:$0x3FAA] =	sst s10  }
0x32: {  	s10 =	sld [smem:$0x3FA8];
	_ =	sdelay $0x3  }
0x33: {  	p0 =	seq.s32 s10, $0x1;
	s10 =	sld [smem:$0x3FAA];
	_ =	sdelay $0x3  }
0x34: {  	[smem:$0x3FAA] =	sst s10  }
0x35: {  	s10 =	sld [smem:$0x3FA9];
	_ =	sdelay $0x3  }
0x36: {  	p1 =	seq.s32 s10, $0x1;
	s10 =	sld [smem:$0x3FAA];
	_ =	sdelay $0x3  }
0x37: {  	[smem:$0x3FAA] =	sst s10  }
0x38: {  	s10 =	sld [smem:$0x3FAB]  }
0x39: {  	_ = 	snop;
	(pc) =	sbr.ind lr, $3  }
0x3a: {  	_ = 	snop  }
0x3b: {  	_ = 	snop  }
0x3c: {  	p2 =	seq.s32 s10, $0x1;
	s10 =	sld [smem:$0x3FAA]  }
0x3d: {  	_ =	shalt  }
0x3e: {  	_ =	shalt  }
0x3f: {  	_ =	shalt  }
0x40: {  	_ =	shalt  }
0x41: {  	_ =	shalt  }
0x42: {  	_ =	shalt  }
0x43: {  	_ =	shalt  }
0x44: {  	_ =	shalt  }
0x45: {  	_ =	shalt  }
0x46: {  	_ =	shalt  }
0x47: {  	_ =	shalt  }
0x48: {  	_ =	shalt  }
0x49: {  	_ =	shalt  }
0x4a: {  	_ =	shalt  }
0x4b: {  	_ =	shalt  }
0x4c: {  	_ =	shalt  }
0x4d: {  	_ =	shalt  }
0x4e: {  	_ =	shalt  }
0x4f: {  	_ =	shalt  }
0x50: {  	_ =	shalt  }
0x51: {  	_ =	shalt  }
0x52: {  	_ =	shalt  }
0x53: {  	_ =	shalt  }
0x54: {  	_ =	shalt  }
0x55: {  	_ =	shalt  }
0x56: {  	_ =	shalt  }
0x57: {  	_ =	shalt  }
0x58: {  	_ =	shalt  }
0x59: {  	_ =	shalt  }
0x5a: {  	_ =	shalt  }
0x5b: {  	_ =	shalt  }
0x5c: {  	_ =	shalt  }
0x5d: {  	_ =	shalt  }
0x5e: {  	_ =	shalt  }
0x5f: {  	_ =	shalt  }
0x60: {  	_ =	shalt  }
0x61: {  	_ =	shalt  }
0x62: {  	_ =	shalt  }
0x63: {  	_ =	shalt  }
0x64: {  	_ =	shalt  }
0x65: {  	_ =	shalt  }
0x66: {  	_ =	shalt  }
0x67: {  	_ =	shalt  }
0x68: {  	_ =	shalt  }
0x69: {  	_ =	shalt  }
0x6a: {  	_ =	shalt  }
0x6b: {  	_ =	shalt  }
0x6c: {  	_ =	shalt  }
0x6d: {  	_ =	shalt  }
0x6e: {  	_ =	shalt  }
0x6f: {  	_ =	shalt  }
0x70: {  	_ =	shalt  }
0x71: {  	_ =	shalt  }
0x72: {  	_ =	shalt  }
0x73: {  	_ =	shalt  }
0x74: {  	_ =	shalt  }
0x75: {  	_ =	shalt  }
0x76: {  	_ =	shalt  }
0x77: {  	_ =	shalt  }
0x78: {  	_ =	shalt  }
0x79: {  	_ =	shalt  }
0x7a: {  	_ =	shalt  }
0x7b: {  	_ =	shalt  }
0x7c: {  	_ =	shalt  }
0x7d: {  	_ =	shalt  }
0x7e: {  	_ =	shalt  }
0x7f: {  	_ =	shalt  }
0x80: {  	_ =	shalt  }
0x81: {  	_ =	shalt  }
0x82: {  	_ =	shalt  }
0x83: {  	_ =	shalt  }
0x84: {  	_ =	shalt  }
0x85: {  	_ =	shalt  }
0x86: {  	_ =	shalt  }
0x87: {  	_ =	shalt  }
.Lfunc_end0:
.L_simem_size_0:
called_computation.4_lowered:
.L_overlay_start_0:
0x88: {  	s2 =	sld [smem:$0x3FD9]  }
0x89: {  	s3 =	sld [smem:$0x3FFE];
	_ =	sdelay $0x1  }
0x8a: {  	s1 =	srdreg.scid  }
0x8b: {  	s0 =	sand.u32 $0x1, s1  }
0x8c: {  	s17 =	sshll.u32 s0, $0xA;
	s2 =	sadd.s32 s3, s2  }
0x8d: {  	s2 =	sadd.s32 s2, s17  }
0x8e: {  	[smem:$0x3FB6] =	sst s2  }
0x8f: {  	_ = 	snop  }
0x90: {  	s18 =	sld [smem:$0x3FC3];
	(tm) =	ssettm $0x1  }
0x91: {  	s19 =	sld [smem:$0x3FFB];
	_ =	sdelay $0x3  }
0x92: {  	_ =	strace s19  }
0x93: {  	s2 =	sld [smem:$0x3FFC];
	_ =	sdelay $0x3  }
0x94: {  	_ =	strace s2  }
0x95: {  	s2 =	sld [smem:$0x3FFD];
	_ =	sdelay $0x3  }
0x96: {  	_ =	strace s2  }
0x97: {  	_ =	strace $0x8FFFFFFF  }
0x98: {  	s20 =	sld [smem:$0x3FDB];
	_ =	sdelay $0x1  }
0x99: {  	s4 =	simm.s32 $_scs_section_size  }
0x9a: {  	s5 =	simm.s32 $_size__tile_overlayer_lowered;
	s6 =	simm.s32 $_tile_overlayer_lowered  }
0x9b: {  	s7 =	simm.s32 $0x1BFF;
	s21 =	sshll.u32 s6, $0x1;
	s4 =	sadd.s32 s4, s20  }
0x9c: {  	s22 =	simm.s32 $0x0;
	s5 =	sshll.u32 s5, $0x1;
	s6 =	sadd.s32 s21, s4  }
0x9d: {  	[timem:s22], [sflag:s7] =	dma.local [hbm:s6], s5  }
0x9e: {  	_ =	swait.ge [sflag:s7], s5  }
0x9f: {  	s5 =	ssub.s32 $0x0, s5;
	[sflag:s7] =	ssyncset.done $0x0  }
0xa0: {  	[sflag:s7] =	ssyncadd.s32 s5;
	_ =	sdelay $0x1  }
0xa1: {  	s23 =	simm.s32 $0x1B8B  }
0xa2: {  	_ =	swait.ge [sflag:s23], $0x1  }
0xa3: {  	[sflag:s23] =	ssyncset.done $0x0  }
0xa4: {  	[sflag:s23] =	ssyncadd.s32 $0xFFFFFFFF  }
0xa5: {  	s5 =	sld [smem:$0x0]  }
0xa6: {  	s6 =	sand.u32 $0xFFFFFFFE, s1  }
0xa7: {  	p0 =	sne.s32 s1, s6  }
0xa8: {  	s6 =	sshll.u32 @p0 s6, $0xE  }
0xa9: {  	s6 =	sadd.s32 @p0 $0x11B8D, s6;
	s7 =	sshll.u32 @p0 s5, $0x11  }
0xaa: {  	s6 =	sor.u32 @p0 s7, s6  }
0xab: {  	[sflag:s6] =	ssyncadd.remote.s32 @p0 $0x1;
	_ =	sdelay $0x1  }
0xac: {  	s6 =	simm.s32 @p0 $0x1B8D  }
0xad: {  	_ =	swait.eq @p0 [sflag:s6], $0x1  }
0xae: {  	[sflag:s6] =	ssyncadd.s32 @p0 $0xFFFFFFFF  }
0xaf: {  	s7 =	sshll.u32 @!p0 s1, $0xE  }
0xb0: {  	s7 =	sor.u32 @!p0 $0x4000, s7;
	s6 =	simm.s32 @!p0 $0x1B8D  }
0xb1: {  	s5 =	sshll.u32 @!p0 s5, $0x11;
	s7 =	sadd.s32 @!p0 $0x11B8D, s7;
	_ =	swait.eq @!p0 [sflag:s6], $0x1  }
0xb2: {  	s5 =	sor.u32 @!p0 s5, s7;
	[sflag:s6] =	ssyncadd.s32 @!p0 $0xFFFFFFFF  }
0xb3: {  	s25 =	simm.s32 $0x1B8E;
	s24 =	sld [smem:$0x3FFE];
	[sflag:s5] =	ssyncadd.remote.s32 @!p0 $0x1  }
0xb4: {  	s26 =	simm.s32 $execute0_lowered;
	[smem:$0x3FD2] =	sst s25  }
0xb5: {  	s6 =	sshll.u32 s26, $0x1;
	_ =	strace $0x8000006E;
	[dreg:$0x1] =	wrdreg $0xFFFFFFFF  }
0xb6: {  	s28 =	simm.s32 $_size_execute0_lowered;
	s4 =	sadd.s32 s4, s6;
	[dreg:$0x0] =	wrdreg $0x0  }
0xb7: {  	s6 =	sshll.u32 s28, $0x1;
	[dreg:$0x2] =	wrdreg s4  }
0xb8: {  	[dreg:$0x3] =	wrdreg s6  }
0xb9: {  	[dreg:$0x4] =	wrdreg $0xC0  }
0xba: {  	_ =	task [dreg:s22], $0x5FFFF  }
0xbb: {  	[dreg:$0x1] =	wrdreg $0xFFFFFFFF  }
0xbc: {  	[dreg:$0x0] =	wrdreg $0x60  }
0xbd: {  	[dreg:$0x2] =	wrdreg s18  }
0xbe: {  	[dreg:$0x3] =	wrdreg s24  }
0xbf: {  	[dreg:$0x4] =	wrdreg $0xD  }
0xc0: {  	_ =	task.clear_ibuf [dreg:s22], $0x5FFFF;
	_ =	strace $0x9000006E  }
0xc1: {  	s29 =	simm.s32 $0xD;
	_ =	strace $0x80000077  }
0xc2: {  	_ =	swait.ge [sflag:s29], $0x1  }
0xc3: {  	[sflag:s29] =	ssyncadd.s32 $0xFFFFFFFF  }
0xc4: {  	_ =	strace $0x90000077  }
0xc5: {  	_ =	sfence  }
0xc6: {  	s30 =	sld [smem:$0x0];
	_ =	sdelay $0x2  }
0xc7: {  	s31 =	sshll.u32 s1, $0xD;
	s1 =	sshrl.u32 s1, $0x2  }
0xc8: {  	s4 =	sand.u32 $0x4000, s31;
	s1 =	sadd.s32 s1, s30  }
0xc9: {  	s0 =	sor.u32 s4, s0;
	s1 =	sshll.u32 s1, $0x11  }
0xca: {  	s0 =	sor.u32 s1, s0  }
0xcb: {  	s0 =	sadd.s32 $0x8F2B, s0  }
0xcc: {  	[sflag:s0] =	ssyncadd.remote.s32 $0x1  }
0xcd: {  	_ =	sfence.sel $0xFFFF  }
0xce: {  	[dreg:$0x0] =	wrdreg $0xFFFFFFFF;
	(pc) =	sbr.abs _section_cstart, $3  }
0xcf: {  	[dreg:$0x1] =	wrdreg $0xFFFFFFFF  }
0xd0: {  	_ =	task.clear_ibuf [dreg:s22], $0x2FFFF;
	_ =	strace $0x9FFFFFFF  }
0xd1: {  	(tm) =	ssettm $0x7FFFFFFF  }
tec
execute0_lowered:
.L_overlay_start_1:
0x0: {  	(tag) =	ssettag $0x1  }
0x1: {  	s0 =	srdreg.scid  }
0x2: {  	s22 =	sand.u32 $0x1, s0  }
0x3: {  	s0 =	stileid.u32;
	s1 =	sshll.u32 s22, $0x4  }
0x4: {  	s2 =	rddreg [dreg:$0x0];
	s11 =	sor.u32 s0, s1  }
0x5: {  	s10 =	rddreg [dreg:$0x1];
	s3 =	simm.s32 $0x0;
	s4 =	smul.u32 $0xA0, s11  }
0x6: {  	[smem:$0x7FF] =	sst s3  }
0x7: {  	s1 =	rddreg [dreg:$0x2];
	_ =	strace $0x8000006F;
	s19 =	sadd.s32 s4, s10  }
0x8: {  	_ =	strace $0x80000070;
	s4 =	sadd.s32 $0x9600, s19  }
0x9: {  	[tilespmem:s3], [sflag:$0x1] =	stream.linear.gather [hbm4b:s4+s3], $0x100, $0x200038;
	[tilespmem:$0x10200] =	vst v63  }
0xa: {  	_ =	strace $0x90000070  }
0xb: {  	s6 =	simm.s32 $0x100;
	s5 =	sadd.s32 $0x9620, s19;
	_ =	strace $0x80000071  }
0xc: {  	[tilespmem:s6], [sflag:$0x2] =	stream.linear.gather [hbm4b:s5+s3], $0x100, $0x200038;
	[tilespmem:$0x10200] =	vst v63  }
0xd: {  	_ =	strace $0x90000071  }
0xe: {  	s7 =	simm.s32 $0x1;
	_ =	strace $0x80000072  }
0xf: {  	_ =	swait.ge [sflag:s7], $0x100  }
0x10: {  	[sflag:s7] =	ssyncset.done $0x0  }
0x11: {  	[sflag:s7] =	ssyncadd.s32 $0xFFFFFF00  }
0x12: {  	_ =	strace $0x90000072  }
0x13: {  	s8 =	simm.s32 $0x200;
	s9 =	simm.s32 $0x5;
	_ =	strace $0x80000073  }
0x14: {  	[tilespmem:s8], [sflag:$0x5] =	stream.indirect.gather [hbm4b:s2+s6], $0x80, s3, s6, $0x2000b8;
	[tilespmem:$0x10200] =	vst v63  }
0x15: {  	_ =	swait.ge [sflag:s9], $0x8000  }
0x16: {  	s11 =	smul.u32 $0x5000, s11;
	[sflag:s9] =	ssyncset.done $0x0  }
0x17: {  	[sflag:s9] =	ssyncadd.s32 $0xFFFF8000  }
0x18: {  	s21 =	sadd.s32 s11, s10;
	_ =	strace $0x90000073  }
0x19: {  	s10 =	sadd.s32 $0x1EAA00, s21;
	_ =	strace $0x80000074  }
0x1a: {  	[hbm4b:s10+s3] =	stream.linear.scatter [tilespmem:s8], [sflag:$0x3], $0x8000, $0x200038;
	[tilespmem:$0x10200] =	vst v63  }
0x1b: {  	_ =	strace $0x90000074  }
0x1c: {  	s11 =	sadd.s32 $0x9640, s19;
	_ =	strace $0x80000071  }
0x1d: {  	[tilespmem:s3], [sflag:$0x1] =	stream.linear.gather [hbm4b:s11+s3], $0x100, $0x200038;
	[tilespmem:$0x10200] =	vst v63  }
0x1e: {  	_ =	strace $0x90000071  }
0x1f: {  	s12 =	simm.s32 $0x2;
	_ =	strace $0x80000072  }
0x20: {  	_ =	swait.ge [sflag:s12], $0x100  }
0x21: {  	[sflag:s12] =	ssyncset.done $0x0  }
0x22: {  	[sflag:s12] =	ssyncadd.s32 $0xFFFFFF00  }
0x23: {  	_ =	strace $0x90000072  }
0x24: {  	s13 =	simm.s32 $0x8200;
	_ =	strace $0x80000073  }
0x25: {  	[tilespmem:s13], [sflag:$0x5] =	stream.indirect.gather [hbm4b:s2+s6], $0x80, s6, s6, $0x2000b8;
	[tilespmem:$0x10200] =	vst v63  }
0x26: {  	_ =	swait.ge [sflag:s9], $0x8000  }
0x27: {  	[sflag:s9] =	ssyncset.done $0x0  }
0x28: {  	[sflag:s9] =	ssyncadd.s32 $0xFFFF8000  }
0x29: {  	_ =	strace $0x90000073  }
0x2a: {  	s14 =	sadd.s32 $0x1EBA00, s21;
	_ =	strace $0x80000074  }
0x2b: {  	[hbm4b:s14+s3] =	stream.linear.scatter [tilespmem:s13], [sflag:$0x4], $0x8000, $0x200038;
	[tilespmem:$0x10200] =	vst v63  }
0x2c: {  	_ =	strace $0x90000074  }
0x2d: {  	s15 =	simm.s32 $0x3;
	_ =	strace $0x80000075  }
0x2e: {  	_ =	swait.ge [sflag:s15], $0x8000  }
0x2f: {  	[sflag:s15] =	ssyncset.done $0x0  }
0x30: {  	[sflag:s15] =	ssyncadd.s32 $0xFFFF8000  }
0x31: {  	_ =	strace $0x90000075  }
0x32: {  	s16 =	sadd.s32 $0x9660, s19;
	_ =	strace $0x80000071  }
0x33: {  	[tilespmem:s6], [sflag:$0x2] =	stream.linear.gather [hbm4b:s16+s3], $0x100, $0x200038;
	[tilespmem:$0x10200] =	vst v63  }
0x34: {  	_ =	strace $0x90000071  }
0x35: {  	_ =	strace $0x80000072  }
0x36: {  	_ =	swait.ge [sflag:s7], $0x100  }
0x37: {  	[sflag:s7] =	ssyncset.done $0x0  }
0x38: {  	[sflag:s7] =	ssyncadd.s32 $0xFFFFFF00  }
0x39: {  	_ =	strace $0x90000072  }
0x3a: {  	_ =	strace $0x80000073  }
0x3b: {  	[tilespmem:s8], [sflag:$0x5] =	stream.indirect.gather [hbm4b:s2+s6], $0x80, s3, s6, $0x2000b8;
	[tilespmem:$0x10200] =	vst v63  }
0x3c: {  	_ =	swait.ge [sflag:s9], $0x8000  }
0x3d: {  	[sflag:s9] =	ssyncset.done $0x0  }
0x3e: {  	[sflag:s9] =	ssyncadd.s32 $0xFFFF8000  }
0x3f: {  	_ =	strace $0x90000073  }
0x40: {  	s17 =	sadd.s32 $0x1ECA00, s21;
	_ =	strace $0x80000074  }
0x41: {  	[hbm4b:s17+s3] =	stream.linear.scatter [tilespmem:s8], [sflag:$0x3], $0x8000, $0x200038;
	[tilespmem:$0x10200] =	vst v63  }
0x42: {  	_ =	strace $0x90000074  }
0x43: {  	s18 =	simm.s32 $0x4;
	_ =	strace $0x80000075  }
0x44: {  	_ =	swait.ge [sflag:s18], $0x8000  }
0x45: {  	[sflag:s18] =	ssyncset.done $0x0  }
0x46: {  	[sflag:s18] =	ssyncadd.s32 $0xFFFF8000  }
0x47: {  	_ =	strace $0x90000075  }
0x48: {  	s19 =	sadd.s32 $0x9680, s19;
	_ =	strace $0x80000071  }
0x49: {  	[tilespmem:s3], [sflag:$0x1] =	stream.linear.gather [hbm4b:s19+s3], $0x100, $0x200038;
	[tilespmem:$0x10200] =	vst v63  }
0x4a: {  	_ =	strace $0x90000071  }
0x4b: {  	_ =	strace $0x80000072  }
0x4c: {  	_ =	swait.ge [sflag:s12], $0x100  }
0x4d: {  	[sflag:s12] =	ssyncset.done $0x0  }
0x4e: {  	[sflag:s12] =	ssyncadd.s32 $0xFFFFFF00  }
0x4f: {  	_ =	strace $0x90000072  }
0x50: {  	_ =	strace $0x80000073  }
0x51: {  	[tilespmem:s13], [sflag:$0x5] =	stream.indirect.gather [hbm4b:s2+s6], $0x80, s6, s6, $0x2000b8;
	[tilespmem:$0x10200] =	vst v63  }
0x52: {  	_ =	swait.ge [sflag:s9], $0x8000  }
0x53: {  	[sflag:s9] =	ssyncset.done $0x0  }
0x54: {  	[sflag:s9] =	ssyncadd.s32 $0xFFFF8000  }
0x55: {  	_ =	strace $0x90000073  }
0x56: {  	s20 =	sadd.s32 $0x1EDA00, s21;
	_ =	strace $0x80000074  }
0x57: {  	[hbm4b:s20+s3] =	stream.linear.scatter [tilespmem:s13], [sflag:$0x4], $0x8000, $0x200038;
	[tilespmem:$0x10200] =	vst v63  }
0x58: {  	_ =	strace $0x90000074  }
0x59: {  	_ =	strace $0x80000075  }
0x5a: {  	_ =	swait.ge [sflag:s15], $0x8000  }
0x5b: {  	[sflag:s15] =	ssyncset.done $0x0  }
0x5c: {  	[sflag:s15] =	ssyncadd.s32 $0xFFFF8000  }
0x5d: {  	_ =	strace $0x90000075  }
0x5e: {  	_ =	strace $0x80000072  }
0x5f: {  	_ =	swait.ge [sflag:s7], $0x100  }
0x60: {  	[sflag:s7] =	ssyncset.done $0x0  }
0x61: {  	[sflag:s7] =	ssyncadd.s32 $0xFFFFFF00  }
0x62: {  	_ =	strace $0x90000072  }
0x63: {  	_ =	strace $0x80000073  }
0x64: {  	[tilespmem:s8], [sflag:$0x5] =	stream.indirect.gather [hbm4b:s2+s6], $0x80, s3, s6, $0x2000b8;
	[tilespmem:$0x10200] =	vst v63  }
0x65: {  	_ =	swait.ge [sflag:s9], $0x8000  }
0x66: {  	[sflag:s9] =	ssyncset.done $0x0  }
0x67: {  	[sflag:s9] =	ssyncadd.s32 $0xFFFF8000  }
0x68: {  	_ =	strace $0x90000073  }
0x69: {  	s21 =	sadd.s32 $0x1EEA00, s21;
	_ =	strace $0x80000074  }
0x6a: {  	[hbm4b:s21+s3] =	stream.linear.scatter [tilespmem:s8], [sflag:$0x3], $0x8000, $0x200038;
	[tilespmem:$0x10200] =	vst v63  }
0x6b: {  	s22 =	ssub.s32 $0x2, s22;
	_ =	strace $0x90000074  }
0x6c: {  	s23 =	sshrl.u32 s22, $0x1;
	_ =	strace $0x80000075  }
0x6d: {  	s22 =	ssub.s32 s22, s23;
	_ =	swait.ge [sflag:s18], $0x8000  }
0x6e: {  	s22 =	smax.u32 s22, $0x1;
	[sflag:s18] =	ssyncset.done $0x0  }
0x6f: {  	p0 =	sne.s32 s22, $0x1;
	[sflag:s18] =	ssyncadd.s32 $0xFFFF8000  }
.Ltmp0:
0x70: {  	_ =	strace $0x90000075;
	(pc) =	sbr.rel @!p0 .LBB2_2-.Ltmp0, $4  }
0x71: {  	_ =	strace $0x80000076  }
0x72: {  	_ =	swait.ge [sflag:s15], $0x8000  }
0x73: {  	[sflag:s15] =	ssyncset.done $0x0  }
0x74: {  	s22 =	sadd.s32 $0xFFFFFFFF, s22;
	[sflag:s15] =	ssyncadd.s32 $0xFFFF8000  }
.LBB2_1:
0x75: {  	p0 =	sne.s32 s22, $0x1;
	s22 =	sadd.s32 $0xFFFFFFFF, s22;
	_ =	strace $0x90000076  }
0x76: {  	_ =	strace $0x80000070  }
0x77: {  	[tilespmem:s3], [sflag:$0x1] =	stream.linear.gather [hbm4b:s4+s3], $0x100, $0x200038;
	[tilespmem:$0x10200] =	vst v63  }
0x78: {  	_ =	strace $0x90000070  }
0x79: {  	_ =	strace $0x80000071  }
0x7a: {  	[tilespmem:s6], [sflag:$0x2] =	stream.linear.gather [hbm4b:s5+s3], $0x100, $0x200038;
	[tilespmem:$0x10200] =	vst v63  }
0x7b: {  	_ =	strace $0x90000071  }
0x7c: {  	_ =	strace $0x80000072  }
0x7d: {  	_ =	swait.ge [sflag:s7], $0x100  }
0x7e: {  	[sflag:s7] =	ssyncset.done $0x0  }
0x7f: {  	[sflag:s7] =	ssyncadd.s32 $0xFFFFFF00  }
0x80: {  	_ =	strace $0x90000072  }
0x81: {  	_ =	strace $0x80000073  }
0x82: {  	[tilespmem:s8], [sflag:$0x5] =	stream.indirect.gather [hbm4b:s2+s6], $0x80, s3, s6, $0x2000b8;
	[tilespmem:$0x10200] =	vst v63  }
0x83: {  	_ =	swait.ge [sflag:s9], $0x8000  }
0x84: {  	[sflag:s9] =	ssyncset.done $0x0  }
0x85: {  	[sflag:s9] =	ssyncadd.s32 $0xFFFF8000  }
0x86: {  	_ =	strace $0x90000073  }
0x87: {  	_ =	strace $0x80000074  }
0x88: {  	[hbm4b:s10+s3] =	stream.linear.scatter [tilespmem:s8], [sflag:$0x3], $0x8000, $0x200038;
	[tilespmem:$0x10200] =	vst v63  }
0x89: {  	_ =	strace $0x90000074  }
0x8a: {  	_ =	strace $0x80000071  }
0x8b: {  	[tilespmem:s3], [sflag:$0x1] =	stream.linear.gather [hbm4b:s11+s3], $0x100, $0x200038;
	[tilespmem:$0x10200] =	vst v63  }
0x8c: {  	_ =	strace $0x90000071  }
0x8d: {  	_ =	strace $0x80000072  }
0x8e: {  	_ =	swait.ge [sflag:s12], $0x100  }
0x8f: {  	[sflag:s12] =	ssyncset.done $0x0  }
0x90: {  	[sflag:s12] =	ssyncadd.s32 $0xFFFFFF00  }
0x91: {  	_ =	strace $0x90000072  }
0x92: {  	_ =	strace $0x80000073  }
0x93: {  	[tilespmem:s13], [sflag:$0x5] =	stream.indirect.gather [hbm4b:s2+s6], $0x80, s6, s6, $0x2000b8;
	[tilespmem:$0x10200] =	vst v63  }
0x94: {  	_ =	swait.ge [sflag:s9], $0x8000  }
0x95: {  	[sflag:s9] =	ssyncset.done $0x0  }
0x96: {  	[sflag:s9] =	ssyncadd.s32 $0xFFFF8000  }
0x97: {  	_ =	strace $0x90000073  }
0x98: {  	_ =	strace $0x80000074  }
0x99: {  	[hbm4b:s14+s3] =	stream.linear.scatter [tilespmem:s13], [sflag:$0x4], $0x8000, $0x200038;
	[tilespmem:$0x10200] =	vst v63  }
0x9a: {  	_ =	strace $0x90000074  }
0x9b: {  	_ =	strace $0x80000075  }
0x9c: {  	_ =	swait.ge [sflag:s15], $0x8000  }
0x9d: {  	[sflag:s15] =	ssyncset.done $0x0  }
0x9e: {  	[sflag:s15] =	ssyncadd.s32 $0xFFFF8000  }
0x9f: {  	_ =	strace $0x90000075  }
0xa0: {  	_ =	strace $0x80000071  }
0xa1: {  	[tilespmem:s6], [sflag:$0x2] =	stream.linear.gather [hbm4b:s16+s3], $0x100, $0x200038;
	[tilespmem:$0x10200] =	vst v63  }
0xa2: {  	_ =	strace $0x90000071  }
0xa3: {  	_ =	strace $0x80000072  }
0xa4: {  	_ =	swait.ge [sflag:s7], $0x100  }
0xa5: {  	[sflag:s7] =	ssyncset.done $0x0  }
0xa6: {  	[sflag:s7] =	ssyncadd.s32 $0xFFFFFF00  }
0xa7: {  	_ =	strace $0x90000072  }
0xa8: {  	_ =	strace $0x80000073  }
0xa9: {  	[tilespmem:s8], [sflag:$0x5] =	stream.indirect.gather [hbm4b:s2+s6], $0x80, s3, s6, $0x2000b8;
	[tilespmem:$0x10200] =	vst v63  }
0xaa: {  	_ =	swait.ge [sflag:s9], $0x8000  }
0xab: {  	[sflag:s9] =	ssyncset.done $0x0  }
0xac: {  	[sflag:s9] =	ssyncadd.s32 $0xFFFF8000  }
0xad: {  	_ =	strace $0x90000073  }
0xae: {  	_ =	strace $0x80000074  }
0xaf: {  	[hbm4b:s17+s3] =	stream.linear.scatter [tilespmem:s8], [sflag:$0x3], $0x8000, $0x200038;
	[tilespmem:$0x10200] =	vst v63  }
0xb0: {  	_ =	strace $0x90000074  }
0xb1: {  	_ =	strace $0x80000075  }
0xb2: {  	_ =	swait.ge [sflag:s18], $0x8000  }
0xb3: {  	[sflag:s18] =	ssyncset.done $0x0  }
0xb4: {  	[sflag:s18] =	ssyncadd.s32 $0xFFFF8000  }
0xb5: {  	_ =	strace $0x90000075  }
0xb6: {  	_ =	strace $0x80000071  }
0xb7: {  	[tilespmem:s3], [sflag:$0x1] =	stream.linear.gather [hbm4b:s19+s3], $0x100, $0x200038;
	[tilespmem:$0x10200] =	vst v63  }
0xb8: {  	_ =	strace $0x90000071  }
0xb9: {  	_ =	strace $0x80000072  }
0xba: {  	_ =	swait.ge [sflag:s12], $0x100  }
0xbb: {  	[sflag:s12] =	ssyncset.done $0x0  }
0xbc: {  	[sflag:s12] =	ssyncadd.s32 $0xFFFFFF00  }
0xbd: {  	_ =	strace $0x90000072  }
0xbe: {  	_ =	strace $0x80000073  }
0xbf: {  	[tilespmem:s13], [sflag:$0x5] =	stream.indirect.gather [hbm4b:s2+s6], $0x80, s6, s6, $0x2000b8;
	[tilespmem:$0x10200] =	vst v63  }
0xc0: {  	_ =	swait.ge [sflag:s9], $0x8000  }
0xc1: {  	[sflag:s9] =	ssyncset.done $0x0  }
0xc2: {  	[sflag:s9] =	ssyncadd.s32 $0xFFFF8000  }
0xc3: {  	_ =	strace $0x90000073  }
0xc4: {  	_ =	strace $0x80000074  }
0xc5: {  	[hbm4b:s20+s3] =	stream.linear.scatter [tilespmem:s13], [sflag:$0x4], $0x8000, $0x200038;
	[tilespmem:$0x10200] =	vst v63  }
0xc6: {  	_ =	strace $0x90000074  }
0xc7: {  	_ =	strace $0x80000075  }
0xc8: {  	_ =	swait.ge [sflag:s15], $0x8000  }
0xc9: {  	[sflag:s15] =	ssyncset.done $0x0  }
0xca: {  	[sflag:s15] =	ssyncadd.s32 $0xFFFF8000  }
0xcb: {  	_ =	strace $0x90000075  }
0xcc: {  	_ =	strace $0x80000072  }
0xcd: {  	_ =	swait.ge [sflag:s7], $0x100  }
0xce: {  	[sflag:s7] =	ssyncset.done $0x0  }
0xcf: {  	[sflag:s7] =	ssyncadd.s32 $0xFFFFFF00  }
0xd0: {  	_ =	strace $0x90000072  }
0xd1: {  	_ =	strace $0x80000073  }
0xd2: {  	[tilespmem:s8], [sflag:$0x5] =	stream.indirect.gather [hbm4b:s2+s6], $0x80, s3, s6, $0x2000b8;
	[tilespmem:$0x10200] =	vst v63  }
0xd3: {  	_ =	swait.ge [sflag:s9], $0x8000  }
0xd4: {  	[sflag:s9] =	ssyncset.done $0x0  }
0xd5: {  	[sflag:s9] =	ssyncadd.s32 $0xFFFF8000  }
0xd6: {  	_ =	strace $0x90000073  }
0xd7: {  	_ =	strace $0x80000074  }
0xd8: {  	[hbm4b:s21+s3] =	stream.linear.scatter [tilespmem:s8], [sflag:$0x3], $0x8000, $0x200038;
	[tilespmem:$0x10200] =	vst v63  }
0xd9: {  	_ =	strace $0x90000074  }
0xda: {  	_ =	strace $0x80000075  }
0xdb: {  	_ =	swait.ge [sflag:s18], $0x8000  }
0xdc: {  	[sflag:s18] =	ssyncset.done $0x0  }
0xdd: {  	[sflag:s18] =	ssyncadd.s32 $0xFFFF8000  }
.Ltmp1:
0xde: {  	_ =	strace $0x90000075;
	(pc) =	sbr.rel @p0 .LBB2_1-.Ltmp1, $4  }
0xdf: {  	_ =	strace $0x80000076  }
0xe0: {  	_ =	swait.ge [sflag:s15], $0x8000  }
0xe1: {  	[sflag:s15] =	ssyncset.done $0x0  }
0xe2: {  	[sflag:s15] =	ssyncadd.s32 $0xFFFF8000  }
.LBB2_2:
0xe3: {  	_ =	strace $0x90000076  }
0xe4: {  	_ =	sfence.sel $0x180000  }
0xe5: {  	[bflag:$0x0] =	sbarrier.arrive $0xFFFF  }
0xe6: {  	p0 =	sne.s32 s0, $0x0;
	_ =	strace $0x9000006F  }
0xe7: {  	s0 =	sadd.s32 @!p0 $0x100000, s1;
	[bflag:$0x2] =	sbarrier.arrive $0xFFFF  }
0xe8: {  	[sflag:s0] =	ssyncadd.tile.s32 @!p0 $0x1;
	_ =	shalt  }
.Lfunc_end2:
_tile_overlayer_lowered:
.L_overlay_start_2:
0xe9: {  	(tag) =	ssettag $0x2  }
0xea: {  	s0 =	rddreg [dreg:$0x0];
	s2 =	stileid.u32  }
0xeb: {  	s1 =	rddreg [dreg:$0x1];
	p0 =	sne.s32 s2, $0x0  }
0xec: {  	s3 =	rddreg [dreg:$0x2];
	[bflag:$0x3] =	sbarrier.arrive $0xFFFF;
	s2 =	simm.s32 @!p0 $0x1C01  }
0xed: {  	[timem:s3], [sflag:s2] =	dma.local @!p0 [hbm:s0], s1  }
0xee: {  	s0 =	simm.s32 @!p0 $0x1  }
0xef: {  	_ =	swait.ge @!p0 [sflag:s0], s1  }
0xf0: {  	s1 =	ssub.s32 @!p0 $0x0, s1;
	[sflag:s0] =	ssyncset.done @!p0 $0x0  }
0xf1: {  	[sflag:s0] =	ssyncadd.s32 @!p0 s1  }
0xf2: {  	[bflag:$0x3] =	sbarrier.arrive $0xFFFF  }
0xf3: {  	_ =	shalt  }

</sc_bundles>
